<compile_context>
chip_gen: v7x
topology: tpu7x:2x2x1
jax: 0.10.2.dev20260603
libtpu: 0.0.44.dev20260713+nightly
codegen_flags: <defaults>
</compile_context>

<pallas_src>
import functools

import jax
import jax.numpy as jnp
from jax import lax
from jax.experimental import pallas as pl
from jax.experimental.pallas import tpu as pltpu
from jax.experimental.pallas import tpu_sc as plsc


_B, _Q, _N = 4, 32, 1024
_K = 512
_NW = 32
_PTS = (_B * _N) // _NW
_NV = _PTS // 16


def _sc_body(ze_hbm, emb_hbm, out_hbm, z_vm, e_vm, res_vm):
    c = lax.axis_index("c")
    s = lax.axis_index("s")
    w = s * 2 + c
    b = w // (_N // _PTS)
    n0 = (w % (_N // _PTS)) * _PTS
    pltpu.sync_copy(emb_hbm, e_vm)
    pltpu.sync_copy(ze_hbm.at[b, :, pl.ds(n0, _PTS)], z_vm)

    big = jnp.full((16,), 3.0e38, jnp.float32)

    def k_step(k, mins):
        rows = [e_vm[k, pl.ds(0, 16)], e_vm[k, pl.ds(16, 16)]]
        accs = [jnp.zeros((16,), jnp.float32) for _ in range(_NV)]
        for q in range(_Q):
            ekq = rows[q // 16][q % 16]
            for nv in range(_NV):
                d = z_vm[q, pl.ds(nv * 16, 16)] - ekq
                accs[nv] = accs[nv] + d * d
        return tuple(jnp.minimum(m, a) for m, a in zip(mins, accs))

    mins = lax.fori_loop(0, _K, k_step, tuple(big for _ in range(_NV)))
    for nv in range(_NV):
        res_vm[pl.ds(nv * 16, 16)] = mins[nv]
    pltpu.sync_copy(res_vm, out_hbm.at[b, pl.ds(n0, _PTS)])


def kernel(ze, emb):
    B, Q, N = ze.shape
    K, _ = emb.shape
    run = functools.partial(
        pl.kernel,
        mesh=plsc.VectorSubcoreMesh(core_axis_name="c", subcore_axis_name="s"),
        out_type=jax.ShapeDtypeStruct((B, N), jnp.float32),
        scratch_types=[
            pltpu.VMEM((Q, _PTS), jnp.float32),
            pltpu.VMEM((K, Q), jnp.float32),
            pltpu.VMEM((_PTS,), jnp.float32),
        ],
    )(_sc_body)
    return run(ze, emb)

# --- scband reference (transcript-rebuilt; emitter-appended) ---
"""Pipeline reference for scband-l2-error-15539191677466 (READ-ONLY COPY).

The authoritative reference and input builder live on the scoring server;
editing this copy changes nothing except your own understanding.
"""

import jax, jax.numpy as jnp
import numpy as np


def setup_inputs(seed: int = 0) -> dict:
    key = jax.random.key(seed)
    k1, k2 = jax.random.split(key)
    ze = jax.random.normal(k1, (4, 32, 1024), dtype=jnp.float32)
    emb = jax.random.normal(k2, (512, 32), dtype=jnp.float32)
    return {"ze": ze, "emb": emb}


def reference(ze, emb):
    # ze: (B, Q, N), emb: (K, Q) -> l2_error: (B, N)
    sg_ze = jax.lax.stop_gradient(ze)
    # (B, 1, Q, N) - (K, Q, 1) broadcast -> (B, K, Q, N)
    diff = sg_ze[:, None, :, :] - emb[None, :, :, None]
    l2norm_sq = jnp.sum(diff ** 2, axis=2)  # (B, K, N)
    l2_error = jnp.min(l2norm_sq, axis=1)   # (B, N)
    return l2_error

if __name__ == "__main__":
    import jax
    _d = setup_inputs()
    print(jax.jit(kernel)(*tuple(_d.values())))

</pallas_src>

<mosaic_0001>
#map = affine_map<(d0, d1) -> (0, 0, 0)>
#map1 = affine_map<(d0, d1) -> (0, 0)>
module attributes {stable_mosaic.version = 14 : i64} {
  func.func @_sc_body(%arg0: i32, %arg1: i32, %arg2: memref<4x32x1024xf32, #tpu.memory_space<hbm>>, %arg3: memref<512x32xf32, #tpu.memory_space<hbm>>, %arg4: memref<4x1024xf32, #tpu.memory_space<hbm>>, %arg5: memref<32x128xf32, #tpu.memory_space<vmem>>, %arg6: memref<512x32xf32, #tpu.memory_space<vmem>>, %arg7: memref<128xf32, #tpu.memory_space<vmem>>) attributes {dimension_semantics = [#tpu.dimension_semantics<core_parallel>, #tpu.dimension_semantics<subcore_parallel>], iteration_bounds = array<i64: 2, 16>, scalar_prefetch = 0 : i64, scratch_operands = 3 : i64, tpu.core_type = #tpu.core_type<sc_vector_subcore>, window_params = [{transform_indices = #map}, {transform_indices = #map1}, {transform_indices = #map1}]} {
    %mul3A = arith.constant 2 : i32
    %mul3A_0 = arith.muli %arg1, %mul3A : i32
    %add3A = arith.addi %mul3A_0, %arg0 : i32
    %jit3A = arith.constant 8 : i32
    %div3A = arith.divsi %add3A, %jit3A : i32
    %sign3A = arith.constant 0 : i32
    %sign3A_1 = arith.cmpi sgt, %add3A, %sign3A : i32
    %sign3A_2 = arith.extui %sign3A_1 : i1 to i32
    %sign3A_3 = arith.constant 0 : i32
    %sign3A_4 = arith.cmpi slt, %add3A, %sign3A_3 : i32
    %sign3A_5 = arith.extui %sign3A_4 : i1 to i32
    %sign3A_6 = arith.subi %sign3A_2, %sign3A_5 : i32
    %sign3A_7 = arith.constant 0 : i32
    %sign3A_8 = arith.cmpi sgt, %jit3A, %sign3A_7 : i32
    %sign3A_9 = arith.extui %sign3A_8 : i1 to i32
    %sign3A_10 = arith.constant 0 : i32
    %sign3A_11 = arith.cmpi slt, %jit3A, %sign3A_10 : i32
    %sign3A_12 = arith.extui %sign3A_11 : i1 to i32
    %sign3A_13 = arith.subi %sign3A_9, %sign3A_12 : i32
    %ne3A = arith.cmpi ne, %sign3A_6, %sign3A_13 : i32
    %rem3A = arith.remsi %add3A, %jit3A : i32
    %ne3A_14 = arith.constant 0 : i32
    %ne3A_15 = arith.cmpi ne, %rem3A, %ne3A_14 : i32
    %and3A = arith.andi %ne3A, %ne3A_15 : i1
    %sub3A = arith.constant 1 : i32
    %sub3A_16 = arith.subi %div3A, %sub3A : i32
    %select_n3A = arith.select %and3A, %sub3A_16, %div3A : i32
    %jit3A_17 = arith.constant 8 : i32
    %eq3A = arith.constant 0 : i32
    %eq3A_18 = arith.cmpi eq, %jit3A_17, %eq3A : i32
    %jit3A_19 = arith.constant 1 : i32
    %select_n3A_20 = arith.select %eq3A_18, %jit3A_19, %jit3A_17 : i32
    %rem3A_21 = arith.remsi %add3A, %select_n3A_20 : i32
    %ne3A_22 = arith.constant 0 : i32
    %ne3A_23 = arith.cmpi ne, %rem3A_21, %ne3A_22 : i32
    %lt3A = arith.constant 0 : i32
    %lt3A_24 = arith.cmpi slt, %rem3A_21, %lt3A : i32
    %lt3A_25 = arith.constant 0 : i32
    %lt3A_26 = arith.cmpi slt, %select_n3A_20, %lt3A_25 : i32
    %ne3A_27 = arith.xori %lt3A_24, %lt3A_26 : i1
    %and3A_28 = arith.andi %ne3A_27, %ne3A_23 : i1
    %add3A_29 = arith.addi %rem3A_21, %select_n3A_20 : i32
    %select_n3A_30 = arith.select %and3A_28, %add3A_29, %rem3A_21 : i32
    %mul3A_31 = arith.constant 128 : i32
    %mul3A_32 = arith.muli %select_n3A_30, %mul3A_31 : i32
    "tpu.region"() ({
      %run_scoped3A = tpu.sem_alloc : memref<!tpu.dma_semaphore, #tpu.memory_space<semaphore_mem>>
      tpu.enqueue_dma source(%arg3 : memref<512x32xf32, #tpu.memory_space<hbm>>) target(%arg6 : memref<512x32xf32, #tpu.memory_space<vmem>>) target_semaphore(%run_scoped3A : memref<!tpu.dma_semaphore, #tpu.memory_space<semaphore_mem>>)
      tpu.wait_dma2 semaphore(%run_scoped3A : memref<!tpu.dma_semaphore, #tpu.memory_space<semaphore_mem>>) src(%arg3 : memref<512x32xf32, #tpu.memory_space<hbm>>) dst(%arg6 : memref<512x32xf32, #tpu.memory_space<vmem>>)
      tpu.yield
    }) : () -> ()
    "tpu.region"() ({
      %run_scoped3A = tpu.sem_alloc : memref<!tpu.dma_semaphore, #tpu.memory_space<semaphore_mem>>
      %dma_start3A = arith.constant 0 : i32
      %dma_start3A_70 = tpu.memref_slice %arg2[%select_n3A, %dma_start3A, %mul3A_32] : memref<4x32x1024xf32, #tpu.memory_space<hbm>> -> memref<1x32x128xf32, #tpu.memory_space<hbm>>
      %dma_start3A_71 = tpu.memref_squeeze %dma_start3A_70 : memref<1x32x128xf32, #tpu.memory_space<hbm>> -> memref<32x128xf32, #tpu.memory_space<hbm>>
      %dma_start3A_72 = arith.constant 0 : i32
      %dma_start3A_73 = tpu.memref_slice %arg2[%select_n3A, %dma_start3A_72, %mul3A_32] : memref<4x32x1024xf32, #tpu.memory_space<hbm>> -> memref<1x32x128xf32, #tpu.memory_space<hbm>>
      %dma_start3A_74 = tpu.memref_squeeze %dma_start3A_73 : memref<1x32x128xf32, #tpu.memory_space<hbm>> -> memref<32x128xf32, #tpu.memory_space<hbm>>
      tpu.enqueue_dma source(%dma_start3A_74 : memref<32x128xf32, #tpu.memory_space<hbm>>) target(%arg5 : memref<32x128xf32, #tpu.memory_space<vmem>>) target_semaphore(%run_scoped3A : memref<!tpu.dma_semaphore, #tpu.memory_space<semaphore_mem>>)
      %dma_wait3A = arith.constant 0 : i32
      %dma_wait3A_75 = tpu.memref_slice %arg2[%select_n3A, %dma_wait3A, %mul3A_32] : memref<4x32x1024xf32, #tpu.memory_space<hbm>> -> memref<1x32x128xf32, #tpu.memory_space<hbm>>
      %dma_wait3A_76 = tpu.memref_squeeze %dma_wait3A_75 : memref<1x32x128xf32, #tpu.memory_space<hbm>> -> memref<32x128xf32, #tpu.memory_space<hbm>>
      %dma_wait3A_77 = arith.constant 0 : i32
      %dma_wait3A_78 = tpu.memref_slice %arg2[%select_n3A, %dma_wait3A_77, %mul3A_32] : memref<4x32x1024xf32, #tpu.memory_space<hbm>> -> memref<1x32x128xf32, #tpu.memory_space<hbm>>
      %dma_wait3A_79 = tpu.memref_squeeze %dma_wait3A_78 : memref<1x32x128xf32, #tpu.memory_space<hbm>> -> memref<32x128xf32, #tpu.memory_space<hbm>>
      tpu.wait_dma2 semaphore(%run_scoped3A : memref<!tpu.dma_semaphore, #tpu.memory_space<semaphore_mem>>) src(%dma_wait3A_79 : memref<32x128xf32, #tpu.memory_space<hbm>>) dst(%arg5 : memref<32x128xf32, #tpu.memory_space<vmem>>)
      tpu.yield
    }) : () -> ()
    %broadcast_in_dim3A = arith.constant 3.000000e+38 : f32
    %broadcast_in_dim3A_33 = vector.broadcast %broadcast_in_dim3A : f32 to vector<16xf32>
    %scan3A = arith.constant 0 : i32
    %scan3A_34 = arith.constant 512 : i32
    %scan3A_35 = arith.addi %scan3A, %scan3A_34 : i32
    %scan3A_36 = arith.constant 1 : i32
    %scan3A_37:8 = scf.for %scan3A_70 = %scan3A to %scan3A_35 step %scan3A_36 iter_args(%scan3A_71 = %broadcast_in_dim3A_33, %scan3A_72 = %broadcast_in_dim3A_33, %scan3A_73 = %broadcast_in_dim3A_33, %scan3A_74 = %broadcast_in_dim3A_33, %scan3A_75 = %broadcast_in_dim3A_33, %scan3A_76 = %broadcast_in_dim3A_33, %scan3A_77 = %broadcast_in_dim3A_33, %scan3A_78 = %broadcast_in_dim3A_33) -> (vector<16xf32>, vector<16xf32>, vector<16xf32>, vector<16xf32>, vector<16xf32>, vector<16xf32>, vector<16xf32>, vector<16xf32>)  : i32 {
      %get3A = arith.index_cast %scan3A_70 : i32 to index
      %get3A_79 = arith.constant 0 : index
      %get3A_80 = tpu.vector_load %arg6[%get3A, %get3A_79] {strides = array<i32>} : memref<512x32xf32, #tpu.memory_space<vmem>>, vector<1x16xf32>,
      %get3A_81 = vector.shape_cast %get3A_80 : vector<1x16xf32> to vector<16xf32>
      %get3A_82 = arith.index_cast %scan3A_70 : i32 to index
      %get3A_83 = arith.constant 16 : index
      %get3A_84 = tpu.vector_load %arg6[%get3A_82, %get3A_83] {strides = array<i32>} : memref<512x32xf32, #tpu.memory_space<vmem>>, vector<1x16xf32>,
      %get3A_85 = vector.shape_cast %get3A_84 : vector<1x16xf32> to vector<16xf32>
      %broadcast_in_dim3A_86 = arith.constant 0.000000e+00 : f32
      %broadcast_in_dim3A_87 = vector.broadcast %broadcast_in_dim3A_86 : f32 to vector<16xf32>
      %broadcast_in_dim3A_88 = arith.constant 0.000000e+00 : f32
      %broadcast_in_dim3A_89 = vector.broadcast %broadcast_in_dim3A_88 : f32 to vector<16xf32>
      %broadcast_in_dim3A_90 = arith.constant 0.000000e+00 : f32
      %broadcast_in_dim3A_91 = vector.broadcast %broadcast_in_dim3A_90 : f32 to vector<16xf32>
      %broadcast_in_dim3A_92 = arith.constant 0.000000e+00 : f32
      %broadcast_in_dim3A_93 = vector.broadcast %broadcast_in_dim3A_92 : f32 to vector<16xf32>
      %broadcast_in_dim3A_94 = arith.constant 0.000000e+00 : f32
      %broadcast_in_dim3A_95 = vector.broadcast %broadcast_in_dim3A_94 : f32 to vector<16xf32>
      %broadcast_in_dim3A_96 = arith.constant 0.000000e+00 : f32
      %broadcast_in_dim3A_97 = vector.broadcast %broadcast_in_dim3A_96 : f32 to vector<16xf32>
      %broadcast_in_dim3A_98 = arith.constant 0.000000e+00 : f32
      %broadcast_in_dim3A_99 = vector.broadcast %broadcast_in_dim3A_98 : f32 to vector<16xf32>
      %broadcast_in_dim3A_100 = arith.constant 0.000000e+00 : f32
      %broadcast_in_dim3A_101 = vector.broadcast %broadcast_in_dim3A_100 : f32 to vector<16xf32>
      %slice3A = vector.extract_strided_slice %get3A_81 {offsets = [0], sizes = [1], strides = [1]} : vector<16xf32> to vector<1xf32>
      %squeeze3A = vector.extract %slice3A[0] : f32 from vector<1xf32>
      %get3A_102 = arith.constant 0 : i32
      %get3A_103 = arith.index_cast %get3A_102 : i32 to index
      %get3A_104 = arith.constant 0 : index
      %get3A_105 = tpu.vector_load %arg5[%get3A_103, %get3A_104] {strides = array<i32>} : memref<32x128xf32, #tpu.memory_space<vmem>>, vector<1x16xf32>,
      %get3A_106 = vector.shape_cast %get3A_105 : vector<1x16xf32> to vector<16xf32>
      %sub3A_107 = vector.broadcast %squeeze3A : f32 to vector<16xf32>
      %sub3A_108 = arith.subf %get3A_106, %sub3A_107 : vector<16xf32>
      %mul3A_109 = arith.mulf %sub3A_108, %sub3A_108 : vector<16xf32>
      %add3A_110 = arith.addf %broadcast_in_dim3A_87, %mul3A_109 : vector<16xf32>
      %get3A_111 = arith.constant 0 : i32
      %get3A_112 = arith.index_cast %get3A_111 : i32 to index
      %get3A_113 = arith.constant 16 : index
      %get3A_114 = tpu.vector_load %arg5[%get3A_112, %get3A_113] {strides = array<i32>} : memref<32x128xf32, #tpu.memory_space<vmem>>, vector<1x16xf32>,
      %get3A_115 = vector.shape_cast %get3A_114 : vector<1x16xf32> to vector<16xf32>
      %sub3A_116 = vector.broadcast %squeeze3A : f32 to vector<16xf32>
      %sub3A_117 = arith.subf %get3A_115, %sub3A_116 : vector<16xf32>
      %mul3A_118 = arith.mulf %sub3A_117, %sub3A_117 : vector<16xf32>
      %add3A_119 = arith.addf %broadcast_in_dim3A_89, %mul3A_118 : vector<16xf32>
      %get3A_120 = arith.constant 0 : i32
      %get3A_121 = arith.index_cast %get3A_120 : i32 to index
      %get3A_122 = arith.constant 32 : index
      %get3A_123 = tpu.vector_load %arg5[%get3A_121, %get3A_122] {strides = array<i32>} : memref<32x128xf32, #tpu.memory_space<vmem>>, vector<1x16xf32>,
      %get3A_124 = vector.shape_cast %get3A_123 : vector<1x16xf32> to vector<16xf32>
      %sub3A_125 = vector.broadcast %squeeze3A : f32 to vector<16xf32>
      %sub3A_126 = arith.subf %get3A_124, %sub3A_125 : vector<16xf32>
      %mul3A_127 = arith.mulf %sub3A_126, %sub3A_126 : vector<16xf32>
      %add3A_128 = arith.addf %broadcast_in_dim3A_91, %mul3A_127 : vector<16xf32>
      %get3A_129 = arith.constant 0 : i32
      %get3A_130 = arith.index_cast %get3A_129 : i32 to index
      %get3A_131 = arith.constant 48 : index
      %get3A_132 = tpu.vector_load %arg5[%get3A_130, %get3A_131] {strides = array<i32>} : memref<32x128xf32, #tpu.memory_space<vmem>>, vector<1x16xf32>,
      %get3A_133 = vector.shape_cast %get3A_132 : vector<1x16xf32> to vector<16xf32>
      %sub3A_134 = vector.broadcast %squeeze3A : f32 to vector<16xf32>
      %sub3A_135 = arith.subf %get3A_133, %sub3A_134 : vector<16xf32>
      %mul3A_136 = arith.mulf %sub3A_135, %sub3A_135 : vector<16xf32>
      %add3A_137 = arith.addf %broadcast_in_dim3A_93, %mul3A_136 : vector<16xf32>
      %get3A_138 = arith.constant 0 : i32
      %get3A_139 = arith.index_cast %get3A_138 : i32 to index
      %get3A_140 = arith.constant 64 : index
      %get3A_141 = tpu.vector_load %arg5[%get3A_139, %get3A_140] {strides = array<i32>} : memref<32x128xf32, #tpu.memory_space<vmem>>, vector<1x16xf32>,
      %get3A_142 = vector.shape_cast %get3A_141 : vector<1x16xf32> to vector<16xf32>
      %sub3A_143 = vector.broadcast %squeeze3A : f32 to vector<16xf32>
      %sub3A_144 = arith.subf %get3A_142, %sub3A_143 : vector<16xf32>
      %mul3A_145 = arith.mulf %sub3A_144, %sub3A_144 : vector<16xf32>
      %add3A_146 = arith.addf %broadcast_in_dim3A_95, %mul3A_145 : vector<16xf32>
      %get3A_147 = arith.constant 0 : i32
      %get3A_148 = arith.index_cast %get3A_147 : i32 to index
      %get3A_149 = arith.constant 80 : index
      %get3A_150 = tpu.vector_load %arg5[%get3A_148, %get3A_149] {strides = array<i32>} : memref<32x128xf32, #tpu.memory_space<vmem>>, vector<1x16xf32>,
      %get3A_151 = vector.shape_cast %get3A_150 : vector<1x16xf32> to vector<16xf32>
      %sub3A_152 = vector.broadcast %squeeze3A : f32 to vector<16xf32>
      %sub3A_153 = arith.subf %get3A_151, %sub3A_152 : vector<16xf32>
      %mul3A_154 = arith.mulf %sub3A_153, %sub3A_153 : vector<16xf32>
      %add3A_155 = arith.addf %broadcast_in_dim3A_97, %mul3A_154 : vector<16xf32>
      %get3A_156 = arith.constant 0 : i32
      %get3A_157 = arith.index_cast %get3A_156 : i32 to index
      %get3A_158 = arith.constant 96 : index
      %get3A_159 = tpu.vector_load %arg5[%get3A_157, %get3A_158] {strides = array<i32>} : memref<32x128xf32, #tpu.memory_space<vmem>>, vector<1x16xf32>,
      %get3A_160 = vector.shape_cast %get3A_159 : vector<1x16xf32> to vector<16xf32>
      %sub3A_161 = vector.broadcast %squeeze3A : f32 to vector<16xf32>
      %sub3A_162 = arith.subf %get3A_160, %sub3A_161 : vector<16xf32>
      %mul3A_163 = arith.mulf %sub3A_162, %sub3A_162 : vector<16xf32>
      %add3A_164 = arith.addf %broadcast_in_dim3A_99, %mul3A_163 : vector<16xf32>
      %get3A_165 = arith.constant 0 : i32
      %get3A_166 = arith.index_cast %get3A_165 : i32 to index
      %get3A_167 = arith.constant 112 : index
      %get3A_168 = tpu.vector_load %arg5[%get3A_166, %get3A_167] {strides = array<i32>} : memref<32x128xf32, #tpu.memory_space<vmem>>, vector<1x16xf32>,
      %get3A_169 = vector.shape_cast %get3A_168 : vector<1x16xf32> to vector<16xf32>
      %sub3A_170 = vector.broadcast %squeeze3A : f32 to vector<16xf32>
      %sub3A_171 = arith.subf %get3A_169, %sub3A_170 : vector<16xf32>
      %mul3A_172 = arith.mulf %sub3A_171, %sub3A_171 : vector<16xf32>
      %add3A_173 = arith.addf %broadcast_in_dim3A_101, %mul3A_172 : vector<16xf32>
      %slice3A_174 = vector.extract_strided_slice %get3A_81 {offsets = [1], sizes = [1], strides = [1]} : vector<16xf32> to vector<1xf32>
      %squeeze3A_175 = vector.extract %slice3A_174[0] : f32 from vector<1xf32>
      %get3A_176 = arith.constant 1 : i32
      %get3A_177 = arith.index_cast %get3A_176 : i32 to index
      %get3A_178 = arith.constant 0 : index
      %get3A_179 = tpu.vector_load %arg5[%get3A_177, %get3A_178] {strides = array<i32>} : memref<32x128xf32, #tpu.memory_space<vmem>>, vector<1x16xf32>,
      %get3A_180 = vector.shape_cast %get3A_179 : vector<1x16xf32> to vector<16xf32>
      %sub3A_181 = vector.broadcast %squeeze3A_175 : f32 to vector<16xf32>
      %sub3A_182 = arith.subf %get3A_180, %sub3A_181 : vector<16xf32>
      %mul3A_183 = arith.mulf %sub3A_182, %sub3A_182 : vector<16xf32>
      %add3A_184 = arith.addf %add3A_110, %mul3A_183 : vector<16xf32>
      %get3A_185 = arith.constant 1 : i32
      %get3A_186 = arith.index_cast %get3A_185 : i32 to index
      %get3A_187 = arith.constant 16 : index
      %get3A_188 = tpu.vector_load %arg5[%get3A_186, %get3A_187] {strides = array<i32>} : memref<32x128xf32, #tpu.memory_space<vmem>>, vector<1x16xf32>,
      %get3A_189 = vector.shape_cast %get3A_188 : vector<1x16xf32> to vector<16xf32>
      %sub3A_190 = vector.broadcast %squeeze3A_175 : f32 to vector<16xf32>
      %sub3A_191 = arith.subf %get3A_189, %sub3A_190 : vector<16xf32>
      %mul3A_192 = arith.mulf %sub3A_191, %sub3A_191 : vector<16xf32>
      %add3A_193 = arith.addf %add3A_119, %mul3A_192 : vector<16xf32>
      %get3A_194 = arith.constant 1 : i32
      %get3A_195 = arith.index_cast %get3A_194 : i32 to index
      %get3A_196 = arith.constant 32 : index
      %get3A_197 = tpu.vector_load %arg5[%get3A_195, %get3A_196] {strides = array<i32>} : memref<32x128xf32, #tpu.memory_space<vmem>>, vector<1x16xf32>,
      %get3A_198 = vector.shape_cast %get3A_197 : vector<1x16xf32> to vector<16xf32>
      %sub3A_199 = vector.broadcast %squeeze3A_175 : f32 to vector<16xf32>
      %sub3A_200 = arith.subf %get3A_198, %sub3A_199 : vector<16xf32>
      %mul3A_201 = arith.mulf %sub3A_200, %sub3A_200 : vector<16xf32>
      %add3A_202 = arith.addf %add3A_128, %mul3A_201 : vector<16xf32>
      %get3A_203 = arith.constant 1 : i32
      %get3A_204 = arith.index_cast %get3A_203 : i32 to index
      %get3A_205 = arith.constant 48 : index
      %get3A_206 = tpu.vector_load %arg5[%get3A_204, %get3A_205] {strides = array<i32>} : memref<32x128xf32, #tpu.memory_space<vmem>>, vector<1x16xf32>,
      %get3A_207 = vector.shape_cast %get3A_206 : vector<1x16xf32> to vector<16xf32>
      %sub3A_208 = vector.broadcast %squeeze3A_175 : f32 to vector<16xf32>
      %sub3A_209 = arith.subf %get3A_207, %sub3A_208 : vector<16xf32>
      %mul3A_210 = arith.mulf %sub3A_209, %sub3A_209 : vector<16xf32>
      %add3A_211 = arith.addf %add3A_137, %mul3A_210 : vector<16xf32>
      %get3A_212 = arith.constant 1 : i32
      %get3A_213 = arith.index_cast %get3A_212 : i32 to index
      %get3A_214 = arith.constant 64 : index
      %get3A_215 = tpu.vector_load %arg5[%get3A_213, %get3A_214] {strides = array<i32>} : memref<32x128xf32, #tpu.memory_space<vmem>>, vector<1x16xf32>,
      %get3A_216 = vector.shape_cast %get3A_215 : vector<1x16xf32> to vector<16xf32>
      %sub3A_217 = vector.broadcast %squeeze3A_175 : f32 to vector<16xf32>
      %sub3A_218 = arith.subf %get3A_216, %sub3A_217 : vector<16xf32>
      %mul3A_219 = arith.mulf %sub3A_218, %sub3A_218 : vector<16xf32>
      %add3A_220 = arith.addf %add3A_146, %mul3A_219 : vector<16xf32>
      %get3A_221 = arith.constant 1 : i32
      %get3A_222 = arith.index_cast %get3A_221 : i32 to index
      %get3A_223 = arith.constant 80 : index
      %get3A_224 = tpu.vector_load %arg5[%get3A_222, %get3A_223] {strides = array<i32>} : memref<32x128xf32, #tpu.memory_space<vmem>>, vector<1x16xf32>,
      %get3A_225 = vector.shape_cast %get3A_224 : vector<1x16xf32> to vector<16xf32>
      %sub3A_226 = vector.broadcast %squeeze3A_175 : f32 to vector<16xf32>
      %sub3A_227 = arith.subf %get3A_225, %sub3A_226 : vector<16xf32>
      %mul3A_228 = arith.mulf %sub3A_227, %sub3A_227 : vector<16xf32>
      %add3A_229 = arith.addf %add3A_155, %mul3A_228 : vector<16xf32>
      %get3A_230 = arith.constant 1 : i32
      %get3A_231 = arith.index_cast %get3A_230 : i32 to index
      %get3A_232 = arith.constant 96 : index
      %get3A_233 = tpu.vector_load %arg5[%get3A_231, %get3A_232] {strides = array<i32>} : memref<32x128xf32, #tpu.memory_space<vmem>>, vector<1x16xf32>,
      %get3A_234 = vector.shape_cast %get3A_233 : vector<1x16xf32> to vector<16xf32>
      %sub3A_235 = vector.broadcast %squeeze3A_175 : f32 to vector<16xf32>
      %sub3A_236 = arith.subf %get3A_234, %sub3A_235 : vector<16xf32>
      %mul3A_237 = arith.mulf %sub3A_236, %sub3A_236 : vector<16xf32>
      %add3A_238 = arith.addf %add3A_164, %mul3A_237 : vector<16xf32>
      %get3A_239 = arith.constant 1 : i32
      %get3A_240 = arith.index_cast %get3A_239 : i32 to index
      %get3A_241 = arith.constant 112 : index
      %get3A_242 = tpu.vector_load %arg5[%get3A_240, %get3A_241] {strides = array<i32>} : memref<32x128xf32, #tpu.memory_space<vmem>>, vector<1x16xf32>,
      %get3A_243 = vector.shape_cast %get3A_242 : vector<1x16xf32> to vector<16xf32>
      %sub3A_244 = vector.broadcast %squeeze3A_175 : f32 to vector<16xf32>
      %sub3A_245 = arith.subf %get3A_243, %sub3A_244 : vector<16xf32>
      %mul3A_246 = arith.mulf %sub3A_245, %sub3A_245 : vector<16xf32>
      %add3A_247 = arith.addf %add3A_173, %mul3A_246 : vector<16xf32>
      %slice3A_248 = vector.extract_strided_slice %get3A_81 {offsets = [2], sizes = [1], strides = [1]} : vector<16xf32> to vector<1xf32>
      %squeeze3A_249 = vector.extract %slice3A_248[0] : f32 from vector<1xf32>
      %get3A_250 = arith.constant 2 : i32
      %get3A_251 = arith.index_cast %get3A_250 : i32 to index
      %get3A_252 = arith.constant 0 : index
      %get3A_253 = tpu.vector_load %arg5[%get3A_251, %get3A_252] {strides = array<i32>} : memref<32x128xf32, #tpu.memory_space<vmem>>, vector<1x16xf32>,
      %get3A_254 = vector.shape_cast %get3A_253 : vector<1x16xf32> to vector<16xf32>
      %sub3A_255 = vector.broadcast %squeeze3A_249 : f32 to vector<16xf32>
      %sub3A_256 = arith.subf %get3A_254, %sub3A_255 : vector<16xf32>
      %mul3A_257 = arith.mulf %sub3A_256, %sub3A_256 : vector<16xf32>
      %add3A_258 = arith.addf %add3A_184, %mul3A_257 : vector<16xf32>
      %get3A_259 = arith.constant 2 : i32
      %get3A_260 = arith.index_cast %get3A_259 : i32 to index
      %get3A_261 = arith.constant 16 : index
      %get3A_262 = tpu.vector_load %arg5[%get3A_260, %get3A_261] {strides = array<i32>} : memref<32x128xf32, #tpu.memory_space<vmem>>, vector<1x16xf32>,
      %get3A_263 = vector.shape_cast %get3A_262 : vector<1x16xf32> to vector<16xf32>
      %sub3A_264 = vector.broadcast %squeeze3A_249 : f32 to vector<16xf32>
      %sub3A_265 = arith.subf %get3A_263, %sub3A_264 : vector<16xf32>
      %mul3A_266 = arith.mulf %sub3A_265, %sub3A_265 : vector<16xf32>
      %add3A_267 = arith.addf %add3A_193, %mul3A_266 : vector<16xf32>
      %get3A_268 = arith.constant 2 : i32
      %get3A_269 = arith.index_cast %get3A_268 : i32 to index
      %get3A_270 = arith.constant 32 : index
      %get3A_271 = tpu.vector_load %arg5[%get3A_269, %get3A_270] {strides = array<i32>} : memref<32x128xf32, #tpu.memory_space<vmem>>, vector<1x16xf32>,
      %get3A_272 = vector.shape_cast %get3A_271 : vector<1x16xf32> to vector<16xf32>
      %sub3A_273 = vector.broadcast %squeeze3A_249 : f32 to vector<16xf32>
      %sub3A_274 = arith.subf %get3A_272, %sub3A_273 : vector<16xf32>
      %mul3A_275 = arith.mulf %sub3A_274, %sub3A_274 : vector<16xf32>
      %add3A_276 = arith.addf %add3A_202, %mul3A_275 : vector<16xf32>
      %get3A_277 = arith.constant 2 : i32
      %get3A_278 = arith.index_cast %get3A_277 : i32 to index
      %get3A_279 = arith.constant 48 : index
      %get3A_280 = tpu.vector_load %arg5[%get3A_278, %get3A_279] {strides = array<i32>} : memref<32x128xf32, #tpu.memory_space<vmem>>, vector<1x16xf32>,
      %get3A_281 = vector.shape_cast %get3A_280 : vector<1x16xf32> to vector<16xf32>
      %sub3A_282 = vector.broadcast %squeeze3A_249 : f32 to vector<16xf32>
      %sub3A_283 = arith.subf %get3A_281, %sub3A_282 : vector<16xf32>
      %mul3A_284 = arith.mulf %sub3A_283, %sub3A_283 : vector<16xf32>
      %add3A_285 = arith.addf %add3A_211, %mul3A_284 : vector<16xf32>
      %get3A_286 = arith.constant 2 : i32
      %get3A_287 = arith.index_cast %get3A_286 : i32 to index
      %get3A_288 = arith.constant 64 : index
      %get3A_289 = tpu.vector_load %arg5[%get3A_287, %get3A_288] {strides = array<i32>} : memref<32x128xf32, #tpu.memory_space<vmem>>, vector<1x16xf32>,
      %get3A_290 = vector.shape_cast %get3A_289 : vector<1x16xf32> to vector<16xf32>
      %sub3A_291 = vector.broadcast %squeeze3A_249 : f32 to vector<16xf32>
      %sub3A_292 = arith.subf %get3A_290, %sub3A_291 : vector<16xf32>
      %mul3A_293 = arith.mulf %sub3A_292, %sub3A_292 : vector<16xf32>
      %add3A_294 = arith.addf %add3A_220, %mul3A_293 : vector<16xf32>
      %get3A_295 = arith.constant 2 : i32
      %get3A_296 = arith.index_cast %get3A_295 : i32 to index
      %get3A_297 = arith.constant 80 : index
      %get3A_298 = tpu.vector_load %arg5[%get3A_296, %get3A_297] {strides = array<i32>} : memref<32x128xf32, #tpu.memory_space<vmem>>, vector<1x16xf32>,
      %get3A_299 = vector.shape_cast %get3A_298 : vector<1x16xf32> to vector<16xf32>
      %sub3A_300 = vector.broadcast %squeeze3A_249 : f32 to vector<16xf32>
      %sub3A_301 = arith.subf %get3A_299, %sub3A_300 : vector<16xf32>
      %mul3A_302 = arith.mulf %sub3A_301, %sub3A_301 : vector<16xf32>
      %add3A_303 = arith.addf %add3A_229, %mul3A_302 : vector<16xf32>
      %get3A_304 = arith.constant 2 : i32
      %get3A_305 = arith.index_cast %get3A_304 : i32 to index
      %get3A_306 = arith.constant 96 : index
      %get3A_307 = tpu.vector_load %arg5[%get3A_305, %get3A_306] {strides = array<i32>} : memref<32x128xf32, #tpu.memory_space<vmem>>, vector<1x16xf32>,
      %get3A_308 = vector.shape_cast %get3A_307 : vector<1x16xf32> to vector<16xf32>
      %sub3A_309 = vector.broadcast %squeeze3A_249 : f32 to vector<16xf32>
      %sub3A_310 = arith.subf %get3A_308, %sub3A_309 : vector<16xf32>
      %mul3A_311 = arith.mulf %sub3A_310, %sub3A_310 : vector<16xf32>
      %add3A_312 = arith.addf %add3A_238, %mul3A_311 : vector<16xf32>
      %get3A_313 = arith.constant 2 : i32
      %get3A_314 = arith.index_cast %get3A_313 : i32 to index
      %get3A_315 = arith.constant 112 : index
      %get3A_316 = tpu.vector_load %arg5[%get3A_314, %get3A_315] {strides = array<i32>} : memref<32x128xf32, #tpu.memory_space<vmem>>, vector<1x16xf32>,
      %get3A_317 = vector.shape_cast %get3A_316 : vector<1x16xf32> to vector<16xf32>
      %sub3A_318 = vector.broadcast %squeeze3A_249 : f32 to vector<16xf32>
      %sub3A_319 = arith.subf %get3A_317, %sub3A_318 : vector<16xf32>
      %mul3A_320 = arith.mulf %sub3A_319, %sub3A_319 : vector<16xf32>
      %add3A_321 = arith.addf %add3A_247, %mul3A_320 : vector<16xf32>
      %slice3A_322 = vector.extract_strided_slice %get3A_81 {offsets = [3], sizes = [1], strides = [1]} : vector<16xf32> to vector<1xf32>
      %squeeze3A_323 = vector.extract %slice3A_322[0] : f32 from vector<1xf32>
      %get3A_324 = arith.constant 3 : i32
      %get3A_325 = arith.index_cast %get3A_324 : i32 to index
      %get3A_326 = arith.constant 0 : index
      %get3A_327 = tpu.vector_load %arg5[%get3A_325, %get3A_326] {strides = array<i32>} : memref<32x128xf32, #tpu.memory_space<vmem>>, vector<1x16xf32>,
      %get3A_328 = vector.shape_cast %get3A_327 : vector<1x16xf32> to vector<16xf32>
      %sub3A_329 = vector.broadcast %squeeze3A_323 : f32 to vector<16xf32>
      %sub3A_330 = arith.subf %get3A_328, %sub3A_329 : vector<16xf32>
      %mul3A_331 = arith.mulf %sub3A_330, %sub3A_330 : vector<16xf32>
      %add3A_332 = arith.addf %add3A_258, %mul3A_331 : vector<16xf32>
      %get3A_333 = arith.constant 3 : i32
      %get3A_334 = arith.index_cast %get3A_333 : i32 to index
      %get3A_335 = arith.constant 16 : index
      %get3A_336 = tpu.vector_load %arg5[%get3A_334, %get3A_335] {strides = array<i32>} : memref<32x128xf32, #tpu.memory_space<vmem>>, vector<1x16xf32>,
      %get3A_337 = vector.shape_cast %get3A_336 : vector<1x16xf32> to vector<16xf32>
      %sub3A_338 = vector.broadcast %squeeze3A_323 : f32 to vector<16xf32>
      %sub3A_339 = arith.subf %get3A_337, %sub3A_338 : vector<16xf32>
      %mul3A_340 = arith.mulf %sub3A_339, %sub3A_339 : vector<16xf32>
      %add3A_341 = arith.addf %add3A_267, %mul3A_340 : vector<16xf32>
      %get3A_342 = arith.constant 3 : i32
      %get3A_343 = arith.index_cast %get3A_342 : i32 to index
      %get3A_344 = arith.constant 32 : index
      %get3A_345 = tpu.vector_load %arg5[%get3A_343, %get3A_344] {strides = array<i32>} : memref<32x128xf32, #tpu.memory_space<vmem>>, vector<1x16xf32>,
      %get3A_346 = vector.shape_cast %get3A_345 : vector<1x16xf32> to vector<16xf32>
      %sub3A_347 = vector.broadcast %squeeze3A_323 : f32 to vector<16xf32>
      %sub3A_348 = arith.subf %get3A_346, %sub3A_347 : vector<16xf32>
      %mul3A_349 = arith.mulf %sub3A_348, %sub3A_348 : vector<16xf32>
      %add3A_350 = arith.addf %add3A_276, %mul3A_349 : vector<16xf32>
      %get3A_351 = arith.constant 3 : i32
      %get3A_352 = arith.index_cast %get3A_351 : i32 to index
      %get3A_353 = arith.constant 48 : index
      %get3A_354 = tpu.vector_load %arg5[%get3A_352, %get3A_353] {strides = array<i32>} : memref<32x128xf32, #tpu.memory_space<vmem>>, vector<1x16xf32>,
      %get3A_355 = vector.shape_cast %get3A_354 : vector<1x16xf32> to vector<16xf32>
      %sub3A_356 = vector.broadcast %squeeze3A_323 : f32 to vector<16xf32>
      %sub3A_357 = arith.subf %get3A_355, %sub3A_356 : vector<16xf32>
      %mul3A_358 = arith.mulf %sub3A_357, %sub3A_357 : vector<16xf32>
      %add3A_359 = arith.addf %add3A_285, %mul3A_358 : vector<16xf32>
      %get3A_360 = arith.constant 3 : i32
      %get3A_361 = arith.index_cast %get3A_360 : i32 to index
      %get3A_362 = arith.constant 64 : index
      %get3A_363 = tpu.vector_load %arg5[%get3A_361, %get3A_362] {strides = array<i32>} : memref<32x128xf32, #tpu.memory_space<vmem>>, vector<1x16xf32>,
      %get3A_364 = vector.shape_cast %get3A_363 : vector<1x16xf32> to vector<16xf32>
      %sub3A_365 = vector.broadcast %squeeze3A_323 : f32 to vector<16xf32>
      %sub3A_366 = arith.subf %get3A_364, %sub3A_365 : vector<16xf32>
      %mul3A_367 = arith.mulf %sub3A_366, %sub3A_366 : vector<16xf32>
      %add3A_368 = arith.addf %add3A_294, %mul3A_367 : vector<16xf32>
      %get3A_369 = arith.constant 3 : i32
      %get3A_370 = arith.index_cast %get3A_369 : i32 to index
      %get3A_371 = arith.constant 80 : index
      %get3A_372 = tpu.vector_load %arg5[%get3A_370, %get3A_371] {strides = array<i32>} : memref<32x128xf32, #tpu.memory_space<vmem>>, vector<1x16xf32>,
      %get3A_373 = vector.shape_cast %get3A_372 : vector<1x16xf32> to vector<16xf32>
      %sub3A_374 = vector.broadcast %squeeze3A_323 : f32 to vector<16xf32>
      %sub3A_375 = arith.subf %get3A_373, %sub3A_374 : vector<16xf32>
      %mul3A_376 = arith.mulf %sub3A_375, %sub3A_375 : vector<16xf32>
      %add3A_377 = arith.addf %add3A_303, %mul3A_376 : vector<16xf32>
      %get3A_378 = arith.constant 3 : i32
      %get3A_379 = arith.index_cast %get3A_378 : i32 to index
      %get3A_380 = arith.constant 96 : index
      %get3A_381 = tpu.vector_load %arg5[%get3A_379, %get3A_380] {strides = array<i32>} : memref<32x128xf32, #tpu.memory_space<vmem>>, vector<1x16xf32>,
      %get3A_382 = vector.shape_cast %get3A_381 : vector<1x16xf32> to vector<16xf32>
      %sub3A_383 = vector.broadcast %squeeze3A_323 : f32 to vector<16xf32>
      %sub3A_384 = arith.subf %get3A_382, %sub3A_383 : vector<16xf32>
      %mul3A_385 = arith.mulf %sub3A_384, %sub3A_384 : vector<16xf32>
      %add3A_386 = arith.addf %add3A_312, %mul3A_385 : vector<16xf32>
      %get3A_387 = arith.constant 3 : i32
      %get3A_388 = arith.index_cast %get3A_387 : i32 to index
      %get3A_389 = arith.constant 112 : index
      %get3A_390 = tpu.vector_load %arg5[%get3A_388, %get3A_389] {strides = array<i32>} : memref<32x128xf32, #tpu.memory_space<vmem>>, vector<1x16xf32>,
      %get3A_391 = vector.shape_cast %get3A_390 : vector<1x16xf32> to vector<16xf32>
      %sub3A_392 = vector.broadcast %squeeze3A_323 : f32 to vector<16xf32>
      %sub3A_393 = arith.subf %get3A_391, %sub3A_392 : vector<16xf32>
      %mul3A_394 = arith.mulf %sub3A_393, %sub3A_393 : vector<16xf32>
      %add3A_395 = arith.addf %add3A_321, %mul3A_394 : vector<16xf32>
      %slice3A_396 = vector.extract_strided_slice %get3A_81 {offsets = [4], sizes = [1], strides = [1]} : vector<16xf32> to vector<1xf32>
      %squeeze3A_397 = vector.extract %slice3A_396[0] : f32 from vector<1xf32>
      %get3A_398 = arith.constant 4 : i32
      %get3A_399 = arith.index_cast %get3A_398 : i32 to index
      %get3A_400 = arith.constant 0 : index
      %get3A_401 = tpu.vector_load %arg5[%get3A_399, %get3A_400] {strides = array<i32>} : memref<32x128xf32, #tpu.memory_space<vmem>>, vector<1x16xf32>,
      %get3A_402 = vector.shape_cast %get3A_401 : vector<1x16xf32> to vector<16xf32>
      %sub3A_403 = vector.broadcast %squeeze3A_397 : f32 to vector<16xf32>
      %sub3A_404 = arith.subf %get3A_402, %sub3A_403 : vector<16xf32>
      %mul3A_405 = arith.mulf %sub3A_404, %sub3A_404 : vector<16xf32>
      %add3A_406 = arith.addf %add3A_332, %mul3A_405 : vector<16xf32>
      %get3A_407 = arith.constant 4 : i32
      %get3A_408 = arith.index_cast %get3A_407 : i32 to index
      %get3A_409 = arith.constant 16 : index
      %get3A_410 = tpu.vector_load %arg5[%get3A_408, %get3A_409] {strides = array<i32>} : memref<32x128xf32, #tpu.memory_space<vmem>>, vector<1x16xf32>,
      %get3A_411 = vector.shape_cast %get3A_410 : vector<1x16xf32> to vector<16xf32>
      %sub3A_412 = vector.broadcast %squeeze3A_397 : f32 to vector<16xf32>
      %sub3A_413 = arith.subf %get3A_411, %sub3A_412 : vector<16xf32>
      %mul3A_414 = arith.mulf %sub3A_413, %sub3A_413 : vector<16xf32>
      %add3A_415 = arith.addf %add3A_341, %mul3A_414 : vector<16xf32>
      %get3A_416 = arith.constant 4 : i32
      %get3A_417 = arith.index_cast %get3A_416 : i32 to index
      %get3A_418 = arith.constant 32 : index
      %get3A_419 = tpu.vector_load %arg5[%get3A_417, %get3A_418] {strides = array<i32>} : memref<32x128xf32, #tpu.memory_space<vmem>>, vector<1x16xf32>,
      %get3A_420 = vector.shape_cast %get3A_419 : vector<1x16xf32> to vector<16xf32>
      %sub3A_421 = vector.broadcast %squeeze3A_397 : f32 to vector<16xf32>
      %sub3A_422 = arith.subf %get3A_420, %sub3A_421 : vector<16xf32>
      %mul3A_423 = arith.mulf %sub3A_422, %sub3A_422 : vector<16xf32>
      %add3A_424 = arith.addf %add3A_350, %mul3A_423 : vector<16xf32>
      %get3A_425 = arith.constant 4 : i32
      %get3A_426 = arith.index_cast %get3A_425 : i32 to index
      %get3A_427 = arith.constant 48 : index
      %get3A_428 = tpu.vector_load %arg5[%get3A_426, %get3A_427] {strides = array<i32>} : memref<32x128xf32, #tpu.memory_space<vmem>>, vector<1x16xf32>,
      %get3A_429 = vector.shape_cast %get3A_428 : vector<1x16xf32> to vector<16xf32>
      %sub3A_430 = vector.broadcast %squeeze3A_397 : f32 to vector<16xf32>
      %sub3A_431 = arith.subf %get3A_429, %sub3A_430 : vector<16xf32>
      %mul3A_432 = arith.mulf %sub3A_431, %sub3A_431 : vector<16xf32>
      %add3A_433 = arith.addf %add3A_359, %mul3A_432 : vector<16xf32>
      %get3A_434 = arith.constant 4 : i32
      %get3A_435 = arith.index_cast %get3A_434 : i32 to index
      %get3A_436 = arith.constant 64 : index
      %get3A_437 = tpu.vector_load %arg5[%get3A_435, %get3A_436] {strides = array<i32>} : memref<32x128xf32, #tpu.memory_space<vmem>>, vector<1x16xf32>,
      %get3A_438 = vector.shape_cast %get3A_437 : vector<1x16xf32> to vector<16xf32>
      %sub3A_439 = vector.broadcast %squeeze3A_397 : f32 to vector<16xf32>
      %sub3A_440 = arith.subf %get3A_438, %sub3A_439 : vector<16xf32>
      %mul3A_441 = arith.mulf %sub3A_440, %sub3A_440 : vector<16xf32>
      %add3A_442 = arith.addf %add3A_368, %mul3A_441 : vector<16xf32>
      %get3A_443 = arith.constant 4 : i32
      %get3A_444 = arith.index_cast %get3A_443 : i32 to index
      %get3A_445 = arith.constant 80 : index
      %get3A_446 = tpu.vector_load %arg5[%get3A_444, %get3A_445] {strides = array<i32>} : memref<32x128xf32, #tpu.memory_space<vmem>>, vector<1x16xf32>,
      %get3A_447 = vector.shape_cast %get3A_446 : vector<1x16xf32> to vector<16xf32>
      %sub3A_448 = vector.broadcast %squeeze3A_397 : f32 to vector<16xf32>
      %sub3A_449 = arith.subf %get3A_447, %sub3A_448 : vector<16xf32>
      %mul3A_450 = arith.mulf %sub3A_449, %sub3A_449 : vector<16xf32>
      %add3A_451 = arith.addf %add3A_377, %mul3A_450 : vector<16xf32>
      %get3A_452 = arith.constant 4 : i32
      %get3A_453 = arith.index_cast %get3A_452 : i32 to index
      %get3A_454 = arith.constant 96 : index
      %get3A_455 = tpu.vector_load %arg5[%get3A_453, %get3A_454] {strides = array<i32>} : memref<32x128xf32, #tpu.memory_space<vmem>>, vector<1x16xf32>,
      %get3A_456 = vector.shape_cast %get3A_455 : vector<1x16xf32> to vector<16xf32>
      %sub3A_457 = vector.broadcast %squeeze3A_397 : f32 to vector<16xf32>
      %sub3A_458 = arith.subf %get3A_456, %sub3A_457 : vector<16xf32>
      %mul3A_459 = arith.mulf %sub3A_458, %sub3A_458 : vector<16xf32>
      %add3A_460 = arith.addf %add3A_386, %mul3A_459 : vector<16xf32>
      %get3A_461 = arith.constant 4 : i32
      %get3A_462 = arith.index_cast %get3A_461 : i32 to index
      %get3A_463 = arith.constant 112 : index
      %get3A_464 = tpu.vector_load %arg5[%get3A_462, %get3A_463] {strides = array<i32>} : memref<32x128xf32, #tpu.memory_space<vmem>>, vector<1x16xf32>,
      %get3A_465 = vector.shape_cast %get3A_464 : vector<1x16xf32> to vector<16xf32>
      %sub3A_466 = vector.broadcast %squeeze3A_397 : f32 to vector<16xf32>
      %sub3A_467 = arith.subf %get3A_465, %sub3A_466 : vector<16xf32>
      %mul3A_468 = arith.mulf %sub3A_467, %sub3A_467 : vector<16xf32>
      %add3A_469 = arith.addf %add3A_395, %mul3A_468 : vector<16xf32>
      %slice3A_470 = vector.extract_strided_slice %get3A_81 {offsets = [5], sizes = [1], strides = [1]} : vector<16xf32> to vector<1xf32>
      %squeeze3A_471 = vector.extract %slice3A_470[0] : f32 from vector<1xf32>
      %get3A_472 = arith.constant 5 : i32
      %get3A_473 = arith.index_cast %get3A_472 : i32 to index
      %get3A_474 = arith.constant 0 : index
      %get3A_475 = tpu.vector_load %arg5[%get3A_473, %get3A_474] {strides = array<i32>} : memref<32x128xf32, #tpu.memory_space<vmem>>, vector<1x16xf32>,
      %get3A_476 = vector.shape_cast %get3A_475 : vector<1x16xf32> to vector<16xf32>
      %sub3A_477 = vector.broadcast %squeeze3A_471 : f32 to vector<16xf32>
      %sub3A_478 = arith.subf %get3A_476, %sub3A_477 : vector<16xf32>
      %mul3A_479 = arith.mulf %sub3A_478, %sub3A_478 : vector<16xf32>
      %add3A_480 = arith.addf %add3A_406, %mul3A_479 : vector<16xf32>
      %get3A_481 = arith.constant 5 : i32
      %get3A_482 = arith.index_cast %get3A_481 : i32 to index
      %get3A_483 = arith.constant 16 : index
      %get3A_484 = tpu.vector_load %arg5[%get3A_482, %get3A_483] {strides = array<i32>} : memref<32x128xf32, #tpu.memory_space<vmem>>, vector<1x16xf32>,
      %get3A_485 = vector.shape_cast %get3A_484 : vector<1x16xf32> to vector<16xf32>
      %sub3A_486 = vector.broadcast %squeeze3A_471 : f32 to vector<16xf32>
      %sub3A_487 = arith.subf %get3A_485, %sub3A_486 : vector<16xf32>
      %mul3A_488 = arith.mulf %sub3A_487, %sub3A_487 : vector<16xf32>
      %add3A_489 = arith.addf %add3A_415, %mul3A_488 : vector<16xf32>
      %get3A_490 = arith.constant 5 : i32
      %get3A_491 = arith.index_cast %get3A_490 : i32 to index
      %get3A_492 = arith.constant 32 : index
      %get3A_493 = tpu.vector_load %arg5[%get3A_491, %get3A_492] {strides = array<i32>} : memref<32x128xf32, #tpu.memory_space<vmem>>, vector<1x16xf32>,
      %get3A_494 = vector.shape_cast %get3A_493 : vector<1x16xf32> to vector<16xf32>
      %sub3A_495 = vector.broadcast %squeeze3A_471 : f32 to vector<16xf32>
      %sub3A_496 = arith.subf %get3A_494, %sub3A_495 : vector<16xf32>
      %mul3A_497 = arith.mulf %sub3A_496, %sub3A_496 : vector<16xf32>
      %add3A_498 = arith.addf %add3A_424, %mul3A_497 : vector<16xf32>
      %get3A_499 = arith.constant 5 : i32
      %get3A_500 = arith.index_cast %get3A_499 : i32 to index
      %get3A_501 = arith.constant 48 : index
      %get3A_502 = tpu.vector_load %arg5[%get3A_500, %get3A_501] {strides = array<i32>} : memref<32x128xf32, #tpu.memory_space<vmem>>, vector<1x16xf32>,
      %get3A_503 = vector.shape_cast %get3A_502 : vector<1x16xf32> to vector<16xf32>
      %sub3A_504 = vector.broadcast %squeeze3A_471 : f32 to vector<16xf32>
      %sub3A_505 = arith.subf %get3A_503, %sub3A_504 : vector<16xf32>
      %mul3A_506 = arith.mulf %sub3A_505, %sub3A_505 : vector<16xf32>
      %add3A_507 = arith.addf %add3A_433, %mul3A_506 : vector<16xf32>
      %get3A_508 = arith.constant 5 : i32
      %get3A_509 = arith.index_cast %get3A_508 : i32 to index
      %get3A_510 = arith.constant 64 : index
      %get3A_511 = tpu.vector_load %arg5[%get3A_509, %get3A_510] {strides = array<i32>} : memref<32x128xf32, #tpu.memory_space<vmem>>, vector<1x16xf32>,
      %get3A_512 = vector.shape_cast %get3A_511 : vector<1x16xf32> to vector<16xf32>
      %sub3A_513 = vector.broadcast %squeeze3A_471 : f32 to vector<16xf32>
      %sub3A_514 = arith.subf %get3A_512, %sub3A_513 : vector<16xf32>
      %mul3A_515 = arith.mulf %sub3A_514, %sub3A_514 : vector<16xf32>
      %add3A_516 = arith.addf %add3A_442, %mul3A_515 : vector<16xf32>
      %get3A_517 = arith.constant 5 : i32
      %get3A_518 = arith.index_cast %get3A_517 : i32 to index
      %get3A_519 = arith.constant 80 : index
      %get3A_520 = tpu.vector_load %arg5[%get3A_518, %get3A_519] {strides = array<i32>} : memref<32x128xf32, #tpu.memory_space<vmem>>, vector<1x16xf32>,
      %get3A_521 = vector.shape_cast %get3A_520 : vector<1x16xf32> to vector<16xf32>
      %sub3A_522 = vector.broadcast %squeeze3A_471 : f32 to vector<16xf32>
      %sub3A_523 = arith.subf %get3A_521, %sub3A_522 : vector<16xf32>
      %mul3A_524 = arith.mulf %sub3A_523, %sub3A_523 : vector<16xf32>
      %add3A_525 = arith.addf %add3A_451, %mul3A_524 : vector<16xf32>
      %get3A_526 = arith.constant 5 : i32
      %get3A_527 = arith.index_cast %get3A_526 : i32 to index
      %get3A_528 = arith.constant 96 : index
      %get3A_529 = tpu.vector_load %arg5[%get3A_527, %get3A_528] {strides = array<i32>} : memref<32x128xf32, #tpu.memory_space<vmem>>, vector<1x16xf32>,
      %get3A_530 = vector.shape_cast %get3A_529 : vector<1x16xf32> to vector<16xf32>
      %sub3A_531 = vector.broadcast %squeeze3A_471 : f32 to vector<16xf32>
      %sub3A_532 = arith.subf %get3A_530, %sub3A_531 : vector<16xf32>
      %mul3A_533 = arith.mulf %sub3A_532, %sub3A_532 : vector<16xf32>
      %add3A_534 = arith.addf %add3A_460, %mul3A_533 : vector<16xf32>
      %get3A_535 = arith.constant 5 : i32
      %get3A_536 = arith.index_cast %get3A_535 : i32 to index
      %get3A_537 = arith.constant 112 : index
      %get3A_538 = tpu.vector_load %arg5[%get3A_536, %get3A_537] {strides = array<i32>} : memref<32x128xf32, #tpu.memory_space<vmem>>, vector<1x16xf32>,
      %get3A_539 = vector.shape_cast %get3A_538 : vector<1x16xf32> to vector<16xf32>
      %sub3A_540 = vector.broadcast %squeeze3A_471 : f32 to vector<16xf32>
      %sub3A_541 = arith.subf %get3A_539, %sub3A_540 : vector<16xf32>
      %mul3A_542 = arith.mulf %sub3A_541, %sub3A_541 : vector<16xf32>
      %add3A_543 = arith.addf %add3A_469, %mul3A_542 : vector<16xf32>
      %slice3A_544 = vector.extract_strided_slice %get3A_81 {offsets = [6], sizes = [1], strides = [1]} : vector<16xf32> to vector<1xf32>
      %squeeze3A_545 = vector.extract %slice3A_544[0] : f32 from vector<1xf32>
      %get3A_546 = arith.constant 6 : i32
      %get3A_547 = arith.index_cast %get3A_546 : i32 to index
      %get3A_548 = arith.constant 0 : index
      %get3A_549 = tpu.vector_load %arg5[%get3A_547, %get3A_548] {strides = array<i32>} : memref<32x128xf32, #tpu.memory_space<vmem>>, vector<1x16xf32>,
      %get3A_550 = vector.shape_cast %get3A_549 : vector<1x16xf32> to vector<16xf32>
      %sub3A_551 = vector.broadcast %squeeze3A_545 : f32 to vector<16xf32>
      %sub3A_552 = arith.subf %get3A_550, %sub3A_551 : vector<16xf32>
      %mul3A_553 = arith.mulf %sub3A_552, %sub3A_552 : vector<16xf32>
      %add3A_554 = arith.addf %add3A_480, %mul3A_553 : vector<16xf32>
      %get3A_555 = arith.constant 6 : i32
      %get3A_556 = arith.index_cast %get3A_555 : i32 to index
      %get3A_557 = arith.constant 16 : index
      %get3A_558 = tpu.vector_load %arg5[%get3A_556, %get3A_557] {strides = array<i32>} : memref<32x128xf32, #tpu.memory_space<vmem>>, vector<1x16xf32>,
      %get3A_559 = vector.shape_cast %get3A_558 : vector<1x16xf32> to vector<16xf32>
      %sub3A_560 = vector.broadcast %squeeze3A_545 : f32 to vector<16xf32>
      %sub3A_561 = arith.subf %get3A_559, %sub3A_560 : vector<16xf32>
      %mul3A_562 = arith.mulf %sub3A_561, %sub3A_561 : vector<16xf32>
      %add3A_563 = arith.addf %add3A_489, %mul3A_562 : vector<16xf32>
      %get3A_564 = arith.constant 6 : i32
      %get3A_565 = arith.index_cast %get3A_564 : i32 to index
      %get3A_566 = arith.constant 32 : index
      %get3A_567 = tpu.vector_load %arg5[%get3A_565, %get3A_566] {strides = array<i32>} : memref<32x128xf32, #tpu.memory_space<vmem>>, vector<1x16xf32>,
      %get3A_568 = vector.shape_cast %get3A_567 : vector<1x16xf32> to vector<16xf32>
      %sub3A_569 = vector.broadcast %squeeze3A_545 : f32 to vector<16xf32>
      %sub3A_570 = arith.subf %get3A_568, %sub3A_569 : vector<16xf32>
      %mul3A_571 = arith.mulf %sub3A_570, %sub3A_570 : vector<16xf32>
      %add3A_572 = arith.addf %add3A_498, %mul3A_571 : vector<16xf32>
      %get3A_573 = arith.constant 6 : i32
      %get3A_574 = arith.index_cast %get3A_573 : i32 to index
      %get3A_575 = arith.constant 48 : index
      %get3A_576 = tpu.vector_load %arg5[%get3A_574, %get3A_575] {strides = array<i32>} : memref<32x128xf32, #tpu.memory_space<vmem>>, vector<1x16xf32>,
      %get3A_577 = vector.shape_cast %get3A_576 : vector<1x16xf32> to vector<16xf32>
      %sub3A_578 = vector.broadcast %squeeze3A_545 : f32 to vector<16xf32>
      %sub3A_579 = arith.subf %get3A_577, %sub3A_578 : vector<16xf32>
      %mul3A_580 = arith.mulf %sub3A_579, %sub3A_579 : vector<16xf32>
      %add3A_581 = arith.addf %add3A_507, %mul3A_580 : vector<16xf32>
      %get3A_582 = arith.constant 6 : i32
      %get3A_583 = arith.index_cast %get3A_582 : i32 to index
      %get3A_584 = arith.constant 64 : index
      %get3A_585 = tpu.vector_load %arg5[%get3A_583, %get3A_584] {strides = array<i32>} : memref<32x128xf32, #tpu.memory_space<vmem>>, vector<1x16xf32>,
      %get3A_586 = vector.shape_cast %get3A_585 : vector<1x16xf32> to vector<16xf32>
      %sub3A_587 = vector.broadcast %squeeze3A_545 : f32 to vector<16xf32>
      %sub3A_588 = arith.subf %get3A_586, %sub3A_587 : vector<16xf32>
      %mul3A_589 = arith.mulf %sub3A_588, %sub3A_588 : vector<16xf32>
      %add3A_590 = arith.addf %add3A_516, %mul3A_589 : vector<16xf32>
      %get3A_591 = arith.constant 6 : i32
      %get3A_592 = arith.index_cast %get3A_591 : i32 to index
      %get3A_593 = arith.constant 80 : index
      %get3A_594 = tpu.vector_load %arg5[%get3A_592, %get3A_593] {strides = array<i32>} : memref<32x128xf32, #tpu.memory_space<vmem>>, vector<1x16xf32>,
      %get3A_595 = vector.shape_cast %get3A_594 : vector<1x16xf32> to vector<16xf32>
      %sub3A_596 = vector.broadcast %squeeze3A_545 : f32 to vector<16xf32>
      %sub3A_597 = arith.subf %get3A_595, %sub3A_596 : vector<16xf32>
      %mul3A_598 = arith.mulf %sub3A_597, %sub3A_597 : vector<16xf32>
      %add3A_599 = arith.addf %add3A_525, %mul3A_598 : vector<16xf32>
      %get3A_600 = arith.constant 6 : i32
      %get3A_601 = arith.index_cast %get3A_600 : i32 to index
      %get3A_602 = arith.constant 96 : index
      %get3A_603 = tpu.vector_load %arg5[%get3A_601, %get3A_602] {strides = array<i32>} : memref<32x128xf32, #tpu.memory_space<vmem>>, vector<1x16xf32>,
      %get3A_604 = vector.shape_cast %get3A_603 : vector<1x16xf32> to vector<16xf32>
      %sub3A_605 = vector.broadcast %squeeze3A_545 : f32 to vector<16xf32>
      %sub3A_606 = arith.subf %get3A_604, %sub3A_605 : vector<16xf32>
      %mul3A_607 = arith.mulf %sub3A_606, %sub3A_606 : vector<16xf32>
      %add3A_608 = arith.addf %add3A_534, %mul3A_607 : vector<16xf32>
      %get3A_609 = arith.constant 6 : i32
      %get3A_610 = arith.index_cast %get3A_609 : i32 to index
      %get3A_611 = arith.constant 112 : index
      %get3A_612 = tpu.vector_load %arg5[%get3A_610, %get3A_611] {strides = array<i32>} : memref<32x128xf32, #tpu.memory_space<vmem>>, vector<1x16xf32>,
      %get3A_613 = vector.shape_cast %get3A_612 : vector<1x16xf32> to vector<16xf32>
      %sub3A_614 = vector.broadcast %squeeze3A_545 : f32 to vector<16xf32>
      %sub3A_615 = arith.subf %get3A_613, %sub3A_614 : vector<16xf32>
      %mul3A_616 = arith.mulf %sub3A_615, %sub3A_615 : vector<16xf32>
      %add3A_617 = arith.addf %add3A_543, %mul3A_616 : vector<16xf32>
      %slice3A_618 = vector.extract_strided_slice %get3A_81 {offsets = [7], sizes = [1], strides = [1]} : vector<16xf32> to vector<1xf32>
      %squeeze3A_619 = vector.extract %slice3A_618[0] : f32 from vector<1xf32>
      %get3A_620 = arith.constant 7 : i32
      %get3A_621 = arith.index_cast %get3A_620 : i32 to index
      %get3A_622 = arith.constant 0 : index
      %get3A_623 = tpu.vector_load %arg5[%get3A_621, %get3A_622] {strides = array<i32>} : memref<32x128xf32, #tpu.memory_space<vmem>>, vector<1x16xf32>,
      %get3A_624 = vector.shape_cast %get3A_623 : vector<1x16xf32> to vector<16xf32>
      %sub3A_625 = vector.broadcast %squeeze3A_619 : f32 to vector<16xf32>
      %sub3A_626 = arith.subf %get3A_624, %sub3A_625 : vector<16xf32>
      %mul3A_627 = arith.mulf %sub3A_626, %sub3A_626 : vector<16xf32>
      %add3A_628 = arith.addf %add3A_554, %mul3A_627 : vector<16xf32>
      %get3A_629 = arith.constant 7 : i32
      %get3A_630 = arith.index_cast %get3A_629 : i32 to index
      %get3A_631 = arith.constant 16 : index
      %get3A_632 = tpu.vector_load %arg5[%get3A_630, %get3A_631] {strides = array<i32>} : memref<32x128xf32, #tpu.memory_space<vmem>>, vector<1x16xf32>,
      %get3A_633 = vector.shape_cast %get3A_632 : vector<1x16xf32> to vector<16xf32>
      %sub3A_634 = vector.broadcast %squeeze3A_619 : f32 to vector<16xf32>
      %sub3A_635 = arith.subf %get3A_633, %sub3A_634 : vector<16xf32>
      %mul3A_636 = arith.mulf %sub3A_635, %sub3A_635 : vector<16xf32>
      %add3A_637 = arith.addf %add3A_563, %mul3A_636 : vector<16xf32>
      %get3A_638 = arith.constant 7 : i32
      %get3A_639 = arith.index_cast %get3A_638 : i32 to index
      %get3A_640 = arith.constant 32 : index
      %get3A_641 = tpu.vector_load %arg5[%get3A_639, %get3A_640] {strides = array<i32>} : memref<32x128xf32, #tpu.memory_space<vmem>>, vector<1x16xf32>,
      %get3A_642 = vector.shape_cast %get3A_641 : vector<1x16xf32> to vector<16xf32>
      %sub3A_643 = vector.broadcast %squeeze3A_619 : f32 to vector<16xf32>
      %sub3A_644 = arith.subf %get3A_642, %sub3A_643 : vector<16xf32>
      %mul3A_645 = arith.mulf %sub3A_644, %sub3A_644 : vector<16xf32>
      %add3A_646 = arith.addf %add3A_572, %mul3A_645 : vector<16xf32>
      %get3A_647 = arith.constant 7 : i32
      %get3A_648 = arith.index_cast %get3A_647 : i32 to index
      %get3A_649 = arith.constant 48 : index
      %get3A_650 = tpu.vector_load %arg5[%get3A_648, %get3A_649] {strides = array<i32>} : memref<32x128xf32, #tpu.memory_space<vmem>>, vector<1x16xf32>,
      %get3A_651 = vector.shape_cast %get3A_650 : vector<1x16xf32> to vector<16xf32>
      %sub3A_652 = vector.broadcast %squeeze3A_619 : f32 to vector<16xf32>
      %sub3A_653 = arith.subf %get3A_651, %sub3A_652 : vector<16xf32>
      %mul3A_654 = arith.mulf %sub3A_653, %sub3A_653 : vector<16xf32>
      %add3A_655 = arith.addf %add3A_581, %mul3A_654 : vector<16xf32>
      %get3A_656 = arith.constant 7 : i32
      %get3A_657 = arith.index_cast %get3A_656 : i32 to index
      %get3A_658 = arith.constant 64 : index
      %get3A_659 = tpu.vector_load %arg5[%get3A_657, %get3A_658] {strides = array<i32>} : memref<32x128xf32, #tpu.memory_space<vmem>>, vector<1x16xf32>,
      %get3A_660 = vector.shape_cast %get3A_659 : vector<1x16xf32> to vector<16xf32>
      %sub3A_661 = vector.broadcast %squeeze3A_619 : f32 to vector<16xf32>
      %sub3A_662 = arith.subf %get3A_660, %sub3A_661 : vector<16xf32>
      %mul3A_663 = arith.mulf %sub3A_662, %sub3A_662 : vector<16xf32>
      %add3A_664 = arith.addf %add3A_590, %mul3A_663 : vector<16xf32>
      %get3A_665 = arith.constant 7 : i32
      %get3A_666 = arith.index_cast %get3A_665 : i32 to index
      %get3A_667 = arith.constant 80 : index
      %get3A_668 = tpu.vector_load %arg5[%get3A_666, %get3A_667] {strides = array<i32>} : memref<32x128xf32, #tpu.memory_space<vmem>>, vector<1x16xf32>,
      %get3A_669 = vector.shape_cast %get3A_668 : vector<1x16xf32> to vector<16xf32>
      %sub3A_670 = vector.broadcast %squeeze3A_619 : f32 to vector<16xf32>
      %sub3A_671 = arith.subf %get3A_669, %sub3A_670 : vector<16xf32>
      %mul3A_672 = arith.mulf %sub3A_671, %sub3A_671 : vector<16xf32>
      %add3A_673 = arith.addf %add3A_599, %mul3A_672 : vector<16xf32>
      %get3A_674 = arith.constant 7 : i32
      %get3A_675 = arith.index_cast %get3A_674 : i32 to index
      %get3A_676 = arith.constant 96 : index
      %get3A_677 = tpu.vector_load %arg5[%get3A_675, %get3A_676] {strides = array<i32>} : memref<32x128xf32, #tpu.memory_space<vmem>>, vector<1x16xf32>,
      %get3A_678 = vector.shape_cast %get3A_677 : vector<1x16xf32> to vector<16xf32>
      %sub3A_679 = vector.broadcast %squeeze3A_619 : f32 to vector<16xf32>
      %sub3A_680 = arith.subf %get3A_678, %sub3A_679 : vector<16xf32>
      %mul3A_681 = arith.mulf %sub3A_680, %sub3A_680 : vector<16xf32>
      %add3A_682 = arith.addf %add3A_608, %mul3A_681 : vector<16xf32>
      %get3A_683 = arith.constant 7 : i32
      %get3A_684 = arith.index_cast %get3A_683 : i32 to index
      %get3A_685 = arith.constant 112 : index
      %get3A_686 = tpu.vector_load %arg5[%get3A_684, %get3A_685] {strides = array<i32>} : memref<32x128xf32, #tpu.memory_space<vmem>>, vector<1x16xf32>,
      %get3A_687 = vector.shape_cast %get3A_686 : vector<1x16xf32> to vector<16xf32>
      %sub3A_688 = vector.broadcast %squeeze3A_619 : f32 to vector<16xf32>
      %sub3A_689 = arith.subf %get3A_687, %sub3A_688 : vector<16xf32>
      %mul3A_690 = arith.mulf %sub3A_689, %sub3A_689 : vector<16xf32>
      %add3A_691 = arith.addf %add3A_617, %mul3A_690 : vector<16xf32>
      %slice3A_692 = vector.extract_strided_slice %get3A_81 {offsets = [8], sizes = [1], strides = [1]} : vector<16xf32> to vector<1xf32>
      %squeeze3A_693 = vector.extract %slice3A_692[0] : f32 from vector<1xf32>
      %get3A_694 = arith.constant 8 : i32
      %get3A_695 = arith.index_cast %get3A_694 : i32 to index
      %get3A_696 = arith.constant 0 : index
      %get3A_697 = tpu.vector_load %arg5[%get3A_695, %get3A_696] {strides = array<i32>} : memref<32x128xf32, #tpu.memory_space<vmem>>, vector<1x16xf32>,
      %get3A_698 = vector.shape_cast %get3A_697 : vector<1x16xf32> to vector<16xf32>
      %sub3A_699 = vector.broadcast %squeeze3A_693 : f32 to vector<16xf32>
      %sub3A_700 = arith.subf %get3A_698, %sub3A_699 : vector<16xf32>
      %mul3A_701 = arith.mulf %sub3A_700, %sub3A_700 : vector<16xf32>
      %add3A_702 = arith.addf %add3A_628, %mul3A_701 : vector<16xf32>
      %get3A_703 = arith.constant 8 : i32
      %get3A_704 = arith.index_cast %get3A_703 : i32 to index
      %get3A_705 = arith.constant 16 : index
      %get3A_706 = tpu.vector_load %arg5[%get3A_704, %get3A_705] {strides = array<i32>} : memref<32x128xf32, #tpu.memory_space<vmem>>, vector<1x16xf32>,
      %get3A_707 = vector.shape_cast %get3A_706 : vector<1x16xf32> to vector<16xf32>
      %sub3A_708 = vector.broadcast %squeeze3A_693 : f32 to vector<16xf32>
      %sub3A_709 = arith.subf %get3A_707, %sub3A_708 : vector<16xf32>
      %mul3A_710 = arith.mulf %sub3A_709, %sub3A_709 : vector<16xf32>
      %add3A_711 = arith.addf %add3A_637, %mul3A_710 : vector<16xf32>
      %get3A_712 = arith.constant 8 : i32
      %get3A_713 = arith.index_cast %get3A_712 : i32 to index
      %get3A_714 = arith.constant 32 : index
      %get3A_715 = tpu.vector_load %arg5[%get3A_713, %get3A_714] {strides = array<i32>} : memref<32x128xf32, #tpu.memory_space<vmem>>, vector<1x16xf32>,
      %get3A_716 = vector.shape_cast %get3A_715 : vector<1x16xf32> to vector<16xf32>
      %sub3A_717 = vector.broadcast %squeeze3A_693 : f32 to vector<16xf32>
      %sub3A_718 = arith.subf %get3A_716, %sub3A_717 : vector<16xf32>
      %mul3A_719 = arith.mulf %sub3A_718, %sub3A_718 : vector<16xf32>
      %add3A_720 = arith.addf %add3A_646, %mul3A_719 : vector<16xf32>
      %get3A_721 = arith.constant 8 : i32
      %get3A_722 = arith.index_cast %get3A_721 : i32 to index
      %get3A_723 = arith.constant 48 : index
      %get3A_724 = tpu.vector_load %arg5[%get3A_722, %get3A_723] {strides = array<i32>} : memref<32x128xf32, #tpu.memory_space<vmem>>, vector<1x16xf32>,
      %get3A_725 = vector.shape_cast %get3A_724 : vector<1x16xf32> to vector<16xf32>
      %sub3A_726 = vector.broadcast %squeeze3A_693 : f32 to vector<16xf32>
      %sub3A_727 = arith.subf %get3A_725, %sub3A_726 : vector<16xf32>
      %mul3A_728 = arith.mulf %sub3A_727, %sub3A_727 : vector<16xf32>
      %add3A_729 = arith.addf %add3A_655, %mul3A_728 : vector<16xf32>
      %get3A_730 = arith.constant 8 : i32
      %get3A_731 = arith.index_cast %get3A_730 : i32 to index
      %get3A_732 = arith.constant 64 : index
      %get3A_733 = tpu.vector_load %arg5[%get3A_731, %get3A_732] {strides = array<i32>} : memref<32x128xf32, #tpu.memory_space<vmem>>, vector<1x16xf32>,
      %get3A_734 = vector.shape_cast %get3A_733 : vector<1x16xf32> to vector<16xf32>
      %sub3A_735 = vector.broadcast %squeeze3A_693 : f32 to vector<16xf32>
      %sub3A_736 = arith.subf %get3A_734, %sub3A_735 : vector<16xf32>
      %mul3A_737 = arith.mulf %sub3A_736, %sub3A_736 : vector<16xf32>
      %add3A_738 = arith.addf %add3A_664, %mul3A_737 : vector<16xf32>
      %get3A_739 = arith.constant 8 : i32
      %get3A_740 = arith.index_cast %get3A_739 : i32 to index
      %get3A_741 = arith.constant 80 : index
      %get3A_742 = tpu.vector_load %arg5[%get3A_740, %get3A_741] {strides = array<i32>} : memref<32x128xf32, #tpu.memory_space<vmem>>, vector<1x16xf32>,
      %get3A_743 = vector.shape_cast %get3A_742 : vector<1x16xf32> to vector<16xf32>
      %sub3A_744 = vector.broadcast %squeeze3A_693 : f32 to vector<16xf32>
      %sub3A_745 = arith.subf %get3A_743, %sub3A_744 : vector<16xf32>
      %mul3A_746 = arith.mulf %sub3A_745, %sub3A_745 : vector<16xf32>
      %add3A_747 = arith.addf %add3A_673, %mul3A_746 : vector<16xf32>
      %get3A_748 = arith.constant 8 : i32
      %get3A_749 = arith.index_cast %get3A_748 : i32 to index
      %get3A_750 = arith.constant 96 : index
      %get3A_751 = tpu.vector_load %arg5[%get3A_749, %get3A_750] {strides = array<i32>} : memref<32x128xf32, #tpu.memory_space<vmem>>, vector<1x16xf32>,
      %get3A_752 = vector.shape_cast %get3A_751 : vector<1x16xf32> to vector<16xf32>
      %sub3A_753 = vector.broadcast %squeeze3A_693 : f32 to vector<16xf32>
      %sub3A_754 = arith.subf %get3A_752, %sub3A_753 : vector<16xf32>
      %mul3A_755 = arith.mulf %sub3A_754, %sub3A_754 : vector<16xf32>
      %add3A_756 = arith.addf %add3A_682, %mul3A_755 : vector<16xf32>
      %get3A_757 = arith.constant 8 : i32
      %get3A_758 = arith.index_cast %get3A_757 : i32 to index
      %get3A_759 = arith.constant 112 : index
      %get3A_760 = tpu.vector_load %arg5[%get3A_758, %get3A_759] {strides = array<i32>} : memref<32x128xf32, #tpu.memory_space<vmem>>, vector<1x16xf32>,
      %get3A_761 = vector.shape_cast %get3A_760 : vector<1x16xf32> to vector<16xf32>
      %sub3A_762 = vector.broadcast %squeeze3A_693 : f32 to vector<16xf32>
      %sub3A_763 = arith.subf %get3A_761, %sub3A_762 : vector<16xf32>
      %mul3A_764 = arith.mulf %sub3A_763, %sub3A_763 : vector<16xf32>
      %add3A_765 = arith.addf %add3A_691, %mul3A_764 : vector<16xf32>
      %slice3A_766 = vector.extract_strided_slice %get3A_81 {offsets = [9], sizes = [1], strides = [1]} : vector<16xf32> to vector<1xf32>
      %squeeze3A_767 = vector.extract %slice3A_766[0] : f32 from vector<1xf32>
      %get3A_768 = arith.constant 9 : i32
      %get3A_769 = arith.index_cast %get3A_768 : i32 to index
      %get3A_770 = arith.constant 0 : index
      %get3A_771 = tpu.vector_load %arg5[%get3A_769, %get3A_770] {strides = array<i32>} : memref<32x128xf32, #tpu.memory_space<vmem>>, vector<1x16xf32>,
      %get3A_772 = vector.shape_cast %get3A_771 : vector<1x16xf32> to vector<16xf32>
      %sub3A_773 = vector.broadcast %squeeze3A_767 : f32 to vector<16xf32>
      %sub3A_774 = arith.subf %get3A_772, %sub3A_773 : vector<16xf32>
      %mul3A_775 = arith.mulf %sub3A_774, %sub3A_774 : vector<16xf32>
      %add3A_776 = arith.addf %add3A_702, %mul3A_775 : vector<16xf32>
      %get3A_777 = arith.constant 9 : i32
      %get3A_778 = arith.index_cast %get3A_777 : i32 to index
      %get3A_779 = arith.constant 16 : index
      %get3A_780 = tpu.vector_load %arg5[%get3A_778, %get3A_779] {strides = array<i32>} : memref<32x128xf32, #tpu.memory_space<vmem>>, vector<1x16xf32>,
      %get3A_781 = vector.shape_cast %get3A_780 : vector<1x16xf32> to vector<16xf32>
      %sub3A_782 = vector.broadcast %squeeze3A_767 : f32 to vector<16xf32>
      %sub3A_783 = arith.subf %get3A_781, %sub3A_782 : vector<16xf32>
      %mul3A_784 = arith.mulf %sub3A_783, %sub3A_783 : vector<16xf32>
      %add3A_785 = arith.addf %add3A_711, %mul3A_784 : vector<16xf32>
      %get3A_786 = arith.constant 9 : i32
      %get3A_787 = arith.index_cast %get3A_786 : i32 to index
      %get3A_788 = arith.constant 32 : index
      %get3A_789 = tpu.vector_load %arg5[%get3A_787, %get3A_788] {strides = array<i32>} : memref<32x128xf32, #tpu.memory_space<vmem>>, vector<1x16xf32>,
      %get3A_790 = vector.shape_cast %get3A_789 : vector<1x16xf32> to vector<16xf32>
      %sub3A_791 = vector.broadcast %squeeze3A_767 : f32 to vector<16xf32>
      %sub3A_792 = arith.subf %get3A_790, %sub3A_791 : vector<16xf32>
      %mul3A_793 = arith.mulf %sub3A_792, %sub3A_792 : vector<16xf32>
      %add3A_794 = arith.addf %add3A_720, %mul3A_793 : vector<16xf32>
      %get3A_795 = arith.constant 9 : i32
      %get3A_796 = arith.index_cast %get3A_795 : i32 to index
      %get3A_797 = arith.constant 48 : index
      %get3A_798 = tpu.vector_load %arg5[%get3A_796, %get3A_797] {strides = array<i32>} : memref<32x128xf32, #tpu.memory_space<vmem>>, vector<1x16xf32>,
      %get3A_799 = vector.shape_cast %get3A_798 : vector<1x16xf32> to vector<16xf32>
      %sub3A_800 = vector.broadcast %squeeze3A_767 : f32 to vector<16xf32>
      %sub3A_801 = arith.subf %get3A_799, %sub3A_800 : vector<16xf32>
      %mul3A_802 = arith.mulf %sub3A_801, %sub3A_801 : vector<16xf32>
      %add3A_803 = arith.addf %add3A_729, %mul3A_802 : vector<16xf32>
      %get3A_804 = arith.constant 9 : i32
      %get3A_805 = arith.index_cast %get3A_804 : i32 to index
      %get3A_806 = arith.constant 64 : index
      %get3A_807 = tpu.vector_load %arg5[%get3A_805, %get3A_806] {strides = array<i32>} : memref<32x128xf32, #tpu.memory_space<vmem>>, vector<1x16xf32>,
      %get3A_808 = vector.shape_cast %get3A_807 : vector<1x16xf32> to vector<16xf32>
      %sub3A_809 = vector.broadcast %squeeze3A_767 : f32 to vector<16xf32>
      %sub3A_810 = arith.subf %get3A_808, %sub3A_809 : vector<16xf32>
      %mul3A_811 = arith.mulf %sub3A_810, %sub3A_810 : vector<16xf32>
      %add3A_812 = arith.addf %add3A_738, %mul3A_811 : vector<16xf32>
      %get3A_813 = arith.constant 9 : i32
      %get3A_814 = arith.index_cast %get3A_813 : i32 to index
      %get3A_815 = arith.constant 80 : index
      %get3A_816 = tpu.vector_load %arg5[%get3A_814, %get3A_815] {strides = array<i32>} : memref<32x128xf32, #tpu.memory_space<vmem>>, vector<1x16xf32>,
      %get3A_817 = vector.shape_cast %get3A_816 : vector<1x16xf32> to vector<16xf32>
      %sub3A_818 = vector.broadcast %squeeze3A_767 : f32 to vector<16xf32>
      %sub3A_819 = arith.subf %get3A_817, %sub3A_818 : vector<16xf32>
      %mul3A_820 = arith.mulf %sub3A_819, %sub3A_819 : vector<16xf32>
      %add3A_821 = arith.addf %add3A_747, %mul3A_820 : vector<16xf32>
      %get3A_822 = arith.constant 9 : i32
      %get3A_823 = arith.index_cast %get3A_822 : i32 to index
      %get3A_824 = arith.constant 96 : index
      %get3A_825 = tpu.vector_load %arg5[%get3A_823, %get3A_824] {strides = array<i32>} : memref<32x128xf32, #tpu.memory_space<vmem>>, vector<1x16xf32>,
      %get3A_826 = vector.shape_cast %get3A_825 : vector<1x16xf32> to vector<16xf32>
      %sub3A_827 = vector.broadcast %squeeze3A_767 : f32 to vector<16xf32>
      %sub3A_828 = arith.subf %get3A_826, %sub3A_827 : vector<16xf32>
      %mul3A_829 = arith.mulf %sub3A_828, %sub3A_828 : vector<16xf32>
      %add3A_830 = arith.addf %add3A_756, %mul3A_829 : vector<16xf32>
      %get3A_831 = arith.constant 9 : i32
      %get3A_832 = arith.index_cast %get3A_831 : i32 to index
      %get3A_833 = arith.constant 112 : index
      %get3A_834 = tpu.vector_load %arg5[%get3A_832, %get3A_833] {strides = array<i32>} : memref<32x128xf32, #tpu.memory_space<vmem>>, vector<1x16xf32>,
      %get3A_835 = vector.shape_cast %get3A_834 : vector<1x16xf32> to vector<16xf32>
      %sub3A_836 = vector.broadcast %squeeze3A_767 : f32 to vector<16xf32>
      %sub3A_837 = arith.subf %get3A_835, %sub3A_836 : vector<16xf32>
      %mul3A_838 = arith.mulf %sub3A_837, %sub3A_837 : vector<16xf32>
      %add3A_839 = arith.addf %add3A_765, %mul3A_838 : vector<16xf32>
      %slice3A_840 = vector.extract_strided_slice %get3A_81 {offsets = [10], sizes = [1], strides = [1]} : vector<16xf32> to vector<1xf32>
      %squeeze3A_841 = vector.extract %slice3A_840[0] : f32 from vector<1xf32>
      %get3A_842 = arith.constant 10 : i32
      %get3A_843 = arith.index_cast %get3A_842 : i32 to index
      %get3A_844 = arith.constant 0 : index
      %get3A_845 = tpu.vector_load %arg5[%get3A_843, %get3A_844] {strides = array<i32>} : memref<32x128xf32, #tpu.memory_space<vmem>>, vector<1x16xf32>,
      %get3A_846 = vector.shape_cast %get3A_845 : vector<1x16xf32> to vector<16xf32>
      %sub3A_847 = vector.broadcast %squeeze3A_841 : f32 to vector<16xf32>
      %sub3A_848 = arith.subf %get3A_846, %sub3A_847 : vector<16xf32>
      %mul3A_849 = arith.mulf %sub3A_848, %sub3A_848 : vector<16xf32>
      %add3A_850 = arith.addf %add3A_776, %mul3A_849 : vector<16xf32>
      %get3A_851 = arith.constant 10 : i32
      %get3A_852 = arith.index_cast %get3A_851 : i32 to index
      %get3A_853 = arith.constant 16 : index
      %get3A_854 = tpu.vector_load %arg5[%get3A_852, %get3A_853] {strides = array<i32>} : memref<32x128xf32, #tpu.memory_space<vmem>>, vector<1x16xf32>,
      %get3A_855 = vector.shape_cast %get3A_854 : vector<1x16xf32> to vector<16xf32>
      %sub3A_856 = vector.broadcast %squeeze3A_841 : f32 to vector<16xf32>
      %sub3A_857 = arith.subf %get3A_855, %sub3A_856 : vector<16xf32>
      %mul3A_858 = arith.mulf %sub3A_857, %sub3A_857 : vector<16xf32>
      %add3A_859 = arith.addf %add3A_785, %mul3A_858 : vector<16xf32>
      %get3A_860 = arith.constant 10 : i32
      %get3A_861 = arith.index_cast %get3A_860 : i32 to index
      %get3A_862 = arith.constant 32 : index
      %get3A_863 = tpu.vector_load %arg5[%get3A_861, %get3A_862] {strides = array<i32>} : memref<32x128xf32, #tpu.memory_space<vmem>>, vector<1x16xf32>,
      %get3A_864 = vector.shape_cast %get3A_863 : vector<1x16xf32> to vector<16xf32>
      %sub3A_865 = vector.broadcast %squeeze3A_841 : f32 to vector<16xf32>
      %sub3A_866 = arith.subf %get3A_864, %sub3A_865 : vector<16xf32>
      %mul3A_867 = arith.mulf %sub3A_866, %sub3A_866 : vector<16xf32>
      %add3A_868 = arith.addf %add3A_794, %mul3A_867 : vector<16xf32>
      %get3A_869 = arith.constant 10 : i32
      %get3A_870 = arith.index_cast %get3A_869 : i32 to index
      %get3A_871 = arith.constant 48 : index
      %get3A_872 = tpu.vector_load %arg5[%get3A_870, %get3A_871] {strides = array<i32>} : memref<32x128xf32, #tpu.memory_space<vmem>>, vector<1x16xf32>,
      %get3A_873 = vector.shape_cast %get3A_872 : vector<1x16xf32> to vector<16xf32>
      %sub3A_874 = vector.broadcast %squeeze3A_841 : f32 to vector<16xf32>
      %sub3A_875 = arith.subf %get3A_873, %sub3A_874 : vector<16xf32>
      %mul3A_876 = arith.mulf %sub3A_875, %sub3A_875 : vector<16xf32>
      %add3A_877 = arith.addf %add3A_803, %mul3A_876 : vector<16xf32>
      %get3A_878 = arith.constant 10 : i32
      %get3A_879 = arith.index_cast %get3A_878 : i32 to index
      %get3A_880 = arith.constant 64 : index
      %get3A_881 = tpu.vector_load %arg5[%get3A_879, %get3A_880] {strides = array<i32>} : memref<32x128xf32, #tpu.memory_space<vmem>>, vector<1x16xf32>,
      %get3A_882 = vector.shape_cast %get3A_881 : vector<1x16xf32> to vector<16xf32>
      %sub3A_883 = vector.broadcast %squeeze3A_841 : f32 to vector<16xf32>
      %sub3A_884 = arith.subf %get3A_882, %sub3A_883 : vector<16xf32>
      %mul3A_885 = arith.mulf %sub3A_884, %sub3A_884 : vector<16xf32>
      %add3A_886 = arith.addf %add3A_812, %mul3A_885 : vector<16xf32>
      %get3A_887 = arith.constant 10 : i32
      %get3A_888 = arith.index_cast %get3A_887 : i32 to index
      %get3A_889 = arith.constant 80 : index
      %get3A_890 = tpu.vector_load %arg5[%get3A_888, %get3A_889] {strides = array<i32>} : memref<32x128xf32, #tpu.memory_space<vmem>>, vector<1x16xf32>,
      %get3A_891 = vector.shape_cast %get3A_890 : vector<1x16xf32> to vector<16xf32>
      %sub3A_892 = vector.broadcast %squeeze3A_841 : f32 to vector<16xf32>
      %sub3A_893 = arith.subf %get3A_891, %sub3A_892 : vector<16xf32>
      %mul3A_894 = arith.mulf %sub3A_893, %sub3A_893 : vector<16xf32>
      %add3A_895 = arith.addf %add3A_821, %mul3A_894 : vector<16xf32>
      %get3A_896 = arith.constant 10 : i32
      %get3A_897 = arith.index_cast %get3A_896 : i32 to index
      %get3A_898 = arith.constant 96 : index
      %get3A_899 = tpu.vector_load %arg5[%get3A_897, %get3A_898] {strides = array<i32>} : memref<32x128xf32, #tpu.memory_space<vmem>>, vector<1x16xf32>,
      %get3A_900 = vector.shape_cast %get3A_899 : vector<1x16xf32> to vector<16xf32>
      %sub3A_901 = vector.broadcast %squeeze3A_841 : f32 to vector<16xf32>
      %sub3A_902 = arith.subf %get3A_900, %sub3A_901 : vector<16xf32>
      %mul3A_903 = arith.mulf %sub3A_902, %sub3A_902 : vector<16xf32>
      %add3A_904 = arith.addf %add3A_830, %mul3A_903 : vector<16xf32>
      %get3A_905 = arith.constant 10 : i32
      %get3A_906 = arith.index_cast %get3A_905 : i32 to index
      %get3A_907 = arith.constant 112 : index
      %get3A_908 = tpu.vector_load %arg5[%get3A_906, %get3A_907] {strides = array<i32>} : memref<32x128xf32, #tpu.memory_space<vmem>>, vector<1x16xf32>,
      %get3A_909 = vector.shape_cast %get3A_908 : vector<1x16xf32> to vector<16xf32>
      %sub3A_910 = vector.broadcast %squeeze3A_841 : f32 to vector<16xf32>
      %sub3A_911 = arith.subf %get3A_909, %sub3A_910 : vector<16xf32>
      %mul3A_912 = arith.mulf %sub3A_911, %sub3A_911 : vector<16xf32>
      %add3A_913 = arith.addf %add3A_839, %mul3A_912 : vector<16xf32>
      %slice3A_914 = vector.extract_strided_slice %get3A_81 {offsets = [11], sizes = [1], strides = [1]} : vector<16xf32> to vector<1xf32>
      %squeeze3A_915 = vector.extract %slice3A_914[0] : f32 from vector<1xf32>
      %get3A_916 = arith.constant 11 : i32
      %get3A_917 = arith.index_cast %get3A_916 : i32 to index
      %get3A_918 = arith.constant 0 : index
      %get3A_919 = tpu.vector_load %arg5[%get3A_917, %get3A_918] {strides = array<i32>} : memref<32x128xf32, #tpu.memory_space<vmem>>, vector<1x16xf32>,
      %get3A_920 = vector.shape_cast %get3A_919 : vector<1x16xf32> to vector<16xf32>
      %sub3A_921 = vector.broadcast %squeeze3A_915 : f32 to vector<16xf32>
      %sub3A_922 = arith.subf %get3A_920, %sub3A_921 : vector<16xf32>
      %mul3A_923 = arith.mulf %sub3A_922, %sub3A_922 : vector<16xf32>
      %add3A_924 = arith.addf %add3A_850, %mul3A_923 : vector<16xf32>
      %get3A_925 = arith.constant 11 : i32
      %get3A_926 = arith.index_cast %get3A_925 : i32 to index
      %get3A_927 = arith.constant 16 : index
      %get3A_928 = tpu.vector_load %arg5[%get3A_926, %get3A_927] {strides = array<i32>} : memref<32x128xf32, #tpu.memory_space<vmem>>, vector<1x16xf32>,
      %get3A_929 = vector.shape_cast %get3A_928 : vector<1x16xf32> to vector<16xf32>
      %sub3A_930 = vector.broadcast %squeeze3A_915 : f32 to vector<16xf32>
      %sub3A_931 = arith.subf %get3A_929, %sub3A_930 : vector<16xf32>
      %mul3A_932 = arith.mulf %sub3A_931, %sub3A_931 : vector<16xf32>
      %add3A_933 = arith.addf %add3A_859, %mul3A_932 : vector<16xf32>
      %get3A_934 = arith.constant 11 : i32
      %get3A_935 = arith.index_cast %get3A_934 : i32 to index
      %get3A_936 = arith.constant 32 : index
      %get3A_937 = tpu.vector_load %arg5[%get3A_935, %get3A_936] {strides = array<i32>} : memref<32x128xf32, #tpu.memory_space<vmem>>, vector<1x16xf32>,
      %get3A_938 = vector.shape_cast %get3A_937 : vector<1x16xf32> to vector<16xf32>
      %sub3A_939 = vector.broadcast %squeeze3A_915 : f32 to vector<16xf32>
      %sub3A_940 = arith.subf %get3A_938, %sub3A_939 : vector<16xf32>
      %mul3A_941 = arith.mulf %sub3A_940, %sub3A_940 : vector<16xf32>
      %add3A_942 = arith.addf %add3A_868, %mul3A_941 : vector<16xf32>
      %get3A_943 = arith.constant 11 : i32
      %get3A_944 = arith.index_cast %get3A_943 : i32 to index
      %get3A_945 = arith.constant 48 : index
      %get3A_946 = tpu.vector_load %arg5[%get3A_944, %get3A_945] {strides = array<i32>} : memref<32x128xf32, #tpu.memory_space<vmem>>, vector<1x16xf32>,
      %get3A_947 = vector.shape_cast %get3A_946 : vector<1x16xf32> to vector<16xf32>
      %sub3A_948 = vector.broadcast %squeeze3A_915 : f32 to vector<16xf32>
      %sub3A_949 = arith.subf %get3A_947, %sub3A_948 : vector<16xf32>
      %mul3A_950 = arith.mulf %sub3A_949, %sub3A_949 : vector<16xf32>
      %add3A_951 = arith.addf %add3A_877, %mul3A_950 : vector<16xf32>
      %get3A_952 = arith.constant 11 : i32
      %get3A_953 = arith.index_cast %get3A_952 : i32 to index
      %get3A_954 = arith.constant 64 : index
      %get3A_955 = tpu.vector_load %arg5[%get3A_953, %get3A_954] {strides = array<i32>} : memref<32x128xf32, #tpu.memory_space<vmem>>, vector<1x16xf32>,
      %get3A_956 = vector.shape_cast %get3A_955 : vector<1x16xf32> to vector<16xf32>
      %sub3A_957 = vector.broadcast %squeeze3A_915 : f32 to vector<16xf32>
      %sub3A_958 = arith.subf %get3A_956, %sub3A_957 : vector<16xf32>
      %mul3A_959 = arith.mulf %sub3A_958, %sub3A_958 : vector<16xf32>
      %add3A_960 = arith.addf %add3A_886, %mul3A_959 : vector<16xf32>
      %get3A_961 = arith.constant 11 : i32
      %get3A_962 = arith.index_cast %get3A_961 : i32 to index
      %get3A_963 = arith.constant 80 : index
      %get3A_964 = tpu.vector_load %arg5[%get3A_962, %get3A_963] {strides = array<i32>} : memref<32x128xf32, #tpu.memory_space<vmem>>, vector<1x16xf32>,
      %get3A_965 = vector.shape_cast %get3A_964 : vector<1x16xf32> to vector<16xf32>
      %sub3A_966 = vector.broadcast %squeeze3A_915 : f32 to vector<16xf32>
      %sub3A_967 = arith.subf %get3A_965, %sub3A_966 : vector<16xf32>
      %mul3A_968 = arith.mulf %sub3A_967, %sub3A_967 : vector<16xf32>
      %add3A_969 = arith.addf %add3A_895, %mul3A_968 : vector<16xf32>
      %get3A_970 = arith.constant 11 : i32
      %get3A_971 = arith.index_cast %get3A_970 : i32 to index
      %get3A_972 = arith.constant 96 : index
      %get3A_973 = tpu.vector_load %arg5[%get3A_971, %get3A_972] {strides = array<i32>} : memref<32x128xf32, #tpu.memory_space<vmem>>, vector<1x16xf32>,
      %get3A_974 = vector.shape_cast %get3A_973 : vector<1x16xf32> to vector<16xf32>
      %sub3A_975 = vector.broadcast %squeeze3A_915 : f32 to vector<16xf32>
      %sub3A_976 = arith.subf %get3A_974, %sub3A_975 : vector<16xf32>
      %mul3A_977 = arith.mulf %sub3A_976, %sub3A_976 : vector<16xf32>
      %add3A_978 = arith.addf %add3A_904, %mul3A_977 : vector<16xf32>
      %get3A_979 = arith.constant 11 : i32
      %get3A_980 = arith.index_cast %get3A_979 : i32 to index
      %get3A_981 = arith.constant 112 : index
      %get3A_982 = tpu.vector_load %arg5[%get3A_980, %get3A_981] {strides = array<i32>} : memref<32x128xf32, #tpu.memory_space<vmem>>, vector<1x16xf32>,
      %get3A_983 = vector.shape_cast %get3A_982 : vector<1x16xf32> to vector<16xf32>
      %sub3A_984 = vector.broadcast %squeeze3A_915 : f32 to vector<16xf32>
      %sub3A_985 = arith.subf %get3A_983, %sub3A_984 : vector<16xf32>
      %mul3A_986 = arith.mulf %sub3A_985, %sub3A_985 : vector<16xf32>
      %add3A_987 = arith.addf %add3A_913, %mul3A_986 : vector<16xf32>
      %slice3A_988 = vector.extract_strided_slice %get3A_81 {offsets = [12], sizes = [1], strides = [1]} : vector<16xf32> to vector<1xf32>
      %squeeze3A_989 = vector.extract %slice3A_988[0] : f32 from vector<1xf32>
      %get3A_990 = arith.constant 12 : i32
      %get3A_991 = arith.index_cast %get3A_990 : i32 to index
      %get3A_992 = arith.constant 0 : index
      %get3A_993 = tpu.vector_load %arg5[%get3A_991, %get3A_992] {strides = array<i32>} : memref<32x128xf32, #tpu.memory_space<vmem>>, vector<1x16xf32>,
      %get3A_994 = vector.shape_cast %get3A_993 : vector<1x16xf32> to vector<16xf32>
      %sub3A_995 = vector.broadcast %squeeze3A_989 : f32 to vector<16xf32>
      %sub3A_996 = arith.subf %get3A_994, %sub3A_995 : vector<16xf32>
      %mul3A_997 = arith.mulf %sub3A_996, %sub3A_996 : vector<16xf32>
      %add3A_998 = arith.addf %add3A_924, %mul3A_997 : vector<16xf32>
      %get3A_999 = arith.constant 12 : i32
      %get3A_1000 = arith.index_cast %get3A_999 : i32 to index
      %get3A_1001 = arith.constant 16 : index
      %get3A_1002 = tpu.vector_load %arg5[%get3A_1000, %get3A_1001] {strides = array<i32>} : memref<32x128xf32, #tpu.memory_space<vmem>>, vector<1x16xf32>,
      %get3A_1003 = vector.shape_cast %get3A_1002 : vector<1x16xf32> to vector<16xf32>
      %sub3A_1004 = vector.broadcast %squeeze3A_989 : f32 to vector<16xf32>
      %sub3A_1005 = arith.subf %get3A_1003, %sub3A_1004 : vector<16xf32>
      %mul3A_1006 = arith.mulf %sub3A_1005, %sub3A_1005 : vector<16xf32>
      %add3A_1007 = arith.addf %add3A_933, %mul3A_1006 : vector<16xf32>
      %get3A_1008 = arith.constant 12 : i32
      %get3A_1009 = arith.index_cast %get3A_1008 : i32 to index
      %get3A_1010 = arith.constant 32 : index
      %get3A_1011 = tpu.vector_load %arg5[%get3A_1009, %get3A_1010] {strides = array<i32>} : memref<32x128xf32, #tpu.memory_space<vmem>>, vector<1x16xf32>,
      %get3A_1012 = vector.shape_cast %get3A_1011 : vector<1x16xf32> to vector<16xf32>
      %sub3A_1013 = vector.broadcast %squeeze3A_989 : f32 to vector<16xf32>
      %sub3A_1014 = arith.subf %get3A_1012, %sub3A_1013 : vector<16xf32>
      %mul3A_1015 = arith.mulf %sub3A_1014, %sub3A_1014 : vector<16xf32>
      %add3A_1016 = arith.addf %add3A_942, %mul3A_1015 : vector<16xf32>
      %get3A_1017 = arith.constant 12 : i32
      %get3A_1018 = arith.index_cast %get3A_1017 : i32 to index
      %get3A_1019 = arith.constant 48 : index
      %get3A_1020 = tpu.vector_load %arg5[%get3A_1018, %get3A_1019] {strides = array<i32>} : memref<32x128xf32, #tpu.memory_space<vmem>>, vector<1x16xf32>,
      %get3A_1021 = vector.shape_cast %get3A_1020 : vector<1x16xf32> to vector<16xf32>
      %sub3A_1022 = vector.broadcast %squeeze3A_989 : f32 to vector<16xf32>
      %sub3A_1023 = arith.subf %get3A_1021, %sub3A_1022 : vector<16xf32>
      %mul3A_1024 = arith.mulf %sub3A_1023, %sub3A_1023 : vector<16xf32>
      %add3A_1025 = arith.addf %add3A_951, %mul3A_1024 : vector<16xf32>
      %get3A_1026 = arith.constant 12 : i32
      %get3A_1027 = arith.index_cast %get3A_1026 : i32 to index
      %get3A_1028 = arith.constant 64 : index
      %get3A_1029 = tpu.vector_load %arg5[%get3A_1027, %get3A_1028] {strides = array<i32>} : memref<32x128xf32, #tpu.memory_space<vmem>>, vector<1x16xf32>,
      %get3A_1030 = vector.shape_cast %get3A_1029 : vector<1x16xf32> to vector<16xf32>
      %sub3A_1031 = vector.broadcast %squeeze3A_989 : f32 to vector<16xf32>
      %sub3A_1032 = arith.subf %get3A_1030, %sub3A_1031 : vector<16xf32>
      %mul3A_1033 = arith.mulf %sub3A_1032, %sub3A_1032 : vector<16xf32>
      %add3A_1034 = arith.addf %add3A_960, %mul3A_1033 : vector<16xf32>
      %get3A_1035 = arith.constant 12 : i32
      %get3A_1036 = arith.index_cast %get3A_1035 : i32 to index
      %get3A_1037 = arith.constant 80 : index
      %get3A_1038 = tpu.vector_load %arg5[%get3A_1036, %get3A_1037] {strides = array<i32>} : memref<32x128xf32, #tpu.memory_space<vmem>>, vector<1x16xf32>,
      %get3A_1039 = vector.shape_cast %get3A_1038 : vector<1x16xf32> to vector<16xf32>
      %sub3A_1040 = vector.broadcast %squeeze3A_989 : f32 to vector<16xf32>
      %sub3A_1041 = arith.subf %get3A_1039, %sub3A_1040 : vector<16xf32>
      %mul3A_1042 = arith.mulf %sub3A_1041, %sub3A_1041 : vector<16xf32>
      %add3A_1043 = arith.addf %add3A_969, %mul3A_1042 : vector<16xf32>
      %get3A_1044 = arith.constant 12 : i32
      %get3A_1045 = arith.index_cast %get3A_1044 : i32 to index
      %get3A_1046 = arith.constant 96 : index
      %get3A_1047 = tpu.vector_load %arg5[%get3A_1045, %get3A_1046] {strides = array<i32>} : memref<32x128xf32, #tpu.memory_space<vmem>>, vector<1x16xf32>,
      %get3A_1048 = vector.shape_cast %get3A_1047 : vector<1x16xf32> to vector<16xf32>
      %sub3A_1049 = vector.broadcast %squeeze3A_989 : f32 to vector<16xf32>
      %sub3A_1050 = arith.subf %get3A_1048, %sub3A_1049 : vector<16xf32>
      %mul3A_1051 = arith.mulf %sub3A_1050, %sub3A_1050 : vector<16xf32>
      %add3A_1052 = arith.addf %add3A_978, %mul3A_1051 : vector<16xf32>
      %get3A_1053 = arith.constant 12 : i32
      %get3A_1054 = arith.index_cast %get3A_1053 : i32 to index
      %get3A_1055 = arith.constant 112 : index
      %get3A_1056 = tpu.vector_load %arg5[%get3A_1054, %get3A_1055] {strides = array<i32>} : memref<32x128xf32, #tpu.memory_space<vmem>>, vector<1x16xf32>,
      %get3A_1057 = vector.shape_cast %get3A_1056 : vector<1x16xf32> to vector<16xf32>
      %sub3A_1058 = vector.broadcast %squeeze3A_989 : f32 to vector<16xf32>
      %sub3A_1059 = arith.subf %get3A_1057, %sub3A_1058 : vector<16xf32>
      %mul3A_1060 = arith.mulf %sub3A_1059, %sub3A_1059 : vector<16xf32>
      %add3A_1061 = arith.addf %add3A_987, %mul3A_1060 : vector<16xf32>
      %slice3A_1062 = vector.extract_strided_slice %get3A_81 {offsets = [13], sizes = [1], strides = [1]} : vector<16xf32> to vector<1xf32>
      %squeeze3A_1063 = vector.extract %slice3A_1062[0] : f32 from vector<1xf32>
      %get3A_1064 = arith.constant 13 : i32
      %get3A_1065 = arith.index_cast %get3A_1064 : i32 to index
      %get3A_1066 = arith.constant 0 : index
      %get3A_1067 = tpu.vector_load %arg5[%get3A_1065, %get3A_1066] {strides = array<i32>} : memref<32x128xf32, #tpu.memory_space<vmem>>, vector<1x16xf32>,
      %get3A_1068 = vector.shape_cast %get3A_1067 : vector<1x16xf32> to vector<16xf32>
      %sub3A_1069 = vector.broadcast %squeeze3A_1063 : f32 to vector<16xf32>
      %sub3A_1070 = arith.subf %get3A_1068, %sub3A_1069 : vector<16xf32>
      %mul3A_1071 = arith.mulf %sub3A_1070, %sub3A_1070 : vector<16xf32>
      %add3A_1072 = arith.addf %add3A_998, %mul3A_1071 : vector<16xf32>
      %get3A_1073 = arith.constant 13 : i32
      %get3A_1074 = arith.index_cast %get3A_1073 : i32 to index
      %get3A_1075 = arith.constant 16 : index
      %get3A_1076 = tpu.vector_load %arg5[%get3A_1074, %get3A_1075] {strides = array<i32>} : memref<32x128xf32, #tpu.memory_space<vmem>>, vector<1x16xf32>,
      %get3A_1077 = vector.shape_cast %get3A_1076 : vector<1x16xf32> to vector<16xf32>
      %sub3A_1078 = vector.broadcast %squeeze3A_1063 : f32 to vector<16xf32>
      %sub3A_1079 = arith.subf %get3A_1077, %sub3A_1078 : vector<16xf32>
      %mul3A_1080 = arith.mulf %sub3A_1079, %sub3A_1079 : vector<16xf32>
      %add3A_1081 = arith.addf %add3A_1007, %mul3A_1080 : vector<16xf32>
      %get3A_1082 = arith.constant 13 : i32
      %get3A_1083 = arith.index_cast %get3A_1082 : i32 to index
      %get3A_1084 = arith.constant 32 : index
      %get3A_1085 = tpu.vector_load %arg5[%get3A_1083, %get3A_1084] {strides = array<i32>} : memref<32x128xf32, #tpu.memory_space<vmem>>, vector<1x16xf32>,
      %get3A_1086 = vector.shape_cast %get3A_1085 : vector<1x16xf32> to vector<16xf32>
      %sub3A_1087 = vector.broadcast %squeeze3A_1063 : f32 to vector<16xf32>
      %sub3A_1088 = arith.subf %get3A_1086, %sub3A_1087 : vector<16xf32>
      %mul3A_1089 = arith.mulf %sub3A_1088, %sub3A_1088 : vector<16xf32>
      %add3A_1090 = arith.addf %add3A_1016, %mul3A_1089 : vector<16xf32>
      %get3A_1091 = arith.constant 13 : i32
      %get3A_1092 = arith.index_cast %get3A_1091 : i32 to index
      %get3A_1093 = arith.constant 48 : index
      %get3A_1094 = tpu.vector_load %arg5[%get3A_1092, %get3A_1093] {strides = array<i32>} : memref<32x128xf32, #tpu.memory_space<vmem>>, vector<1x16xf32>,
      %get3A_1095 = vector.shape_cast %get3A_1094 : vector<1x16xf32> to vector<16xf32>
      %sub3A_1096 = vector.broadcast %squeeze3A_1063 : f32 to vector<16xf32>
      %sub3A_1097 = arith.subf %get3A_1095, %sub3A_1096 : vector<16xf32>
      %mul3A_1098 = arith.mulf %sub3A_1097, %sub3A_1097 : vector<16xf32>
      %add3A_1099 = arith.addf %add3A_1025, %mul3A_1098 : vector<16xf32>
      %get3A_1100 = arith.constant 13 : i32
      %get3A_1101 = arith.index_cast %get3A_1100 : i32 to index
      %get3A_1102 = arith.constant 64 : index
      %get3A_1103 = tpu.vector_load %arg5[%get3A_1101, %get3A_1102] {strides = array<i32>} : memref<32x128xf32, #tpu.memory_space<vmem>>, vector<1x16xf32>,
      %get3A_1104 = vector.shape_cast %get3A_1103 : vector<1x16xf32> to vector<16xf32>
      %sub3A_1105 = vector.broadcast %squeeze3A_1063 : f32 to vector<16xf32>
      %sub3A_1106 = arith.subf %get3A_1104, %sub3A_1105 : vector<16xf32>
      %mul3A_1107 = arith.mulf %sub3A_1106, %sub3A_1106 : vector<16xf32>
      %add3A_1108 = arith.addf %add3A_1034, %mul3A_1107 : vector<16xf32>
      %get3A_1109 = arith.constant 13 : i32
      %get3A_1110 = arith.index_cast %get3A_1109 : i32 to index
      %get3A_1111 = arith.constant 80 : index
      %get3A_1112 = tpu.vector_load %arg5[%get3A_1110, %get3A_1111] {strides = array<i32>} : memref<32x128xf32, #tpu.memory_space<vmem>>, vector<1x16xf32>,
      %get3A_1113 = vector.shape_cast %get3A_1112 : vector<1x16xf32> to vector<16xf32>
      %sub3A_1114 = vector.broadcast %squeeze3A_1063 : f32 to vector<16xf32>
      %sub3A_1115 = arith.subf %get3A_1113, %sub3A_1114 : vector<16xf32>
      %mul3A_1116 = arith.mulf %sub3A_1115, %sub3A_1115 : vector<16xf32>
      %add3A_1117 = arith.addf %add3A_1043, %mul3A_1116 : vector<16xf32>
      %get3A_1118 = arith.constant 13 : i32
      %get3A_1119 = arith.index_cast %get3A_1118 : i32 to index
      %get3A_1120 = arith.constant 96 : index
      %get3A_1121 = tpu.vector_load %arg5[%get3A_1119, %get3A_1120] {strides = array<i32>} : memref<32x128xf32, #tpu.memory_space<vmem>>, vector<1x16xf32>,
      %get3A_1122 = vector.shape_cast %get3A_1121 : vector<1x16xf32> to vector<16xf32>
      %sub3A_1123 = vector.broadcast %squeeze3A_1063 : f32 to vector<16xf32>
      %sub3A_1124 = arith.subf %get3A_1122, %sub3A_1123 : vector<16xf32>
      %mul3A_1125 = arith.mulf %sub3A_1124, %sub3A_1124 : vector<16xf32>
      %add3A_1126 = arith.addf %add3A_1052, %mul3A_1125 : vector<16xf32>
      %get3A_1127 = arith.constant 13 : i32
      %get3A_1128 = arith.index_cast %get3A_1127 : i32 to index
      %get3A_1129 = arith.constant 112 : index
      %get3A_1130 = tpu.vector_load %arg5[%get3A_1128, %get3A_1129] {strides = array<i32>} : memref<32x128xf32, #tpu.memory_space<vmem>>, vector<1x16xf32>,
      %get3A_1131 = vector.shape_cast %get3A_1130 : vector<1x16xf32> to vector<16xf32>
      %sub3A_1132 = vector.broadcast %squeeze3A_1063 : f32 to vector<16xf32>
      %sub3A_1133 = arith.subf %get3A_1131, %sub3A_1132 : vector<16xf32>
      %mul3A_1134 = arith.mulf %sub3A_1133, %sub3A_1133 : vector<16xf32>
      %add3A_1135 = arith.addf %add3A_1061, %mul3A_1134 : vector<16xf32>
      %slice3A_1136 = vector.extract_strided_slice %get3A_81 {offsets = [14], sizes = [1], strides = [1]} : vector<16xf32> to vector<1xf32>
      %squeeze3A_1137 = vector.extract %slice3A_1136[0] : f32 from vector<1xf32>
      %get3A_1138 = arith.constant 14 : i32
      %get3A_1139 = arith.index_cast %get3A_1138 : i32 to index
      %get3A_1140 = arith.constant 0 : index
      %get3A_1141 = tpu.vector_load %arg5[%get3A_1139, %get3A_1140] {strides = array<i32>} : memref<32x128xf32, #tpu.memory_space<vmem>>, vector<1x16xf32>,
      %get3A_1142 = vector.shape_cast %get3A_1141 : vector<1x16xf32> to vector<16xf32>
      %sub3A_1143 = vector.broadcast %squeeze3A_1137 : f32 to vector<16xf32>
      %sub3A_1144 = arith.subf %get3A_1142, %sub3A_1143 : vector<16xf32>
      %mul3A_1145 = arith.mulf %sub3A_1144, %sub3A_1144 : vector<16xf32>
      %add3A_1146 = arith.addf %add3A_1072, %mul3A_1145 : vector<16xf32>
      %get3A_1147 = arith.constant 14 : i32
      %get3A_1148 = arith.index_cast %get3A_1147 : i32 to index
      %get3A_1149 = arith.constant 16 : index
      %get3A_1150 = tpu.vector_load %arg5[%get3A_1148, %get3A_1149] {strides = array<i32>} : memref<32x128xf32, #tpu.memory_space<vmem>>, vector<1x16xf32>,
      %get3A_1151 = vector.shape_cast %get3A_1150 : vector<1x16xf32> to vector<16xf32>
      %sub3A_1152 = vector.broadcast %squeeze3A_1137 : f32 to vector<16xf32>
      %sub3A_1153 = arith.subf %get3A_1151, %sub3A_1152 : vector<16xf32>
      %mul3A_1154 = arith.mulf %sub3A_1153, %sub3A_1153 : vector<16xf32>
      %add3A_1155 = arith.addf %add3A_1081, %mul3A_1154 : vector<16xf32>
      %get3A_1156 = arith.constant 14 : i32
      %get3A_1157 = arith.index_cast %get3A_1156 : i32 to index
      %get3A_1158 = arith.constant 32 : index
      %get3A_1159 = tpu.vector_load %arg5[%get3A_1157, %get3A_1158] {strides = array<i32>} : memref<32x128xf32, #tpu.memory_space<vmem>>, vector<1x16xf32>,
      %get3A_1160 = vector.shape_cast %get3A_1159 : vector<1x16xf32> to vector<16xf32>
      %sub3A_1161 = vector.broadcast %squeeze3A_1137 : f32 to vector<16xf32>
      %sub3A_1162 = arith.subf %get3A_1160, %sub3A_1161 : vector<16xf32>
      %mul3A_1163 = arith.mulf %sub3A_1162, %sub3A_1162 : vector<16xf32>
      %add3A_1164 = arith.addf %add3A_1090, %mul3A_1163 : vector<16xf32>
      %get3A_1165 = arith.constant 14 : i32
      %get3A_1166 = arith.index_cast %get3A_1165 : i32 to index
      %get3A_1167 = arith.constant 48 : index
      %get3A_1168 = tpu.vector_load %arg5[%get3A_1166, %get3A_1167] {strides = array<i32>} : memref<32x128xf32, #tpu.memory_space<vmem>>, vector<1x16xf32>,
      %get3A_1169 = vector.shape_cast %get3A_1168 : vector<1x16xf32> to vector<16xf32>
      %sub3A_1170 = vector.broadcast %squeeze3A_1137 : f32 to vector<16xf32>
      %sub3A_1171 = arith.subf %get3A_1169, %sub3A_1170 : vector<16xf32>
      %mul3A_1172 = arith.mulf %sub3A_1171, %sub3A_1171 : vector<16xf32>
      %add3A_1173 = arith.addf %add3A_1099, %mul3A_1172 : vector<16xf32>
      %get3A_1174 = arith.constant 14 : i32
      %get3A_1175 = arith.index_cast %get3A_1174 : i32 to index
      %get3A_1176 = arith.constant 64 : index
      %get3A_1177 = tpu.vector_load %arg5[%get3A_1175, %get3A_1176] {strides = array<i32>} : memref<32x128xf32, #tpu.memory_space<vmem>>, vector<1x16xf32>,
      %get3A_1178 = vector.shape_cast %get3A_1177 : vector<1x16xf32> to vector<16xf32>
      %sub3A_1179 = vector.broadcast %squeeze3A_1137 : f32 to vector<16xf32>
      %sub3A_1180 = arith.subf %get3A_1178, %sub3A_1179 : vector<16xf32>
      %mul3A_1181 = arith.mulf %sub3A_1180, %sub3A_1180 : vector<16xf32>
      %add3A_1182 = arith.addf %add3A_1108, %mul3A_1181 : vector<16xf32>
      %get3A_1183 = arith.constant 14 : i32
      %get3A_1184 = arith.index_cast %get3A_1183 : i32 to index
      %get3A_1185 = arith.constant 80 : index
      %get3A_1186 = tpu.vector_load %arg5[%get3A_1184, %get3A_1185] {strides = array<i32>} : memref<32x128xf32, #tpu.memory_space<vmem>>, vector<1x16xf32>,
      %get3A_1187 = vector.shape_cast %get3A_1186 : vector<1x16xf32> to vector<16xf32>
      %sub3A_1188 = vector.broadcast %squeeze3A_1137 : f32 to vector<16xf32>
      %sub3A_1189 = arith.subf %get3A_1187, %sub3A_1188 : vector<16xf32>
      %mul3A_1190 = arith.mulf %sub3A_1189, %sub3A_1189 : vector<16xf32>
      %add3A_1191 = arith.addf %add3A_1117, %mul3A_1190 : vector<16xf32>
      %get3A_1192 = arith.constant 14 : i32
      %get3A_1193 = arith.index_cast %get3A_1192 : i32 to index
      %get3A_1194 = arith.constant 96 : index
      %get3A_1195 = tpu.vector_load %arg5[%get3A_1193, %get3A_1194] {strides = array<i32>} : memref<32x128xf32, #tpu.memory_space<vmem>>, vector<1x16xf32>,
      %get3A_1196 = vector.shape_cast %get3A_1195 : vector<1x16xf32> to vector<16xf32>
      %sub3A_1197 = vector.broadcast %squeeze3A_1137 : f32 to vector<16xf32>
      %sub3A_1198 = arith.subf %get3A_1196, %sub3A_1197 : vector<16xf32>
      %mul3A_1199 = arith.mulf %sub3A_1198, %sub3A_1198 : vector<16xf32>
      %add3A_1200 = arith.addf %add3A_1126, %mul3A_1199 : vector<16xf32>
      %get3A_1201 = arith.constant 14 : i32
      %get3A_1202 = arith.index_cast %get3A_1201 : i32 to index
      %get3A_1203 = arith.constant 112 : index
      %get3A_1204 = tpu.vector_load %arg5[%get3A_1202, %get3A_1203] {strides = array<i32>} : memref<32x128xf32, #tpu.memory_space<vmem>>, vector<1x16xf32>,
      %get3A_1205 = vector.shape_cast %get3A_1204 : vector<1x16xf32> to vector<16xf32>
      %sub3A_1206 = vector.broadcast %squeeze3A_1137 : f32 to vector<16xf32>
      %sub3A_1207 = arith.subf %get3A_1205, %sub3A_1206 : vector<16xf32>
      %mul3A_1208 = arith.mulf %sub3A_1207, %sub3A_1207 : vector<16xf32>
      %add3A_1209 = arith.addf %add3A_1135, %mul3A_1208 : vector<16xf32>
      %slice3A_1210 = vector.extract_strided_slice %get3A_81 {offsets = [15], sizes = [1], strides = [1]} : vector<16xf32> to vector<1xf32>
      %squeeze3A_1211 = vector.extract %slice3A_1210[0] : f32 from vector<1xf32>
      %get3A_1212 = arith.constant 15 : i32
      %get3A_1213 = arith.index_cast %get3A_1212 : i32 to index
      %get3A_1214 = arith.constant 0 : index
      %get3A_1215 = tpu.vector_load %arg5[%get3A_1213, %get3A_1214] {strides = array<i32>} : memref<32x128xf32, #tpu.memory_space<vmem>>, vector<1x16xf32>,
      %get3A_1216 = vector.shape_cast %get3A_1215 : vector<1x16xf32> to vector<16xf32>
      %sub3A_1217 = vector.broadcast %squeeze3A_1211 : f32 to vector<16xf32>
      %sub3A_1218 = arith.subf %get3A_1216, %sub3A_1217 : vector<16xf32>
      %mul3A_1219 = arith.mulf %sub3A_1218, %sub3A_1218 : vector<16xf32>
      %add3A_1220 = arith.addf %add3A_1146, %mul3A_1219 : vector<16xf32>
      %get3A_1221 = arith.constant 15 : i32
      %get3A_1222 = arith.index_cast %get3A_1221 : i32 to index
      %get3A_1223 = arith.constant 16 : index
      %get3A_1224 = tpu.vector_load %arg5[%get3A_1222, %get3A_1223] {strides = array<i32>} : memref<32x128xf32, #tpu.memory_space<vmem>>, vector<1x16xf32>,
      %get3A_1225 = vector.shape_cast %get3A_1224 : vector<1x16xf32> to vector<16xf32>
      %sub3A_1226 = vector.broadcast %squeeze3A_1211 : f32 to vector<16xf32>
      %sub3A_1227 = arith.subf %get3A_1225, %sub3A_1226 : vector<16xf32>
      %mul3A_1228 = arith.mulf %sub3A_1227, %sub3A_1227 : vector<16xf32>
      %add3A_1229 = arith.addf %add3A_1155, %mul3A_1228 : vector<16xf32>
      %get3A_1230 = arith.constant 15 : i32
      %get3A_1231 = arith.index_cast %get3A_1230 : i32 to index
      %get3A_1232 = arith.constant 32 : index
      %get3A_1233 = tpu.vector_load %arg5[%get3A_1231, %get3A_1232] {strides = array<i32>} : memref<32x128xf32, #tpu.memory_space<vmem>>, vector<1x16xf32>,
      %get3A_1234 = vector.shape_cast %get3A_1233 : vector<1x16xf32> to vector<16xf32>
      %sub3A_1235 = vector.broadcast %squeeze3A_1211 : f32 to vector<16xf32>
      %sub3A_1236 = arith.subf %get3A_1234, %sub3A_1235 : vector<16xf32>
      %mul3A_1237 = arith.mulf %sub3A_1236, %sub3A_1236 : vector<16xf32>
      %add3A_1238 = arith.addf %add3A_1164, %mul3A_1237 : vector<16xf32>
      %get3A_1239 = arith.constant 15 : i32
      %get3A_1240 = arith.index_cast %get3A_1239 : i32 to index
      %get3A_1241 = arith.constant 48 : index
      %get3A_1242 = tpu.vector_load %arg5[%get3A_1240, %get3A_1241] {strides = array<i32>} : memref<32x128xf32, #tpu.memory_space<vmem>>, vector<1x16xf32>,
      %get3A_1243 = vector.shape_cast %get3A_1242 : vector<1x16xf32> to vector<16xf32>
      %sub3A_1244 = vector.broadcast %squeeze3A_1211 : f32 to vector<16xf32>
      %sub3A_1245 = arith.subf %get3A_1243, %sub3A_1244 : vector<16xf32>
      %mul3A_1246 = arith.mulf %sub3A_1245, %sub3A_1245 : vector<16xf32>
      %add3A_1247 = arith.addf %add3A_1173, %mul3A_1246 : vector<16xf32>
      %get3A_1248 = arith.constant 15 : i32
      %get3A_1249 = arith.index_cast %get3A_1248 : i32 to index
      %get3A_1250 = arith.constant 64 : index
      %get3A_1251 = tpu.vector_load %arg5[%get3A_1249, %get3A_1250] {strides = array<i32>} : memref<32x128xf32, #tpu.memory_space<vmem>>, vector<1x16xf32>,
      %get3A_1252 = vector.shape_cast %get3A_1251 : vector<1x16xf32> to vector<16xf32>
      %sub3A_1253 = vector.broadcast %squeeze3A_1211 : f32 to vector<16xf32>
      %sub3A_1254 = arith.subf %get3A_1252, %sub3A_1253 : vector<16xf32>
      %mul3A_1255 = arith.mulf %sub3A_1254, %sub3A_1254 : vector<16xf32>
      %add3A_1256 = arith.addf %add3A_1182, %mul3A_1255 : vector<16xf32>
      %get3A_1257 = arith.constant 15 : i32
      %get3A_1258 = arith.index_cast %get3A_1257 : i32 to index
      %get3A_1259 = arith.constant 80 : index
      %get3A_1260 = tpu.vector_load %arg5[%get3A_1258, %get3A_1259] {strides = array<i32>} : memref<32x128xf32, #tpu.memory_space<vmem>>, vector<1x16xf32>,
      %get3A_1261 = vector.shape_cast %get3A_1260 : vector<1x16xf32> to vector<16xf32>
      %sub3A_1262 = vector.broadcast %squeeze3A_1211 : f32 to vector<16xf32>
      %sub3A_1263 = arith.subf %get3A_1261, %sub3A_1262 : vector<16xf32>
      %mul3A_1264 = arith.mulf %sub3A_1263, %sub3A_1263 : vector<16xf32>
      %add3A_1265 = arith.addf %add3A_1191, %mul3A_1264 : vector<16xf32>
      %get3A_1266 = arith.constant 15 : i32
      %get3A_1267 = arith.index_cast %get3A_1266 : i32 to index
      %get3A_1268 = arith.constant 96 : index
      %get3A_1269 = tpu.vector_load %arg5[%get3A_1267, %get3A_1268] {strides = array<i32>} : memref<32x128xf32, #tpu.memory_space<vmem>>, vector<1x16xf32>,
      %get3A_1270 = vector.shape_cast %get3A_1269 : vector<1x16xf32> to vector<16xf32>
      %sub3A_1271 = vector.broadcast %squeeze3A_1211 : f32 to vector<16xf32>
      %sub3A_1272 = arith.subf %get3A_1270, %sub3A_1271 : vector<16xf32>
      %mul3A_1273 = arith.mulf %sub3A_1272, %sub3A_1272 : vector<16xf32>
      %add3A_1274 = arith.addf %add3A_1200, %mul3A_1273 : vector<16xf32>
      %get3A_1275 = arith.constant 15 : i32
      %get3A_1276 = arith.index_cast %get3A_1275 : i32 to index
      %get3A_1277 = arith.constant 112 : index
      %get3A_1278 = tpu.vector_load %arg5[%get3A_1276, %get3A_1277] {strides = array<i32>} : memref<32x128xf32, #tpu.memory_space<vmem>>, vector<1x16xf32>,
      %get3A_1279 = vector.shape_cast %get3A_1278 : vector<1x16xf32> to vector<16xf32>
      %sub3A_1280 = vector.broadcast %squeeze3A_1211 : f32 to vector<16xf32>
      %sub3A_1281 = arith.subf %get3A_1279, %sub3A_1280 : vector<16xf32>
      %mul3A_1282 = arith.mulf %sub3A_1281, %sub3A_1281 : vector<16xf32>
      %add3A_1283 = arith.addf %add3A_1209, %mul3A_1282 : vector<16xf32>
      %slice3A_1284 = vector.extract_strided_slice %get3A_85 {offsets = [0], sizes = [1], strides = [1]} : vector<16xf32> to vector<1xf32>
      %squeeze3A_1285 = vector.extract %slice3A_1284[0] : f32 from vector<1xf32>
      %get3A_1286 = arith.constant 16 : i32
      %get3A_1287 = arith.index_cast %get3A_1286 : i32 to index
      %get3A_1288 = arith.constant 0 : index
      %get3A_1289 = tpu.vector_load %arg5[%get3A_1287, %get3A_1288] {strides = array<i32>} : memref<32x128xf32, #tpu.memory_space<vmem>>, vector<1x16xf32>,
      %get3A_1290 = vector.shape_cast %get3A_1289 : vector<1x16xf32> to vector<16xf32>
      %sub3A_1291 = vector.broadcast %squeeze3A_1285 : f32 to vector<16xf32>
      %sub3A_1292 = arith.subf %get3A_1290, %sub3A_1291 : vector<16xf32>
      %mul3A_1293 = arith.mulf %sub3A_1292, %sub3A_1292 : vector<16xf32>
      %add3A_1294 = arith.addf %add3A_1220, %mul3A_1293 : vector<16xf32>
      %get3A_1295 = arith.constant 16 : i32
      %get3A_1296 = arith.index_cast %get3A_1295 : i32 to index
      %get3A_1297 = arith.constant 16 : index
      %get3A_1298 = tpu.vector_load %arg5[%get3A_1296, %get3A_1297] {strides = array<i32>} : memref<32x128xf32, #tpu.memory_space<vmem>>, vector<1x16xf32>,
      %get3A_1299 = vector.shape_cast %get3A_1298 : vector<1x16xf32> to vector<16xf32>
      %sub3A_1300 = vector.broadcast %squeeze3A_1285 : f32 to vector<16xf32>
      %sub3A_1301 = arith.subf %get3A_1299, %sub3A_1300 : vector<16xf32>
      %mul3A_1302 = arith.mulf %sub3A_1301, %sub3A_1301 : vector<16xf32>
      %add3A_1303 = arith.addf %add3A_1229, %mul3A_1302 : vector<16xf32>
      %get3A_1304 = arith.constant 16 : i32
      %get3A_1305 = arith.index_cast %get3A_1304 : i32 to index
      %get3A_1306 = arith.constant 32 : index
      %get3A_1307 = tpu.vector_load %arg5[%get3A_1305, %get3A_1306] {strides = array<i32>} : memref<32x128xf32, #tpu.memory_space<vmem>>, vector<1x16xf32>,
      %get3A_1308 = vector.shape_cast %get3A_1307 : vector<1x16xf32> to vector<16xf32>
      %sub3A_1309 = vector.broadcast %squeeze3A_1285 : f32 to vector<16xf32>
      %sub3A_1310 = arith.subf %get3A_1308, %sub3A_1309 : vector<16xf32>
      %mul3A_1311 = arith.mulf %sub3A_1310, %sub3A_1310 : vector<16xf32>
      %add3A_1312 = arith.addf %add3A_1238, %mul3A_1311 : vector<16xf32>
      %get3A_1313 = arith.constant 16 : i32
      %get3A_1314 = arith.index_cast %get3A_1313 : i32 to index
      %get3A_1315 = arith.constant 48 : index
      %get3A_1316 = tpu.vector_load %arg5[%get3A_1314, %get3A_1315] {strides = array<i32>} : memref<32x128xf32, #tpu.memory_space<vmem>>, vector<1x16xf32>,
      %get3A_1317 = vector.shape_cast %get3A_1316 : vector<1x16xf32> to vector<16xf32>
      %sub3A_1318 = vector.broadcast %squeeze3A_1285 : f32 to vector<16xf32>
      %sub3A_1319 = arith.subf %get3A_1317, %sub3A_1318 : vector<16xf32>
      %mul3A_1320 = arith.mulf %sub3A_1319, %sub3A_1319 : vector<16xf32>
      %add3A_1321 = arith.addf %add3A_1247, %mul3A_1320 : vector<16xf32>
      %get3A_1322 = arith.constant 16 : i32
      %get3A_1323 = arith.index_cast %get3A_1322 : i32 to index
      %get3A_1324 = arith.constant 64 : index
      %get3A_1325 = tpu.vector_load %arg5[%get3A_1323, %get3A_1324] {strides = array<i32>} : memref<32x128xf32, #tpu.memory_space<vmem>>, vector<1x16xf32>,
      %get3A_1326 = vector.shape_cast %get3A_1325 : vector<1x16xf32> to vector<16xf32>
      %sub3A_1327 = vector.broadcast %squeeze3A_1285 : f32 to vector<16xf32>
      %sub3A_1328 = arith.subf %get3A_1326, %sub3A_1327 : vector<16xf32>
      %mul3A_1329 = arith.mulf %sub3A_1328, %sub3A_1328 : vector<16xf32>
      %add3A_1330 = arith.addf %add3A_1256, %mul3A_1329 : vector<16xf32>
      %get3A_1331 = arith.constant 16 : i32
      %get3A_1332 = arith.index_cast %get3A_1331 : i32 to index
      %get3A_1333 = arith.constant 80 : index
      %get3A_1334 = tpu.vector_load %arg5[%get3A_1332, %get3A_1333] {strides = array<i32>} : memref<32x128xf32, #tpu.memory_space<vmem>>, vector<1x16xf32>,
      %get3A_1335 = vector.shape_cast %get3A_1334 : vector<1x16xf32> to vector<16xf32>
      %sub3A_1336 = vector.broadcast %squeeze3A_1285 : f32 to vector<16xf32>
      %sub3A_1337 = arith.subf %get3A_1335, %sub3A_1336 : vector<16xf32>
      %mul3A_1338 = arith.mulf %sub3A_1337, %sub3A_1337 : vector<16xf32>
      %add3A_1339 = arith.addf %add3A_1265, %mul3A_1338 : vector<16xf32>
      %get3A_1340 = arith.constant 16 : i32
      %get3A_1341 = arith.index_cast %get3A_1340 : i32 to index
      %get3A_1342 = arith.constant 96 : index
      %get3A_1343 = tpu.vector_load %arg5[%get3A_1341, %get3A_1342] {strides = array<i32>} : memref<32x128xf32, #tpu.memory_space<vmem>>, vector<1x16xf32>,
      %get3A_1344 = vector.shape_cast %get3A_1343 : vector<1x16xf32> to vector<16xf32>
      %sub3A_1345 = vector.broadcast %squeeze3A_1285 : f32 to vector<16xf32>
      %sub3A_1346 = arith.subf %get3A_1344, %sub3A_1345 : vector<16xf32>
      %mul3A_1347 = arith.mulf %sub3A_1346, %sub3A_1346 : vector<16xf32>
      %add3A_1348 = arith.addf %add3A_1274, %mul3A_1347 : vector<16xf32>
      %get3A_1349 = arith.constant 16 : i32
      %get3A_1350 = arith.index_cast %get3A_1349 : i32 to index
      %get3A_1351 = arith.constant 112 : index
      %get3A_1352 = tpu.vector_load %arg5[%get3A_1350, %get3A_1351] {strides = array<i32>} : memref<32x128xf32, #tpu.memory_space<vmem>>, vector<1x16xf32>,
      %get3A_1353 = vector.shape_cast %get3A_1352 : vector<1x16xf32> to vector<16xf32>
      %sub3A_1354 = vector.broadcast %squeeze3A_1285 : f32 to vector<16xf32>
      %sub3A_1355 = arith.subf %get3A_1353, %sub3A_1354 : vector<16xf32>
      %mul3A_1356 = arith.mulf %sub3A_1355, %sub3A_1355 : vector<16xf32>
      %add3A_1357 = arith.addf %add3A_1283, %mul3A_1356 : vector<16xf32>
      %slice3A_1358 = vector.extract_strided_slice %get3A_85 {offsets = [1], sizes = [1], strides = [1]} : vector<16xf32> to vector<1xf32>
      %squeeze3A_1359 = vector.extract %slice3A_1358[0] : f32 from vector<1xf32>
      %get3A_1360 = arith.constant 17 : i32
      %get3A_1361 = arith.index_cast %get3A_1360 : i32 to index
      %get3A_1362 = arith.constant 0 : index
      %get3A_1363 = tpu.vector_load %arg5[%get3A_1361, %get3A_1362] {strides = array<i32>} : memref<32x128xf32, #tpu.memory_space<vmem>>, vector<1x16xf32>,
      %get3A_1364 = vector.shape_cast %get3A_1363 : vector<1x16xf32> to vector<16xf32>
      %sub3A_1365 = vector.broadcast %squeeze3A_1359 : f32 to vector<16xf32>
      %sub3A_1366 = arith.subf %get3A_1364, %sub3A_1365 : vector<16xf32>
      %mul3A_1367 = arith.mulf %sub3A_1366, %sub3A_1366 : vector<16xf32>
      %add3A_1368 = arith.addf %add3A_1294, %mul3A_1367 : vector<16xf32>
      %get3A_1369 = arith.constant 17 : i32
      %get3A_1370 = arith.index_cast %get3A_1369 : i32 to index
      %get3A_1371 = arith.constant 16 : index
      %get3A_1372 = tpu.vector_load %arg5[%get3A_1370, %get3A_1371] {strides = array<i32>} : memref<32x128xf32, #tpu.memory_space<vmem>>, vector<1x16xf32>,
      %get3A_1373 = vector.shape_cast %get3A_1372 : vector<1x16xf32> to vector<16xf32>
      %sub3A_1374 = vector.broadcast %squeeze3A_1359 : f32 to vector<16xf32>
      %sub3A_1375 = arith.subf %get3A_1373, %sub3A_1374 : vector<16xf32>
      %mul3A_1376 = arith.mulf %sub3A_1375, %sub3A_1375 : vector<16xf32>
      %add3A_1377 = arith.addf %add3A_1303, %mul3A_1376 : vector<16xf32>
      %get3A_1378 = arith.constant 17 : i32
      %get3A_1379 = arith.index_cast %get3A_1378 : i32 to index
      %get3A_1380 = arith.constant 32 : index
      %get3A_1381 = tpu.vector_load %arg5[%get3A_1379, %get3A_1380] {strides = array<i32>} : memref<32x128xf32, #tpu.memory_space<vmem>>, vector<1x16xf32>,
      %get3A_1382 = vector.shape_cast %get3A_1381 : vector<1x16xf32> to vector<16xf32>
      %sub3A_1383 = vector.broadcast %squeeze3A_1359 : f32 to vector<16xf32>
      %sub3A_1384 = arith.subf %get3A_1382, %sub3A_1383 : vector<16xf32>
      %mul3A_1385 = arith.mulf %sub3A_1384, %sub3A_1384 : vector<16xf32>
      %add3A_1386 = arith.addf %add3A_1312, %mul3A_1385 : vector<16xf32>
      %get3A_1387 = arith.constant 17 : i32
      %get3A_1388 = arith.index_cast %get3A_1387 : i32 to index
      %get3A_1389 = arith.constant 48 : index
      %get3A_1390 = tpu.vector_load %arg5[%get3A_1388, %get3A_1389] {strides = array<i32>} : memref<32x128xf32, #tpu.memory_space<vmem>>, vector<1x16xf32>,
      %get3A_1391 = vector.shape_cast %get3A_1390 : vector<1x16xf32> to vector<16xf32>
      %sub3A_1392 = vector.broadcast %squeeze3A_1359 : f32 to vector<16xf32>
      %sub3A_1393 = arith.subf %get3A_1391, %sub3A_1392 : vector<16xf32>
      %mul3A_1394 = arith.mulf %sub3A_1393, %sub3A_1393 : vector<16xf32>
      %add3A_1395 = arith.addf %add3A_1321, %mul3A_1394 : vector<16xf32>
      %get3A_1396 = arith.constant 17 : i32
      %get3A_1397 = arith.index_cast %get3A_1396 : i32 to index
      %get3A_1398 = arith.constant 64 : index
      %get3A_1399 = tpu.vector_load %arg5[%get3A_1397, %get3A_1398] {strides = array<i32>} : memref<32x128xf32, #tpu.memory_space<vmem>>, vector<1x16xf32>,
      %get3A_1400 = vector.shape_cast %get3A_1399 : vector<1x16xf32> to vector<16xf32>
      %sub3A_1401 = vector.broadcast %squeeze3A_1359 : f32 to vector<16xf32>
      %sub3A_1402 = arith.subf %get3A_1400, %sub3A_1401 : vector<16xf32>
      %mul3A_1403 = arith.mulf %sub3A_1402, %sub3A_1402 : vector<16xf32>
      %add3A_1404 = arith.addf %add3A_1330, %mul3A_1403 : vector<16xf32>
      %get3A_1405 = arith.constant 17 : i32
      %get3A_1406 = arith.index_cast %get3A_1405 : i32 to index
      %get3A_1407 = arith.constant 80 : index
      %get3A_1408 = tpu.vector_load %arg5[%get3A_1406, %get3A_1407] {strides = array<i32>} : memref<32x128xf32, #tpu.memory_space<vmem>>, vector<1x16xf32>,
      %get3A_1409 = vector.shape_cast %get3A_1408 : vector<1x16xf32> to vector<16xf32>
      %sub3A_1410 = vector.broadcast %squeeze3A_1359 : f32 to vector<16xf32>
      %sub3A_1411 = arith.subf %get3A_1409, %sub3A_1410 : vector<16xf32>
      %mul3A_1412 = arith.mulf %sub3A_1411, %sub3A_1411 : vector<16xf32>
      %add3A_1413 = arith.addf %add3A_1339, %mul3A_1412 : vector<16xf32>
      %get3A_1414 = arith.constant 17 : i32
      %get3A_1415 = arith.index_cast %get3A_1414 : i32 to index
      %get3A_1416 = arith.constant 96 : index
      %get3A_1417 = tpu.vector_load %arg5[%get3A_1415, %get3A_1416] {strides = array<i32>} : memref<32x128xf32, #tpu.memory_space<vmem>>, vector<1x16xf32>,
      %get3A_1418 = vector.shape_cast %get3A_1417 : vector<1x16xf32> to vector<16xf32>
      %sub3A_1419 = vector.broadcast %squeeze3A_1359 : f32 to vector<16xf32>
      %sub3A_1420 = arith.subf %get3A_1418, %sub3A_1419 : vector<16xf32>
      %mul3A_1421 = arith.mulf %sub3A_1420, %sub3A_1420 : vector<16xf32>
      %add3A_1422 = arith.addf %add3A_1348, %mul3A_1421 : vector<16xf32>
      %get3A_1423 = arith.constant 17 : i32
      %get3A_1424 = arith.index_cast %get3A_1423 : i32 to index
      %get3A_1425 = arith.constant 112 : index
      %get3A_1426 = tpu.vector_load %arg5[%get3A_1424, %get3A_1425] {strides = array<i32>} : memref<32x128xf32, #tpu.memory_space<vmem>>, vector<1x16xf32>,
      %get3A_1427 = vector.shape_cast %get3A_1426 : vector<1x16xf32> to vector<16xf32>
      %sub3A_1428 = vector.broadcast %squeeze3A_1359 : f32 to vector<16xf32>
      %sub3A_1429 = arith.subf %get3A_1427, %sub3A_1428 : vector<16xf32>
      %mul3A_1430 = arith.mulf %sub3A_1429, %sub3A_1429 : vector<16xf32>
      %add3A_1431 = arith.addf %add3A_1357, %mul3A_1430 : vector<16xf32>
      %slice3A_1432 = vector.extract_strided_slice %get3A_85 {offsets = [2], sizes = [1], strides = [1]} : vector<16xf32> to vector<1xf32>
      %squeeze3A_1433 = vector.extract %slice3A_1432[0] : f32 from vector<1xf32>
      %get3A_1434 = arith.constant 18 : i32
      %get3A_1435 = arith.index_cast %get3A_1434 : i32 to index
      %get3A_1436 = arith.constant 0 : index
      %get3A_1437 = tpu.vector_load %arg5[%get3A_1435, %get3A_1436] {strides = array<i32>} : memref<32x128xf32, #tpu.memory_space<vmem>>, vector<1x16xf32>,
      %get3A_1438 = vector.shape_cast %get3A_1437 : vector<1x16xf32> to vector<16xf32>
      %sub3A_1439 = vector.broadcast %squeeze3A_1433 : f32 to vector<16xf32>
      %sub3A_1440 = arith.subf %get3A_1438, %sub3A_1439 : vector<16xf32>
      %mul3A_1441 = arith.mulf %sub3A_1440, %sub3A_1440 : vector<16xf32>
      %add3A_1442 = arith.addf %add3A_1368, %mul3A_1441 : vector<16xf32>
      %get3A_1443 = arith.constant 18 : i32
      %get3A_1444 = arith.index_cast %get3A_1443 : i32 to index
      %get3A_1445 = arith.constant 16 : index
      %get3A_1446 = tpu.vector_load %arg5[%get3A_1444, %get3A_1445] {strides = array<i32>} : memref<32x128xf32, #tpu.memory_space<vmem>>, vector<1x16xf32>,
      %get3A_1447 = vector.shape_cast %get3A_1446 : vector<1x16xf32> to vector<16xf32>
      %sub3A_1448 = vector.broadcast %squeeze3A_1433 : f32 to vector<16xf32>
      %sub3A_1449 = arith.subf %get3A_1447, %sub3A_1448 : vector<16xf32>
      %mul3A_1450 = arith.mulf %sub3A_1449, %sub3A_1449 : vector<16xf32>
      %add3A_1451 = arith.addf %add3A_1377, %mul3A_1450 : vector<16xf32>
      %get3A_1452 = arith.constant 18 : i32
      %get3A_1453 = arith.index_cast %get3A_1452 : i32 to index
      %get3A_1454 = arith.constant 32 : index
      %get3A_1455 = tpu.vector_load %arg5[%get3A_1453, %get3A_1454] {strides = array<i32>} : memref<32x128xf32, #tpu.memory_space<vmem>>, vector<1x16xf32>,
      %get3A_1456 = vector.shape_cast %get3A_1455 : vector<1x16xf32> to vector<16xf32>
      %sub3A_1457 = vector.broadcast %squeeze3A_1433 : f32 to vector<16xf32>
      %sub3A_1458 = arith.subf %get3A_1456, %sub3A_1457 : vector<16xf32>
      %mul3A_1459 = arith.mulf %sub3A_1458, %sub3A_1458 : vector<16xf32>
      %add3A_1460 = arith.addf %add3A_1386, %mul3A_1459 : vector<16xf32>
      %get3A_1461 = arith.constant 18 : i32
      %get3A_1462 = arith.index_cast %get3A_1461 : i32 to index
      %get3A_1463 = arith.constant 48 : index
      %get3A_1464 = tpu.vector_load %arg5[%get3A_1462, %get3A_1463] {strides = array<i32>} : memref<32x128xf32, #tpu.memory_space<vmem>>, vector<1x16xf32>,
      %get3A_1465 = vector.shape_cast %get3A_1464 : vector<1x16xf32> to vector<16xf32>
      %sub3A_1466 = vector.broadcast %squeeze3A_1433 : f32 to vector<16xf32>
      %sub3A_1467 = arith.subf %get3A_1465, %sub3A_1466 : vector<16xf32>
      %mul3A_1468 = arith.mulf %sub3A_1467, %sub3A_1467 : vector<16xf32>
      %add3A_1469 = arith.addf %add3A_1395, %mul3A_1468 : vector<16xf32>
      %get3A_1470 = arith.constant 18 : i32
      %get3A_1471 = arith.index_cast %get3A_1470 : i32 to index
      %get3A_1472 = arith.constant 64 : index
      %get3A_1473 = tpu.vector_load %arg5[%get3A_1471, %get3A_1472] {strides = array<i32>} : memref<32x128xf32, #tpu.memory_space<vmem>>, vector<1x16xf32>,
      %get3A_1474 = vector.shape_cast %get3A_1473 : vector<1x16xf32> to vector<16xf32>
      %sub3A_1475 = vector.broadcast %squeeze3A_1433 : f32 to vector<16xf32>
      %sub3A_1476 = arith.subf %get3A_1474, %sub3A_1475 : vector<16xf32>
      %mul3A_1477 = arith.mulf %sub3A_1476, %sub3A_1476 : vector<16xf32>
      %add3A_1478 = arith.addf %add3A_1404, %mul3A_1477 : vector<16xf32>
      %get3A_1479 = arith.constant 18 : i32
      %get3A_1480 = arith.index_cast %get3A_1479 : i32 to index
      %get3A_1481 = arith.constant 80 : index
      %get3A_1482 = tpu.vector_load %arg5[%get3A_1480, %get3A_1481] {strides = array<i32>} : memref<32x128xf32, #tpu.memory_space<vmem>>, vector<1x16xf32>,
      %get3A_1483 = vector.shape_cast %get3A_1482 : vector<1x16xf32> to vector<16xf32>
      %sub3A_1484 = vector.broadcast %squeeze3A_1433 : f32 to vector<16xf32>
      %sub3A_1485 = arith.subf %get3A_1483, %sub3A_1484 : vector<16xf32>
      %mul3A_1486 = arith.mulf %sub3A_1485, %sub3A_1485 : vector<16xf32>
      %add3A_1487 = arith.addf %add3A_1413, %mul3A_1486 : vector<16xf32>
      %get3A_1488 = arith.constant 18 : i32
      %get3A_1489 = arith.index_cast %get3A_1488 : i32 to index
      %get3A_1490 = arith.constant 96 : index
      %get3A_1491 = tpu.vector_load %arg5[%get3A_1489, %get3A_1490] {strides = array<i32>} : memref<32x128xf32, #tpu.memory_space<vmem>>, vector<1x16xf32>,
      %get3A_1492 = vector.shape_cast %get3A_1491 : vector<1x16xf32> to vector<16xf32>
      %sub3A_1493 = vector.broadcast %squeeze3A_1433 : f32 to vector<16xf32>
      %sub3A_1494 = arith.subf %get3A_1492, %sub3A_1493 : vector<16xf32>
      %mul3A_1495 = arith.mulf %sub3A_1494, %sub3A_1494 : vector<16xf32>
      %add3A_1496 = arith.addf %add3A_1422, %mul3A_1495 : vector<16xf32>
      %get3A_1497 = arith.constant 18 : i32
      %get3A_1498 = arith.index_cast %get3A_1497 : i32 to index
      %get3A_1499 = arith.constant 112 : index
      %get3A_1500 = tpu.vector_load %arg5[%get3A_1498, %get3A_1499] {strides = array<i32>} : memref<32x128xf32, #tpu.memory_space<vmem>>, vector<1x16xf32>,
      %get3A_1501 = vector.shape_cast %get3A_1500 : vector<1x16xf32> to vector<16xf32>
      %sub3A_1502 = vector.broadcast %squeeze3A_1433 : f32 to vector<16xf32>
      %sub3A_1503 = arith.subf %get3A_1501, %sub3A_1502 : vector<16xf32>
      %mul3A_1504 = arith.mulf %sub3A_1503, %sub3A_1503 : vector<16xf32>
      %add3A_1505 = arith.addf %add3A_1431, %mul3A_1504 : vector<16xf32>
      %slice3A_1506 = vector.extract_strided_slice %get3A_85 {offsets = [3], sizes = [1], strides = [1]} : vector<16xf32> to vector<1xf32>
      %squeeze3A_1507 = vector.extract %slice3A_1506[0] : f32 from vector<1xf32>
      %get3A_1508 = arith.constant 19 : i32
      %get3A_1509 = arith.index_cast %get3A_1508 : i32 to index
      %get3A_1510 = arith.constant 0 : index
      %get3A_1511 = tpu.vector_load %arg5[%get3A_1509, %get3A_1510] {strides = array<i32>} : memref<32x128xf32, #tpu.memory_space<vmem>>, vector<1x16xf32>,
      %get3A_1512 = vector.shape_cast %get3A_1511 : vector<1x16xf32> to vector<16xf32>
      %sub3A_1513 = vector.broadcast %squeeze3A_1507 : f32 to vector<16xf32>
      %sub3A_1514 = arith.subf %get3A_1512, %sub3A_1513 : vector<16xf32>
      %mul3A_1515 = arith.mulf %sub3A_1514, %sub3A_1514 : vector<16xf32>
      %add3A_1516 = arith.addf %add3A_1442, %mul3A_1515 : vector<16xf32>
      %get3A_1517 = arith.constant 19 : i32
      %get3A_1518 = arith.index_cast %get3A_1517 : i32 to index
      %get3A_1519 = arith.constant 16 : index
      %get3A_1520 = tpu.vector_load %arg5[%get3A_1518, %get3A_1519] {strides = array<i32>} : memref<32x128xf32, #tpu.memory_space<vmem>>, vector<1x16xf32>,
      %get3A_1521 = vector.shape_cast %get3A_1520 : vector<1x16xf32> to vector<16xf32>
      %sub3A_1522 = vector.broadcast %squeeze3A_1507 : f32 to vector<16xf32>
      %sub3A_1523 = arith.subf %get3A_1521, %sub3A_1522 : vector<16xf32>
      %mul3A_1524 = arith.mulf %sub3A_1523, %sub3A_1523 : vector<16xf32>
      %add3A_1525 = arith.addf %add3A_1451, %mul3A_1524 : vector<16xf32>
      %get3A_1526 = arith.constant 19 : i32
      %get3A_1527 = arith.index_cast %get3A_1526 : i32 to index
      %get3A_1528 = arith.constant 32 : index
      %get3A_1529 = tpu.vector_load %arg5[%get3A_1527, %get3A_1528] {strides = array<i32>} : memref<32x128xf32, #tpu.memory_space<vmem>>, vector<1x16xf32>,
      %get3A_1530 = vector.shape_cast %get3A_1529 : vector<1x16xf32> to vector<16xf32>
      %sub3A_1531 = vector.broadcast %squeeze3A_1507 : f32 to vector<16xf32>
      %sub3A_1532 = arith.subf %get3A_1530, %sub3A_1531 : vector<16xf32>
      %mul3A_1533 = arith.mulf %sub3A_1532, %sub3A_1532 : vector<16xf32>
      %add3A_1534 = arith.addf %add3A_1460, %mul3A_1533 : vector<16xf32>
      %get3A_1535 = arith.constant 19 : i32
      %get3A_1536 = arith.index_cast %get3A_1535 : i32 to index
      %get3A_1537 = arith.constant 48 : index
      %get3A_1538 = tpu.vector_load %arg5[%get3A_1536, %get3A_1537] {strides = array<i32>} : memref<32x128xf32, #tpu.memory_space<vmem>>, vector<1x16xf32>,
      %get3A_1539 = vector.shape_cast %get3A_1538 : vector<1x16xf32> to vector<16xf32>
      %sub3A_1540 = vector.broadcast %squeeze3A_1507 : f32 to vector<16xf32>
      %sub3A_1541 = arith.subf %get3A_1539, %sub3A_1540 : vector<16xf32>
      %mul3A_1542 = arith.mulf %sub3A_1541, %sub3A_1541 : vector<16xf32>
      %add3A_1543 = arith.addf %add3A_1469, %mul3A_1542 : vector<16xf32>
      %get3A_1544 = arith.constant 19 : i32
      %get3A_1545 = arith.index_cast %get3A_1544 : i32 to index
      %get3A_1546 = arith.constant 64 : index
      %get3A_1547 = tpu.vector_load %arg5[%get3A_1545, %get3A_1546] {strides = array<i32>} : memref<32x128xf32, #tpu.memory_space<vmem>>, vector<1x16xf32>,
      %get3A_1548 = vector.shape_cast %get3A_1547 : vector<1x16xf32> to vector<16xf32>
      %sub3A_1549 = vector.broadcast %squeeze3A_1507 : f32 to vector<16xf32>
      %sub3A_1550 = arith.subf %get3A_1548, %sub3A_1549 : vector<16xf32>
      %mul3A_1551 = arith.mulf %sub3A_1550, %sub3A_1550 : vector<16xf32>
      %add3A_1552 = arith.addf %add3A_1478, %mul3A_1551 : vector<16xf32>
      %get3A_1553 = arith.constant 19 : i32
      %get3A_1554 = arith.index_cast %get3A_1553 : i32 to index
      %get3A_1555 = arith.constant 80 : index
      %get3A_1556 = tpu.vector_load %arg5[%get3A_1554, %get3A_1555] {strides = array<i32>} : memref<32x128xf32, #tpu.memory_space<vmem>>, vector<1x16xf32>,
      %get3A_1557 = vector.shape_cast %get3A_1556 : vector<1x16xf32> to vector<16xf32>
      %sub3A_1558 = vector.broadcast %squeeze3A_1507 : f32 to vector<16xf32>
      %sub3A_1559 = arith.subf %get3A_1557, %sub3A_1558 : vector<16xf32>
      %mul3A_1560 = arith.mulf %sub3A_1559, %sub3A_1559 : vector<16xf32>
      %add3A_1561 = arith.addf %add3A_1487, %mul3A_1560 : vector<16xf32>
      %get3A_1562 = arith.constant 19 : i32
      %get3A_1563 = arith.index_cast %get3A_1562 : i32 to index
      %get3A_1564 = arith.constant 96 : index
      %get3A_1565 = tpu.vector_load %arg5[%get3A_1563, %get3A_1564] {strides = array<i32>} : memref<32x128xf32, #tpu.memory_space<vmem>>, vector<1x16xf32>,
      %get3A_1566 = vector.shape_cast %get3A_1565 : vector<1x16xf32> to vector<16xf32>
      %sub3A_1567 = vector.broadcast %squeeze3A_1507 : f32 to vector<16xf32>
      %sub3A_1568 = arith.subf %get3A_1566, %sub3A_1567 : vector<16xf32>
      %mul3A_1569 = arith.mulf %sub3A_1568, %sub3A_1568 : vector<16xf32>
      %add3A_1570 = arith.addf %add3A_1496, %mul3A_1569 : vector<16xf32>
      %get3A_1571 = arith.constant 19 : i32
      %get3A_1572 = arith.index_cast %get3A_1571 : i32 to index
      %get3A_1573 = arith.constant 112 : index
      %get3A_1574 = tpu.vector_load %arg5[%get3A_1572, %get3A_1573] {strides = array<i32>} : memref<32x128xf32, #tpu.memory_space<vmem>>, vector<1x16xf32>,
      %get3A_1575 = vector.shape_cast %get3A_1574 : vector<1x16xf32> to vector<16xf32>
      %sub3A_1576 = vector.broadcast %squeeze3A_1507 : f32 to vector<16xf32>
      %sub3A_1577 = arith.subf %get3A_1575, %sub3A_1576 : vector<16xf32>
      %mul3A_1578 = arith.mulf %sub3A_1577, %sub3A_1577 : vector<16xf32>
      %add3A_1579 = arith.addf %add3A_1505, %mul3A_1578 : vector<16xf32>
      %slice3A_1580 = vector.extract_strided_slice %get3A_85 {offsets = [4], sizes = [1], strides = [1]} : vector<16xf32> to vector<1xf32>
      %squeeze3A_1581 = vector.extract %slice3A_1580[0] : f32 from vector<1xf32>
      %get3A_1582 = arith.constant 20 : i32
      %get3A_1583 = arith.index_cast %get3A_1582 : i32 to index
      %get3A_1584 = arith.constant 0 : index
      %get3A_1585 = tpu.vector_load %arg5[%get3A_1583, %get3A_1584] {strides = array<i32>} : memref<32x128xf32, #tpu.memory_space<vmem>>, vector<1x16xf32>,
      %get3A_1586 = vector.shape_cast %get3A_1585 : vector<1x16xf32> to vector<16xf32>
      %sub3A_1587 = vector.broadcast %squeeze3A_1581 : f32 to vector<16xf32>
      %sub3A_1588 = arith.subf %get3A_1586, %sub3A_1587 : vector<16xf32>
      %mul3A_1589 = arith.mulf %sub3A_1588, %sub3A_1588 : vector<16xf32>
      %add3A_1590 = arith.addf %add3A_1516, %mul3A_1589 : vector<16xf32>
      %get3A_1591 = arith.constant 20 : i32
      %get3A_1592 = arith.index_cast %get3A_1591 : i32 to index
      %get3A_1593 = arith.constant 16 : index
      %get3A_1594 = tpu.vector_load %arg5[%get3A_1592, %get3A_1593] {strides = array<i32>} : memref<32x128xf32, #tpu.memory_space<vmem>>, vector<1x16xf32>,
      %get3A_1595 = vector.shape_cast %get3A_1594 : vector<1x16xf32> to vector<16xf32>
      %sub3A_1596 = vector.broadcast %squeeze3A_1581 : f32 to vector<16xf32>
      %sub3A_1597 = arith.subf %get3A_1595, %sub3A_1596 : vector<16xf32>
      %mul3A_1598 = arith.mulf %sub3A_1597, %sub3A_1597 : vector<16xf32>
      %add3A_1599 = arith.addf %add3A_1525, %mul3A_1598 : vector<16xf32>
      %get3A_1600 = arith.constant 20 : i32
      %get3A_1601 = arith.index_cast %get3A_1600 : i32 to index
      %get3A_1602 = arith.constant 32 : index
      %get3A_1603 = tpu.vector_load %arg5[%get3A_1601, %get3A_1602] {strides = array<i32>} : memref<32x128xf32, #tpu.memory_space<vmem>>, vector<1x16xf32>,
      %get3A_1604 = vector.shape_cast %get3A_1603 : vector<1x16xf32> to vector<16xf32>
      %sub3A_1605 = vector.broadcast %squeeze3A_1581 : f32 to vector<16xf32>
      %sub3A_1606 = arith.subf %get3A_1604, %sub3A_1605 : vector<16xf32>
      %mul3A_1607 = arith.mulf %sub3A_1606, %sub3A_1606 : vector<16xf32>
      %add3A_1608 = arith.addf %add3A_1534, %mul3A_1607 : vector<16xf32>
      %get3A_1609 = arith.constant 20 : i32
      %get3A_1610 = arith.index_cast %get3A_1609 : i32 to index
      %get3A_1611 = arith.constant 48 : index
      %get3A_1612 = tpu.vector_load %arg5[%get3A_1610, %get3A_1611] {strides = array<i32>} : memref<32x128xf32, #tpu.memory_space<vmem>>, vector<1x16xf32>,
      %get3A_1613 = vector.shape_cast %get3A_1612 : vector<1x16xf32> to vector<16xf32>
      %sub3A_1614 = vector.broadcast %squeeze3A_1581 : f32 to vector<16xf32>
      %sub3A_1615 = arith.subf %get3A_1613, %sub3A_1614 : vector<16xf32>
      %mul3A_1616 = arith.mulf %sub3A_1615, %sub3A_1615 : vector<16xf32>
      %add3A_1617 = arith.addf %add3A_1543, %mul3A_1616 : vector<16xf32>
      %get3A_1618 = arith.constant 20 : i32
      %get3A_1619 = arith.index_cast %get3A_1618 : i32 to index
      %get3A_1620 = arith.constant 64 : index
      %get3A_1621 = tpu.vector_load %arg5[%get3A_1619, %get3A_1620] {strides = array<i32>} : memref<32x128xf32, #tpu.memory_space<vmem>>, vector<1x16xf32>,
      %get3A_1622 = vector.shape_cast %get3A_1621 : vector<1x16xf32> to vector<16xf32>
      %sub3A_1623 = vector.broadcast %squeeze3A_1581 : f32 to vector<16xf32>
      %sub3A_1624 = arith.subf %get3A_1622, %sub3A_1623 : vector<16xf32>
      %mul3A_1625 = arith.mulf %sub3A_1624, %sub3A_1624 : vector<16xf32>
      %add3A_1626 = arith.addf %add3A_1552, %mul3A_1625 : vector<16xf32>
      %get3A_1627 = arith.constant 20 : i32
      %get3A_1628 = arith.index_cast %get3A_1627 : i32 to index
      %get3A_1629 = arith.constant 80 : index
      %get3A_1630 = tpu.vector_load %arg5[%get3A_1628, %get3A_1629] {strides = array<i32>} : memref<32x128xf32, #tpu.memory_space<vmem>>, vector<1x16xf32>,
      %get3A_1631 = vector.shape_cast %get3A_1630 : vector<1x16xf32> to vector<16xf32>
      %sub3A_1632 = vector.broadcast %squeeze3A_1581 : f32 to vector<16xf32>
      %sub3A_1633 = arith.subf %get3A_1631, %sub3A_1632 : vector<16xf32>
      %mul3A_1634 = arith.mulf %sub3A_1633, %sub3A_1633 : vector<16xf32>
      %add3A_1635 = arith.addf %add3A_1561, %mul3A_1634 : vector<16xf32>
      %get3A_1636 = arith.constant 20 : i32
      %get3A_1637 = arith.index_cast %get3A_1636 : i32 to index
      %get3A_1638 = arith.constant 96 : index
      %get3A_1639 = tpu.vector_load %arg5[%get3A_1637, %get3A_1638] {strides = array<i32>} : memref<32x128xf32, #tpu.memory_space<vmem>>, vector<1x16xf32>,
      %get3A_1640 = vector.shape_cast %get3A_1639 : vector<1x16xf32> to vector<16xf32>
      %sub3A_1641 = vector.broadcast %squeeze3A_1581 : f32 to vector<16xf32>
      %sub3A_1642 = arith.subf %get3A_1640, %sub3A_1641 : vector<16xf32>
      %mul3A_1643 = arith.mulf %sub3A_1642, %sub3A_1642 : vector<16xf32>
      %add3A_1644 = arith.addf %add3A_1570, %mul3A_1643 : vector<16xf32>
      %get3A_1645 = arith.constant 20 : i32
      %get3A_1646 = arith.index_cast %get3A_1645 : i32 to index
      %get3A_1647 = arith.constant 112 : index
      %get3A_1648 = tpu.vector_load %arg5[%get3A_1646, %get3A_1647] {strides = array<i32>} : memref<32x128xf32, #tpu.memory_space<vmem>>, vector<1x16xf32>,
      %get3A_1649 = vector.shape_cast %get3A_1648 : vector<1x16xf32> to vector<16xf32>
      %sub3A_1650 = vector.broadcast %squeeze3A_1581 : f32 to vector<16xf32>
      %sub3A_1651 = arith.subf %get3A_1649, %sub3A_1650 : vector<16xf32>
      %mul3A_1652 = arith.mulf %sub3A_1651, %sub3A_1651 : vector<16xf32>
      %add3A_1653 = arith.addf %add3A_1579, %mul3A_1652 : vector<16xf32>
      %slice3A_1654 = vector.extract_strided_slice %get3A_85 {offsets = [5], sizes = [1], strides = [1]} : vector<16xf32> to vector<1xf32>
      %squeeze3A_1655 = vector.extract %slice3A_1654[0] : f32 from vector<1xf32>
      %get3A_1656 = arith.constant 21 : i32
      %get3A_1657 = arith.index_cast %get3A_1656 : i32 to index
      %get3A_1658 = arith.constant 0 : index
      %get3A_1659 = tpu.vector_load %arg5[%get3A_1657, %get3A_1658] {strides = array<i32>} : memref<32x128xf32, #tpu.memory_space<vmem>>, vector<1x16xf32>,
      %get3A_1660 = vector.shape_cast %get3A_1659 : vector<1x16xf32> to vector<16xf32>
      %sub3A_1661 = vector.broadcast %squeeze3A_1655 : f32 to vector<16xf32>
      %sub3A_1662 = arith.subf %get3A_1660, %sub3A_1661 : vector<16xf32>
      %mul3A_1663 = arith.mulf %sub3A_1662, %sub3A_1662 : vector<16xf32>
      %add3A_1664 = arith.addf %add3A_1590, %mul3A_1663 : vector<16xf32>
      %get3A_1665 = arith.constant 21 : i32
      %get3A_1666 = arith.index_cast %get3A_1665 : i32 to index
      %get3A_1667 = arith.constant 16 : index
      %get3A_1668 = tpu.vector_load %arg5[%get3A_1666, %get3A_1667] {strides = array<i32>} : memref<32x128xf32, #tpu.memory_space<vmem>>, vector<1x16xf32>,
      %get3A_1669 = vector.shape_cast %get3A_1668 : vector<1x16xf32> to vector<16xf32>
      %sub3A_1670 = vector.broadcast %squeeze3A_1655 : f32 to vector<16xf32>
      %sub3A_1671 = arith.subf %get3A_1669, %sub3A_1670 : vector<16xf32>
      %mul3A_1672 = arith.mulf %sub3A_1671, %sub3A_1671 : vector<16xf32>
      %add3A_1673 = arith.addf %add3A_1599, %mul3A_1672 : vector<16xf32>
      %get3A_1674 = arith.constant 21 : i32
      %get3A_1675 = arith.index_cast %get3A_1674 : i32 to index
      %get3A_1676 = arith.constant 32 : index
      %get3A_1677 = tpu.vector_load %arg5[%get3A_1675, %get3A_1676] {strides = array<i32>} : memref<32x128xf32, #tpu.memory_space<vmem>>, vector<1x16xf32>,
      %get3A_1678 = vector.shape_cast %get3A_1677 : vector<1x16xf32> to vector<16xf32>
      %sub3A_1679 = vector.broadcast %squeeze3A_1655 : f32 to vector<16xf32>
      %sub3A_1680 = arith.subf %get3A_1678, %sub3A_1679 : vector<16xf32>
      %mul3A_1681 = arith.mulf %sub3A_1680, %sub3A_1680 : vector<16xf32>
      %add3A_1682 = arith.addf %add3A_1608, %mul3A_1681 : vector<16xf32>
      %get3A_1683 = arith.constant 21 : i32
      %get3A_1684 = arith.index_cast %get3A_1683 : i32 to index
      %get3A_1685 = arith.constant 48 : index
      %get3A_1686 = tpu.vector_load %arg5[%get3A_1684, %get3A_1685] {strides = array<i32>} : memref<32x128xf32, #tpu.memory_space<vmem>>, vector<1x16xf32>,
      %get3A_1687 = vector.shape_cast %get3A_1686 : vector<1x16xf32> to vector<16xf32>
      %sub3A_1688 = vector.broadcast %squeeze3A_1655 : f32 to vector<16xf32>
      %sub3A_1689 = arith.subf %get3A_1687, %sub3A_1688 : vector<16xf32>
      %mul3A_1690 = arith.mulf %sub3A_1689, %sub3A_1689 : vector<16xf32>
      %add3A_1691 = arith.addf %add3A_1617, %mul3A_1690 : vector<16xf32>
      %get3A_1692 = arith.constant 21 : i32
      %get3A_1693 = arith.index_cast %get3A_1692 : i32 to index
      %get3A_1694 = arith.constant 64 : index
      %get3A_1695 = tpu.vector_load %arg5[%get3A_1693, %get3A_1694] {strides = array<i32>} : memref<32x128xf32, #tpu.memory_space<vmem>>, vector<1x16xf32>,
      %get3A_1696 = vector.shape_cast %get3A_1695 : vector<1x16xf32> to vector<16xf32>
      %sub3A_1697 = vector.broadcast %squeeze3A_1655 : f32 to vector<16xf32>
      %sub3A_1698 = arith.subf %get3A_1696, %sub3A_1697 : vector<16xf32>
      %mul3A_1699 = arith.mulf %sub3A_1698, %sub3A_1698 : vector<16xf32>
      %add3A_1700 = arith.addf %add3A_1626, %mul3A_1699 : vector<16xf32>
      %get3A_1701 = arith.constant 21 : i32
      %get3A_1702 = arith.index_cast %get3A_1701 : i32 to index
      %get3A_1703 = arith.constant 80 : index
      %get3A_1704 = tpu.vector_load %arg5[%get3A_1702, %get3A_1703] {strides = array<i32>} : memref<32x128xf32, #tpu.memory_space<vmem>>, vector<1x16xf32>,
      %get3A_1705 = vector.shape_cast %get3A_1704 : vector<1x16xf32> to vector<16xf32>
      %sub3A_1706 = vector.broadcast %squeeze3A_1655 : f32 to vector<16xf32>
      %sub3A_1707 = arith.subf %get3A_1705, %sub3A_1706 : vector<16xf32>
      %mul3A_1708 = arith.mulf %sub3A_1707, %sub3A_1707 : vector<16xf32>
      %add3A_1709 = arith.addf %add3A_1635, %mul3A_1708 : vector<16xf32>
      %get3A_1710 = arith.constant 21 : i32
      %get3A_1711 = arith.index_cast %get3A_1710 : i32 to index
      %get3A_1712 = arith.constant 96 : index
      %get3A_1713 = tpu.vector_load %arg5[%get3A_1711, %get3A_1712] {strides = array<i32>} : memref<32x128xf32, #tpu.memory_space<vmem>>, vector<1x16xf32>,
      %get3A_1714 = vector.shape_cast %get3A_1713 : vector<1x16xf32> to vector<16xf32>
      %sub3A_1715 = vector.broadcast %squeeze3A_1655 : f32 to vector<16xf32>
      %sub3A_1716 = arith.subf %get3A_1714, %sub3A_1715 : vector<16xf32>
      %mul3A_1717 = arith.mulf %sub3A_1716, %sub3A_1716 : vector<16xf32>
      %add3A_1718 = arith.addf %add3A_1644, %mul3A_1717 : vector<16xf32>
      %get3A_1719 = arith.constant 21 : i32
      %get3A_1720 = arith.index_cast %get3A_1719 : i32 to index
      %get3A_1721 = arith.constant 112 : index
      %get3A_1722 = tpu.vector_load %arg5[%get3A_1720, %get3A_1721] {strides = array<i32>} : memref<32x128xf32, #tpu.memory_space<vmem>>, vector<1x16xf32>,
      %get3A_1723 = vector.shape_cast %get3A_1722 : vector<1x16xf32> to vector<16xf32>
      %sub3A_1724 = vector.broadcast %squeeze3A_1655 : f32 to vector<16xf32>
      %sub3A_1725 = arith.subf %get3A_1723, %sub3A_1724 : vector<16xf32>
      %mul3A_1726 = arith.mulf %sub3A_1725, %sub3A_1725 : vector<16xf32>
      %add3A_1727 = arith.addf %add3A_1653, %mul3A_1726 : vector<16xf32>
      %slice3A_1728 = vector.extract_strided_slice %get3A_85 {offsets = [6], sizes = [1], strides = [1]} : vector<16xf32> to vector<1xf32>
      %squeeze3A_1729 = vector.extract %slice3A_1728[0] : f32 from vector<1xf32>
      %get3A_1730 = arith.constant 22 : i32
      %get3A_1731 = arith.index_cast %get3A_1730 : i32 to index
      %get3A_1732 = arith.constant 0 : index
      %get3A_1733 = tpu.vector_load %arg5[%get3A_1731, %get3A_1732] {strides = array<i32>} : memref<32x128xf32, #tpu.memory_space<vmem>>, vector<1x16xf32>,
      %get3A_1734 = vector.shape_cast %get3A_1733 : vector<1x16xf32> to vector<16xf32>
      %sub3A_1735 = vector.broadcast %squeeze3A_1729 : f32 to vector<16xf32>
      %sub3A_1736 = arith.subf %get3A_1734, %sub3A_1735 : vector<16xf32>
      %mul3A_1737 = arith.mulf %sub3A_1736, %sub3A_1736 : vector<16xf32>
      %add3A_1738 = arith.addf %add3A_1664, %mul3A_1737 : vector<16xf32>
      %get3A_1739 = arith.constant 22 : i32
      %get3A_1740 = arith.index_cast %get3A_1739 : i32 to index
      %get3A_1741 = arith.constant 16 : index
      %get3A_1742 = tpu.vector_load %arg5[%get3A_1740, %get3A_1741] {strides = array<i32>} : memref<32x128xf32, #tpu.memory_space<vmem>>, vector<1x16xf32>,
      %get3A_1743 = vector.shape_cast %get3A_1742 : vector<1x16xf32> to vector<16xf32>
      %sub3A_1744 = vector.broadcast %squeeze3A_1729 : f32 to vector<16xf32>
      %sub3A_1745 = arith.subf %get3A_1743, %sub3A_1744 : vector<16xf32>
      %mul3A_1746 = arith.mulf %sub3A_1745, %sub3A_1745 : vector<16xf32>
      %add3A_1747 = arith.addf %add3A_1673, %mul3A_1746 : vector<16xf32>
      %get3A_1748 = arith.constant 22 : i32
      %get3A_1749 = arith.index_cast %get3A_1748 : i32 to index
      %get3A_1750 = arith.constant 32 : index
      %get3A_1751 = tpu.vector_load %arg5[%get3A_1749, %get3A_1750] {strides = array<i32>} : memref<32x128xf32, #tpu.memory_space<vmem>>, vector<1x16xf32>,
      %get3A_1752 = vector.shape_cast %get3A_1751 : vector<1x16xf32> to vector<16xf32>
      %sub3A_1753 = vector.broadcast %squeeze3A_1729 : f32 to vector<16xf32>
      %sub3A_1754 = arith.subf %get3A_1752, %sub3A_1753 : vector<16xf32>
      %mul3A_1755 = arith.mulf %sub3A_1754, %sub3A_1754 : vector<16xf32>
      %add3A_1756 = arith.addf %add3A_1682, %mul3A_1755 : vector<16xf32>
      %get3A_1757 = arith.constant 22 : i32
      %get3A_1758 = arith.index_cast %get3A_1757 : i32 to index
      %get3A_1759 = arith.constant 48 : index
      %get3A_1760 = tpu.vector_load %arg5[%get3A_1758, %get3A_1759] {strides = array<i32>} : memref<32x128xf32, #tpu.memory_space<vmem>>, vector<1x16xf32>,
      %get3A_1761 = vector.shape_cast %get3A_1760 : vector<1x16xf32> to vector<16xf32>
      %sub3A_1762 = vector.broadcast %squeeze3A_1729 : f32 to vector<16xf32>
      %sub3A_1763 = arith.subf %get3A_1761, %sub3A_1762 : vector<16xf32>
      %mul3A_1764 = arith.mulf %sub3A_1763, %sub3A_1763 : vector<16xf32>
      %add3A_1765 = arith.addf %add3A_1691, %mul3A_1764 : vector<16xf32>
      %get3A_1766 = arith.constant 22 : i32
      %get3A_1767 = arith.index_cast %get3A_1766 : i32 to index
      %get3A_1768 = arith.constant 64 : index
      %get3A_1769 = tpu.vector_load %arg5[%get3A_1767, %get3A_1768] {strides = array<i32>} : memref<32x128xf32, #tpu.memory_space<vmem>>, vector<1x16xf32>,
      %get3A_1770 = vector.shape_cast %get3A_1769 : vector<1x16xf32> to vector<16xf32>
      %sub3A_1771 = vector.broadcast %squeeze3A_1729 : f32 to vector<16xf32>
      %sub3A_1772 = arith.subf %get3A_1770, %sub3A_1771 : vector<16xf32>
      %mul3A_1773 = arith.mulf %sub3A_1772, %sub3A_1772 : vector<16xf32>
      %add3A_1774 = arith.addf %add3A_1700, %mul3A_1773 : vector<16xf32>
      %get3A_1775 = arith.constant 22 : i32
      %get3A_1776 = arith.index_cast %get3A_1775 : i32 to index
      %get3A_1777 = arith.constant 80 : index
      %get3A_1778 = tpu.vector_load %arg5[%get3A_1776, %get3A_1777] {strides = array<i32>} : memref<32x128xf32, #tpu.memory_space<vmem>>, vector<1x16xf32>,
      %get3A_1779 = vector.shape_cast %get3A_1778 : vector<1x16xf32> to vector<16xf32>
      %sub3A_1780 = vector.broadcast %squeeze3A_1729 : f32 to vector<16xf32>
      %sub3A_1781 = arith.subf %get3A_1779, %sub3A_1780 : vector<16xf32>
      %mul3A_1782 = arith.mulf %sub3A_1781, %sub3A_1781 : vector<16xf32>
      %add3A_1783 = arith.addf %add3A_1709, %mul3A_1782 : vector<16xf32>
      %get3A_1784 = arith.constant 22 : i32
      %get3A_1785 = arith.index_cast %get3A_1784 : i32 to index
      %get3A_1786 = arith.constant 96 : index
      %get3A_1787 = tpu.vector_load %arg5[%get3A_1785, %get3A_1786] {strides = array<i32>} : memref<32x128xf32, #tpu.memory_space<vmem>>, vector<1x16xf32>,
      %get3A_1788 = vector.shape_cast %get3A_1787 : vector<1x16xf32> to vector<16xf32>
      %sub3A_1789 = vector.broadcast %squeeze3A_1729 : f32 to vector<16xf32>
      %sub3A_1790 = arith.subf %get3A_1788, %sub3A_1789 : vector<16xf32>
      %mul3A_1791 = arith.mulf %sub3A_1790, %sub3A_1790 : vector<16xf32>
      %add3A_1792 = arith.addf %add3A_1718, %mul3A_1791 : vector<16xf32>
      %get3A_1793 = arith.constant 22 : i32
      %get3A_1794 = arith.index_cast %get3A_1793 : i32 to index
      %get3A_1795 = arith.constant 112 : index
      %get3A_1796 = tpu.vector_load %arg5[%get3A_1794, %get3A_1795] {strides = array<i32>} : memref<32x128xf32, #tpu.memory_space<vmem>>, vector<1x16xf32>,
      %get3A_1797 = vector.shape_cast %get3A_1796 : vector<1x16xf32> to vector<16xf32>
      %sub3A_1798 = vector.broadcast %squeeze3A_1729 : f32 to vector<16xf32>
      %sub3A_1799 = arith.subf %get3A_1797, %sub3A_1798 : vector<16xf32>
      %mul3A_1800 = arith.mulf %sub3A_1799, %sub3A_1799 : vector<16xf32>
      %add3A_1801 = arith.addf %add3A_1727, %mul3A_1800 : vector<16xf32>
      %slice3A_1802 = vector.extract_strided_slice %get3A_85 {offsets = [7], sizes = [1], strides = [1]} : vector<16xf32> to vector<1xf32>
      %squeeze3A_1803 = vector.extract %slice3A_1802[0] : f32 from vector<1xf32>
      %get3A_1804 = arith.constant 23 : i32
      %get3A_1805 = arith.index_cast %get3A_1804 : i32 to index
      %get3A_1806 = arith.constant 0 : index
      %get3A_1807 = tpu.vector_load %arg5[%get3A_1805, %get3A_1806] {strides = array<i32>} : memref<32x128xf32, #tpu.memory_space<vmem>>, vector<1x16xf32>,
      %get3A_1808 = vector.shape_cast %get3A_1807 : vector<1x16xf32> to vector<16xf32>
      %sub3A_1809 = vector.broadcast %squeeze3A_1803 : f32 to vector<16xf32>
      %sub3A_1810 = arith.subf %get3A_1808, %sub3A_1809 : vector<16xf32>
      %mul3A_1811 = arith.mulf %sub3A_1810, %sub3A_1810 : vector<16xf32>
      %add3A_1812 = arith.addf %add3A_1738, %mul3A_1811 : vector<16xf32>
      %get3A_1813 = arith.constant 23 : i32
      %get3A_1814 = arith.index_cast %get3A_1813 : i32 to index
      %get3A_1815 = arith.constant 16 : index
      %get3A_1816 = tpu.vector_load %arg5[%get3A_1814, %get3A_1815] {strides = array<i32>} : memref<32x128xf32, #tpu.memory_space<vmem>>, vector<1x16xf32>,
      %get3A_1817 = vector.shape_cast %get3A_1816 : vector<1x16xf32> to vector<16xf32>
      %sub3A_1818 = vector.broadcast %squeeze3A_1803 : f32 to vector<16xf32>
      %sub3A_1819 = arith.subf %get3A_1817, %sub3A_1818 : vector<16xf32>
      %mul3A_1820 = arith.mulf %sub3A_1819, %sub3A_1819 : vector<16xf32>
      %add3A_1821 = arith.addf %add3A_1747, %mul3A_1820 : vector<16xf32>
      %get3A_1822 = arith.constant 23 : i32
      %get3A_1823 = arith.index_cast %get3A_1822 : i32 to index
      %get3A_1824 = arith.constant 32 : index
      %get3A_1825 = tpu.vector_load %arg5[%get3A_1823, %get3A_1824] {strides = array<i32>} : memref<32x128xf32, #tpu.memory_space<vmem>>, vector<1x16xf32>,
      %get3A_1826 = vector.shape_cast %get3A_1825 : vector<1x16xf32> to vector<16xf32>
      %sub3A_1827 = vector.broadcast %squeeze3A_1803 : f32 to vector<16xf32>
      %sub3A_1828 = arith.subf %get3A_1826, %sub3A_1827 : vector<16xf32>
      %mul3A_1829 = arith.mulf %sub3A_1828, %sub3A_1828 : vector<16xf32>
      %add3A_1830 = arith.addf %add3A_1756, %mul3A_1829 : vector<16xf32>
      %get3A_1831 = arith.constant 23 : i32
      %get3A_1832 = arith.index_cast %get3A_1831 : i32 to index
      %get3A_1833 = arith.constant 48 : index
      %get3A_1834 = tpu.vector_load %arg5[%get3A_1832, %get3A_1833] {strides = array<i32>} : memref<32x128xf32, #tpu.memory_space<vmem>>, vector<1x16xf32>,
      %get3A_1835 = vector.shape_cast %get3A_1834 : vector<1x16xf32> to vector<16xf32>
      %sub3A_1836 = vector.broadcast %squeeze3A_1803 : f32 to vector<16xf32>
      %sub3A_1837 = arith.subf %get3A_1835, %sub3A_1836 : vector<16xf32>
      %mul3A_1838 = arith.mulf %sub3A_1837, %sub3A_1837 : vector<16xf32>
      %add3A_1839 = arith.addf %add3A_1765, %mul3A_1838 : vector<16xf32>
      %get3A_1840 = arith.constant 23 : i32
      %get3A_1841 = arith.index_cast %get3A_1840 : i32 to index
      %get3A_1842 = arith.constant 64 : index
      %get3A_1843 = tpu.vector_load %arg5[%get3A_1841, %get3A_1842] {strides = array<i32>} : memref<32x128xf32, #tpu.memory_space<vmem>>, vector<1x16xf32>,
      %get3A_1844 = vector.shape_cast %get3A_1843 : vector<1x16xf32> to vector<16xf32>
      %sub3A_1845 = vector.broadcast %squeeze3A_1803 : f32 to vector<16xf32>
      %sub3A_1846 = arith.subf %get3A_1844, %sub3A_1845 : vector<16xf32>
      %mul3A_1847 = arith.mulf %sub3A_1846, %sub3A_1846 : vector<16xf32>
      %add3A_1848 = arith.addf %add3A_1774, %mul3A_1847 : vector<16xf32>
      %get3A_1849 = arith.constant 23 : i32
      %get3A_1850 = arith.index_cast %get3A_1849 : i32 to index
      %get3A_1851 = arith.constant 80 : index
      %get3A_1852 = tpu.vector_load %arg5[%get3A_1850, %get3A_1851] {strides = array<i32>} : memref<32x128xf32, #tpu.memory_space<vmem>>, vector<1x16xf32>,
      %get3A_1853 = vector.shape_cast %get3A_1852 : vector<1x16xf32> to vector<16xf32>
      %sub3A_1854 = vector.broadcast %squeeze3A_1803 : f32 to vector<16xf32>
      %sub3A_1855 = arith.subf %get3A_1853, %sub3A_1854 : vector<16xf32>
      %mul3A_1856 = arith.mulf %sub3A_1855, %sub3A_1855 : vector<16xf32>
      %add3A_1857 = arith.addf %add3A_1783, %mul3A_1856 : vector<16xf32>
      %get3A_1858 = arith.constant 23 : i32
      %get3A_1859 = arith.index_cast %get3A_1858 : i32 to index
      %get3A_1860 = arith.constant 96 : index
      %get3A_1861 = tpu.vector_load %arg5[%get3A_1859, %get3A_1860] {strides = array<i32>} : memref<32x128xf32, #tpu.memory_space<vmem>>, vector<1x16xf32>,
      %get3A_1862 = vector.shape_cast %get3A_1861 : vector<1x16xf32> to vector<16xf32>
      %sub3A_1863 = vector.broadcast %squeeze3A_1803 : f32 to vector<16xf32>
      %sub3A_1864 = arith.subf %get3A_1862, %sub3A_1863 : vector<16xf32>
      %mul3A_1865 = arith.mulf %sub3A_1864, %sub3A_1864 : vector<16xf32>
      %add3A_1866 = arith.addf %add3A_1792, %mul3A_1865 : vector<16xf32>
      %get3A_1867 = arith.constant 23 : i32
      %get3A_1868 = arith.index_cast %get3A_1867 : i32 to index
      %get3A_1869 = arith.constant 112 : index
      %get3A_1870 = tpu.vector_load %arg5[%get3A_1868, %get3A_1869] {strides = array<i32>} : memref<32x128xf32, #tpu.memory_space<vmem>>, vector<1x16xf32>,
      %get3A_1871 = vector.shape_cast %get3A_1870 : vector<1x16xf32> to vector<16xf32>
      %sub3A_1872 = vector.broadcast %squeeze3A_1803 : f32 to vector<16xf32>
      %sub3A_1873 = arith.subf %get3A_1871, %sub3A_1872 : vector<16xf32>
      %mul3A_1874 = arith.mulf %sub3A_1873, %sub3A_1873 : vector<16xf32>
      %add3A_1875 = arith.addf %add3A_1801, %mul3A_1874 : vector<16xf32>
      %slice3A_1876 = vector.extract_strided_slice %get3A_85 {offsets = [8], sizes = [1], strides = [1]} : vector<16xf32> to vector<1xf32>
      %squeeze3A_1877 = vector.extract %slice3A_1876[0] : f32 from vector<1xf32>
      %get3A_1878 = arith.constant 24 : i32
      %get3A_1879 = arith.index_cast %get3A_1878 : i32 to index
      %get3A_1880 = arith.constant 0 : index
      %get3A_1881 = tpu.vector_load %arg5[%get3A_1879, %get3A_1880] {strides = array<i32>} : memref<32x128xf32, #tpu.memory_space<vmem>>, vector<1x16xf32>,
      %get3A_1882 = vector.shape_cast %get3A_1881 : vector<1x16xf32> to vector<16xf32>
      %sub3A_1883 = vector.broadcast %squeeze3A_1877 : f32 to vector<16xf32>
      %sub3A_1884 = arith.subf %get3A_1882, %sub3A_1883 : vector<16xf32>
      %mul3A_1885 = arith.mulf %sub3A_1884, %sub3A_1884 : vector<16xf32>
      %add3A_1886 = arith.addf %add3A_1812, %mul3A_1885 : vector<16xf32>
      %get3A_1887 = arith.constant 24 : i32
      %get3A_1888 = arith.index_cast %get3A_1887 : i32 to index
      %get3A_1889 = arith.constant 16 : index
      %get3A_1890 = tpu.vector_load %arg5[%get3A_1888, %get3A_1889] {strides = array<i32>} : memref<32x128xf32, #tpu.memory_space<vmem>>, vector<1x16xf32>,
      %get3A_1891 = vector.shape_cast %get3A_1890 : vector<1x16xf32> to vector<16xf32>
      %sub3A_1892 = vector.broadcast %squeeze3A_1877 : f32 to vector<16xf32>
      %sub3A_1893 = arith.subf %get3A_1891, %sub3A_1892 : vector<16xf32>
      %mul3A_1894 = arith.mulf %sub3A_1893, %sub3A_1893 : vector<16xf32>
      %add3A_1895 = arith.addf %add3A_1821, %mul3A_1894 : vector<16xf32>
      %get3A_1896 = arith.constant 24 : i32
      %get3A_1897 = arith.index_cast %get3A_1896 : i32 to index
      %get3A_1898 = arith.constant 32 : index
      %get3A_1899 = tpu.vector_load %arg5[%get3A_1897, %get3A_1898] {strides = array<i32>} : memref<32x128xf32, #tpu.memory_space<vmem>>, vector<1x16xf32>,
      %get3A_1900 = vector.shape_cast %get3A_1899 : vector<1x16xf32> to vector<16xf32>
      %sub3A_1901 = vector.broadcast %squeeze3A_1877 : f32 to vector<16xf32>
      %sub3A_1902 = arith.subf %get3A_1900, %sub3A_1901 : vector<16xf32>
      %mul3A_1903 = arith.mulf %sub3A_1902, %sub3A_1902 : vector<16xf32>
      %add3A_1904 = arith.addf %add3A_1830, %mul3A_1903 : vector<16xf32>
      %get3A_1905 = arith.constant 24 : i32
      %get3A_1906 = arith.index_cast %get3A_1905 : i32 to index
      %get3A_1907 = arith.constant 48 : index
      %get3A_1908 = tpu.vector_load %arg5[%get3A_1906, %get3A_1907] {strides = array<i32>} : memref<32x128xf32, #tpu.memory_space<vmem>>, vector<1x16xf32>,
      %get3A_1909 = vector.shape_cast %get3A_1908 : vector<1x16xf32> to vector<16xf32>
      %sub3A_1910 = vector.broadcast %squeeze3A_1877 : f32 to vector<16xf32>
      %sub3A_1911 = arith.subf %get3A_1909, %sub3A_1910 : vector<16xf32>
      %mul3A_1912 = arith.mulf %sub3A_1911, %sub3A_1911 : vector<16xf32>
      %add3A_1913 = arith.addf %add3A_1839, %mul3A_1912 : vector<16xf32>
      %get3A_1914 = arith.constant 24 : i32
      %get3A_1915 = arith.index_cast %get3A_1914 : i32 to index
      %get3A_1916 = arith.constant 64 : index
      %get3A_1917 = tpu.vector_load %arg5[%get3A_1915, %get3A_1916] {strides = array<i32>} : memref<32x128xf32, #tpu.memory_space<vmem>>, vector<1x16xf32>,
      %get3A_1918 = vector.shape_cast %get3A_1917 : vector<1x16xf32> to vector<16xf32>
      %sub3A_1919 = vector.broadcast %squeeze3A_1877 : f32 to vector<16xf32>
      %sub3A_1920 = arith.subf %get3A_1918, %sub3A_1919 : vector<16xf32>
      %mul3A_1921 = arith.mulf %sub3A_1920, %sub3A_1920 : vector<16xf32>
      %add3A_1922 = arith.addf %add3A_1848, %mul3A_1921 : vector<16xf32>
      %get3A_1923 = arith.constant 24 : i32
      %get3A_1924 = arith.index_cast %get3A_1923 : i32 to index
      %get3A_1925 = arith.constant 80 : index
      %get3A_1926 = tpu.vector_load %arg5[%get3A_1924, %get3A_1925] {strides = array<i32>} : memref<32x128xf32, #tpu.memory_space<vmem>>, vector<1x16xf32>,
      %get3A_1927 = vector.shape_cast %get3A_1926 : vector<1x16xf32> to vector<16xf32>
      %sub3A_1928 = vector.broadcast %squeeze3A_1877 : f32 to vector<16xf32>
      %sub3A_1929 = arith.subf %get3A_1927, %sub3A_1928 : vector<16xf32>
      %mul3A_1930 = arith.mulf %sub3A_1929, %sub3A_1929 : vector<16xf32>
      %add3A_1931 = arith.addf %add3A_1857, %mul3A_1930 : vector<16xf32>
      %get3A_1932 = arith.constant 24 : i32
      %get3A_1933 = arith.index_cast %get3A_1932 : i32 to index
      %get3A_1934 = arith.constant 96 : index
      %get3A_1935 = tpu.vector_load %arg5[%get3A_1933, %get3A_1934] {strides = array<i32>} : memref<32x128xf32, #tpu.memory_space<vmem>>, vector<1x16xf32>,
      %get3A_1936 = vector.shape_cast %get3A_1935 : vector<1x16xf32> to vector<16xf32>
      %sub3A_1937 = vector.broadcast %squeeze3A_1877 : f32 to vector<16xf32>
      %sub3A_1938 = arith.subf %get3A_1936, %sub3A_1937 : vector<16xf32>
      %mul3A_1939 = arith.mulf %sub3A_1938, %sub3A_1938 : vector<16xf32>
      %add3A_1940 = arith.addf %add3A_1866, %mul3A_1939 : vector<16xf32>
      %get3A_1941 = arith.constant 24 : i32
      %get3A_1942 = arith.index_cast %get3A_1941 : i32 to index
      %get3A_1943 = arith.constant 112 : index
      %get3A_1944 = tpu.vector_load %arg5[%get3A_1942, %get3A_1943] {strides = array<i32>} : memref<32x128xf32, #tpu.memory_space<vmem>>, vector<1x16xf32>,
      %get3A_1945 = vector.shape_cast %get3A_1944 : vector<1x16xf32> to vector<16xf32>
      %sub3A_1946 = vector.broadcast %squeeze3A_1877 : f32 to vector<16xf32>
      %sub3A_1947 = arith.subf %get3A_1945, %sub3A_1946 : vector<16xf32>
      %mul3A_1948 = arith.mulf %sub3A_1947, %sub3A_1947 : vector<16xf32>
      %add3A_1949 = arith.addf %add3A_1875, %mul3A_1948 : vector<16xf32>
      %slice3A_1950 = vector.extract_strided_slice %get3A_85 {offsets = [9], sizes = [1], strides = [1]} : vector<16xf32> to vector<1xf32>
      %squeeze3A_1951 = vector.extract %slice3A_1950[0] : f32 from vector<1xf32>
      %get3A_1952 = arith.constant 25 : i32
      %get3A_1953 = arith.index_cast %get3A_1952 : i32 to index
      %get3A_1954 = arith.constant 0 : index
      %get3A_1955 = tpu.vector_load %arg5[%get3A_1953, %get3A_1954] {strides = array<i32>} : memref<32x128xf32, #tpu.memory_space<vmem>>, vector<1x16xf32>,
      %get3A_1956 = vector.shape_cast %get3A_1955 : vector<1x16xf32> to vector<16xf32>
      %sub3A_1957 = vector.broadcast %squeeze3A_1951 : f32 to vector<16xf32>
      %sub3A_1958 = arith.subf %get3A_1956, %sub3A_1957 : vector<16xf32>
      %mul3A_1959 = arith.mulf %sub3A_1958, %sub3A_1958 : vector<16xf32>
      %add3A_1960 = arith.addf %add3A_1886, %mul3A_1959 : vector<16xf32>
      %get3A_1961 = arith.constant 25 : i32
      %get3A_1962 = arith.index_cast %get3A_1961 : i32 to index
      %get3A_1963 = arith.constant 16 : index
      %get3A_1964 = tpu.vector_load %arg5[%get3A_1962, %get3A_1963] {strides = array<i32>} : memref<32x128xf32, #tpu.memory_space<vmem>>, vector<1x16xf32>,
      %get3A_1965 = vector.shape_cast %get3A_1964 : vector<1x16xf32> to vector<16xf32>
      %sub3A_1966 = vector.broadcast %squeeze3A_1951 : f32 to vector<16xf32>
      %sub3A_1967 = arith.subf %get3A_1965, %sub3A_1966 : vector<16xf32>
      %mul3A_1968 = arith.mulf %sub3A_1967, %sub3A_1967 : vector<16xf32>
      %add3A_1969 = arith.addf %add3A_1895, %mul3A_1968 : vector<16xf32>
      %get3A_1970 = arith.constant 25 : i32
      %get3A_1971 = arith.index_cast %get3A_1970 : i32 to index
      %get3A_1972 = arith.constant 32 : index
      %get3A_1973 = tpu.vector_load %arg5[%get3A_1971, %get3A_1972] {strides = array<i32>} : memref<32x128xf32, #tpu.memory_space<vmem>>, vector<1x16xf32>,
      %get3A_1974 = vector.shape_cast %get3A_1973 : vector<1x16xf32> to vector<16xf32>
      %sub3A_1975 = vector.broadcast %squeeze3A_1951 : f32 to vector<16xf32>
      %sub3A_1976 = arith.subf %get3A_1974, %sub3A_1975 : vector<16xf32>
      %mul3A_1977 = arith.mulf %sub3A_1976, %sub3A_1976 : vector<16xf32>
      %add3A_1978 = arith.addf %add3A_1904, %mul3A_1977 : vector<16xf32>
      %get3A_1979 = arith.constant 25 : i32
      %get3A_1980 = arith.index_cast %get3A_1979 : i32 to index
      %get3A_1981 = arith.constant 48 : index
      %get3A_1982 = tpu.vector_load %arg5[%get3A_1980, %get3A_1981] {strides = array<i32>} : memref<32x128xf32, #tpu.memory_space<vmem>>, vector<1x16xf32>,
      %get3A_1983 = vector.shape_cast %get3A_1982 : vector<1x16xf32> to vector<16xf32>
      %sub3A_1984 = vector.broadcast %squeeze3A_1951 : f32 to vector<16xf32>
      %sub3A_1985 = arith.subf %get3A_1983, %sub3A_1984 : vector<16xf32>
      %mul3A_1986 = arith.mulf %sub3A_1985, %sub3A_1985 : vector<16xf32>
      %add3A_1987 = arith.addf %add3A_1913, %mul3A_1986 : vector<16xf32>
      %get3A_1988 = arith.constant 25 : i32
      %get3A_1989 = arith.index_cast %get3A_1988 : i32 to index
      %get3A_1990 = arith.constant 64 : index
      %get3A_1991 = tpu.vector_load %arg5[%get3A_1989, %get3A_1990] {strides = array<i32>} : memref<32x128xf32, #tpu.memory_space<vmem>>, vector<1x16xf32>,
      %get3A_1992 = vector.shape_cast %get3A_1991 : vector<1x16xf32> to vector<16xf32>
      %sub3A_1993 = vector.broadcast %squeeze3A_1951 : f32 to vector<16xf32>
      %sub3A_1994 = arith.subf %get3A_1992, %sub3A_1993 : vector<16xf32>
      %mul3A_1995 = arith.mulf %sub3A_1994, %sub3A_1994 : vector<16xf32>
      %add3A_1996 = arith.addf %add3A_1922, %mul3A_1995 : vector<16xf32>
      %get3A_1997 = arith.constant 25 : i32
      %get3A_1998 = arith.index_cast %get3A_1997 : i32 to index
      %get3A_1999 = arith.constant 80 : index
      %get3A_2000 = tpu.vector_load %arg5[%get3A_1998, %get3A_1999] {strides = array<i32>} : memref<32x128xf32, #tpu.memory_space<vmem>>, vector<1x16xf32>,
      %get3A_2001 = vector.shape_cast %get3A_2000 : vector<1x16xf32> to vector<16xf32>
      %sub3A_2002 = vector.broadcast %squeeze3A_1951 : f32 to vector<16xf32>
      %sub3A_2003 = arith.subf %get3A_2001, %sub3A_2002 : vector<16xf32>
      %mul3A_2004 = arith.mulf %sub3A_2003, %sub3A_2003 : vector<16xf32>
      %add3A_2005 = arith.addf %add3A_1931, %mul3A_2004 : vector<16xf32>
      %get3A_2006 = arith.constant 25 : i32
      %get3A_2007 = arith.index_cast %get3A_2006 : i32 to index
      %get3A_2008 = arith.constant 96 : index
      %get3A_2009 = tpu.vector_load %arg5[%get3A_2007, %get3A_2008] {strides = array<i32>} : memref<32x128xf32, #tpu.memory_space<vmem>>, vector<1x16xf32>,
      %get3A_2010 = vector.shape_cast %get3A_2009 : vector<1x16xf32> to vector<16xf32>
      %sub3A_2011 = vector.broadcast %squeeze3A_1951 : f32 to vector<16xf32>
      %sub3A_2012 = arith.subf %get3A_2010, %sub3A_2011 : vector<16xf32>
      %mul3A_2013 = arith.mulf %sub3A_2012, %sub3A_2012 : vector<16xf32>
      %add3A_2014 = arith.addf %add3A_1940, %mul3A_2013 : vector<16xf32>
      %get3A_2015 = arith.constant 25 : i32
      %get3A_2016 = arith.index_cast %get3A_2015 : i32 to index
      %get3A_2017 = arith.constant 112 : index
      %get3A_2018 = tpu.vector_load %arg5[%get3A_2016, %get3A_2017] {strides = array<i32>} : memref<32x128xf32, #tpu.memory_space<vmem>>, vector<1x16xf32>,
      %get3A_2019 = vector.shape_cast %get3A_2018 : vector<1x16xf32> to vector<16xf32>
      %sub3A_2020 = vector.broadcast %squeeze3A_1951 : f32 to vector<16xf32>
      %sub3A_2021 = arith.subf %get3A_2019, %sub3A_2020 : vector<16xf32>
      %mul3A_2022 = arith.mulf %sub3A_2021, %sub3A_2021 : vector<16xf32>
      %add3A_2023 = arith.addf %add3A_1949, %mul3A_2022 : vector<16xf32>
      %slice3A_2024 = vector.extract_strided_slice %get3A_85 {offsets = [10], sizes = [1], strides = [1]} : vector<16xf32> to vector<1xf32>
      %squeeze3A_2025 = vector.extract %slice3A_2024[0] : f32 from vector<1xf32>
      %get3A_2026 = arith.constant 26 : i32
      %get3A_2027 = arith.index_cast %get3A_2026 : i32 to index
      %get3A_2028 = arith.constant 0 : index
      %get3A_2029 = tpu.vector_load %arg5[%get3A_2027, %get3A_2028] {strides = array<i32>} : memref<32x128xf32, #tpu.memory_space<vmem>>, vector<1x16xf32>,
      %get3A_2030 = vector.shape_cast %get3A_2029 : vector<1x16xf32> to vector<16xf32>
      %sub3A_2031 = vector.broadcast %squeeze3A_2025 : f32 to vector<16xf32>
      %sub3A_2032 = arith.subf %get3A_2030, %sub3A_2031 : vector<16xf32>
      %mul3A_2033 = arith.mulf %sub3A_2032, %sub3A_2032 : vector<16xf32>
      %add3A_2034 = arith.addf %add3A_1960, %mul3A_2033 : vector<16xf32>
      %get3A_2035 = arith.constant 26 : i32
      %get3A_2036 = arith.index_cast %get3A_2035 : i32 to index
      %get3A_2037 = arith.constant 16 : index
      %get3A_2038 = tpu.vector_load %arg5[%get3A_2036, %get3A_2037] {strides = array<i32>} : memref<32x128xf32, #tpu.memory_space<vmem>>, vector<1x16xf32>,
      %get3A_2039 = vector.shape_cast %get3A_2038 : vector<1x16xf32> to vector<16xf32>
      %sub3A_2040 = vector.broadcast %squeeze3A_2025 : f32 to vector<16xf32>
      %sub3A_2041 = arith.subf %get3A_2039, %sub3A_2040 : vector<16xf32>
      %mul3A_2042 = arith.mulf %sub3A_2041, %sub3A_2041 : vector<16xf32>
      %add3A_2043 = arith.addf %add3A_1969, %mul3A_2042 : vector<16xf32>
      %get3A_2044 = arith.constant 26 : i32
      %get3A_2045 = arith.index_cast %get3A_2044 : i32 to index
      %get3A_2046 = arith.constant 32 : index
      %get3A_2047 = tpu.vector_load %arg5[%get3A_2045, %get3A_2046] {strides = array<i32>} : memref<32x128xf32, #tpu.memory_space<vmem>>, vector<1x16xf32>,
      %get3A_2048 = vector.shape_cast %get3A_2047 : vector<1x16xf32> to vector<16xf32>
      %sub3A_2049 = vector.broadcast %squeeze3A_2025 : f32 to vector<16xf32>
      %sub3A_2050 = arith.subf %get3A_2048, %sub3A_2049 : vector<16xf32>
      %mul3A_2051 = arith.mulf %sub3A_2050, %sub3A_2050 : vector<16xf32>
      %add3A_2052 = arith.addf %add3A_1978, %mul3A_2051 : vector<16xf32>
      %get3A_2053 = arith.constant 26 : i32
      %get3A_2054 = arith.index_cast %get3A_2053 : i32 to index
      %get3A_2055 = arith.constant 48 : index
      %get3A_2056 = tpu.vector_load %arg5[%get3A_2054, %get3A_2055] {strides = array<i32>} : memref<32x128xf32, #tpu.memory_space<vmem>>, vector<1x16xf32>,
      %get3A_2057 = vector.shape_cast %get3A_2056 : vector<1x16xf32> to vector<16xf32>
      %sub3A_2058 = vector.broadcast %squeeze3A_2025 : f32 to vector<16xf32>
      %sub3A_2059 = arith.subf %get3A_2057, %sub3A_2058 : vector<16xf32>
      %mul3A_2060 = arith.mulf %sub3A_2059, %sub3A_2059 : vector<16xf32>
      %add3A_2061 = arith.addf %add3A_1987, %mul3A_2060 : vector<16xf32>
      %get3A_2062 = arith.constant 26 : i32
      %get3A_2063 = arith.index_cast %get3A_2062 : i32 to index
      %get3A_2064 = arith.constant 64 : index
      %get3A_2065 = tpu.vector_load %arg5[%get3A_2063, %get3A_2064] {strides = array<i32>} : memref<32x128xf32, #tpu.memory_space<vmem>>, vector<1x16xf32>,
      %get3A_2066 = vector.shape_cast %get3A_2065 : vector<1x16xf32> to vector<16xf32>
      %sub3A_2067 = vector.broadcast %squeeze3A_2025 : f32 to vector<16xf32>
      %sub3A_2068 = arith.subf %get3A_2066, %sub3A_2067 : vector<16xf32>
      %mul3A_2069 = arith.mulf %sub3A_2068, %sub3A_2068 : vector<16xf32>
      %add3A_2070 = arith.addf %add3A_1996, %mul3A_2069 : vector<16xf32>
      %get3A_2071 = arith.constant 26 : i32
      %get3A_2072 = arith.index_cast %get3A_2071 : i32 to index
      %get3A_2073 = arith.constant 80 : index
      %get3A_2074 = tpu.vector_load %arg5[%get3A_2072, %get3A_2073] {strides = array<i32>} : memref<32x128xf32, #tpu.memory_space<vmem>>, vector<1x16xf32>,
      %get3A_2075 = vector.shape_cast %get3A_2074 : vector<1x16xf32> to vector<16xf32>
      %sub3A_2076 = vector.broadcast %squeeze3A_2025 : f32 to vector<16xf32>
      %sub3A_2077 = arith.subf %get3A_2075, %sub3A_2076 : vector<16xf32>
      %mul3A_2078 = arith.mulf %sub3A_2077, %sub3A_2077 : vector<16xf32>
      %add3A_2079 = arith.addf %add3A_2005, %mul3A_2078 : vector<16xf32>
      %get3A_2080 = arith.constant 26 : i32
      %get3A_2081 = arith.index_cast %get3A_2080 : i32 to index
      %get3A_2082 = arith.constant 96 : index
      %get3A_2083 = tpu.vector_load %arg5[%get3A_2081, %get3A_2082] {strides = array<i32>} : memref<32x128xf32, #tpu.memory_space<vmem>>, vector<1x16xf32>,
      %get3A_2084 = vector.shape_cast %get3A_2083 : vector<1x16xf32> to vector<16xf32>
      %sub3A_2085 = vector.broadcast %squeeze3A_2025 : f32 to vector<16xf32>
      %sub3A_2086 = arith.subf %get3A_2084, %sub3A_2085 : vector<16xf32>
      %mul3A_2087 = arith.mulf %sub3A_2086, %sub3A_2086 : vector<16xf32>
      %add3A_2088 = arith.addf %add3A_2014, %mul3A_2087 : vector<16xf32>
      %get3A_2089 = arith.constant 26 : i32
      %get3A_2090 = arith.index_cast %get3A_2089 : i32 to index
      %get3A_2091 = arith.constant 112 : index
      %get3A_2092 = tpu.vector_load %arg5[%get3A_2090, %get3A_2091] {strides = array<i32>} : memref<32x128xf32, #tpu.memory_space<vmem>>, vector<1x16xf32>,
      %get3A_2093 = vector.shape_cast %get3A_2092 : vector<1x16xf32> to vector<16xf32>
      %sub3A_2094 = vector.broadcast %squeeze3A_2025 : f32 to vector<16xf32>
      %sub3A_2095 = arith.subf %get3A_2093, %sub3A_2094 : vector<16xf32>
      %mul3A_2096 = arith.mulf %sub3A_2095, %sub3A_2095 : vector<16xf32>
      %add3A_2097 = arith.addf %add3A_2023, %mul3A_2096 : vector<16xf32>
      %slice3A_2098 = vector.extract_strided_slice %get3A_85 {offsets = [11], sizes = [1], strides = [1]} : vector<16xf32> to vector<1xf32>
      %squeeze3A_2099 = vector.extract %slice3A_2098[0] : f32 from vector<1xf32>
      %get3A_2100 = arith.constant 27 : i32
      %get3A_2101 = arith.index_cast %get3A_2100 : i32 to index
      %get3A_2102 = arith.constant 0 : index
      %get3A_2103 = tpu.vector_load %arg5[%get3A_2101, %get3A_2102] {strides = array<i32>} : memref<32x128xf32, #tpu.memory_space<vmem>>, vector<1x16xf32>,
      %get3A_2104 = vector.shape_cast %get3A_2103 : vector<1x16xf32> to vector<16xf32>
      %sub3A_2105 = vector.broadcast %squeeze3A_2099 : f32 to vector<16xf32>
      %sub3A_2106 = arith.subf %get3A_2104, %sub3A_2105 : vector<16xf32>
      %mul3A_2107 = arith.mulf %sub3A_2106, %sub3A_2106 : vector<16xf32>
      %add3A_2108 = arith.addf %add3A_2034, %mul3A_2107 : vector<16xf32>
      %get3A_2109 = arith.constant 27 : i32
      %get3A_2110 = arith.index_cast %get3A_2109 : i32 to index
      %get3A_2111 = arith.constant 16 : index
      %get3A_2112 = tpu.vector_load %arg5[%get3A_2110, %get3A_2111] {strides = array<i32>} : memref<32x128xf32, #tpu.memory_space<vmem>>, vector<1x16xf32>,
      %get3A_2113 = vector.shape_cast %get3A_2112 : vector<1x16xf32> to vector<16xf32>
      %sub3A_2114 = vector.broadcast %squeeze3A_2099 : f32 to vector<16xf32>
      %sub3A_2115 = arith.subf %get3A_2113, %sub3A_2114 : vector<16xf32>
      %mul3A_2116 = arith.mulf %sub3A_2115, %sub3A_2115 : vector<16xf32>
      %add3A_2117 = arith.addf %add3A_2043, %mul3A_2116 : vector<16xf32>
      %get3A_2118 = arith.constant 27 : i32
      %get3A_2119 = arith.index_cast %get3A_2118 : i32 to index
      %get3A_2120 = arith.constant 32 : index
      %get3A_2121 = tpu.vector_load %arg5[%get3A_2119, %get3A_2120] {strides = array<i32>} : memref<32x128xf32, #tpu.memory_space<vmem>>, vector<1x16xf32>,
      %get3A_2122 = vector.shape_cast %get3A_2121 : vector<1x16xf32> to vector<16xf32>
      %sub3A_2123 = vector.broadcast %squeeze3A_2099 : f32 to vector<16xf32>
      %sub3A_2124 = arith.subf %get3A_2122, %sub3A_2123 : vector<16xf32>
      %mul3A_2125 = arith.mulf %sub3A_2124, %sub3A_2124 : vector<16xf32>
      %add3A_2126 = arith.addf %add3A_2052, %mul3A_2125 : vector<16xf32>
      %get3A_2127 = arith.constant 27 : i32
      %get3A_2128 = arith.index_cast %get3A_2127 : i32 to index
      %get3A_2129 = arith.constant 48 : index
      %get3A_2130 = tpu.vector_load %arg5[%get3A_2128, %get3A_2129] {strides = array<i32>} : memref<32x128xf32, #tpu.memory_space<vmem>>, vector<1x16xf32>,
      %get3A_2131 = vector.shape_cast %get3A_2130 : vector<1x16xf32> to vector<16xf32>
      %sub3A_2132 = vector.broadcast %squeeze3A_2099 : f32 to vector<16xf32>
      %sub3A_2133 = arith.subf %get3A_2131, %sub3A_2132 : vector<16xf32>
      %mul3A_2134 = arith.mulf %sub3A_2133, %sub3A_2133 : vector<16xf32>
      %add3A_2135 = arith.addf %add3A_2061, %mul3A_2134 : vector<16xf32>
      %get3A_2136 = arith.constant 27 : i32
      %get3A_2137 = arith.index_cast %get3A_2136 : i32 to index
      %get3A_2138 = arith.constant 64 : index
      %get3A_2139 = tpu.vector_load %arg5[%get3A_2137, %get3A_2138] {strides = array<i32>} : memref<32x128xf32, #tpu.memory_space<vmem>>, vector<1x16xf32>,
      %get3A_2140 = vector.shape_cast %get3A_2139 : vector<1x16xf32> to vector<16xf32>
      %sub3A_2141 = vector.broadcast %squeeze3A_2099 : f32 to vector<16xf32>
      %sub3A_2142 = arith.subf %get3A_2140, %sub3A_2141 : vector<16xf32>
      %mul3A_2143 = arith.mulf %sub3A_2142, %sub3A_2142 : vector<16xf32>
      %add3A_2144 = arith.addf %add3A_2070, %mul3A_2143 : vector<16xf32>
      %get3A_2145 = arith.constant 27 : i32
      %get3A_2146 = arith.index_cast %get3A_2145 : i32 to index
      %get3A_2147 = arith.constant 80 : index
      %get3A_2148 = tpu.vector_load %arg5[%get3A_2146, %get3A_2147] {strides = array<i32>} : memref<32x128xf32, #tpu.memory_space<vmem>>, vector<1x16xf32>,
      %get3A_2149 = vector.shape_cast %get3A_2148 : vector<1x16xf32> to vector<16xf32>
      %sub3A_2150 = vector.broadcast %squeeze3A_2099 : f32 to vector<16xf32>
      %sub3A_2151 = arith.subf %get3A_2149, %sub3A_2150 : vector<16xf32>
      %mul3A_2152 = arith.mulf %sub3A_2151, %sub3A_2151 : vector<16xf32>
      %add3A_2153 = arith.addf %add3A_2079, %mul3A_2152 : vector<16xf32>
      %get3A_2154 = arith.constant 27 : i32
      %get3A_2155 = arith.index_cast %get3A_2154 : i32 to index
      %get3A_2156 = arith.constant 96 : index
      %get3A_2157 = tpu.vector_load %arg5[%get3A_2155, %get3A_2156] {strides = array<i32>} : memref<32x128xf32, #tpu.memory_space<vmem>>, vector<1x16xf32>,
      %get3A_2158 = vector.shape_cast %get3A_2157 : vector<1x16xf32> to vector<16xf32>
      %sub3A_2159 = vector.broadcast %squeeze3A_2099 : f32 to vector<16xf32>
      %sub3A_2160 = arith.subf %get3A_2158, %sub3A_2159 : vector<16xf32>
      %mul3A_2161 = arith.mulf %sub3A_2160, %sub3A_2160 : vector<16xf32>
      %add3A_2162 = arith.addf %add3A_2088, %mul3A_2161 : vector<16xf32>
      %get3A_2163 = arith.constant 27 : i32
      %get3A_2164 = arith.index_cast %get3A_2163 : i32 to index
      %get3A_2165 = arith.constant 112 : index
      %get3A_2166 = tpu.vector_load %arg5[%get3A_2164, %get3A_2165] {strides = array<i32>} : memref<32x128xf32, #tpu.memory_space<vmem>>, vector<1x16xf32>,
      %get3A_2167 = vector.shape_cast %get3A_2166 : vector<1x16xf32> to vector<16xf32>
      %sub3A_2168 = vector.broadcast %squeeze3A_2099 : f32 to vector<16xf32>
      %sub3A_2169 = arith.subf %get3A_2167, %sub3A_2168 : vector<16xf32>
      %mul3A_2170 = arith.mulf %sub3A_2169, %sub3A_2169 : vector<16xf32>
      %add3A_2171 = arith.addf %add3A_2097, %mul3A_2170 : vector<16xf32>
      %slice3A_2172 = vector.extract_strided_slice %get3A_85 {offsets = [12], sizes = [1], strides = [1]} : vector<16xf32> to vector<1xf32>
      %squeeze3A_2173 = vector.extract %slice3A_2172[0] : f32 from vector<1xf32>
      %get3A_2174 = arith.constant 28 : i32
      %get3A_2175 = arith.index_cast %get3A_2174 : i32 to index
      %get3A_2176 = arith.constant 0 : index
      %get3A_2177 = tpu.vector_load %arg5[%get3A_2175, %get3A_2176] {strides = array<i32>} : memref<32x128xf32, #tpu.memory_space<vmem>>, vector<1x16xf32>,
      %get3A_2178 = vector.shape_cast %get3A_2177 : vector<1x16xf32> to vector<16xf32>
      %sub3A_2179 = vector.broadcast %squeeze3A_2173 : f32 to vector<16xf32>
      %sub3A_2180 = arith.subf %get3A_2178, %sub3A_2179 : vector<16xf32>
      %mul3A_2181 = arith.mulf %sub3A_2180, %sub3A_2180 : vector<16xf32>
      %add3A_2182 = arith.addf %add3A_2108, %mul3A_2181 : vector<16xf32>
      %get3A_2183 = arith.constant 28 : i32
      %get3A_2184 = arith.index_cast %get3A_2183 : i32 to index
      %get3A_2185 = arith.constant 16 : index
      %get3A_2186 = tpu.vector_load %arg5[%get3A_2184, %get3A_2185] {strides = array<i32>} : memref<32x128xf32, #tpu.memory_space<vmem>>, vector<1x16xf32>,
      %get3A_2187 = vector.shape_cast %get3A_2186 : vector<1x16xf32> to vector<16xf32>
      %sub3A_2188 = vector.broadcast %squeeze3A_2173 : f32 to vector<16xf32>
      %sub3A_2189 = arith.subf %get3A_2187, %sub3A_2188 : vector<16xf32>
      %mul3A_2190 = arith.mulf %sub3A_2189, %sub3A_2189 : vector<16xf32>
      %add3A_2191 = arith.addf %add3A_2117, %mul3A_2190 : vector<16xf32>
      %get3A_2192 = arith.constant 28 : i32
      %get3A_2193 = arith.index_cast %get3A_2192 : i32 to index
      %get3A_2194 = arith.constant 32 : index
      %get3A_2195 = tpu.vector_load %arg5[%get3A_2193, %get3A_2194] {strides = array<i32>} : memref<32x128xf32, #tpu.memory_space<vmem>>, vector<1x16xf32>,
      %get3A_2196 = vector.shape_cast %get3A_2195 : vector<1x16xf32> to vector<16xf32>
      %sub3A_2197 = vector.broadcast %squeeze3A_2173 : f32 to vector<16xf32>
      %sub3A_2198 = arith.subf %get3A_2196, %sub3A_2197 : vector<16xf32>
      %mul3A_2199 = arith.mulf %sub3A_2198, %sub3A_2198 : vector<16xf32>
      %add3A_2200 = arith.addf %add3A_2126, %mul3A_2199 : vector<16xf32>
      %get3A_2201 = arith.constant 28 : i32
      %get3A_2202 = arith.index_cast %get3A_2201 : i32 to index
      %get3A_2203 = arith.constant 48 : index
      %get3A_2204 = tpu.vector_load %arg5[%get3A_2202, %get3A_2203] {strides = array<i32>} : memref<32x128xf32, #tpu.memory_space<vmem>>, vector<1x16xf32>,
      %get3A_2205 = vector.shape_cast %get3A_2204 : vector<1x16xf32> to vector<16xf32>
      %sub3A_2206 = vector.broadcast %squeeze3A_2173 : f32 to vector<16xf32>
      %sub3A_2207 = arith.subf %get3A_2205, %sub3A_2206 : vector<16xf32>
      %mul3A_2208 = arith.mulf %sub3A_2207, %sub3A_2207 : vector<16xf32>
      %add3A_2209 = arith.addf %add3A_2135, %mul3A_2208 : vector<16xf32>
      %get3A_2210 = arith.constant 28 : i32
      %get3A_2211 = arith.index_cast %get3A_2210 : i32 to index
      %get3A_2212 = arith.constant 64 : index
      %get3A_2213 = tpu.vector_load %arg5[%get3A_2211, %get3A_2212] {strides = array<i32>} : memref<32x128xf32, #tpu.memory_space<vmem>>, vector<1x16xf32>,
      %get3A_2214 = vector.shape_cast %get3A_2213 : vector<1x16xf32> to vector<16xf32>
      %sub3A_2215 = vector.broadcast %squeeze3A_2173 : f32 to vector<16xf32>
      %sub3A_2216 = arith.subf %get3A_2214, %sub3A_2215 : vector<16xf32>
      %mul3A_2217 = arith.mulf %sub3A_2216, %sub3A_2216 : vector<16xf32>
      %add3A_2218 = arith.addf %add3A_2144, %mul3A_2217 : vector<16xf32>
      %get3A_2219 = arith.constant 28 : i32
      %get3A_2220 = arith.index_cast %get3A_2219 : i32 to index
      %get3A_2221 = arith.constant 80 : index
      %get3A_2222 = tpu.vector_load %arg5[%get3A_2220, %get3A_2221] {strides = array<i32>} : memref<32x128xf32, #tpu.memory_space<vmem>>, vector<1x16xf32>,
      %get3A_2223 = vector.shape_cast %get3A_2222 : vector<1x16xf32> to vector<16xf32>
      %sub3A_2224 = vector.broadcast %squeeze3A_2173 : f32 to vector<16xf32>
      %sub3A_2225 = arith.subf %get3A_2223, %sub3A_2224 : vector<16xf32>
      %mul3A_2226 = arith.mulf %sub3A_2225, %sub3A_2225 : vector<16xf32>
      %add3A_2227 = arith.addf %add3A_2153, %mul3A_2226 : vector<16xf32>
      %get3A_2228 = arith.constant 28 : i32
      %get3A_2229 = arith.index_cast %get3A_2228 : i32 to index
      %get3A_2230 = arith.constant 96 : index
      %get3A_2231 = tpu.vector_load %arg5[%get3A_2229, %get3A_2230] {strides = array<i32>} : memref<32x128xf32, #tpu.memory_space<vmem>>, vector<1x16xf32>,
      %get3A_2232 = vector.shape_cast %get3A_2231 : vector<1x16xf32> to vector<16xf32>
      %sub3A_2233 = vector.broadcast %squeeze3A_2173 : f32 to vector<16xf32>
      %sub3A_2234 = arith.subf %get3A_2232, %sub3A_2233 : vector<16xf32>
      %mul3A_2235 = arith.mulf %sub3A_2234, %sub3A_2234 : vector<16xf32>
      %add3A_2236 = arith.addf %add3A_2162, %mul3A_2235 : vector<16xf32>
      %get3A_2237 = arith.constant 28 : i32
      %get3A_2238 = arith.index_cast %get3A_2237 : i32 to index
      %get3A_2239 = arith.constant 112 : index
      %get3A_2240 = tpu.vector_load %arg5[%get3A_2238, %get3A_2239] {strides = array<i32>} : memref<32x128xf32, #tpu.memory_space<vmem>>, vector<1x16xf32>,
      %get3A_2241 = vector.shape_cast %get3A_2240 : vector<1x16xf32> to vector<16xf32>
      %sub3A_2242 = vector.broadcast %squeeze3A_2173 : f32 to vector<16xf32>
      %sub3A_2243 = arith.subf %get3A_2241, %sub3A_2242 : vector<16xf32>
      %mul3A_2244 = arith.mulf %sub3A_2243, %sub3A_2243 : vector<16xf32>
      %add3A_2245 = arith.addf %add3A_2171, %mul3A_2244 : vector<16xf32>
      %slice3A_2246 = vector.extract_strided_slice %get3A_85 {offsets = [13], sizes = [1], strides = [1]} : vector<16xf32> to vector<1xf32>
      %squeeze3A_2247 = vector.extract %slice3A_2246[0] : f32 from vector<1xf32>
      %get3A_2248 = arith.constant 29 : i32
      %get3A_2249 = arith.index_cast %get3A_2248 : i32 to index
      %get3A_2250 = arith.constant 0 : index
      %get3A_2251 = tpu.vector_load %arg5[%get3A_2249, %get3A_2250] {strides = array<i32>} : memref<32x128xf32, #tpu.memory_space<vmem>>, vector<1x16xf32>,
      %get3A_2252 = vector.shape_cast %get3A_2251 : vector<1x16xf32> to vector<16xf32>
      %sub3A_2253 = vector.broadcast %squeeze3A_2247 : f32 to vector<16xf32>
      %sub3A_2254 = arith.subf %get3A_2252, %sub3A_2253 : vector<16xf32>
      %mul3A_2255 = arith.mulf %sub3A_2254, %sub3A_2254 : vector<16xf32>
      %add3A_2256 = arith.addf %add3A_2182, %mul3A_2255 : vector<16xf32>
      %get3A_2257 = arith.constant 29 : i32
      %get3A_2258 = arith.index_cast %get3A_2257 : i32 to index
      %get3A_2259 = arith.constant 16 : index
      %get3A_2260 = tpu.vector_load %arg5[%get3A_2258, %get3A_2259] {strides = array<i32>} : memref<32x128xf32, #tpu.memory_space<vmem>>, vector<1x16xf32>,
      %get3A_2261 = vector.shape_cast %get3A_2260 : vector<1x16xf32> to vector<16xf32>
      %sub3A_2262 = vector.broadcast %squeeze3A_2247 : f32 to vector<16xf32>
      %sub3A_2263 = arith.subf %get3A_2261, %sub3A_2262 : vector<16xf32>
      %mul3A_2264 = arith.mulf %sub3A_2263, %sub3A_2263 : vector<16xf32>
      %add3A_2265 = arith.addf %add3A_2191, %mul3A_2264 : vector<16xf32>
      %get3A_2266 = arith.constant 29 : i32
      %get3A_2267 = arith.index_cast %get3A_2266 : i32 to index
      %get3A_2268 = arith.constant 32 : index
      %get3A_2269 = tpu.vector_load %arg5[%get3A_2267, %get3A_2268] {strides = array<i32>} : memref<32x128xf32, #tpu.memory_space<vmem>>, vector<1x16xf32>,
      %get3A_2270 = vector.shape_cast %get3A_2269 : vector<1x16xf32> to vector<16xf32>
      %sub3A_2271 = vector.broadcast %squeeze3A_2247 : f32 to vector<16xf32>
      %sub3A_2272 = arith.subf %get3A_2270, %sub3A_2271 : vector<16xf32>
      %mul3A_2273 = arith.mulf %sub3A_2272, %sub3A_2272 : vector<16xf32>
      %add3A_2274 = arith.addf %add3A_2200, %mul3A_2273 : vector<16xf32>
      %get3A_2275 = arith.constant 29 : i32
      %get3A_2276 = arith.index_cast %get3A_2275 : i32 to index
      %get3A_2277 = arith.constant 48 : index
      %get3A_2278 = tpu.vector_load %arg5[%get3A_2276, %get3A_2277] {strides = array<i32>} : memref<32x128xf32, #tpu.memory_space<vmem>>, vector<1x16xf32>,
      %get3A_2279 = vector.shape_cast %get3A_2278 : vector<1x16xf32> to vector<16xf32>
      %sub3A_2280 = vector.broadcast %squeeze3A_2247 : f32 to vector<16xf32>
      %sub3A_2281 = arith.subf %get3A_2279, %sub3A_2280 : vector<16xf32>
      %mul3A_2282 = arith.mulf %sub3A_2281, %sub3A_2281 : vector<16xf32>
      %add3A_2283 = arith.addf %add3A_2209, %mul3A_2282 : vector<16xf32>
      %get3A_2284 = arith.constant 29 : i32
      %get3A_2285 = arith.index_cast %get3A_2284 : i32 to index
      %get3A_2286 = arith.constant 64 : index
      %get3A_2287 = tpu.vector_load %arg5[%get3A_2285, %get3A_2286] {strides = array<i32>} : memref<32x128xf32, #tpu.memory_space<vmem>>, vector<1x16xf32>,
      %get3A_2288 = vector.shape_cast %get3A_2287 : vector<1x16xf32> to vector<16xf32>
      %sub3A_2289 = vector.broadcast %squeeze3A_2247 : f32 to vector<16xf32>
      %sub3A_2290 = arith.subf %get3A_2288, %sub3A_2289 : vector<16xf32>
      %mul3A_2291 = arith.mulf %sub3A_2290, %sub3A_2290 : vector<16xf32>
      %add3A_2292 = arith.addf %add3A_2218, %mul3A_2291 : vector<16xf32>
      %get3A_2293 = arith.constant 29 : i32
      %get3A_2294 = arith.index_cast %get3A_2293 : i32 to index
      %get3A_2295 = arith.constant 80 : index
      %get3A_2296 = tpu.vector_load %arg5[%get3A_2294, %get3A_2295] {strides = array<i32>} : memref<32x128xf32, #tpu.memory_space<vmem>>, vector<1x16xf32>,
      %get3A_2297 = vector.shape_cast %get3A_2296 : vector<1x16xf32> to vector<16xf32>
      %sub3A_2298 = vector.broadcast %squeeze3A_2247 : f32 to vector<16xf32>
      %sub3A_2299 = arith.subf %get3A_2297, %sub3A_2298 : vector<16xf32>
      %mul3A_2300 = arith.mulf %sub3A_2299, %sub3A_2299 : vector<16xf32>
      %add3A_2301 = arith.addf %add3A_2227, %mul3A_2300 : vector<16xf32>
      %get3A_2302 = arith.constant 29 : i32
      %get3A_2303 = arith.index_cast %get3A_2302 : i32 to index
      %get3A_2304 = arith.constant 96 : index
      %get3A_2305 = tpu.vector_load %arg5[%get3A_2303, %get3A_2304] {strides = array<i32>} : memref<32x128xf32, #tpu.memory_space<vmem>>, vector<1x16xf32>,
      %get3A_2306 = vector.shape_cast %get3A_2305 : vector<1x16xf32> to vector<16xf32>
      %sub3A_2307 = vector.broadcast %squeeze3A_2247 : f32 to vector<16xf32>
      %sub3A_2308 = arith.subf %get3A_2306, %sub3A_2307 : vector<16xf32>
      %mul3A_2309 = arith.mulf %sub3A_2308, %sub3A_2308 : vector<16xf32>
      %add3A_2310 = arith.addf %add3A_2236, %mul3A_2309 : vector<16xf32>
      %get3A_2311 = arith.constant 29 : i32
      %get3A_2312 = arith.index_cast %get3A_2311 : i32 to index
      %get3A_2313 = arith.constant 112 : index
      %get3A_2314 = tpu.vector_load %arg5[%get3A_2312, %get3A_2313] {strides = array<i32>} : memref<32x128xf32, #tpu.memory_space<vmem>>, vector<1x16xf32>,
      %get3A_2315 = vector.shape_cast %get3A_2314 : vector<1x16xf32> to vector<16xf32>
      %sub3A_2316 = vector.broadcast %squeeze3A_2247 : f32 to vector<16xf32>
      %sub3A_2317 = arith.subf %get3A_2315, %sub3A_2316 : vector<16xf32>
      %mul3A_2318 = arith.mulf %sub3A_2317, %sub3A_2317 : vector<16xf32>
      %add3A_2319 = arith.addf %add3A_2245, %mul3A_2318 : vector<16xf32>
      %slice3A_2320 = vector.extract_strided_slice %get3A_85 {offsets = [14], sizes = [1], strides = [1]} : vector<16xf32> to vector<1xf32>
      %squeeze3A_2321 = vector.extract %slice3A_2320[0] : f32 from vector<1xf32>
      %get3A_2322 = arith.constant 30 : i32
      %get3A_2323 = arith.index_cast %get3A_2322 : i32 to index
      %get3A_2324 = arith.constant 0 : index
      %get3A_2325 = tpu.vector_load %arg5[%get3A_2323, %get3A_2324] {strides = array<i32>} : memref<32x128xf32, #tpu.memory_space<vmem>>, vector<1x16xf32>,
      %get3A_2326 = vector.shape_cast %get3A_2325 : vector<1x16xf32> to vector<16xf32>
      %sub3A_2327 = vector.broadcast %squeeze3A_2321 : f32 to vector<16xf32>
      %sub3A_2328 = arith.subf %get3A_2326, %sub3A_2327 : vector<16xf32>
      %mul3A_2329 = arith.mulf %sub3A_2328, %sub3A_2328 : vector<16xf32>
      %add3A_2330 = arith.addf %add3A_2256, %mul3A_2329 : vector<16xf32>
      %get3A_2331 = arith.constant 30 : i32
      %get3A_2332 = arith.index_cast %get3A_2331 : i32 to index
      %get3A_2333 = arith.constant 16 : index
      %get3A_2334 = tpu.vector_load %arg5[%get3A_2332, %get3A_2333] {strides = array<i32>} : memref<32x128xf32, #tpu.memory_space<vmem>>, vector<1x16xf32>,
      %get3A_2335 = vector.shape_cast %get3A_2334 : vector<1x16xf32> to vector<16xf32>
      %sub3A_2336 = vector.broadcast %squeeze3A_2321 : f32 to vector<16xf32>
      %sub3A_2337 = arith.subf %get3A_2335, %sub3A_2336 : vector<16xf32>
      %mul3A_2338 = arith.mulf %sub3A_2337, %sub3A_2337 : vector<16xf32>
      %add3A_2339 = arith.addf %add3A_2265, %mul3A_2338 : vector<16xf32>
      %get3A_2340 = arith.constant 30 : i32
      %get3A_2341 = arith.index_cast %get3A_2340 : i32 to index
      %get3A_2342 = arith.constant 32 : index
      %get3A_2343 = tpu.vector_load %arg5[%get3A_2341, %get3A_2342] {strides = array<i32>} : memref<32x128xf32, #tpu.memory_space<vmem>>, vector<1x16xf32>,
      %get3A_2344 = vector.shape_cast %get3A_2343 : vector<1x16xf32> to vector<16xf32>
      %sub3A_2345 = vector.broadcast %squeeze3A_2321 : f32 to vector<16xf32>
      %sub3A_2346 = arith.subf %get3A_2344, %sub3A_2345 : vector<16xf32>
      %mul3A_2347 = arith.mulf %sub3A_2346, %sub3A_2346 : vector<16xf32>
      %add3A_2348 = arith.addf %add3A_2274, %mul3A_2347 : vector<16xf32>
      %get3A_2349 = arith.constant 30 : i32
      %get3A_2350 = arith.index_cast %get3A_2349 : i32 to index
      %get3A_2351 = arith.constant 48 : index
      %get3A_2352 = tpu.vector_load %arg5[%get3A_2350, %get3A_2351] {strides = array<i32>} : memref<32x128xf32, #tpu.memory_space<vmem>>, vector<1x16xf32>,
      %get3A_2353 = vector.shape_cast %get3A_2352 : vector<1x16xf32> to vector<16xf32>
      %sub3A_2354 = vector.broadcast %squeeze3A_2321 : f32 to vector<16xf32>
      %sub3A_2355 = arith.subf %get3A_2353, %sub3A_2354 : vector<16xf32>
      %mul3A_2356 = arith.mulf %sub3A_2355, %sub3A_2355 : vector<16xf32>
      %add3A_2357 = arith.addf %add3A_2283, %mul3A_2356 : vector<16xf32>
      %get3A_2358 = arith.constant 30 : i32
      %get3A_2359 = arith.index_cast %get3A_2358 : i32 to index
      %get3A_2360 = arith.constant 64 : index
      %get3A_2361 = tpu.vector_load %arg5[%get3A_2359, %get3A_2360] {strides = array<i32>} : memref<32x128xf32, #tpu.memory_space<vmem>>, vector<1x16xf32>,
      %get3A_2362 = vector.shape_cast %get3A_2361 : vector<1x16xf32> to vector<16xf32>
      %sub3A_2363 = vector.broadcast %squeeze3A_2321 : f32 to vector<16xf32>
      %sub3A_2364 = arith.subf %get3A_2362, %sub3A_2363 : vector<16xf32>
      %mul3A_2365 = arith.mulf %sub3A_2364, %sub3A_2364 : vector<16xf32>
      %add3A_2366 = arith.addf %add3A_2292, %mul3A_2365 : vector<16xf32>
      %get3A_2367 = arith.constant 30 : i32
      %get3A_2368 = arith.index_cast %get3A_2367 : i32 to index
      %get3A_2369 = arith.constant 80 : index
      %get3A_2370 = tpu.vector_load %arg5[%get3A_2368, %get3A_2369] {strides = array<i32>} : memref<32x128xf32, #tpu.memory_space<vmem>>, vector<1x16xf32>,
      %get3A_2371 = vector.shape_cast %get3A_2370 : vector<1x16xf32> to vector<16xf32>
      %sub3A_2372 = vector.broadcast %squeeze3A_2321 : f32 to vector<16xf32>
      %sub3A_2373 = arith.subf %get3A_2371, %sub3A_2372 : vector<16xf32>
      %mul3A_2374 = arith.mulf %sub3A_2373, %sub3A_2373 : vector<16xf32>
      %add3A_2375 = arith.addf %add3A_2301, %mul3A_2374 : vector<16xf32>
      %get3A_2376 = arith.constant 30 : i32
      %get3A_2377 = arith.index_cast %get3A_2376 : i32 to index
      %get3A_2378 = arith.constant 96 : index
      %get3A_2379 = tpu.vector_load %arg5[%get3A_2377, %get3A_2378] {strides = array<i32>} : memref<32x128xf32, #tpu.memory_space<vmem>>, vector<1x16xf32>,
      %get3A_2380 = vector.shape_cast %get3A_2379 : vector<1x16xf32> to vector<16xf32>
      %sub3A_2381 = vector.broadcast %squeeze3A_2321 : f32 to vector<16xf32>
      %sub3A_2382 = arith.subf %get3A_2380, %sub3A_2381 : vector<16xf32>
      %mul3A_2383 = arith.mulf %sub3A_2382, %sub3A_2382 : vector<16xf32>
      %add3A_2384 = arith.addf %add3A_2310, %mul3A_2383 : vector<16xf32>
      %get3A_2385 = arith.constant 30 : i32
      %get3A_2386 = arith.index_cast %get3A_2385 : i32 to index
      %get3A_2387 = arith.constant 112 : index
      %get3A_2388 = tpu.vector_load %arg5[%get3A_2386, %get3A_2387] {strides = array<i32>} : memref<32x128xf32, #tpu.memory_space<vmem>>, vector<1x16xf32>,
      %get3A_2389 = vector.shape_cast %get3A_2388 : vector<1x16xf32> to vector<16xf32>
      %sub3A_2390 = vector.broadcast %squeeze3A_2321 : f32 to vector<16xf32>
      %sub3A_2391 = arith.subf %get3A_2389, %sub3A_2390 : vector<16xf32>
      %mul3A_2392 = arith.mulf %sub3A_2391, %sub3A_2391 : vector<16xf32>
      %add3A_2393 = arith.addf %add3A_2319, %mul3A_2392 : vector<16xf32>
      %slice3A_2394 = vector.extract_strided_slice %get3A_85 {offsets = [15], sizes = [1], strides = [1]} : vector<16xf32> to vector<1xf32>
      %squeeze3A_2395 = vector.extract %slice3A_2394[0] : f32 from vector<1xf32>
      %get3A_2396 = arith.constant 31 : i32
      %get3A_2397 = arith.index_cast %get3A_2396 : i32 to index
      %get3A_2398 = arith.constant 0 : index
      %get3A_2399 = tpu.vector_load %arg5[%get3A_2397, %get3A_2398] {strides = array<i32>} : memref<32x128xf32, #tpu.memory_space<vmem>>, vector<1x16xf32>,
      %get3A_2400 = vector.shape_cast %get3A_2399 : vector<1x16xf32> to vector<16xf32>
      %sub3A_2401 = vector.broadcast %squeeze3A_2395 : f32 to vector<16xf32>
      %sub3A_2402 = arith.subf %get3A_2400, %sub3A_2401 : vector<16xf32>
      %mul3A_2403 = arith.mulf %sub3A_2402, %sub3A_2402 : vector<16xf32>
      %add3A_2404 = arith.addf %add3A_2330, %mul3A_2403 : vector<16xf32>
      %get3A_2405 = arith.constant 31 : i32
      %get3A_2406 = arith.index_cast %get3A_2405 : i32 to index
      %get3A_2407 = arith.constant 16 : index
      %get3A_2408 = tpu.vector_load %arg5[%get3A_2406, %get3A_2407] {strides = array<i32>} : memref<32x128xf32, #tpu.memory_space<vmem>>, vector<1x16xf32>,
      %get3A_2409 = vector.shape_cast %get3A_2408 : vector<1x16xf32> to vector<16xf32>
      %sub3A_2410 = vector.broadcast %squeeze3A_2395 : f32 to vector<16xf32>
      %sub3A_2411 = arith.subf %get3A_2409, %sub3A_2410 : vector<16xf32>
      %mul3A_2412 = arith.mulf %sub3A_2411, %sub3A_2411 : vector<16xf32>
      %add3A_2413 = arith.addf %add3A_2339, %mul3A_2412 : vector<16xf32>
      %get3A_2414 = arith.constant 31 : i32
      %get3A_2415 = arith.index_cast %get3A_2414 : i32 to index
      %get3A_2416 = arith.constant 32 : index
      %get3A_2417 = tpu.vector_load %arg5[%get3A_2415, %get3A_2416] {strides = array<i32>} : memref<32x128xf32, #tpu.memory_space<vmem>>, vector<1x16xf32>,
      %get3A_2418 = vector.shape_cast %get3A_2417 : vector<1x16xf32> to vector<16xf32>
      %sub3A_2419 = vector.broadcast %squeeze3A_2395 : f32 to vector<16xf32>
      %sub3A_2420 = arith.subf %get3A_2418, %sub3A_2419 : vector<16xf32>
      %mul3A_2421 = arith.mulf %sub3A_2420, %sub3A_2420 : vector<16xf32>
      %add3A_2422 = arith.addf %add3A_2348, %mul3A_2421 : vector<16xf32>
      %get3A_2423 = arith.constant 31 : i32
      %get3A_2424 = arith.index_cast %get3A_2423 : i32 to index
      %get3A_2425 = arith.constant 48 : index
      %get3A_2426 = tpu.vector_load %arg5[%get3A_2424, %get3A_2425] {strides = array<i32>} : memref<32x128xf32, #tpu.memory_space<vmem>>, vector<1x16xf32>,
      %get3A_2427 = vector.shape_cast %get3A_2426 : vector<1x16xf32> to vector<16xf32>
      %sub3A_2428 = vector.broadcast %squeeze3A_2395 : f32 to vector<16xf32>
      %sub3A_2429 = arith.subf %get3A_2427, %sub3A_2428 : vector<16xf32>
      %mul3A_2430 = arith.mulf %sub3A_2429, %sub3A_2429 : vector<16xf32>
      %add3A_2431 = arith.addf %add3A_2357, %mul3A_2430 : vector<16xf32>
      %get3A_2432 = arith.constant 31 : i32
      %get3A_2433 = arith.index_cast %get3A_2432 : i32 to index
      %get3A_2434 = arith.constant 64 : index
      %get3A_2435 = tpu.vector_load %arg5[%get3A_2433, %get3A_2434] {strides = array<i32>} : memref<32x128xf32, #tpu.memory_space<vmem>>, vector<1x16xf32>,
      %get3A_2436 = vector.shape_cast %get3A_2435 : vector<1x16xf32> to vector<16xf32>
      %sub3A_2437 = vector.broadcast %squeeze3A_2395 : f32 to vector<16xf32>
      %sub3A_2438 = arith.subf %get3A_2436, %sub3A_2437 : vector<16xf32>
      %mul3A_2439 = arith.mulf %sub3A_2438, %sub3A_2438 : vector<16xf32>
      %add3A_2440 = arith.addf %add3A_2366, %mul3A_2439 : vector<16xf32>
      %get3A_2441 = arith.constant 31 : i32
      %get3A_2442 = arith.index_cast %get3A_2441 : i32 to index
      %get3A_2443 = arith.constant 80 : index
      %get3A_2444 = tpu.vector_load %arg5[%get3A_2442, %get3A_2443] {strides = array<i32>} : memref<32x128xf32, #tpu.memory_space<vmem>>, vector<1x16xf32>,
      %get3A_2445 = vector.shape_cast %get3A_2444 : vector<1x16xf32> to vector<16xf32>
      %sub3A_2446 = vector.broadcast %squeeze3A_2395 : f32 to vector<16xf32>
      %sub3A_2447 = arith.subf %get3A_2445, %sub3A_2446 : vector<16xf32>
      %mul3A_2448 = arith.mulf %sub3A_2447, %sub3A_2447 : vector<16xf32>
      %add3A_2449 = arith.addf %add3A_2375, %mul3A_2448 : vector<16xf32>
      %get3A_2450 = arith.constant 31 : i32
      %get3A_2451 = arith.index_cast %get3A_2450 : i32 to index
      %get3A_2452 = arith.constant 96 : index
      %get3A_2453 = tpu.vector_load %arg5[%get3A_2451, %get3A_2452] {strides = array<i32>} : memref<32x128xf32, #tpu.memory_space<vmem>>, vector<1x16xf32>,
      %get3A_2454 = vector.shape_cast %get3A_2453 : vector<1x16xf32> to vector<16xf32>
      %sub3A_2455 = vector.broadcast %squeeze3A_2395 : f32 to vector<16xf32>
      %sub3A_2456 = arith.subf %get3A_2454, %sub3A_2455 : vector<16xf32>
      %mul3A_2457 = arith.mulf %sub3A_2456, %sub3A_2456 : vector<16xf32>
      %add3A_2458 = arith.addf %add3A_2384, %mul3A_2457 : vector<16xf32>
      %get3A_2459 = arith.constant 31 : i32
      %get3A_2460 = arith.index_cast %get3A_2459 : i32 to index
      %get3A_2461 = arith.constant 112 : index
      %get3A_2462 = tpu.vector_load %arg5[%get3A_2460, %get3A_2461] {strides = array<i32>} : memref<32x128xf32, #tpu.memory_space<vmem>>, vector<1x16xf32>,
      %get3A_2463 = vector.shape_cast %get3A_2462 : vector<1x16xf32> to vector<16xf32>
      %sub3A_2464 = vector.broadcast %squeeze3A_2395 : f32 to vector<16xf32>
      %sub3A_2465 = arith.subf %get3A_2463, %sub3A_2464 : vector<16xf32>
      %mul3A_2466 = arith.mulf %sub3A_2465, %sub3A_2465 : vector<16xf32>
      %add3A_2467 = arith.addf %add3A_2393, %mul3A_2466 : vector<16xf32>
      %min3A = arith.minimumf %scan3A_71, %add3A_2404 : vector<16xf32>
      %min3A_2468 = arith.minimumf %scan3A_72, %add3A_2413 : vector<16xf32>
      %min3A_2469 = arith.minimumf %scan3A_73, %add3A_2422 : vector<16xf32>
      %min3A_2470 = arith.minimumf %scan3A_74, %add3A_2431 : vector<16xf32>
      %min3A_2471 = arith.minimumf %scan3A_75, %add3A_2440 : vector<16xf32>
      %min3A_2472 = arith.minimumf %scan3A_76, %add3A_2449 : vector<16xf32>
      %min3A_2473 = arith.minimumf %scan3A_77, %add3A_2458 : vector<16xf32>
      %min3A_2474 = arith.minimumf %scan3A_78, %add3A_2467 : vector<16xf32>
      scf.yield %min3A, %min3A_2468, %min3A_2469, %min3A_2470, %min3A_2471, %min3A_2472, %min3A_2473, %min3A_2474 : vector<16xf32>, vector<16xf32>, vector<16xf32>, vector<16xf32>, vector<16xf32>, vector<16xf32>, vector<16xf32>, vector<16xf32>
    }
    %scan3A_38 = arith.constant 512 : i32
    %swap3A = arith.constant 0 : index
    %swap3A_39 = tpu.vector_load %arg7[%swap3A] {strides = array<i32>} : memref<128xf32, #tpu.memory_space<vmem>>, vector<16xf32>,
    %swap3A_40 = vector.shape_cast %swap3A_39 : vector<16xf32> to vector<16xf32>
    %swap3A_41 = vector.shape_cast %scan3A_37#0 : vector<16xf32> to vector<16xf32>
    tpu.vector_store %arg7[%swap3A], %swap3A_41 {strides = array<i32>} : memref<128xf32, #tpu.memory_space<vmem>>, vector<16xf32>,
    %swap3A_42 = arith.constant 16 : index
    %swap3A_43 = tpu.vector_load %arg7[%swap3A_42] {strides = array<i32>} : memref<128xf32, #tpu.memory_space<vmem>>, vector<16xf32>,
    %swap3A_44 = vector.shape_cast %swap3A_43 : vector<16xf32> to vector<16xf32>
    %swap3A_45 = vector.shape_cast %scan3A_37#1 : vector<16xf32> to vector<16xf32>
    tpu.vector_store %arg7[%swap3A_42], %swap3A_45 {strides = array<i32>} : memref<128xf32, #tpu.memory_space<vmem>>, vector<16xf32>,
    %swap3A_46 = arith.constant 32 : index
    %swap3A_47 = tpu.vector_load %arg7[%swap3A_46] {strides = array<i32>} : memref<128xf32, #tpu.memory_space<vmem>>, vector<16xf32>,
    %swap3A_48 = vector.shape_cast %swap3A_47 : vector<16xf32> to vector<16xf32>
    %swap3A_49 = vector.shape_cast %scan3A_37#2 : vector<16xf32> to vector<16xf32>
    tpu.vector_store %arg7[%swap3A_46], %swap3A_49 {strides = array<i32>} : memref<128xf32, #tpu.memory_space<vmem>>, vector<16xf32>,
    %swap3A_50 = arith.constant 48 : index
    %swap3A_51 = tpu.vector_load %arg7[%swap3A_50] {strides = array<i32>} : memref<128xf32, #tpu.memory_space<vmem>>, vector<16xf32>,
    %swap3A_52 = vector.shape_cast %swap3A_51 : vector<16xf32> to vector<16xf32>
    %swap3A_53 = vector.shape_cast %scan3A_37#3 : vector<16xf32> to vector<16xf32>
    tpu.vector_store %arg7[%swap3A_50], %swap3A_53 {strides = array<i32>} : memref<128xf32, #tpu.memory_space<vmem>>, vector<16xf32>,
    %swap3A_54 = arith.constant 64 : index
    %swap3A_55 = tpu.vector_load %arg7[%swap3A_54] {strides = array<i32>} : memref<128xf32, #tpu.memory_space<vmem>>, vector<16xf32>,
    %swap3A_56 = vector.shape_cast %swap3A_55 : vector<16xf32> to vector<16xf32>
    %swap3A_57 = vector.shape_cast %scan3A_37#4 : vector<16xf32> to vector<16xf32>
    tpu.vector_store %arg7[%swap3A_54], %swap3A_57 {strides = array<i32>} : memref<128xf32, #tpu.memory_space<vmem>>, vector<16xf32>,
    %swap3A_58 = arith.constant 80 : index
    %swap3A_59 = tpu.vector_load %arg7[%swap3A_58] {strides = array<i32>} : memref<128xf32, #tpu.memory_space<vmem>>, vector<16xf32>,
    %swap3A_60 = vector.shape_cast %swap3A_59 : vector<16xf32> to vector<16xf32>
    %swap3A_61 = vector.shape_cast %scan3A_37#5 : vector<16xf32> to vector<16xf32>
    tpu.vector_store %arg7[%swap3A_58], %swap3A_61 {strides = array<i32>} : memref<128xf32, #tpu.memory_space<vmem>>, vector<16xf32>,
    %swap3A_62 = arith.constant 96 : index
    %swap3A_63 = tpu.vector_load %arg7[%swap3A_62] {strides = array<i32>} : memref<128xf32, #tpu.memory_space<vmem>>, vector<16xf32>,
    %swap3A_64 = vector.shape_cast %swap3A_63 : vector<16xf32> to vector<16xf32>
    %swap3A_65 = vector.shape_cast %scan3A_37#6 : vector<16xf32> to vector<16xf32>
    tpu.vector_store %arg7[%swap3A_62], %swap3A_65 {strides = array<i32>} : memref<128xf32, #tpu.memory_space<vmem>>, vector<16xf32>,
    %swap3A_66 = arith.constant 112 : index
    %swap3A_67 = tpu.vector_load %arg7[%swap3A_66] {strides = array<i32>} : memref<128xf32, #tpu.memory_space<vmem>>, vector<16xf32>,
    %swap3A_68 = vector.shape_cast %swap3A_67 : vector<16xf32> to vector<16xf32>
    %swap3A_69 = vector.shape_cast %scan3A_37#7 : vector<16xf32> to vector<16xf32>
    tpu.vector_store %arg7[%swap3A_66], %swap3A_69 {strides = array<i32>} : memref<128xf32, #tpu.memory_space<vmem>>, vector<16xf32>,
    "tpu.region"() ({
      %run_scoped3A = tpu.sem_alloc : memref<!tpu.dma_semaphore, #tpu.memory_space<semaphore_mem>>
      %dma_start3A = tpu.memref_slice %arg4[%select_n3A, %mul3A_32] : memref<4x1024xf32, #tpu.memory_space<hbm>> -> memref<1x128xf32, #tpu.memory_space<hbm>>
      %dma_start3A_70 = tpu.memref_squeeze %dma_start3A : memref<1x128xf32, #tpu.memory_space<hbm>> -> memref<128xf32, #tpu.memory_space<hbm>>
      %dma_start3A_71 = tpu.memref_slice %arg4[%select_n3A, %mul3A_32] : memref<4x1024xf32, #tpu.memory_space<hbm>> -> memref<1x128xf32, #tpu.memory_space<hbm>>
      %dma_start3A_72 = tpu.memref_squeeze %dma_start3A_71 : memref<1x128xf32, #tpu.memory_space<hbm>> -> memref<128xf32, #tpu.memory_space<hbm>>
      tpu.enqueue_dma source(%arg7 : memref<128xf32, #tpu.memory_space<vmem>>) target(%dma_start3A_72 : memref<128xf32, #tpu.memory_space<hbm>>) target_semaphore(%run_scoped3A : memref<!tpu.dma_semaphore, #tpu.memory_space<semaphore_mem>>)
      %dma_wait3A = tpu.memref_slice %arg4[%select_n3A, %mul3A_32] : memref<4x1024xf32, #tpu.memory_space<hbm>> -> memref<1x128xf32, #tpu.memory_space<hbm>>
      %dma_wait3A_73 = tpu.memref_squeeze %dma_wait3A : memref<1x128xf32, #tpu.memory_space<hbm>> -> memref<128xf32, #tpu.memory_space<hbm>>
      %dma_wait3A_74 = tpu.memref_slice %arg4[%select_n3A, %mul3A_32] : memref<4x1024xf32, #tpu.memory_space<hbm>> -> memref<1x128xf32, #tpu.memory_space<hbm>>
      %dma_wait3A_75 = tpu.memref_squeeze %dma_wait3A_74 : memref<1x128xf32, #tpu.memory_space<hbm>> -> memref<128xf32, #tpu.memory_space<hbm>>
      tpu.wait_dma2 semaphore(%run_scoped3A : memref<!tpu.dma_semaphore, #tpu.memory_space<semaphore_mem>>) src(%arg7 : memref<128xf32, #tpu.memory_space<vmem>>) dst(%dma_wait3A_75 : memref<128xf32, #tpu.memory_space<hbm>>)
      tpu.yield
    }) : () -> ()
    return
  }
}

</mosaic_0001>

<sc_bundles>
// kernel: kernel.3.cloned.1.call-start
scs
__scs_entry_jumppad:
0x0: {  	(pc) =	sbr.rel $0x88, $3  }
0x1: {  	(tag) =	ssettag $0x0;
	lr =	simm.s32 $0x1  }
0x2: {  	[smem:$0x3F9F] =	sst lr;
	_ =	strace $0xD0000000  }
0x3: {  	_ = 	snop  }
0x4: {  	_ = 	snop  }
0x5: {  	_ = 	snop  }
0x6: {  	_ = 	snop  }
0x7: {  	_ = 	snop  }
__scs_overlays_trampoline_lowered:
0x8: {  	[smem:$0x3FAE] =	sst s0  }
0x9: {  	[smem:$0x3FAF] =	sst s1  }
0xa: {  	[smem:$0x3FB0] =	sst s2  }
0xb: {  	[smem:$0x3FB1] =	sst s3  }
0xc: {  	[smem:$0x3FB2] =	sst s4  }
0xd: {  	[smem:$0x3FB3] =	sst s5  }
0xe: {  	[smem:$0x3FB4] =	sst s6  }
0xf: {  	[smem:$0x3FB5] =	sst s7  }
0x10: {  	[smem:$0x3FB6] =	sst s8  }
0x11: {  	[smem:$0x3FB7] =	sst s9;
	s0 =	simm.s32 @!p0 $0x0  }
0x12: {  	s1 =	sld [smem:$0x3F9D];
	s0 =	simm.s32 @p0 $0x1  }
0x13: {  	[smem:$0x3FB8] =	sst s0;
	s0 =	simm.s32 @!p1 $0x0  }
0x14: {  	s2 =	sld [smem:$0x3F9C];
	s0 =	simm.s32 @p1 $0x1  }
0x15: {  	[smem:$0x3FB9] =	sst s0;
	s0 =	simm.s32 @!p2 $0x0  }
0x16: {  	s3 =	sld [smem:$0x3FDB];
	s0 =	simm.s32 @p2 $0x1  }
0x17: {  	s4 =	simm.s32 $0x1BF5;
	[smem:$0x3FBB] =	sst s0  }
0x18: {  	s0 =	sld [smem:$0x3F9E];
	_ =	swait.ge [sflag:s4], $0x0  }
0x19: {  	s7 =	sld [smem:$0x3F9F]  }
0x1a: {  	s8 =	sadd.s32 $0xFFFFE003, lr  }
0x1b: {  	s9 =	sadd.s32 $0xFFFFFEF7, lr;
	s5 =	simm.s32 $0xFFFFFFFF;
	p2 =	slt.u32 s8, $0xFFFFF086  }
0x1c: {  	p1 =	slt.u32 s9, $0xF7A;
	s5 =	simm.s32 @!p2 $0x0  }
0x1d: {  	s5 =	simm.s32 @p1 $0x1;
	p0 =	seq.s32 s7, s2  }
0x1e: {  	s7 =	smul.u32 @!p0 $0xF7A, s2;
	p2 =	seq.s32 @!p0 s5, $0x0  }
0x1f: {  	s9 =	smul.u32 $0xF7A, s1;
	s8 =	simm.s32 @!p0 $0x1BF5;
	p2 =	por !p2, p0  }
0x20: {  	[sflag:s8] =	ssyncset.s32 @!p0 $0xFFFFF086;
	s6 =	sadd.s32 @!p0 s3, s7;
	s7 =	simm.s32 @!p0 $0x108  }
0x21: {  	s3 =	sadd.s32 s3, s9;
	s6 =	sadd.s32 @!p0 $0x88, s6;
	s7 =	simm.s32 @p2 $0x1082  }
0x22: {  	[simem:s7], [sflag:s8] =	dma.local @!p0 [hbm:s6], $0xF7A  }
0x23: {  	s9 =	sor.u32 $0xD0000000, s2;
	s6 =	simm.s32 $0x108;
	_ =	swait.ge @!p0 [sflag:s8], $0x0  }
0x24: {  	s3 =	sadd.s32 $0x88, s3;
	s6 =	simm.s32 @!p1 $0x1082;
	[sflag:s4] =	ssyncset.s32 $0xFFFFF086  }
0x25: {  	[simem:s6], [sflag:s4] =	dma.local [hbm:s3], $0xF7A  }
0x26: {  	[smem:$0x3F9F] =	sst s1;
	(tag) =	ssettag s2;
	_ =	strace s9  }
0x27: {  	s1 =	sld [smem:$0x3FAF]  }
0x28: {  	s2 =	sld [smem:$0x3FB0]  }
0x29: {  	s4 =	sld [smem:$0x3FB2]  }
0x2a: {  	p0 =	seq.s32 s5, $0x0;
	s5 =	sld [smem:$0x3FB3]  }
0x2b: {  	s6 =	sld [smem:$0x3FB4]  }
0x2c: {  	s7 =	sld [smem:$0x3FB5]  }
0x2d: {  	s3 =	simm.s32 $0x108;
	s8 =	sld [smem:$0x3FB6]  }
0x2e: {  	s3 =	simm.s32 @!p0 $0x1082;
	s9 =	sld [smem:$0x3FB7]  }
0x2f: {  	lr =	sadd.s32 s0, s3;
	s0 =	sld [smem:$0x3FAE]  }
0x30: {  	s3 =	sld [smem:$0x3FB1]  }
0x31: {  	[smem:$0x3FBA] =	sst s10  }
0x32: {  	s10 =	sld [smem:$0x3FB8];
	_ =	sdelay $0x3  }
0x33: {  	p0 =	seq.s32 s10, $0x1;
	s10 =	sld [smem:$0x3FBA];
	_ =	sdelay $0x3  }
0x34: {  	[smem:$0x3FBA] =	sst s10  }
0x35: {  	s10 =	sld [smem:$0x3FB9];
	_ =	sdelay $0x3  }
0x36: {  	p1 =	seq.s32 s10, $0x1;
	s10 =	sld [smem:$0x3FBA];
	_ =	sdelay $0x3  }
0x37: {  	[smem:$0x3FBA] =	sst s10  }
0x38: {  	s10 =	sld [smem:$0x3FBB]  }
0x39: {  	_ = 	snop;
	(pc) =	sbr.ind lr, $3  }
0x3a: {  	_ = 	snop  }
0x3b: {  	_ = 	snop  }
0x3c: {  	p2 =	seq.s32 s10, $0x1;
	s10 =	sld [smem:$0x3FBA]  }
0x3d: {  	_ =	shalt  }
0x3e: {  	_ =	shalt  }
0x3f: {  	_ =	shalt  }
0x40: {  	_ =	shalt  }
0x41: {  	_ =	shalt  }
0x42: {  	_ =	shalt  }
0x43: {  	_ =	shalt  }
0x44: {  	_ =	shalt  }
0x45: {  	_ =	shalt  }
0x46: {  	_ =	shalt  }
0x47: {  	_ =	shalt  }
0x48: {  	_ =	shalt  }
0x49: {  	_ =	shalt  }
0x4a: {  	_ =	shalt  }
0x4b: {  	_ =	shalt  }
0x4c: {  	_ =	shalt  }
0x4d: {  	_ =	shalt  }
0x4e: {  	_ =	shalt  }
0x4f: {  	_ =	shalt  }
0x50: {  	_ =	shalt  }
0x51: {  	_ =	shalt  }
0x52: {  	_ =	shalt  }
0x53: {  	_ =	shalt  }
0x54: {  	_ =	shalt  }
0x55: {  	_ =	shalt  }
0x56: {  	_ =	shalt  }
0x57: {  	_ =	shalt  }
0x58: {  	_ =	shalt  }
0x59: {  	_ =	shalt  }
0x5a: {  	_ =	shalt  }
0x5b: {  	_ =	shalt  }
0x5c: {  	_ =	shalt  }
0x5d: {  	_ =	shalt  }
0x5e: {  	_ =	shalt  }
0x5f: {  	_ =	shalt  }
0x60: {  	_ =	shalt  }
0x61: {  	_ =	shalt  }
0x62: {  	_ =	shalt  }
0x63: {  	_ =	shalt  }
0x64: {  	_ =	shalt  }
0x65: {  	_ =	shalt  }
0x66: {  	_ =	shalt  }
0x67: {  	_ =	shalt  }
0x68: {  	_ =	shalt  }
0x69: {  	_ =	shalt  }
0x6a: {  	_ =	shalt  }
0x6b: {  	_ =	shalt  }
0x6c: {  	_ =	shalt  }
0x6d: {  	_ =	shalt  }
0x6e: {  	_ =	shalt  }
0x6f: {  	_ =	shalt  }
0x70: {  	_ =	shalt  }
0x71: {  	_ =	shalt  }
0x72: {  	_ =	shalt  }
0x73: {  	_ =	shalt  }
0x74: {  	_ =	shalt  }
0x75: {  	_ =	shalt  }
0x76: {  	_ =	shalt  }
0x77: {  	_ =	shalt  }
0x78: {  	_ =	shalt  }
0x79: {  	_ =	shalt  }
0x7a: {  	_ =	shalt  }
0x7b: {  	_ =	shalt  }
0x7c: {  	_ =	shalt  }
0x7d: {  	_ =	shalt  }
0x7e: {  	_ =	shalt  }
0x7f: {  	_ =	shalt  }
0x80: {  	_ =	shalt  }
0x81: {  	_ =	shalt  }
0x82: {  	_ =	shalt  }
0x83: {  	_ =	shalt  }
0x84: {  	_ =	shalt  }
0x85: {  	_ =	shalt  }
0x86: {  	_ =	shalt  }
0x87: {  	_ =	shalt  }
.Lfunc_end0:
.L_simem_size_0:
called_computation_lowered:
.L_overlay_start_0:
0x88: {  	s2 =	sld [smem:$0x3FD9]  }
0x89: {  	s3 =	sld [smem:$0x3FFE];
	_ =	sdelay $0x1  }
0x8a: {  	s1 =	srdreg.scid  }
0x8b: {  	s0 =	sand.u32 $0x1, s1  }
0x8c: {  	s17 =	sshll.u32 s0, $0xA;
	s2 =	sadd.s32 s3, s2  }
0x8d: {  	s2 =	sadd.s32 s2, s17  }
0x8e: {  	[smem:$0x3FC6] =	sst s2  }
0x8f: {  	_ = 	snop  }
0x90: {  	s2 =	sld [smem:$0x3FC9]  }
0x91: {  	s18 =	sld [smem:$0x3FD0];
	(tm) =	ssettm $0x1  }
0x92: {  	s4 =	sld [smem:$0x3FFB];
	_ =	sdelay $0x3  }
0x93: {  	_ =	strace s4  }
0x94: {  	s4 =	sld [smem:$0x3FFC];
	_ =	sdelay $0x3  }
0x95: {  	_ =	strace s4  }
0x96: {  	s4 =	sld [smem:$0x3FFD];
	_ =	sdelay $0x3  }
0x97: {  	_ =	strace s4  }
0x98: {  	_ =	strace $0x8FFFFFFF  }
0x99: {  	s19 =	sld [smem:$0x3FDB];
	_ =	sdelay $0x1  }
0x9a: {  	s5 =	simm.s32 $_scs_section_size  }
0x9b: {  	s6 =	simm.s32 $_size__tile_overlayer_lowered;
	s7 =	simm.s32 $_tile_overlayer_lowered  }
0x9c: {  	s22 =	simm.s32 $0x1BFF;
	s21 =	sshll.u32 s7, $0x1;
	s4 =	sadd.s32 s5, s19  }
0x9d: {  	s8 =	simm.s32 $0x0;
	s20 =	sshll.u32 s6, $0x1;
	s6 =	sadd.s32 s21, s4  }
0x9e: {  	[timem:s8], [sflag:s22] =	dma.local [hbm:s6], s20  }
0x9f: {  	_ =	swait.ge [sflag:s22], s20  }
0xa0: {  	s5 =	ssub.s32 $0x0, s20;
	[sflag:s22] =	ssyncset.done $0x0  }
0xa1: {  	[sflag:s22] =	ssyncadd.s32 s5;
	_ =	sdelay $0x1  }
0xa2: {  	s23 =	simm.s32 $0x1B8B  }
0xa3: {  	_ =	swait.ge [sflag:s23], $0x1  }
0xa4: {  	[sflag:s23] =	ssyncset.done $0x0  }
0xa5: {  	s25 =	simm.s32 $0x1B8E;
	s24 =	sld [smem:$0x3FFE];
	[sflag:s23] =	ssyncadd.s32 $0xFFFFFFFF  }
0xa6: {  	s26 =	simm.s32 $execute0_lowered;
	[smem:$0x3FD2] =	sst s25  }
0xa7: {  	s6 =	sshll.u32 s26, $0x1;
	_ =	strace $0x80000046;
	[dreg:$0x1] =	wrdreg $0xFFFFFFFF  }
0xa8: {  	s28 =	simm.s32 $_size_execute0_lowered;
	s4 =	sadd.s32 s4, s6;
	[dreg:$0x0] =	wrdreg $0x0  }
0xa9: {  	s6 =	sshll.u32 s28, $0x1;
	[dreg:$0x2] =	wrdreg s4  }
0xaa: {  	[dreg:$0x3] =	wrdreg s6  }
0xab: {  	[dreg:$0x4] =	wrdreg $0xC0  }
0xac: {  	_ =	task [dreg:s8], $0x5FFFF  }
0xad: {  	[dreg:$0x1] =	wrdreg $0xFFFFFFFF  }
0xae: {  	[dreg:$0x0] =	wrdreg $0x60  }
0xaf: {  	[dreg:$0x2] =	wrdreg s2  }
0xb0: {  	[dreg:$0x3] =	wrdreg s24  }
0xb1: {  	[dreg:$0x4] =	wrdreg s18  }
0xb2: {  	[dreg:$0x5] =	wrdreg $0x9  }
0xb3: {  	_ =	task.clear_ibuf [dreg:s8], $0x6FFFF;
	_ =	strace $0x90000046  }
0xb4: {  	s29 =	simm.s32 $0x9;
	_ =	strace $0x80000048  }
0xb5: {  	_ =	swait.ge [sflag:s29], $0x1  }
0xb6: {  	[sflag:s29] =	ssyncadd.s32 $0xFFFFFFFF  }
0xb7: {  	_ =	strace $0x90000048  }
0xb8: {  	_ =	sfence  }
0xb9: {  	s30 =	sld [smem:$0x0];
	_ =	sdelay $0x2  }
0xba: {  	s31 =	sshll.u32 s1, $0xD;
	s1 =	sshrl.u32 s1, $0x2  }
0xbb: {  	s3 =	sand.u32 $0x4000, s31;
	s1 =	sadd.s32 s1, s30  }
0xbc: {  	s0 =	sor.u32 s3, s0;
	s1 =	sshll.u32 s1, $0x11  }
0xbd: {  	s0 =	sor.u32 s1, s0  }
0xbe: {  	s0 =	sadd.s32 $0x8F2B, s0  }
0xbf: {  	[sflag:s0] =	ssyncadd.remote.s32 $0x1  }
0xc0: {  	_ =	sfence.sel $0xFFFF  }
0xc1: {  	[dreg:$0x0] =	wrdreg $0xFFFFFFFF;
	(pc) =	sbr.abs _section_cstart, $3  }
0xc2: {  	[dreg:$0x1] =	wrdreg $0xFFFFFFFF  }
0xc3: {  	_ =	task.clear_ibuf [dreg:s8], $0x2FFFF;
	_ =	strace $0x9FFFFFFF  }
0xc4: {  	(tm) =	ssettm $0x7FFFFFFF  }
0xc5: {  	_ =	shalt  }
tec
execute0_lowered:
.L_overlay_start_1:
0x0: {  	(tag) =	ssettag $0x1  }
0x1: {  	s4 =	rddreg [dreg:$0x0]  }
0x2: {  	s3 =	rddreg [dreg:$0x1]  }
0x3: {  	s5 =	rddreg [dreg:$0x2]  }
0x4: {  	s0 =	rddreg [dreg:$0x3];
	s2 =	simm.s32 $0x0;
	s6 =	srdreg.scid  }
0x5: {  	s1 =	stileid.u32;
	s11 =	simm.s32 $0x11000;
	s12 =	simm.s32 $0x0  }
0x6: {  	[smem:$0x7FF] =	sst s2;
	s6 =	sand.u32 $0x1, s6;
	s8 =	sshll.u32 s1, $0x1  }
0x7: {  	s3 =	sadd.s32 $0x400, s3;
	s30 =	sshrl.u32 s1, $0x2;
	_ =	strace $0x80000047  }
0x8: {  	s7 =	ssub.s32 $0x2, s6;
	s8 =	sand.u32 $0x6, s8;
	s31 =	sshll.u32 s30, $0xC  }
0x9: {  	s9 =	sshrl.u32 s7, $0x1;
	s6 =	sor.u32 s6, s8;
	s4 =	sadd.s32 s4, s31  }
0xa: {  	s8 =	simm.s32 $0x1;
	s7 =	ssub.s32 s7, s9;
	s9 =	sshll.u32 s30, $0x4  }
0xb: {  	s10 =	sshll.u32 s6, $0x7;
	s6 =	sshll.u32 s6, $0x6;
	s5 =	sadd.s32 s5, s9  }
0xc: {  	s4 =	sadd.s32 s10, s4;
	s9 =	simm.s32 $0x400;
	s10 =	simm.s32 $0x2000  }
0xd: {  	s5 =	sadd.s32 s6, s5;
	s6 =	smax.u32 s7, $0x1;
	s7 =	simm.s32 $0x1000  }
.LBB2_1:
0xe: {  	[tilespmem:s7], [sflag:$0x1] =	stream.linear.gather [hbm4b:s3+s2], $0x10000, $0x38;
	[tilespmem:$0x11080] =	vst v63  }
0xf: {  	_ =	swait.ge [sflag:s8], $0x10000  }
0x10: {  	[sflag:s8] =	ssyncset.done $0x0  }
0x11: {  	[sflag:s8] =	ssyncadd.s32 $0xFFFF0000  }
0x12: {  	[tilespmem:s2], [sflag:$0x1] =	stream.strided.gather [hbm4b:s4+s9], $0x1000, s10, s9, $0x38;
	[tilespmem:$0x11080] =	vst v63  }
0x13: {  	_ =	swait.ge [sflag:s8], $0x1000  }
0x14: {  	[sflag:s8] =	ssyncset.done $0x0  }
0x15: {  	s13 =	simm.s32 $0x0;
	[sflag:s8] =	ssyncadd.s32 $0xFFFFF000  }
0x16: {  	v2 =	vld [tilespmem:s13+$0x1000]  }
0x17: {  	v3 =	vld [tilespmem:$0x70]  }
0x18: {  	v4 =	vld [tilespmem:$0xF0];
	_ =	sdelay $0x1  }
0x19: {  	v5 =	vld [tilespmem:$0x170]  }
0x1a: {  	v1 =	vbroadcast v2, $0x0;
	v0 =	vbroadcast v2, $0x1  }
0x1b: {  	v7 =	vld [tilespmem:$0x1F0];
	[tilespmem:$0x1F000] =	vst v3  }
0x1c: {  	[tilespmem:$0x1F010] =	vst v4;
	v6 =	vbroadcast v2, $0x2;
	v3 =	vsub.f32 v3, v1;
	v4 =	vsub.f32 v4, v0  }
0x1d: {  	v8 =	vld [tilespmem:$0x270];
	v29 =	vbroadcast v2, $0x3  }
0x1e: {  	[tilespmem:$0x1F020] =	vst v5;
	v5 =	vsub.f32 v5, v6;
	v3 =	vmul.f32 v3, v3;
	v4 =	vmul.f32 v4, v4  }
0x1f: {  	v9 =	vld [tilespmem:$0x2F0];
	v28 =	vbroadcast v2, $0x4  }
0x20: {  	v3 =	vadd.f32 v4, v3;
	v4 =	vmul.f32 v5, v5;
	v5 =	vsub.f32 v7, v29  }
0x21: {  	[tilespmem:$0x1F030] =	vst v7;
	v27 =	vbroadcast v2, $0x5;
	v7 =	vld [tilespmem:$0x370]  }
0x22: {  	v3 =	vadd.f32 v4, v3;
	v4 =	vmul.f32 v5, v5;
	v5 =	vsub.f32 v8, v28  }
0x23: {  	[tilespmem:$0x1F040] =	vst v8;
	v26 =	vbroadcast v2, $0x6;
	v8 =	vld [tilespmem:$0x3F0]  }
0x24: {  	[tilespmem:$0x1F050] =	vst v9;
	v3 =	vadd.f32 v4, v3;
	v4 =	vmul.f32 v5, v5;
	v5 =	vsub.f32 v9, v27  }
0x25: {  	v25 =	vbroadcast v2, $0x7;
	v9 =	vld [tilespmem:$0x470]  }
0x26: {  	v3 =	vadd.f32 v4, v3;
	v4 =	vmul.f32 v5, v5;
	v5 =	vsub.f32 v7, v26  }
0x27: {  	v24 =	vbroadcast v2, $0x8;
	[tilespmem:$0x1F060] =	vst v7;
	v7 =	vld [tilespmem:$0x4F0]  }
0x28: {  	v3 =	vadd.f32 v4, v3;
	v4 =	vmul.f32 v5, v5;
	v5 =	vsub.f32 v8, v25  }
0x29: {  	v23 =	vbroadcast v2, $0x9;
	[tilespmem:$0x1F070] =	vst v8;
	v8 =	vld [tilespmem:$0x570]  }
0x2a: {  	v3 =	vadd.f32 v4, v3;
	v4 =	vmul.f32 v5, v5;
	v5 =	vsub.f32 v9, v24  }
0x2b: {  	v22 =	vbroadcast v2, $0xA;
	[tilespmem:$0x1F080] =	vst v9;
	v9 =	vld [tilespmem:$0x5F0]  }
0x2c: {  	v10 =	vld [tilespmem:$0x670];
	v3 =	vadd.f32 v4, v3;
	v4 =	vmul.f32 v5, v5;
	v5 =	vsub.f32 v7, v23  }
0x2d: {  	v21 =	vbroadcast v2, $0xB;
	v11 =	vld [tilespmem:$0x770]  }
0x2e: {  	v34 =	vld [tilespmem:$0x10];
	v3 =	vadd.f32 v4, v3;
	v4 =	vmul.f32 v5, v5;
	v5 =	vsub.f32 v8, v22  }
0x2f: {  	v20 =	vbroadcast v2, $0xC;
	[tilespmem:$0x1F0A0] =	vst v8;
	v8 =	vld [tilespmem:$0x6F0]  }
0x30: {  	v37 =	vld [tilespmem:$0x20];
	[tilespmem:$0x1F090] =	vst v7;
	v7 =	vsub.f32 v9, v21;
	v4 =	vadd.f32 v4, v3;
	v5 =	vmul.f32 v5, v5  }
0x31: {  	v19 =	vbroadcast v2, $0xD;
	v30 =	vld [tilespmem:$0x90]  }
0x32: {  	v3 =	vld [tilespmem:s13+$0x1010];
	v4 =	vadd.f32 v5, v4;
	v5 =	vmul.f32 v7, v7;
	v7 =	vsub.f32 v10, v20  }
0x33: {  	v18 =	vbroadcast v2, $0xE;
	[tilespmem:$0x1F0B0] =	vst v9;
	v9 =	vld [tilespmem:$0x7F0]  }
0x34: {  	v36 =	vld [tilespmem:$0xA0];
	v4 =	vadd.f32 v5, v4;
	v5 =	vmul.f32 v7, v7;
	v7 =	vsub.f32 v8, v19  }
0x35: {  	v17 =	vbroadcast v2, $0xF;
	[tilespmem:$0x1F0D0] =	vst v8;
	v8 =	vld [tilespmem:$0x870]  }
0x36: {  	v38 =	vld [tilespmem:$0x30];
	v46 =	vadd.f32 v5, v4;
	v4 =	vmul.f32 v7, v7;
	v5 =	vsub.f32 v11, v18  }
0x37: {  	v16 =	vbroadcast v3, $0x0;
	v7 =	vld [tilespmem:$0x8F0]  }
0x38: {  	v39 =	vld [tilespmem:$0x40];
	v2 =	vadd.f32 v4, v46;
	v4 =	vmul.f32 v5, v5;
	v5 =	vsub.f32 v9, v17  }
0x39: {  	[tilespmem:$0x1F0F0] =	vst v9;
	v15 =	vbroadcast v3, $0x1;
	v9 =	vld [tilespmem:$0x970]  }
0x3a: {  	v43 =	vld [tilespmem:$0x50];
	[tilespmem:$0x1F1B0] =	vst v30;
	v2 =	vadd.f32 v4, v2;
	v4 =	vmul.f32 v5, v5;
	v5 =	vsub.f32 v8, v16  }
0x3b: {  	v30 =	vsub.f32 v30, v0;
	v14 =	vbroadcast v3, $0x2;
	[tilespmem:$0x1F100] =	vst v8;
	v8 =	vld [tilespmem:$0x9F0]  }
0x3c: {  	v41 =	vld [tilespmem:$0xB0];
	v2 =	vadd.f32 v4, v2;
	v4 =	vmul.f32 v5, v5;
	v5 =	vsub.f32 v7, v15  }
0x3d: {  	v47 =	vsub.f32 v37, v1;
	v48 =	vsub.f32 v36, v0;
	v13 =	vbroadcast v3, $0x3;
	[tilespmem:$0x1F110] =	vst v7;
	v7 =	vld [tilespmem:$0xA70]  }
0x3e: {  	v42 =	vld [tilespmem:$0xC0];
	[tilespmem:$0x1F0C0] =	vst v10;
	v2 =	vadd.f32 v4, v2;
	v4 =	vmul.f32 v5, v5;
	v5 =	vsub.f32 v9, v14  }
0x3f: {  	v51 =	vsub.f32 v38, v1;
	v52 =	vsub.f32 v39, v1;
	v12 =	vbroadcast v3, $0x4;
	[tilespmem:$0x1F120] =	vst v9;
	v9 =	vld [tilespmem:$0xAF0]  }
0x40: {  	v44 =	vld [tilespmem:$0xD0];
	[tilespmem:$0x1F0E0] =	vst v11;
	v2 =	vadd.f32 v4, v2;
	v4 =	vmul.f32 v5, v5;
	v5 =	vsub.f32 v8, v13  }
0x41: {  	v53 =	vsub.f32 v41, v0;
	v54 =	vsub.f32 v43, v1;
	v11 =	vbroadcast v3, $0x5;
	[tilespmem:$0x1F130] =	vst v8;
	v8 =	vld [tilespmem:$0xB70]  }
0x42: {  	v45 =	vld [tilespmem:$0x100];
	[tilespmem:$0x1F190] =	vst v34;
	v2 =	vadd.f32 v4, v2;
	v4 =	vmul.f32 v5, v5;
	v5 =	vsub.f32 v7, v12  }
0x43: {  	[tilespmem:$0x1F1E0] =	vst v36;
	v55 =	vsub.f32 v42, v0;
	v30 =	vmul.f32 v30, v30;
	v10 =	vbroadcast v3, $0x6  }
0x44: {  	[tilespmem:$0x1F140] =	vst v7;
	v7 =	vld [tilespmem:$0xBF0];
	v2 =	vadd.f32 v4, v2;
	v4 =	vmul.f32 v5, v5;
	v5 =	vsub.f32 v9, v11  }
0x45: {  	v32 =	vld [tilespmem:$0xC70];
	[tilespmem:$0x1F200] =	vst v38;
	v56 =	vsub.f32 v44, v0;
	v36 =	vmul.f32 v54, v54;
	v58 =	vmul.f32 v55, v55  }
0x46: {  	v31 =	vld [tilespmem:$0x0];
	[tilespmem:$0x1F230] =	vst v43;
	v2 =	vadd.f32 v4, v2;
	v4 =	vmul.f32 v5, v5;
	v5 =	vsub.f32 v8, v10  }
0x47: {  	v43 =	vld [tilespmem:$0x110];
	v59 =	vmul.f32 v56, v56;
	v54 =	vsub.f32 v45, v6;
	[tilespmem:$0x1F150] =	vst v9;
	v9 =	vbroadcast v3, $0x7  }
0x48: {  	v33 =	vld [tilespmem:$0x80];
	[tilespmem:$0x1F160] =	vst v8;
	v8 =	vbroadcast v3, $0x8;
	v2 =	vadd.f32 v4, v2;
	v4 =	vmul.f32 v5, v5  }
0x49: {  	v35 =	vld [tilespmem:$0xCF0];
	v38 =	vmul.f32 v54, v54;
	[tilespmem:$0x1F170] =	vst v7;
	v5 =	vsub.f32 v7, v9;
	v7 =	vsub.f32 v34, v1  }
0x4a: {  	[tilespmem:$0x1F1C0] =	vst v32;
	v46 =	vld [tilespmem:$0xE0];
	v32 =	vsub.f32 v32, v8;
	v34 =	vmul.f32 v52, v52;
	v2 =	vadd.f32 v4, v2  }
0x4b: {  	[tilespmem:$0x1F180] =	vst v31;
	v4 =	vmul.f32 v5, v5;
	v5 =	vsub.f32 v31, v1;
	v31 =	vmul.f32 v7, v7  }
0x4c: {  	v63 =	vld [tilespmem:$0xEF0];
	v56 =	vsub.f32 v43, v6;
	v7 =	vbroadcast v3, $0x9;
	v32 =	vmul.f32 v32, v32  }
0x4d: {  	v49 =	vld [tilespmem:$0xD70];
	v2 =	vadd.f32 v4, v2;
	v4 =	vsub.f32 v33, v0;
	v5 =	vmul.f32 v5, v5  }
0x4e: {  	v40 =	vld [tilespmem:$0xDF0];
	[tilespmem:$0x1F1F0] =	vst v35;
	v35 =	vsub.f32 v35, v7;
	v30 =	vadd.f32 v30, v31;
	v31 =	vmul.f32 v48, v48  }
0x4f: {  	[tilespmem:$0x1F1A0] =	vst v33;
	v52 =	vld [tilespmem:$0x130];
	v33 =	vmul.f32 v51, v51;
	v51 =	vsub.f32 v46, v0;
	v0 =	vbroadcast v3, $0xD  }
0x50: {  	v48 =	vld [tilespmem:$0x150];
	v4 =	vmul.f32 v4, v4;
	v2 =	vadd.f32 v32, v2;
	v50 =	vmul.f32 v35, v35  }
0x51: {  	[tilespmem:$0x1F250] =	vst v42;
	v34 =	vadd.f32 v58, v34;
	v58 =	vld [tilespmem:$0xF70];
	v35 =	vmul.f32 v53, v53;
	v42 =	vsub.f32 v63, v0  }
0x52: {  	[tilespmem:$0x1F1D0] =	vst v37;
	v53 =	vld [tilespmem:$0x140];
	v4 =	vadd.f32 v4, v5;
	v5 =	vmul.f32 v47, v47;
	v32 =	vadd.f32 v50, v2  }
0x53: {  	[tilespmem:$0x1F210] =	vst v39;
	v47 =	vld [tilespmem:$0x60];
	v2 =	vbroadcast v3, $0xB;
	v33 =	vadd.f32 v35, v33;
	v35 =	vadd.f32 v59, v36  }
0x54: {  	v57 =	vld [tilespmem:$0xE70];
	[tilespmem:$0x1F240] =	vst v49;
	v36 =	vmul.f32 v51, v51;
	v59 =	vmul.f32 v56, v56;
	v51 =	vsub.f32 v52, v6  }
0x55: {  	v60 =	vld [tilespmem:$0x120];
	[tilespmem:$0x1F270] =	vst v40;
	v54 =	vsub.f32 v48, v6;
	v31 =	vadd.f32 v31, v5;
	v5 =	vbroadcast v3, $0xA  }
0x56: {  	[tilespmem:$0x1F2F0] =	vst v52;
	v56 =	vld [tilespmem:$0x1B0];
	v40 =	vsub.f32 v40, v2;
	v38 =	vadd.f32 v38, v4;
	v4 =	vbroadcast v3, $0xE  }
0x57: {  	[tilespmem:$0x1F310] =	vst v58;
	v52 =	vsub.f32 v53, v6;
	v37 =	vsub.f32 v49, v5;
	v49 =	vld [tilespmem:$0x160]  }
0x58: {  	[tilespmem:$0x1F300] =	vst v53;
	v53 =	vsub.f32 v58, v4;
	v58 =	vld [tilespmem:$0x1C0];
	v61 =	vsub.f32 v47, v1;
	v1 =	vbroadcast v3, $0xC  }
0x59: {  	[tilespmem:$0x1F2A0] =	vst v45;
	v30 =	vadd.f32 v59, v30;
	v62 =	vmul.f32 v40, v40;
	v37 =	vmul.f32 v37, v37  }
0x5a: {  	[tilespmem:$0x1F2B0] =	vst v57;
	v45 =	vld [tilespmem:$0x190];
	v40 =	vmul.f32 v53, v53;
	v55 =	vsub.f32 v57, v1;
	v57 =	vsub.f32 v60, v6  }
0x5b: {  	[tilespmem:$0x1F220] =	vst v41;
	v32 =	vadd.f32 v37, v32;
	v37 =	vmul.f32 v61, v61;
	v61 =	vmul.f32 v42, v42  }
0x5c: {  	[tilespmem:$0x1F2D0] =	vst v60;
	v53 =	vld [tilespmem:$0x210];
	v39 =	vmul.f32 v55, v55;
	v60 =	vmul.f32 v57, v57;
	v6 =	vsub.f32 v49, v6  }
0x5d: {  	[tilespmem:$0x1F2E0] =	vst v63;
	v63 =	vld [tilespmem:$0x180];
	v57 =	vmul.f32 v54, v54;
	v54 =	vsub.f32 v56, v29;
	v41 =	vsub.f32 v58, v29  }
0x5e: {  	v55 =	vld [tilespmem:$0x1A0];
	v32 =	vadd.f32 v62, v32;
	v36 =	vadd.f32 v36, v37;
	v37 =	vmul.f32 v51, v51  }
0x5f: {  	[tilespmem:$0x1F390] =	vst v58;
	v58 =	vld [tilespmem:$0x230];
	v51 =	vsub.f32 v45, v29;
	v31 =	vadd.f32 v60, v31;
	v6 =	vmul.f32 v6, v6  }
0x60: {  	[tilespmem:$0x1F380] =	vst v56;
	v62 =	vld [tilespmem:$0xFF0];
	v35 =	vadd.f32 v57, v35;
	v56 =	vmul.f32 v54, v54;
	v32 =	vadd.f32 v39, v32  }
0x61: {  	[tilespmem:$0x1F330] =	vst v49;
	v60 =	vld [tilespmem:$0x1D0];
	v49 =	vsub.f32 v53, v28;
	v39 =	vmul.f32 v52, v52;
	v33 =	vadd.f32 v37, v33  }
0x62: {  	[tilespmem:$0x1F3D0] =	vst v53;
	v53 =	vld [tilespmem:$0x290];
	v37 =	vmul.f32 v51, v51;
	v36 =	vadd.f32 v6, v36;
	v32 =	vadd.f32 v61, v32  }
0x63: {  	[tilespmem:$0x1F350] =	vst v63;
	v3 =	vbroadcast v3, $0xF;
	v34 =	vadd.f32 v39, v34;
	v61 =	vld [tilespmem:$0x1E0];
	v52 =	vsub.f32 v55, v29  }
0x64: {  	[tilespmem:$0x1F370] =	vst v55;
	v55 =	vld [tilespmem:$0x220];
	v30 =	vadd.f32 v37, v30;
	v33 =	vadd.f32 v56, v33  }
0x65: {  	v57 =	vmul.f32 v41, v41;
	[tilespmem:$0x1F340] =	vst v62;
	v42 =	vsub.f32 v62, v3;
	v62 =	vsub.f32 v63, v29;
	v63 =	vld [tilespmem:$0x200]  }
0x66: {  	[tilespmem:$0x1F360] =	vst v45;
	v32 =	vadd.f32 v40, v32;
	v39 =	vmul.f32 v52, v52;
	v52 =	vsub.f32 v58, v28  }
0x67: {  	[tilespmem:$0x1F320] =	vst v48;
	v34 =	vadd.f32 v57, v34;
	v57 =	vld [tilespmem:$0x2A0];
	v48 =	vsub.f32 v53, v27;
	v59 =	vmul.f32 v42, v42  }
0x68: {  	[tilespmem:$0x1F3A0] =	vst v60;
	v42 =	vsub.f32 v60, v29;
	v60 =	vld [tilespmem:$0x240];
	v31 =	vadd.f32 v39, v31;
	v56 =	vmul.f32 v52, v52  }
0x69: {  	v50 =	vld [tilespmem:$0x280];
	[tilespmem:$0x1F280] =	vst v47;
	v6 =	vadd.f32 v59, v32;
	v32 =	vmul.f32 v62, v62;
	v29 =	vsub.f32 v61, v29  }
0x6a: {  	v47 =	vld [tilespmem:$0x2E0];
	v59 =	vmul.f32 v42, v42;
	v51 =	vsub.f32 v55, v28;
	[tilespmem:$0x1F3C0] =	vst v63;
	v63 =	vsub.f32 v63, v28  }
0x6b: {  	v52 =	vmul.f32 v48, v48;
	[tilespmem:$0x1F3B0] =	vst v61;
	v61 =	vld [tilespmem:$0x250];
	v33 =	vadd.f32 v56, v33;
	v32 =	vadd.f32 v32, v38  }
0x6c: {  	[tilespmem:$0x1F3F0] =	vst v58;
	v62 =	vld [tilespmem:$0x260];
	v35 =	vadd.f32 v59, v35;
	v29 =	vmul.f32 v29, v29;
	v38 =	vmul.f32 v49, v49  }
0x6d: {  	[tilespmem:$0x1F3E0] =	vst v55;
	v56 =	vld [tilespmem:$0x320];
	v55 =	vmul.f32 v51, v51;
	v49 =	vsub.f32 v57, v27;
	v54 =	vsub.f32 v60, v28  }
0x6e: {  	[tilespmem:$0x1F440] =	vst v53;
	v59 =	vld [tilespmem:$0x2B0];
	v37 =	vmul.f32 v63, v63;
	v63 =	vsub.f32 v50, v27;
	v29 =	vadd.f32 v29, v36  }
0x6f: {  	[tilespmem:$0x1F400] =	vst v60;
	v60 =	vld [tilespmem:$0x2C0];
	v30 =	vadd.f32 v38, v30;
	v31 =	vadd.f32 v55, v31;
	v53 =	vmul.f32 v49, v49  }
0x70: {  	v48 =	vld [tilespmem:$0x360];
	v32 =	vadd.f32 v37, v32;
	v58 =	vmul.f32 v54, v54;
	[tilespmem:$0x1F410] =	vst v61;
	v61 =	vsub.f32 v61, v28  }
0x71: {  	[tilespmem:$0x1F420] =	vst v62;
	v28 =	vsub.f32 v62, v28;
	v62 =	vld [tilespmem:$0x2D0];
	v37 =	vmul.f32 v63, v63;
	v30 =	vadd.f32 v52, v30  }
0x72: {  	[tilespmem:$0x1F430] =	vst v50;
	v50 =	vld [tilespmem:$0x300];
	v31 =	vadd.f32 v53, v31;
	v49 =	vsub.f32 v56, v26;
	v36 =	vmul.f32 v61, v61  }
0x73: {  	[tilespmem:$0x1F490] =	vst v47;
	v54 =	vld [tilespmem:$0x310];
	v34 =	vadd.f32 v58, v34;
	v28 =	vmul.f32 v28, v28;
	v51 =	vsub.f32 v59, v27  }
0x74: {  	[tilespmem:$0x1F450] =	vst v57;
	v52 =	vld [tilespmem:$0x380];
	v58 =	vsub.f32 v60, v27;
	v35 =	vadd.f32 v36, v35  }
0x75: {  	[tilespmem:$0x1F470] =	vst v60;
	v60 =	vld [tilespmem:$0x340];
	v28 =	vadd.f32 v28, v29;
	v29 =	vadd.f32 v37, v32;
	v55 =	vmul.f32 v51, v51  }
0x76: {  	v57 =	vld [tilespmem:$0x330];
	[tilespmem:$0x1F460] =	vst v59;
	v59 =	vsub.f32 v62, v27;
	v27 =	vsub.f32 v47, v27  }
0x77: {  	v53 =	vld [tilespmem:$0x390];
	[tilespmem:$0x1F480] =	vst v62;
	v62 =	vsub.f32 v50, v26;
	v32 =	vadd.f32 v55, v33;
	v33 =	vmul.f32 v58, v58  }
0x78: {  	[tilespmem:$0x1F4C0] =	vst v56;
	v61 =	vld [tilespmem:$0x350];
	v63 =	vsub.f32 v54, v26;
	v36 =	vmul.f32 v59, v59;
	v27 =	vmul.f32 v27, v27  }
0x79: {  	[tilespmem:$0x1F4A0] =	vst v50;
	v55 =	vld [tilespmem:$0x3B0];
	v50 =	vmul.f32 v62, v62;
	v59 =	vsub.f32 v52, v25;
	v33 =	vadd.f32 v33, v34  }
0x7a: {  	[tilespmem:$0x1F510] =	vst v52;
	v52 =	vld [tilespmem:$0x420];
	v56 =	vsub.f32 v60, v26;
	v27 =	vadd.f32 v27, v28;
	v28 =	vmul.f32 v49, v49  }
0x7b: {  	[tilespmem:$0x1F4E0] =	vst v60;
	v60 =	vld [tilespmem:$0x3D0];
	v35 =	vadd.f32 v36, v35;
	v29 =	vadd.f32 v50, v29  }
0x7c: {  	[tilespmem:$0x1F4B0] =	vst v54;
	v54 =	vld [tilespmem:$0x3A0];
	v51 =	vmul.f32 v63, v63;
	v28 =	vadd.f32 v28, v31;
	v31 =	vsub.f32 v57, v26  }
0x7d: {  	[tilespmem:$0x1F4D0] =	vst v57;
	v58 =	vld [tilespmem:$0x3C0];
	v34 =	vmul.f32 v56, v56;
	v57 =	vsub.f32 v61, v26;
	v26 =	vsub.f32 v48, v26  }
0x7e: {  	[tilespmem:$0x1F4F0] =	vst v61;
	v63 =	vld [tilespmem:$0x3E0];
	v30 =	vadd.f32 v51, v30;
	v62 =	vmul.f32 v59, v59;
	v61 =	vsub.f32 v53, v25  }
0x7f: {  	[tilespmem:$0x1F520] =	vst v53;
	v50 =	vld [tilespmem:$0x400];
	v53 =	vsub.f32 v55, v25;
	v33 =	vadd.f32 v34, v33;
	v26 =	vmul.f32 v26, v26  }
0x80: {  	v47 =	vld [tilespmem:$0x4A0];
	[tilespmem:$0x1F540] =	vst v55;
	v45 =	vsub.f32 v52, v24;
	v49 =	vmul.f32 v61, v61;
	v55 =	vsub.f32 v60, v25  }
0x81: {  	v56 =	vld [tilespmem:$0x430];
	v26 =	vadd.f32 v26, v27;
	v27 =	vadd.f32 v62, v29  }
0x82: {  	[tilespmem:$0x1F290] =	vst v46;
	v51 =	vld [tilespmem:$0x410];
	v31 =	vmul.f32 v31, v31;
	v29 =	vadd.f32 v49, v30;
	v30 =	vsub.f32 v54, v25  }
0x83: {  	[tilespmem:$0x1F530] =	vst v54;
	v36 =	vmul.f32 v57, v57;
	v57 =	vld [tilespmem:$0x440];
	v54 =	vsub.f32 v58, v25;
	v25 =	vsub.f32 v63, v25  }
0x84: {  	[tilespmem:$0x1F550] =	vst v58;
	v37 =	vsub.f32 v50, v24;
	v31 =	vadd.f32 v31, v32;
	v32 =	vmul.f32 v53, v53;
	v58 =	vld [tilespmem:$0x450]  }
0x85: {  	[tilespmem:$0x1F500] =	vst v48;
	v61 =	vld [tilespmem:$0x460];
	v48 =	vadd.f32 v36, v35;
	v30 =	vmul.f32 v30, v30;
	v25 =	vmul.f32 v25, v25  }
0x86: {  	[tilespmem:$0x1F560] =	vst v60;
	v46 =	vsub.f32 v56, v24;
	v60 =	vmul.f32 v37, v37;
	v31 =	vadd.f32 v32, v31  }
0x87: {  	[tilespmem:$0x1F570] =	vst v63;
	v63 =	vld [tilespmem:$0x490];
	v28 =	vadd.f32 v30, v28;
	v30 =	vmul.f32 v55, v55;
	v25 =	vadd.f32 v25, v26  }
0x88: {  	v49 =	vld [tilespmem:$0x4B0];
	v26 =	vadd.f32 v60, v27;
	v27 =	vsub.f32 v51, v24  }
0x89: {  	[tilespmem:$0x1F610] =	vst v47;
	v62 =	vld [tilespmem:$0x480];
	v35 =	vmul.f32 v54, v54;
	v36 =	vsub.f32 v58, v24;
	v30 =	vadd.f32 v30, v48  }
0x8a: {  	[tilespmem:$0x1F5A0] =	vst v52;
	v34 =	vmul.f32 v46, v46;
	v48 =	vsub.f32 v57, v24;
	v24 =	vsub.f32 v61, v24  }
0x8b: {  	v52 =	vld [tilespmem:$0x4D0];
	[tilespmem:$0x1F5B0] =	vst v56;
	v56 =	vsub.f32 v47, v23;
	v59 =	vadd.f32 v35, v33;
	v33 =	vmul.f32 v45, v45  }
0x8c: {  	[tilespmem:$0x1F590] =	vst v51;
	v53 =	vld [tilespmem:$0x4E0];
	v31 =	vadd.f32 v34, v31;
	v55 =	vsub.f32 v63, v23;
	v24 =	vmul.f32 v24, v24  }
0x8d: {  	v51 =	vld [tilespmem:$0x4C0];
	[tilespmem:$0x1F5D0] =	vst v58;
	v58 =	vsub.f32 v49, v23;
	v27 =	vmul.f32 v27, v27;
	v28 =	vadd.f32 v33, v28  }
0x8e: {  	[tilespmem:$0x1F580] =	vst v50;
	v54 =	vld [tilespmem:$0x500];
	v33 =	vmul.f32 v56, v56;
	v24 =	vadd.f32 v24, v25;
	v25 =	vsub.f32 v62, v23  }
0x8f: {  	[tilespmem:$0x1F5E0] =	vst v61;
	v60 =	vld [tilespmem:$0x520];
	v50 =	vmul.f32 v36, v36;
	v27 =	vadd.f32 v27, v29;
	v29 =	vmul.f32 v48, v48  }
0x90: {  	[tilespmem:$0x1F600] =	vst v63;
	v63 =	vld [tilespmem:$0x530];
	v61 =	vsub.f32 v52, v23;
	v28 =	vadd.f32 v33, v28;
	v25 =	vmul.f32 v25, v25  }
0x91: {  	[tilespmem:$0x1F640] =	vst v52;
	v46 =	vld [tilespmem:$0x540];
	v32 =	vmul.f32 v55, v55;
	v30 =	vadd.f32 v50, v30;
	v29 =	vadd.f32 v29, v59  }
0x92: {  	[tilespmem:$0x1F5C0] =	vst v57;
	v57 =	vld [tilespmem:$0x510];
	v59 =	vsub.f32 v51, v23;
	v25 =	vadd.f32 v25, v26;
	v26 =	vmul.f32 v58, v58  }
0x93: {  	[tilespmem:$0x1F5F0] =	vst v62;
	v27 =	vadd.f32 v32, v27;
	v23 =	vsub.f32 v53, v23  }
0x94: {  	v47 =	vld [tilespmem:$0x550];
	[tilespmem:$0x1F620] =	vst v49;
	v45 =	vmul.f32 v61, v61;
	v26 =	vadd.f32 v26, v31;
	v31 =	vsub.f32 v54, v22  }
0x95: {  	v48 =	vld [tilespmem:$0x560];
	[tilespmem:$0x1F630] =	vst v51;
	v51 =	vsub.f32 v60, v22;
	v52 =	vsub.f32 v63, v22;
	v23 =	vmul.f32 v23, v23  }
0x96: {  	[tilespmem:$0x1F660] =	vst v54;
	v50 =	vld [tilespmem:$0x580];
	v62 =	vmul.f32 v59, v59;
	v54 =	vsub.f32 v46, v22;
	v31 =	vmul.f32 v31, v31  }
0x97: {  	[tilespmem:$0x1F650] =	vst v53;
	v53 =	vld [tilespmem:$0x590];
	v49 =	vsub.f32 v57, v22;
	v23 =	vadd.f32 v23, v24;
	v24 =	vmul.f32 v51, v51  }
0x98: {  	[tilespmem:$0x1F670] =	vst v57;
	v57 =	vld [tilespmem:$0x5B0];
	v29 =	vadd.f32 v62, v29;
	v25 =	vadd.f32 v31, v25;
	v31 =	vmul.f32 v54, v54  }
0x99: {  	[tilespmem:$0x1F2C0] =	vst v43;
	v43 =	vld [tilespmem:$0x620];
	v30 =	vadd.f32 v45, v30;
	v24 =	vadd.f32 v24, v28  }
0x9a: {  	v56 =	vld [tilespmem:$0x5A0];
	v32 =	vmul.f32 v49, v49;
	v28 =	vadd.f32 v31, v29;
	v29 =	vsub.f32 v47, v22  }
0x9b: {  	[tilespmem:$0x1F680] =	vst v60;
	v60 =	vld [tilespmem:$0x5E0];
	v55 =	vmul.f32 v52, v52;
	v22 =	vsub.f32 v48, v22;
	v31 =	vsub.f32 v50, v21  }
0x9c: {  	v58 =	vld [tilespmem:$0x5C0];
	v27 =	vadd.f32 v32, v27;
	v61 =	vsub.f32 v53, v21;
	v29 =	vmul.f32 v29, v29  }
0x9d: {  	v59 =	vld [tilespmem:$0x5D0];
	v38 =	vsub.f32 v57, v21;
	v22 =	vmul.f32 v22, v22;
	v31 =	vmul.f32 v31, v31  }
0x9e: {  	[tilespmem:$0x1F690] =	vst v63;
	v63 =	vld [tilespmem:$0x600];
	v26 =	vadd.f32 v55, v26;
	v29 =	vadd.f32 v29, v30;
	v30 =	vmul.f32 v61, v61  }
0x9f: {  	v22 =	vadd.f32 v22, v23;
	v23 =	vadd.f32 v31, v25;
	v25 =	vmul.f32 v38, v38  }
0xa0: {  	v42 =	vld [tilespmem:$0x610];
	v62 =	vsub.f32 v56, v21;
	v27 =	vadd.f32 v30, v27  }
0xa1: {  	[tilespmem:$0x1F260] =	vst v44;
	v44 =	vld [tilespmem:$0x630];
	v25 =	vadd.f32 v25, v26;
	v26 =	vsub.f32 v58, v21  }
0xa2: {  	[tilespmem:$0x1F6A0] =	vst v46;
	v41 =	vmul.f32 v62, v62;
	v46 =	vld [tilespmem:$0x650];
	v30 =	vsub.f32 v59, v21;
	v21 =	vsub.f32 v60, v21  }
0xa3: {  	[tilespmem:$0x1F6B0] =	vst v47;
	v45 =	vld [tilespmem:$0x640];
	v49 =	vsub.f32 v43, v20;
	v31 =	vsub.f32 v63, v20;
	v26 =	vmul.f32 v26, v26  }
0xa4: {  	[tilespmem:$0x1F6C0] =	vst v48;
	v24 =	vadd.f32 v41, v24;
	v48 =	vld [tilespmem:$0x660];
	v30 =	vmul.f32 v30, v30;
	v21 =	vmul.f32 v21, v21  }
0xa5: {  	[tilespmem:$0x1F6D0] =	vst v50;
	v47 =	vsub.f32 v42, v20;
	v50 =	vld [tilespmem:$0x680];
	v26 =	vadd.f32 v26, v28;
	v28 =	vmul.f32 v31, v31  }
0xa6: {  	v51 =	vld [tilespmem:$0x690];
	v29 =	vadd.f32 v30, v29;
	v21 =	vadd.f32 v21, v22;
	v22 =	vmul.f32 v49, v49  }
0xa7: {  	v31 =	vmul.f32 v47, v47;
	v30 =	vsub.f32 v46, v20;
	v23 =	vadd.f32 v28, v23  }
0xa8: {  	v52 =	vld [tilespmem:$0x6A0];
	v22 =	vadd.f32 v22, v24;
	v24 =	vsub.f32 v44, v20  }
0xa9: {  	[tilespmem:$0x1F6E0] =	vst v53;
	v53 =	vld [tilespmem:$0x6B0];
	v27 =	vadd.f32 v31, v27;
	v28 =	vsub.f32 v45, v20  }
0xaa: {  	[tilespmem:$0x1F700] =	vst v57;
	v57 =	vld [tilespmem:$0x6E0];
	v20 =	vsub.f32 v48, v20;
	v31 =	vsub.f32 v50, v19;
	v24 =	vmul.f32 v24, v24  }
0xab: {  	[tilespmem:$0x1F6F0] =	vst v56;
	v56 =	vsub.f32 v51, v19;
	v54 =	vld [tilespmem:$0x6C0];
	v30 =	vmul.f32 v30, v30;
	v28 =	vmul.f32 v28, v28  }
0xac: {  	v55 =	vld [tilespmem:$0x6D0];
	v20 =	vmul.f32 v20, v20;
	v24 =	vadd.f32 v24, v25;
	v25 =	vmul.f32 v31, v31  }
0xad: {  	v26 =	vadd.f32 v28, v26;
	v28 =	vadd.f32 v30, v29;
	v29 =	vmul.f32 v56, v56;
	v31 =	vld [tilespmem:$0x700]  }
0xae: {  	v20 =	vadd.f32 v20, v21;
	v21 =	vadd.f32 v25, v23  }
0xaf: {  	[tilespmem:$0x1F730] =	vst v60;
	v61 =	vld [tilespmem:$0x740];
	v23 =	vadd.f32 v29, v27;
	v25 =	vsub.f32 v52, v19  }
0xb0: {  	[tilespmem:$0x1F710] =	vst v58;
	v58 =	vld [tilespmem:$0x710];
	v27 =	vsub.f32 v53, v19;
	v29 =	vsub.f32 v54, v19  }
0xb1: {  	[tilespmem:$0x1F720] =	vst v59;
	v59 =	vld [tilespmem:$0x720];
	v30 =	vsub.f32 v55, v19;
	v19 =	vsub.f32 v57, v19;
	v25 =	vmul.f32 v25, v25  }
0xb2: {  	v60 =	vld [tilespmem:$0x730];
	v27 =	vmul.f32 v27, v27;
	v29 =	vmul.f32 v29, v29;
	[tilespmem:$0x1F820] =	vst v31;
	v31 =	vsub.f32 v31, v18  }
0xb3: {  	v19 =	vmul.f32 v19, v19;
	v22 =	vadd.f32 v25, v22;
	v25 =	vmul.f32 v30, v30;
	v30 =	vld [tilespmem:$0x750]  }
0xb4: {  	v62 =	vld [tilespmem:$0x760];
	v24 =	vadd.f32 v27, v24;
	v26 =	vadd.f32 v29, v26;
	v27 =	vmul.f32 v31, v31  }
0xb5: {  	v19 =	vadd.f32 v19, v20;
	v25 =	vadd.f32 v25, v28  }
0xb6: {  	v41 =	vld [tilespmem:$0x7B0];
	v20 =	vadd.f32 v27, v21;
	v21 =	vsub.f32 v58, v18  }
0xb7: {  	v40 =	vld [tilespmem:$0x7A0];
	v28 =	vsub.f32 v60, v18;
	v27 =	vsub.f32 v59, v18  }
0xb8: {  	v29 =	vsub.f32 v61, v18;
	v31 =	vld [tilespmem:$0x780];
	v21 =	vmul.f32 v21, v21;
	[tilespmem:$0x1F870] =	vst v30;
	v30 =	vsub.f32 v30, v18  }
0xb9: {  	[tilespmem:$0x1F740] =	vst v63;
	v63 =	vld [tilespmem:$0x790];
	v28 =	vmul.f32 v28, v28;
	v18 =	vsub.f32 v62, v18;
	v27 =	vmul.f32 v27, v27  }
0xba: {  	v21 =	vadd.f32 v21, v23;
	v23 =	vmul.f32 v29, v29;
	v29 =	vmul.f32 v30, v30;
	v30 =	vld [tilespmem:$0x7C0]  }
0xbb: {  	[tilespmem:$0x1F750] =	vst v42;
	v42 =	vld [tilespmem:$0x7D0];
	v24 =	vadd.f32 v28, v24;
	v28 =	vsub.f32 v41, v17;
	v18 =	vmul.f32 v18, v18  }
0xbc: {  	[tilespmem:$0x1F770] =	vst v44;
	v22 =	vadd.f32 v27, v22;
	v27 =	vsub.f32 v40, v17  }
0xbd: {  	[tilespmem:$0x1F760] =	vst v43;
	v43 =	vld [tilespmem:$0x7E0];
	v18 =	vadd.f32 v18, v19;
	v19 =	vsub.f32 v31, v17  }
0xbe: {  	[tilespmem:$0x1F780] =	vst v45;
	v45 =	vld [tilespmem:$0x820];
	v23 =	vadd.f32 v23, v26;
	v26 =	vsub.f32 v63, v17;
	v27 =	vmul.f32 v27, v27  }
0xbf: {  	v44 =	vld [tilespmem:$0x810];
	[tilespmem:$0x1F890] =	vst v31;
	v25 =	vadd.f32 v29, v25;
	v19 =	vmul.f32 v19, v19;
	v29 =	vsub.f32 v30, v17  }
0xc0: {  	v31 =	vld [tilespmem:$0x800];
	v26 =	vmul.f32 v26, v26;
	v22 =	vadd.f32 v27, v22;
	[tilespmem:$0x1F8D0] =	vst v30;
	v30 =	vsub.f32 v42, v17  }
0xc1: {  	v19 =	vadd.f32 v19, v20;
	v20 =	vmul.f32 v28, v28;
	v28 =	vmul.f32 v29, v29;
	v29 =	vld [tilespmem:$0x830]  }
0xc2: {  	[tilespmem:$0x1F790] =	vst v46;
	v46 =	vld [tilespmem:$0x840];
	v17 =	vsub.f32 v43, v17;
	v21 =	vadd.f32 v26, v21;
	v26 =	vmul.f32 v30, v30  }
0xc3: {  	[tilespmem:$0x1F8B0] =	vst v40;
	v27 =	vsub.f32 v45, v16;
	v20 =	vadd.f32 v20, v24  }
0xc4: {  	[tilespmem:$0x1F7D0] =	vst v52;
	v47 =	vld [tilespmem:$0x850];
	v17 =	vmul.f32 v17, v17;
	v23 =	vadd.f32 v28, v23;
	v24 =	vadd.f32 v26, v25  }
0xc5: {  	[tilespmem:$0x1F900] =	vst v31;
	v25 =	vsub.f32 v31, v16;
	v26 =	vsub.f32 v44, v16;
	v31 =	vld [tilespmem:$0x890]  }
0xc6: {  	[tilespmem:$0x1F7A0] =	vst v48;
	v48 =	vld [tilespmem:$0x860];
	v17 =	vadd.f32 v17, v18;
	v28 =	vsub.f32 v29, v16  }
0xc7: {  	v30 =	vld [tilespmem:$0x880];
	v18 =	vmul.f32 v27, v27;
	v25 =	vmul.f32 v25, v25;
	[tilespmem:$0x1F930] =	vst v29;
	v29 =	vsub.f32 v46, v16  }
0xc8: {  	[tilespmem:$0x1F8F0] =	vst v43;
	v26 =	vmul.f32 v26, v26;
	v27 =	vmul.f32 v28, v28;
	v28 =	vld [tilespmem:$0x8A0]  }
0xc9: {  	[tilespmem:$0x1F7C0] =	vst v51;
	v49 =	vld [tilespmem:$0x8B0];
	v18 =	vadd.f32 v18, v22;
	v19 =	vadd.f32 v25, v19;
	v25 =	vmul.f32 v29, v29  }
0xca: {  	[tilespmem:$0x1F7E0] =	vst v53;
	v21 =	vadd.f32 v26, v21;
	v26 =	vsub.f32 v31, v15  }
0xcb: {  	v51 =	vld [tilespmem:$0x8D0];
	[tilespmem:$0x1F810] =	vst v57;
	v22 =	vadd.f32 v25, v23;
	v23 =	vsub.f32 v47, v16  }
0xcc: {  	[tilespmem:$0x1F7B0] =	vst v50;
	v29 =	vld [tilespmem:$0x900];
	v16 =	vsub.f32 v48, v16;
	v25 =	vsub.f32 v30, v15  }
0xcd: {  	v50 =	vld [tilespmem:$0x8C0];
	[tilespmem:$0x1F970] =	vst v30;
	v20 =	vadd.f32 v27, v20;
	v23 =	vmul.f32 v23, v23;
	v27 =	vsub.f32 v28, v15  }
0xce: {  	v30 =	vld [tilespmem:$0x8E0];
	v16 =	vmul.f32 v16, v16;
	v25 =	vmul.f32 v25, v25;
	[tilespmem:$0x1F990] =	vst v28;
	v28 =	vsub.f32 v49, v15  }
0xcf: {  	[tilespmem:$0x1F880] =	vst v62;
	v23 =	vadd.f32 v23, v24;
	v24 =	vmul.f32 v26, v26;
	v26 =	vmul.f32 v27, v27;
	v27 =	vld [tilespmem:$0x910]  }
0xd0: {  	[tilespmem:$0x1F800] =	vst v55;
	v16 =	vadd.f32 v16, v17;
	v17 =	vadd.f32 v25, v19;
	v19 =	vmul.f32 v28, v28;
	v28 =	vld [tilespmem:$0x920]  }
0xd1: {  	[tilespmem:$0x1F8C0] =	vst v41;
	v25 =	vsub.f32 v29, v14;
	v21 =	vadd.f32 v24, v21  }
0xd2: {  	[tilespmem:$0x1F9C0] =	vst v51;
	v52 =	vld [tilespmem:$0x950];
	v19 =	vadd.f32 v19, v20;
	v20 =	vsub.f32 v50, v15  }
0xd3: {  	v53 =	vld [tilespmem:$0x960];
	[tilespmem:$0x1F980] =	vst v31;
	v24 =	vsub.f32 v51, v15;
	v15 =	vsub.f32 v30, v15  }
0xd4: {  	[tilespmem:$0x1F9D0] =	vst v30;
	v18 =	vadd.f32 v26, v18;
	v30 =	vld [tilespmem:$0x940];
	v20 =	vmul.f32 v20, v20;
	v26 =	vsub.f32 v27, v14  }
0xd5: {  	v31 =	vld [tilespmem:$0x930];
	v24 =	vmul.f32 v24, v24;
	v15 =	vmul.f32 v15, v15;
	[tilespmem:$0x1F9F0] =	vst v27;
	v27 =	vsub.f32 v28, v14  }
0xd6: {  	[tilespmem:$0x1F7F0] =	vst v54;
	v20 =	vadd.f32 v20, v22;
	v22 =	vmul.f32 v25, v25;
	v25 =	vmul.f32 v26, v26;
	v26 =	vld [tilespmem:$0x980]  }
0xd7: {  	[tilespmem:$0x1F8E0] =	vst v42;
	v15 =	vadd.f32 v15, v16;
	v16 =	vmul.f32 v27, v27;
	v27 =	vld [tilespmem:$0x990]  }
0xd8: {  	[tilespmem:$0x1F860] =	vst v61;
	v23 =	vadd.f32 v24, v23;
	v24 =	vsub.f32 v52, v14  }
0xd9: {  	v54 =	vld [tilespmem:$0x9E0];
	[tilespmem:$0x1F9E0] =	vst v29;
	v17 =	vadd.f32 v22, v17;
	v22 =	vsub.f32 v30, v14  }
0xda: {  	[tilespmem:$0x1FA10] =	vst v31;
	v24 =	vmul.f32 v24, v24;
	v16 =	vadd.f32 v16, v18;
	v18 =	vsub.f32 v31, v14;
	v31 =	vld [tilespmem:$0x9D0]  }
0xdb: {  	v29 =	vld [tilespmem:$0x9B0];
	[tilespmem:$0x1FA00] =	vst v28;
	v21 =	vadd.f32 v25, v21;
	v14 =	vsub.f32 v53, v14;
	v22 =	vmul.f32 v22, v22  }
0xdc: {  	v28 =	vld [tilespmem:$0x9A0];
	v18 =	vmul.f32 v18, v18;
	[tilespmem:$0x1FA50] =	vst v26;
	v25 =	vsub.f32 v26, v13;
	v26 =	vsub.f32 v27, v13  }
0xdd: {  	[tilespmem:$0x1FA20] =	vst v30;
	v30 =	vld [tilespmem:$0x9C0];
	v14 =	vmul.f32 v14, v14;
	v20 =	vadd.f32 v22, v20;
	v22 =	vadd.f32 v24, v23  }
0xde: {  	[tilespmem:$0x1F8A0] =	vst v63;
	v18 =	vadd.f32 v18, v19;
	v19 =	vmul.f32 v25, v25;
	v23 =	vmul.f32 v26, v26  }
0xdf: {  	[tilespmem:$0x1F830] =	vst v58;
	v14 =	vadd.f32 v14, v15;
	v25 =	vld [tilespmem:$0xA00];
	v24 =	vsub.f32 v31, v13  }
0xe0: {  	[tilespmem:$0x1F840] =	vst v59;
	v15 =	vadd.f32 v19, v17;
	v17 =	vadd.f32 v23, v21  }
0xe1: {  	[tilespmem:$0x1FA60] =	vst v27;
	v27 =	vld [tilespmem:$0xA20];
	v19 =	vsub.f32 v28, v13;
	v21 =	vsub.f32 v29, v13  }
0xe2: {  	[tilespmem:$0x1FA70] =	vst v28;
	v23 =	vsub.f32 v30, v13;
	v13 =	vsub.f32 v54, v13;
	v28 =	vld [tilespmem:$0xA30]  }
0xe3: {  	[tilespmem:$0x1FA80] =	vst v29;
	v26 =	vld [tilespmem:$0xA10];
	v19 =	vmul.f32 v19, v19  }
0xe4: {  	v29 =	vld [tilespmem:$0xA40];
	v21 =	vmul.f32 v21, v21;
	v13 =	vmul.f32 v13, v13;
	[tilespmem:$0x1FAC0] =	vst v25;
	v25 =	vsub.f32 v25, v12  }
0xe5: {  	[tilespmem:$0x1F850] =	vst v60;
	v16 =	vadd.f32 v19, v16;
	v19 =	vmul.f32 v24, v24;
	v24 =	vld [tilespmem:$0xA50]  }
0xe6: {  	[tilespmem:$0x1FA90] =	vst v30;
	v30 =	vld [tilespmem:$0xA60];
	v18 =	vadd.f32 v21, v18;
	v13 =	vadd.f32 v13, v14;
	v21 =	vmul.f32 v25, v25  }
0xe7: {  	[tilespmem:$0x1F940] =	vst v46;
	v23 =	vmul.f32 v23, v23;
	v19 =	vadd.f32 v19, v22;
	v22 =	vsub.f32 v28, v12  }
0xe8: {  	[tilespmem:$0x1FAF0] =	vst v28;
	v28 =	vld [tilespmem:$0xAB0];
	v14 =	vadd.f32 v21, v15;
	v15 =	vsub.f32 v26, v12  }
0xe9: {  	[tilespmem:$0x1FAE0] =	vst v27;
	v20 =	vadd.f32 v23, v20;
	v21 =	vsub.f32 v27, v12;
	v27 =	vld [tilespmem:$0xAA0]  }
0xea: {  	v25 =	vld [tilespmem:$0xA80];
	v23 =	vsub.f32 v29, v12;
	v15 =	vmul.f32 v15, v15;
	[tilespmem:$0x1FB10] =	vst v24;
	v24 =	vsub.f32 v24, v12  }
0xeb: {  	[tilespmem:$0x1FAD0] =	vst v26;
	v26 =	vld [tilespmem:$0xA90];
	v22 =	vmul.f32 v22, v22;
	v12 =	vsub.f32 v30, v12;
	v21 =	vmul.f32 v21, v21  }
0xec: {  	[tilespmem:$0x1F950] =	vst v47;
	v15 =	vadd.f32 v15, v17;
	v17 =	vmul.f32 v23, v23;
	v23 =	vmul.f32 v24, v24;
	v24 =	vld [tilespmem:$0xAC0]  }
0xed: {  	[tilespmem:$0x1FB00] =	vst v29;
	v29 =	vld [tilespmem:$0xAD0];
	v18 =	vadd.f32 v22, v18;
	v16 =	vadd.f32 v21, v16;
	v12 =	vmul.f32 v12, v12  }
0xee: {  	[tilespmem:$0x1FB20] =	vst v30;
	v22 =	vsub.f32 v28, v11;
	v21 =	vsub.f32 v27, v11  }
0xef: {  	v30 =	vld [tilespmem:$0xAE0];
	[tilespmem:$0x1FB30] =	vst v25;
	v12 =	vadd.f32 v12, v13;
	v13 =	vsub.f32 v25, v11  }
0xf0: {  	[tilespmem:$0x1FB50] =	vst v27;
	v27 =	vld [tilespmem:$0xB20];
	v17 =	vadd.f32 v17, v20;
	v20 =	vsub.f32 v26, v11;
	v21 =	vmul.f32 v21, v21  }
0xf1: {  	[tilespmem:$0x1FB40] =	vst v26;
	v19 =	vadd.f32 v23, v19;
	v25 =	vld [tilespmem:$0xB00];
	v13 =	vmul.f32 v13, v13;
	v23 =	vsub.f32 v24, v11  }
0xf2: {  	v26 =	vld [tilespmem:$0xB10];
	v20 =	vmul.f32 v20, v20;
	[tilespmem:$0x1FB70] =	vst v24;
	v24 =	vsub.f32 v29, v11;
	v16 =	vadd.f32 v21, v16  }
0xf3: {  	[tilespmem:$0x1F9A0] =	vst v49;
	v13 =	vadd.f32 v13, v14;
	v14 =	vmul.f32 v22, v22;
	v22 =	vmul.f32 v23, v23;
	v23 =	vld [tilespmem:$0xB30]  }
0xf4: {  	[tilespmem:$0x1FB60] =	vst v28;
	v28 =	vld [tilespmem:$0xB40];
	v11 =	vsub.f32 v30, v11;
	v15 =	vadd.f32 v20, v15;
	v20 =	vmul.f32 v24, v24  }
0xf5: {  	[tilespmem:$0x1F910] =	vst v44;
	v21 =	vsub.f32 v27, v10;
	v14 =	vadd.f32 v14, v18  }
0xf6: {  	[tilespmem:$0x1FB80] =	vst v29;
	v29 =	vld [tilespmem:$0xB50];
	v11 =	vmul.f32 v11, v11;
	v17 =	vadd.f32 v22, v17;
	v18 =	vadd.f32 v20, v19  }
0xf7: {  	[tilespmem:$0x1FBA0] =	vst v25;
	v19 =	vsub.f32 v25, v10;
	v20 =	vsub.f32 v26, v10;
	v25 =	vld [tilespmem:$0xB90]  }
0xf8: {  	[tilespmem:$0x1FB90] =	vst v30;
	v30 =	vld [tilespmem:$0xB60];
	v11 =	vadd.f32 v11, v12;
	v22 =	vsub.f32 v23, v10  }
0xf9: {  	v24 =	vld [tilespmem:$0xB80];
	v12 =	vmul.f32 v21, v21;
	v19 =	vmul.f32 v19, v19;
	[tilespmem:$0x1FBD0] =	vst v23;
	v23 =	vsub.f32 v28, v10  }
0xfa: {  	[tilespmem:$0x1F920] =	vst v45;
	v20 =	vmul.f32 v20, v20;
	v21 =	vmul.f32 v22, v22;
	v22 =	vld [tilespmem:$0xBA0]  }
0xfb: {  	[tilespmem:$0x1FBB0] =	vst v26;
	v26 =	vld [tilespmem:$0xBB0];
	v12 =	vadd.f32 v12, v16;
	v13 =	vadd.f32 v19, v13;
	v19 =	vmul.f32 v23, v23  }
0xfc: {  	v56 =	vld [tilespmem:$0xF80];
	[tilespmem:$0x1F960] =	vst v48;
	v15 =	vadd.f32 v20, v15;
	v20 =	vsub.f32 v25, v9  }
0xfd: {  	[tilespmem:$0x1FBC0] =	vst v27;
	v27 =	vld [tilespmem:$0xBC0];
	v16 =	vadd.f32 v19, v17;
	v17 =	vsub.f32 v29, v10  }
0xfe: {  	[tilespmem:$0x1FBE0] =	vst v28;
	v23 =	vld [tilespmem:$0xC00];
	v10 =	vsub.f32 v30, v10;
	v19 =	vsub.f32 v24, v9  }
0xff: {  	v28 =	vld [tilespmem:$0xBD0];
	[tilespmem:$0x1FC10] =	vst v24;
	v14 =	vadd.f32 v21, v14;
	v17 =	vmul.f32 v17, v17;
	v21 =	vsub.f32 v22, v9  }
0x100: {  	v24 =	vld [tilespmem:$0xBE0];
	v10 =	vmul.f32 v10, v10;
	v19 =	vmul.f32 v19, v19;
	[tilespmem:$0x1FC30] =	vst v22;
	v22 =	vsub.f32 v26, v9  }
0x101: {  	[tilespmem:$0x1F9B0] =	vst v50;
	v17 =	vadd.f32 v17, v18;
	v18 =	vmul.f32 v20, v20;
	v20 =	vmul.f32 v21, v21;
	v21 =	vld [tilespmem:$0xC10]  }
0x102: {  	[tilespmem:$0x1FF90] =	vst v56;
	v10 =	vadd.f32 v10, v11;
	v11 =	vadd.f32 v19, v13;
	v13 =	vmul.f32 v22, v22;
	v22 =	vld [tilespmem:$0xC20]  }
0x103: {  	v58 =	vld [tilespmem:$0xFB0];
	[tilespmem:$0x1FC50] =	vst v27;
	v19 =	vsub.f32 v23, v8;
	v15 =	vadd.f32 v18, v15  }
0x104: {  	[tilespmem:$0x1FC20] =	vst v25;
	v25 =	vld [tilespmem:$0xC30];
	v13 =	vadd.f32 v13, v14;
	v14 =	vsub.f32 v27, v9  }
0x105: {  	[tilespmem:$0x1FC40] =	vst v26;
	v26 =	vld [tilespmem:$0xC50];
	v18 =	vsub.f32 v28, v9;
	v9 =	vsub.f32 v24, v9  }
0x106: {  	[tilespmem:$0x1FC70] =	vst v24;
	v12 =	vadd.f32 v20, v12;
	v24 =	vld [tilespmem:$0xC40];
	v14 =	vmul.f32 v14, v14;
	v20 =	vsub.f32 v21, v8  }
0x107: {  	v27 =	vld [tilespmem:$0xC60];
	v18 =	vmul.f32 v18, v18;
	v9 =	vmul.f32 v9, v9;
	[tilespmem:$0x1FC90] =	vst v21;
	v21 =	vsub.f32 v22, v8  }
0x108: {  	[tilespmem:$0x1FA30] =	vst v52;
	v14 =	vadd.f32 v14, v16;
	v16 =	vmul.f32 v19, v19;
	v19 =	vmul.f32 v20, v20;
	v20 =	vld [tilespmem:$0xC80]  }
0x109: {  	[tilespmem:$0x1FA40] =	vst v53;
	v9 =	vadd.f32 v9, v10;
	v10 =	vmul.f32 v21, v21;
	v21 =	vld [tilespmem:$0xC90]  }
0x10a: {  	v59 =	vld [tilespmem:$0xFD0];
	[tilespmem:$0x1FC80] =	vst v23;
	v17 =	vadd.f32 v18, v17;
	v18 =	vsub.f32 v26, v8  }
0x10b: {  	[tilespmem:$0x1FCB0] =	vst v25;
	v23 =	vld [tilespmem:$0xCB0];
	v11 =	vadd.f32 v16, v11;
	v16 =	vsub.f32 v24, v8  }
0x10c: {  	[tilespmem:$0x1FCD0] =	vst v26;
	v18 =	vmul.f32 v18, v18;
	v10 =	vadd.f32 v10, v12;
	v12 =	vsub.f32 v25, v8;
	v25 =	vld [tilespmem:$0xCD0]  }
0x10d: {  	[tilespmem:$0x1FCA0] =	vst v22;
	v22 =	vld [tilespmem:$0xCA0];
	v15 =	vadd.f32 v19, v15;
	v8 =	vsub.f32 v27, v8;
	v16 =	vmul.f32 v16, v16  }
0x10e: {  	v26 =	vld [tilespmem:$0xCE0];
	v12 =	vmul.f32 v12, v12;
	[tilespmem:$0x1FCF0] =	vst v20;
	v19 =	vsub.f32 v20, v7;
	v20 =	vsub.f32 v21, v7  }
0x10f: {  	[tilespmem:$0x1FCC0] =	vst v24;
	v24 =	vld [tilespmem:$0xCC0];
	v8 =	vmul.f32 v8, v8;
	v14 =	vadd.f32 v16, v14;
	v16 =	vadd.f32 v18, v17  }
0x110: {  	[tilespmem:$0x1FAB0] =	vst v54;
	v12 =	vadd.f32 v12, v13;
	v13 =	vmul.f32 v19, v19;
	v17 =	vmul.f32 v20, v20  }
0x111: {  	[tilespmem:$0x1FFC0] =	vst v58;
	v8 =	vadd.f32 v8, v9;
	v19 =	vld [tilespmem:$0xD00];
	v18 =	vsub.f32 v25, v7  }
0x112: {  	[tilespmem:$0x1FFE0] =	vst v59;
	v9 =	vadd.f32 v13, v11;
	v11 =	vadd.f32 v17, v15  }
0x113: {  	[tilespmem:$0x1FD00] =	vst v21;
	v21 =	vld [tilespmem:$0xD20];
	v13 =	vsub.f32 v22, v7;
	v15 =	vsub.f32 v23, v7  }
0x114: {  	[tilespmem:$0x1FD10] =	vst v22;
	v17 =	vsub.f32 v24, v7;
	v7 =	vsub.f32 v26, v7;
	v22 =	vld [tilespmem:$0xD30]  }
0x115: {  	[tilespmem:$0x1FD20] =	vst v23;
	v20 =	vld [tilespmem:$0xD10];
	v13 =	vmul.f32 v13, v13  }
0x116: {  	v23 =	vld [tilespmem:$0xD40];
	v15 =	vmul.f32 v15, v15;
	v7 =	vmul.f32 v7, v7;
	[tilespmem:$0x1FD60] =	vst v19;
	v19 =	vsub.f32 v19, v5  }
0x117: {  	[tilespmem:$0x1FAA0] =	vst v31;
	v10 =	vadd.f32 v13, v10;
	v13 =	vmul.f32 v18, v18;
	v18 =	vld [tilespmem:$0xD50]  }
0x118: {  	[tilespmem:$0x1FD30] =	vst v24;
	v24 =	vld [tilespmem:$0xD60];
	v12 =	vadd.f32 v15, v12;
	v7 =	vadd.f32 v7, v8;
	v15 =	vmul.f32 v19, v19  }
0x119: {  	[tilespmem:$0x1FBF0] =	vst v29;
	v17 =	vmul.f32 v17, v17;
	v13 =	vadd.f32 v13, v16;
	v16 =	vsub.f32 v22, v5  }
0x11a: {  	[tilespmem:$0x1FD90] =	vst v22;
	v22 =	vld [tilespmem:$0xDB0];
	v8 =	vadd.f32 v15, v9;
	v9 =	vsub.f32 v20, v5  }
0x11b: {  	[tilespmem:$0x1FD80] =	vst v21;
	v14 =	vadd.f32 v17, v14;
	v15 =	vsub.f32 v21, v5;
	v21 =	vld [tilespmem:$0xDA0]  }
0x11c: {  	v19 =	vld [tilespmem:$0xD80];
	v17 =	vsub.f32 v23, v5;
	v9 =	vmul.f32 v9, v9;
	[tilespmem:$0x1FDB0] =	vst v18;
	v18 =	vsub.f32 v18, v5  }
0x11d: {  	[tilespmem:$0x1FD70] =	vst v20;
	v20 =	vld [tilespmem:$0xD90];
	v16 =	vmul.f32 v16, v16;
	v5 =	vsub.f32 v24, v5;
	v15 =	vmul.f32 v15, v15  }
0x11e: {  	[tilespmem:$0x1FC00] =	vst v30;
	v9 =	vadd.f32 v9, v11;
	v11 =	vmul.f32 v17, v17;
	v17 =	vmul.f32 v18, v18;
	v18 =	vld [tilespmem:$0xDC0]  }
0x11f: {  	[tilespmem:$0x1FDA0] =	vst v23;
	v23 =	vld [tilespmem:$0xDD0];
	v12 =	vadd.f32 v16, v12;
	v10 =	vadd.f32 v15, v10;
	v5 =	vmul.f32 v5, v5  }
0x120: {  	[tilespmem:$0x1FDC0] =	vst v24;
	v16 =	vsub.f32 v22, v2;
	v15 =	vsub.f32 v21, v2  }
0x121: {  	v24 =	vld [tilespmem:$0xDE0];
	[tilespmem:$0x1FDD0] =	vst v19;
	v5 =	vadd.f32 v5, v7;
	v7 =	vsub.f32 v19, v2  }
0x122: {  	[tilespmem:$0x1FE00] =	vst v22;
	v22 =	vld [tilespmem:$0xE40];
	v11 =	vadd.f32 v11, v14;
	v14 =	vsub.f32 v20, v2  }
0x123: {  	[tilespmem:$0x1FDF0] =	vst v21;
	v21 =	vld [tilespmem:$0xE20];
	v13 =	vadd.f32 v17, v13;
	v7 =	vmul.f32 v7, v7;
	v17 =	vsub.f32 v18, v2  }
0x124: {  	v19 =	vld [tilespmem:$0xE00];
	v15 =	vmul.f32 v15, v15;
	v14 =	vmul.f32 v14, v14;
	[tilespmem:$0x1FE10] =	vst v18;
	v18 =	vsub.f32 v23, v2  }
0x125: {  	[tilespmem:$0x1FD50] =	vst v26;
	v7 =	vadd.f32 v7, v8;
	v8 =	vmul.f32 v16, v16;
	v16 =	vmul.f32 v17, v17;
	v17 =	vld [tilespmem:$0xE30]  }
0x126: {  	[tilespmem:$0x1FDE0] =	vst v20;
	v20 =	vld [tilespmem:$0xE10];
	v10 =	vadd.f32 v15, v10  }
0x127: {  	[tilespmem:$0x1FD40] =	vst v25;
	v25 =	vld [tilespmem:$0xF40];
	v2 =	vsub.f32 v24, v2;
	v9 =	vadd.f32 v14, v9;
	v14 =	vmul.f32 v18, v18  }
0x128: {  	v26 =	vld [tilespmem:$0xF50];
	[tilespmem:$0x1FE20] =	vst v23;
	v15 =	vsub.f32 v21, v1;
	v8 =	vadd.f32 v8, v12  }
0x129: {  	[tilespmem:$0x1FE30] =	vst v24;
	v23 =	vld [tilespmem:$0xE50];
	v12 =	vadd.f32 v14, v13;
	v13 =	vsub.f32 v19, v1  }
0x12a: {  	v24 =	vld [tilespmem:$0xE60];
	[tilespmem:$0x1FE40] =	vst v19;
	v2 =	vmul.f32 v2, v2;
	v11 =	vadd.f32 v16, v11;
	v16 =	vsub.f32 v17, v1  }
0x12b: {  	v14 =	vsub.f32 v20, v1;
	v19 =	vld [tilespmem:$0xE90];
	v13 =	vmul.f32 v13, v13;
	[tilespmem:$0x1FE70] =	vst v17;
	v17 =	vsub.f32 v22, v1  }
0x12c: {  	[tilespmem:$0x1FC60] =	vst v28;
	v2 =	vadd.f32 v2, v5;
	v5 =	vmul.f32 v15, v15;
	v15 =	vmul.f32 v16, v16;
	v16 =	vld [tilespmem:$0xEA0]  }
0x12d: {  	[tilespmem:$0x1FE80] =	vst v22;
	v7 =	vadd.f32 v13, v7;
	v13 =	vmul.f32 v17, v17;
	v17 =	vld [tilespmem:$0xEB0]  }
0x12e: {  	[tilespmem:$0x1FE60] =	vst v21;
	v21 =	vld [tilespmem:$0xEC0];
	v14 =	vmul.f32 v14, v14;
	v5 =	vadd.f32 v5, v10  }
0x12f: {  	[tilespmem:$0x1FE50] =	vst v20;
	v18 =	vld [tilespmem:$0xE80];
	v10 =	vsub.f32 v23, v1;
	v1 =	vsub.f32 v24, v1  }
0x130: {  	v62 =	vimm.f32 $3.000000010e+38;
	v9 =	vadd.f32 v14, v9;
	[tilespmem:$0x1FEC0] =	vst v19;
	v14 =	vsub.f32 v19, v0;
	v19 =	vld [tilespmem:$0xF10]  }
0x131: {  	v28 =	vsub.f32 v58, v3;
	v20 =	vld [tilespmem:$0xF20];
	[tilespmem:$0x1FEA0] =	vst v24;
	v10 =	vmul.f32 v10, v10;
	v8 =	vadd.f32 v15, v8  }
0x132: {  	v22 =	vld [tilespmem:$0xED0];
	v1 =	vmul.f32 v1, v1;
	[tilespmem:$0x1FED0] =	vst v16;
	v15 =	vsub.f32 v16, v0;
	v16 =	vsub.f32 v17, v0  }
0x133: {  	v24 =	vld [tilespmem:$0xEE0];
	v11 =	vadd.f32 v13, v11;
	[tilespmem:$0x1FEE0] =	vst v17;
	v17 =	vadd.f32 v10, v12;
	v10 =	vmul.f32 v14, v14  }
0x134: {  	[tilespmem:$0x1FEB0] =	vst v18;
	v13 =	vsub.f32 v18, v0;
	v18 =	vld [tilespmem:$0xF00];
	v1 =	vadd.f32 v1, v2;
	v55 =	vmul.f32 v16, v16  }
0x135: {  	[tilespmem:$0x1FCE0] =	vst v27;
	v14 =	vsub.f32 v19, v4;
	v12 =	vmul.f32 v15, v15;
	v9 =	vadd.f32 v10, v9  }
0x136: {  	v45 =	vimm.f32 $3.000000010e+38;
	[tilespmem:$0x1FF60] =	vst v25;
	v10 =	vadd.f32 v55, v8;
	v8 =	vsub.f32 v21, v0  }
0x137: {  	[tilespmem:$0x1FE90] =	vst v23;
	v23 =	vld [tilespmem:$0xF30];
	v13 =	vmul.f32 v13, v13;
	v5 =	vadd.f32 v12, v5;
	v12 =	vsub.f32 v22, v0  }
0x138: {  	[tilespmem:$0x1FF70] =	vst v26;
	v16 =	vsub.f32 v20, v4;
	v0 =	vsub.f32 v24, v0;
	v8 =	vmul.f32 v8, v8  }
0x139: {  	[tilespmem:$0x1FF30] =	vst v19;
	v19 =	vld [tilespmem:$0xF90];
	v7 =	vadd.f32 v13, v7;
	v13 =	vsub.f32 v18, v4;
	v15 =	vmul.f32 v12, v12  }
0x13a: {  	[tilespmem:$0x1FEF0] =	vst v21;
	v21 =	vld [tilespmem:$0xF60];
	v57 =	vmul.f32 v16, v16;
	v0 =	vmul.f32 v0, v0;
	v12 =	vadd.f32 v8, v11  }
0x13b: {  	[tilespmem:$0x1FF40] =	vst v20;
	v8 =	vmul.f32 v13, v13;
	v11 =	vmul.f32 v14, v14;
	v13 =	vadd.f32 v15, v17  }
0x13c: {  	[tilespmem:$0x1FF50] =	vst v23;
	v20 =	vld [tilespmem:$0xFA0];
	v14 =	vadd.f32 v0, v1;
	v15 =	vadd.f32 v57, v5;
	v5 =	vimm.f32 $3.000000010e+38  }
0x13d: {  	[tilespmem:$0x1FF00] =	vst v22;
	v61 =	vmin.f32 v5, v6;
	v6 =	vsub.f32 v25, v4;
	v16 =	vadd.f32 v8, v7  }
0x13e: {  	v51 =	vimm.f32 $3.000000010e+38;
	[tilespmem:$0x1FF20] =	vst v18;
	v18 =	vadd.f32 v11, v9;
	v9 =	vld [tilespmem:$0xFC0];
	v7 =	vsub.f32 v23, v4  }
0x13f: {  	[tilespmem:$0x1FFA0] =	vst v19;
	v11 =	vld [tilespmem:$0xFE0];
	v8 =	vsub.f32 v26, v4;
	v4 =	vsub.f32 v21, v4;
	v23 =	vmul.f32 v6, v6  }
0x140: {  	[tilespmem:$0x1FF80] =	vst v21;
	v6 =	vsub.f32 v19, v3;
	v19 =	vsub.f32 v59, v3;
	v21 =	vmul.f32 v7, v7  }
0x141: {  	[tilespmem:$0x1FF10] =	vst v24;
	v7 =	vsub.f32 v56, v3;
	v25 =	vmul.f32 v4, v4;
	v4 =	vsub.f32 v20, v3  }
0x142: {  	[tilespmem:$0x1FFB0] =	vst v20;
	v24 =	vmul.f32 v8, v8;
	v27 =	vmul.f32 v6, v6;
	v6 =	vimm.f32 $3.000000010e+38  }
0x143: {  	v26 =	vmul.f32 v7, v7;
	v41 =	vmul.f32 v4, v4;
	v7 =	vimm.f32 $3.000000010e+38;
	[tilespmem:$0x1FFD0] =	vst v9  }
0x144: {  	s14 =	simm.s32 $0x80;
	s13 =	simm.s32 $0x400;
	v4 =	vimm.f32 $3.000000010e+38;
	v22 =	vsub.f32 v9, v3;
	[tilespmem:$0x1FFF0] =	vst v11;
	v20 =	vsub.f32 v11, v3  }
.LBB2_2:
0x145: {  	v11 =	vld [tilespmem:s14+$0x1000]  }
0x146: {  	v0 =	vld [tilespmem:$0x1F000]  }
0x147: {  	v40 =	vld [tilespmem:$0x1F010]  }
0x148: {  	v42 =	vld [tilespmem:$0x1F190]  }
0x149: {  	v43 =	vld [tilespmem:$0x1F020]  }
0x14a: {  	v44 =	vld [tilespmem:$0x1F1D0]  }
0x14b: {  	v46 =	vld [tilespmem:$0x1F200]  }
0x14c: {  	v47 =	vld [tilespmem:$0x1F030]  }
0x14d: {  	v48 =	vld [tilespmem:$0x1F210];
	v8 =	vadd.f32 v21, v10;
	v10 =	vadd.f32 v23, v12  }
0x14e: {  	v49 =	vld [tilespmem:$0x1F230];
	v12 =	vmul.f32 v28, v28;
	v13 =	vadd.f32 v24, v13;
	v14 =	vadd.f32 v25, v14  }
0x14f: {  	v50 =	vld [tilespmem:$0x1F040];
	v17 =	vmul.f32 v22, v22;
	v19 =	vmul.f32 v19, v19;
	v18 =	vadd.f32 v27, v18  }
0x150: {  	v52 =	vld [tilespmem:$0x1F280];
	v20 =	vmul.f32 v20, v20;
	v15 =	vadd.f32 v41, v15;
	v37 =	vadd.f32 v12, v8  }
0x151: {  	v53 =	vld [tilespmem:$0x1F1A0];
	v35 =	vadd.f32 v17, v10;
	v10 =	vbroadcast v11, $0x0;
	v12 =	vbroadcast v11, $0x1  }
0x152: {  	v54 =	vld [tilespmem:$0x1F050];
	v33 =	vadd.f32 v19, v13;
	v32 =	vadd.f32 v20, v14;
	v6 =	vmin.f32 v6, v15  }
0x153: {  	v41 =	vld [tilespmem:$0x1F180];
	v15 =	vbroadcast v11, $0x2;
	v13 =	vsub.f32 v0, v10;
	v14 =	vsub.f32 v40, v12  }
0x154: {  	v55 =	vld [tilespmem:$0x1F1B0];
	v7 =	vmin.f32 v7, v18;
	v8 =	vbroadcast v11, $0x3  }
0x155: {  	v56 =	vld [tilespmem:$0x1F1E0];
	v18 =	vsub.f32 v43, v15;
	v13 =	vmul.f32 v13, v13;
	v14 =	vmul.f32 v14, v14  }
0x156: {  	v57 =	vld [tilespmem:$0x1F060];
	v16 =	vadd.f32 v26, v16;
	v40 =	vbroadcast v11, $0x4  }
0x157: {  	v58 =	vld [tilespmem:$0x1F220];
	v13 =	vadd.f32 v14, v13;
	v14 =	vmul.f32 v18, v18;
	v18 =	vsub.f32 v47, v8  }
0x158: {  	v59 =	vld [tilespmem:$0x1F250];
	v5 =	vmin.f32 v5, v16;
	v39 =	vbroadcast v11, $0x5;
	v16 =	vsub.f32 v41, v10  }
0x159: {  	v60 =	vld [tilespmem:$0x1F070];
	v13 =	vadd.f32 v14, v13;
	v14 =	vmul.f32 v18, v18;
	v18 =	vsub.f32 v50, v40  }
0x15a: {  	v63 =	vld [tilespmem:$0x1F260];
	v38 =	vbroadcast v11, $0x6;
	v17 =	vsub.f32 v42, v10;
	v19 =	vsub.f32 v44, v10  }
0x15b: {  	v41 =	vld [tilespmem:$0x1F290];
	v13 =	vadd.f32 v14, v13;
	v14 =	vmul.f32 v18, v18;
	v18 =	vsub.f32 v54, v39  }
0x15c: {  	v36 =	vbroadcast v11, $0x7;
	v21 =	vsub.f32 v48, v10;
	v22 =	vsub.f32 v49, v10;
	v48 =	vld [tilespmem:$0x1F080]  }
0x15d: {  	v49 =	vld [tilespmem:$0x1F2A0];
	v13 =	vadd.f32 v14, v13;
	v14 =	vmul.f32 v18, v18;
	v18 =	vsub.f32 v57, v38  }
0x15e: {  	v34 =	vbroadcast v11, $0x8;
	v20 =	vsub.f32 v46, v10;
	v10 =	vsub.f32 v52, v10;
	v50 =	vld [tilespmem:$0x1F090]  }
0x15f: {  	v52 =	vld [tilespmem:$0x1F2C0];
	v13 =	vadd.f32 v14, v13;
	v14 =	vmul.f32 v18, v18;
	v18 =	vsub.f32 v60, v36  }
0x160: {  	v31 =	vbroadcast v11, $0x9;
	v23 =	vsub.f32 v53, v12;
	v42 =	vsub.f32 v55, v12;
	v53 =	vld [tilespmem:$0x1F0A0]  }
0x161: {  	v55 =	vld [tilespmem:$0x1F0B0];
	v13 =	vadd.f32 v14, v13;
	v14 =	vmul.f32 v18, v18;
	v18 =	vsub.f32 v48, v34  }
0x162: {  	v30 =	vbroadcast v11, $0xA;
	v43 =	vsub.f32 v56, v12;
	v44 =	vsub.f32 v58, v12;
	v56 =	vld [tilespmem:$0x1F2F0]  }
0x163: {  	v58 =	vld [tilespmem:$0x1F300];
	v13 =	vadd.f32 v14, v13;
	v14 =	vmul.f32 v18, v18;
	v18 =	vsub.f32 v50, v31  }
0x164: {  	v29 =	vbroadcast v11, $0xB;
	v46 =	vsub.f32 v59, v12;
	v57 =	vld [tilespmem:$0x1F0C0]  }
0x165: {  	v59 =	vld [tilespmem:$0x1F0D0];
	v13 =	vadd.f32 v14, v13;
	v14 =	vmul.f32 v18, v18;
	v18 =	vsub.f32 v53, v30  }
0x166: {  	v28 =	vbroadcast v11, $0xC;
	v47 =	vsub.f32 v63, v12;
	v12 =	vsub.f32 v41, v12;
	v41 =	vld [tilespmem:s14+$0x1010]  }
0x167: {  	v60 =	vld [tilespmem:$0x1F320];
	v13 =	vadd.f32 v14, v13;
	v14 =	vmul.f32 v18, v18;
	v18 =	vsub.f32 v55, v29  }
0x168: {  	v27 =	vbroadcast v11, $0xD;
	v54 =	vld [tilespmem:$0x1F2D0]  }
0x169: {  	v63 =	vld [tilespmem:$0x1F0E0];
	v13 =	vadd.f32 v14, v13;
	v14 =	vmul.f32 v18, v18;
	v18 =	vsub.f32 v57, v28  }
0x16a: {  	v26 =	vbroadcast v11, $0xE;
	v25 =	vbroadcast v11, $0xF;
	v55 =	vsub.f32 v58, v15;
	v58 =	vld [tilespmem:$0x1F330]  }
0x16b: {  	v13 =	vadd.f32 v14, v13;
	v14 =	vmul.f32 v18, v18;
	v18 =	vsub.f32 v59, v27;
	v59 =	vld [tilespmem:$0x1F0F0]  }
0x16c: {  	v16 =	vmul.f32 v16, v16;
	v48 =	vsub.f32 v49, v15;
	v57 =	vsub.f32 v60, v15;
	v60 =	vld [tilespmem:$0x1F350]  }
0x16d: {  	v24 =	vbroadcast v41, $0x0;
	v49 =	vsub.f32 v52, v15;
	v50 =	vsub.f32 v54, v15  }
0x16e: {  	v11 =	vadd.f32 v14, v13;
	v13 =	vmul.f32 v18, v18;
	v14 =	vsub.f32 v63, v26;
	v63 =	vld [tilespmem:$0x1F100]  }
0x16f: {  	v53 =	vsub.f32 v56, v15;
	v58 =	vsub.f32 v58, v15;
	v15 =	vmul.f32 v23, v23  }
0x170: {  	v11 =	vadd.f32 v13, v11;
	v13 =	vmul.f32 v14, v14;
	v14 =	vsub.f32 v59, v25  }
0x171: {  	v59 =	vsub.f32 v60, v8;
	v60 =	vadd.f32 v15, v16;
	v15 =	vmul.f32 v42, v42;
	v42 =	vld [tilespmem:$0x1F110];
	_ =	sdelay $0x1  }
0x172: {  	v11 =	vadd.f32 v13, v11;
	v13 =	vmul.f32 v14, v14;
	v14 =	vsub.f32 v63, v24  }
0x173: {  	v17 =	vmul.f32 v17, v17;
	v23 =	vbroadcast v41, $0x1  }
0x174: {  	v11 =	vadd.f32 v13, v11;
	v13 =	vmul.f32 v14, v14  }
0x175: {  	v14 =	vsub.f32 v42, v23;
	v42 =	vadd.f32 v15, v17;
	v15 =	vmul.f32 v43, v43;
	v43 =	vld [tilespmem:$0x1F120];
	_ =	sdelay $0x1  }
0x176: {  	v19 =	vmul.f32 v19, v19  }
0x177: {  	v56 =	vmul.f32 v22, v22;
	v22 =	vbroadcast v41, $0x2  }
0x178: {  	v11 =	vadd.f32 v13, v11;
	v13 =	vmul.f32 v14, v14  }
0x179: {  	v14 =	vsub.f32 v43, v22;
	v43 =	vadd.f32 v15, v19;
	v15 =	vmul.f32 v44, v44;
	v44 =	vld [tilespmem:$0x1F130];
	_ =	sdelay $0x1  }
0x17a: {  	v52 =	vmul.f32 v20, v20  }
0x17b: {  	v54 =	vmul.f32 v21, v21;
	v21 =	vbroadcast v41, $0x3  }
0x17c: {  	v11 =	vadd.f32 v13, v11;
	v13 =	vmul.f32 v14, v14  }
0x17d: {  	v14 =	vsub.f32 v44, v21;
	v44 =	vadd.f32 v15, v52;
	v15 =	vmul.f32 v46, v46;
	v46 =	vld [tilespmem:$0x1F140];
	_ =	sdelay $0x2  }
0x17e: {  	v20 =	vbroadcast v41, $0x4  }
0x17f: {  	v11 =	vadd.f32 v13, v11;
	v13 =	vmul.f32 v14, v14  }
0x180: {  	v14 =	vsub.f32 v46, v20;
	v46 =	vadd.f32 v15, v54;
	v15 =	vmul.f32 v47, v47;
	v47 =	vld [tilespmem:$0x1F150];
	_ =	sdelay $0x1  }
0x181: {  	v52 =	vld [tilespmem:$0x1F160]  }
0x182: {  	v19 =	vbroadcast v41, $0x5  }
0x183: {  	v10 =	vmul.f32 v10, v10;
	v18 =	vbroadcast v41, $0x6;
	v54 =	vld [tilespmem:$0x1F170]  }
0x184: {  	v11 =	vadd.f32 v13, v11;
	v13 =	vmul.f32 v14, v14;
	v14 =	vsub.f32 v47, v19  }
0x185: {  	v12 =	vmul.f32 v12, v12;
	v63 =	vld [tilespmem:$0x1F1C0];
	v17 =	vbroadcast v41, $0x7  }
0x186: {  	v11 =	vadd.f32 v13, v11;
	v13 =	vmul.f32 v14, v14;
	v14 =	vsub.f32 v52, v18  }
0x187: {  	v16 =	vbroadcast v41, $0x8;
	v52 =	vadd.f32 v12, v10  }
0x188: {  	v12 =	vsub.f32 v54, v17;
	v10 =	vadd.f32 v13, v11;
	v11 =	vmul.f32 v14, v14;
	_ =	sdelay $0x1  }
0x189: {  	v10 =	vadd.f32 v11, v10;
	v11 =	vmul.f32 v12, v12;
	v12 =	vsub.f32 v63, v16;
	v63 =	vld [tilespmem:$0x1F1F0];
	_ =	sdelay $0x2  }
0x18a: {  	v47 =	vadd.f32 v15, v56;
	v15 =	vbroadcast v41, $0x9;
	_ =	sdelay $0x1  }
0x18b: {  	v10 =	vadd.f32 v11, v10;
	v11 =	vmul.f32 v12, v12;
	v12 =	vsub.f32 v63, v15;
	v63 =	vld [tilespmem:$0x1F380];
	_ =	sdelay $0x1  }
0x18c: {  	v2 =	vld [tilespmem:$0x1F2B0]  }
0x18d: {  	v56 =	vld [tilespmem:$0x1F360]  }
0x18e: {  	v1 =	vld [tilespmem:$0x1F240]  }
0x18f: {  	v9 =	vbroadcast v41, $0xC;
	v0 =	vsub.f32 v63, v8;
	v63 =	vld [tilespmem:$0x1F390];
	_ =	sdelay $0x1  }
0x190: {  	[tilespmem:$0x1EFF0] =	vst v9;
	v2 =	vsub.f32 v2, v9;
	v9 =	vld [tilespmem:$0x1F3B0];
	v14 =	vbroadcast v41, $0xA  }
0x191: {  	v54 =	vsub.f32 v56, v8;
	v56 =	vld [tilespmem:$0x1F370]  }
0x192: {  	v3 =	vmovc v51;
	v51 =	vmovc v45;
	v45 =	vmov v61;
	v48 =	vmul.f32 v48, v48;
	v61 =	vsub.f32 v1, v14;
	v1 =	vld [tilespmem:$0x1F3A0]  }
0x193: {  	v10 =	vadd.f32 v11, v10;
	v11 =	vmul.f32 v12, v12;
	v12 =	vsub.f32 v63, v8;
	v63 =	vld [tilespmem:$0x1F270];
	_ =	sdelay $0x1  }
0x194: {  	v9 =	vsub.f32 v9, v8;
	v48 =	vadd.f32 v48, v60;
	v60 =	vld [tilespmem:$0x1F310]  }
0x195: {  	v13 =	vbroadcast v41, $0xB;
	v61 =	vmul.f32 v61, v61;
	v10 =	vadd.f32 v11, v10  }
0x196: {  	v49 =	vmul.f32 v49, v49;
	v56 =	vsub.f32 v56, v8;
	v1 =	vsub.f32 v1, v8;
	v8 =	vld [tilespmem:$0x1F2E0]  }
0x197: {  	v61 =	vadd.f32 v61, v10;
	v10 =	vbroadcast v41, $0xE;
	v63 =	vsub.f32 v63, v13  }
0x198: {  	v53 =	vmul.f32 v53, v53;
	v42 =	vadd.f32 v49, v42  }
0x199: {  	v11 =	vbroadcast v41, $0xD;
	v49 =	vsub.f32 v60, v10;
	v60 =	vld [tilespmem:$0x1F3D0];
	v63 =	vmul.f32 v63, v63  }
0x19a: {  	v62 =	vmin.f32 v62, v37;
	v2 =	vmul.f32 v2, v2;
	v44 =	vadd.f32 v53, v44;
	v53 =	vld [tilespmem:$0x1F340]  }
0x19b: {  	v50 =	vmul.f32 v50, v50;
	v61 =	vadd.f32 v63, v61;
	v63 =	vsub.f32 v8, v11  }
0x19c: {  	v4 =	vmin.f32 v4, v35;
	v9 =	vmul.f32 v9, v9;
	v55 =	vmul.f32 v55, v55  }
0x19d: {  	v8 =	vbroadcast v41, $0xF;
	v2 =	vadd.f32 v2, v61;
	v63 =	vmul.f32 v63, v63  }
0x19e: {  	v57 =	vmul.f32 v57, v57;
	v58 =	vmul.f32 v58, v58;
	v41 =	vsub.f32 v60, v40;
	v60 =	vld [tilespmem:$0x1F400]  }
0x19f: {  	v2 =	vadd.f32 v63, v2;
	v63 =	vmul.f32 v49, v49;
	v49 =	vsub.f32 v53, v8  }
0x1a0: {  	v43 =	vadd.f32 v50, v43;
	v50 =	vmul.f32 v59, v59;
	v61 =	vmovc v45;
	v45 =	vmov v51;
	v51 =	vld [tilespmem:$0x1F3F0]  }
0x1a1: {  	v52 =	vadd.f32 v58, v52;
	v2 =	vadd.f32 v63, v2;
	v58 =	vmul.f32 v49, v49;
	v63 =	vld [tilespmem:$0x1F3E0]  }
0x1a2: {  	v48 =	vadd.f32 v50, v48;
	v47 =	vadd.f32 v57, v47;
	v1 =	vmul.f32 v1, v1  }
0x1a3: {  	v59 =	vld [tilespmem:$0x1F3C0];
	v49 =	vmul.f32 v56, v56;
	v2 =	vadd.f32 v58, v2;
	v58 =	vsub.f32 v60, v40  }
0x1a4: {  	v46 =	vadd.f32 v55, v46;
	v1 =	vadd.f32 v1, v47;
	v0 =	vmul.f32 v0, v0;
	v60 =	vld [tilespmem:$0x1F460]  }
0x1a5: {  	v53 =	vmul.f32 v54, v54;
	v43 =	vadd.f32 v49, v43;
	v49 =	vmul.f32 v58, v58;
	v58 =	vld [tilespmem:$0x1F440]  }
0x1a6: {  	v55 =	vmul.f32 v12, v12;
	v57 =	vsub.f32 v51, v40;
	v56 =	vsub.f32 v63, v40;
	v63 =	vld [tilespmem:$0x1F410]  }
0x1a7: {  	v0 =	vadd.f32 v0, v44;
	v41 =	vmul.f32 v41, v41;
	v42 =	vadd.f32 v53, v42;
	v51 =	vld [tilespmem:$0x1F420]  }
0x1a8: {  	v46 =	vadd.f32 v55, v46;
	v54 =	vsub.f32 v59, v40;
	v47 =	vmul.f32 v57, v57;
	v57 =	vld [tilespmem:$0x1F430]  }
0x1a9: {  	v59 =	vld [tilespmem:$0x1F450];
	v41 =	vadd.f32 v41, v42;
	v44 =	vmul.f32 v56, v56;
	v55 =	vsub.f32 v60, v39  }
0x1aa: {  	v61 =	vmin.f32 v61, v2;
	v0 =	vadd.f32 v47, v0;
	v60 =	vld [tilespmem:$0x1F4B0];
	v53 =	vsub.f32 v58, v39  }
0x1ab: {  	v2 =	vmul.f32 v54, v54;
	v58 =	vld [tilespmem:$0x1F490];
	v42 =	vadd.f32 v44, v43;
	v54 =	vsub.f32 v63, v40  }
0x1ac: {  	v44 =	vadd.f32 v49, v46;
	v46 =	vmul.f32 v55, v55;
	v40 =	vsub.f32 v51, v40;
	v63 =	vld [tilespmem:$0x1F470]  }
0x1ad: {  	v9 =	vadd.f32 v9, v52;
	v52 =	vsub.f32 v57, v39;
	v51 =	vld [tilespmem:$0x1F480];
	v50 =	vmul.f32 v54, v54  }
0x1ae: {  	v2 =	vadd.f32 v2, v48;
	v57 =	vld [tilespmem:$0x1F4F0];
	v0 =	vadd.f32 v46, v0;
	v40 =	vmul.f32 v40, v40  }
0x1af: {  	v54 =	vsub.f32 v59, v39;
	v37 =	vmul.f32 v52, v52;
	v59 =	vld [tilespmem:$0x1F4A0];
	v1 =	vadd.f32 v50, v1  }
0x1b0: {  	v45 =	vmin.f32 v45, v32;
	v55 =	vld [tilespmem:$0x1F4D0];
	v9 =	vadd.f32 v40, v9;
	v50 =	vsub.f32 v60, v38  }
0x1b1: {  	v48 =	vmul.f32 v53, v53;
	v2 =	vadd.f32 v37, v2;
	v52 =	vsub.f32 v63, v39;
	v63 =	vld [tilespmem:$0x1F4C0]  }
0x1b2: {  	v43 =	vmul.f32 v54, v54;
	v56 =	vsub.f32 v51, v39;
	v39 =	vsub.f32 v58, v39;
	v58 =	vld [tilespmem:$0x1F500]  }
0x1b3: {  	v37 =	vadd.f32 v48, v41;
	v54 =	vsub.f32 v57, v38;
	v51 =	vld [tilespmem:$0x1F510];
	v50 =	vmul.f32 v50, v50  }
0x1b4: {  	v42 =	vadd.f32 v43, v42;
	v47 =	vmul.f32 v56, v56;
	v49 =	vsub.f32 v59, v38;
	v56 =	vld [tilespmem:$0x1F4E0]  }
0x1b5: {  	v40 =	vmul.f32 v52, v52;
	v39 =	vmul.f32 v39, v39;
	v37 =	vadd.f32 v50, v37;
	v50 =	vld [tilespmem:$0x1F590]  }
0x1b6: {  	v35 =	vmul.f32 v49, v49;
	v49 =	vsub.f32 v55, v38;
	v55 =	vld [tilespmem:$0x1F550];
	v52 =	vsub.f32 v63, v38  }
0x1b7: {  	v40 =	vadd.f32 v40, v44;
	v1 =	vadd.f32 v47, v1;
	v63 =	vmul.f32 v54, v54;
	v54 =	vld [tilespmem:$0x1F540]  }
0x1b8: {  	v9 =	vadd.f32 v39, v9;
	v46 =	vsub.f32 v51, v36;
	v41 =	vmul.f32 v52, v52;
	v52 =	vld [tilespmem:$0x1F520]  }
0x1b9: {  	v59 =	vmul.f32 v49, v49;
	v2 =	vadd.f32 v35, v2;
	v53 =	vsub.f32 v56, v38;
	v56 =	vld [tilespmem:$0x1F560]  }
0x1ba: {  	v38 =	vsub.f32 v58, v38;
	v32 =	vmul.f32 v46, v46;
	v58 =	vld [tilespmem:$0x1F570];
	v1 =	vadd.f32 v63, v1  }
0x1bb: {  	v0 =	vadd.f32 v59, v0;
	v44 =	vsub.f32 v50, v34;
	v60 =	vmul.f32 v53, v53;
	v53 =	vld [tilespmem:$0x1F530]  }
0x1bc: {  	v50 =	vld [tilespmem:$0x1F600];
	v46 =	vsub.f32 v55, v36;
	v41 =	vadd.f32 v41, v42  }
0x1bd: {  	v38 =	vmul.f32 v38, v38;
	v2 =	vadd.f32 v32, v2;
	v48 =	vsub.f32 v54, v36;
	v54 =	vld [tilespmem:$0x1F5C0]  }
0x1be: {  	v51 =	vmin.f32 v3, v33;
	v55 =	vld [tilespmem:$0x1F5D0];
	v40 =	vadd.f32 v60, v40;
	v49 =	vsub.f32 v56, v36  }
0x1bf: {  	v9 =	vadd.f32 v38, v9;
	v60 =	vmul.f32 v46, v46;
	v47 =	vsub.f32 v52, v36;
	v52 =	vld [tilespmem:$0x1F5A0]  }
0x1c0: {  	v59 =	vmul.f32 v48, v48;
	v33 =	vsub.f32 v53, v36;
	v63 =	vmul.f32 v49, v49;
	v49 =	vld [tilespmem:$0x1F580]  }
0x1c1: {  	v38 =	vadd.f32 v60, v40;
	v57 =	vmul.f32 v47, v47;
	v36 =	vsub.f32 v58, v36;
	v53 =	vld [tilespmem:$0x1F5B0]  }
0x1c2: {  	v56 =	vld [tilespmem:$0x1F5E0];
	v0 =	vadd.f32 v59, v0;
	v48 =	vsub.f32 v54, v34;
	v33 =	vmul.f32 v33, v33  }
0x1c3: {  	v54 =	vld [tilespmem:$0x1F630];
	v36 =	vmul.f32 v36, v36;
	v57 =	vadd.f32 v57, v37;
	v1 =	vadd.f32 v63, v1  }
0x1c4: {  	v46 =	vsub.f32 v52, v34;
	v52 =	vld [tilespmem:$0x1F610];
	v33 =	vadd.f32 v33, v41  }
0x1c5: {  	v44 =	vmul.f32 v44, v44;
	v9 =	vadd.f32 v36, v9;
	v41 =	vsub.f32 v50, v31;
	v50 =	vld [tilespmem:$0x1F6A0]  }
0x1c6: {  	v60 =	vmul.f32 v48, v48;
	v43 =	vsub.f32 v49, v34;
	v47 =	vsub.f32 v53, v34;
	v53 =	vld [tilespmem:$0x1F620]  }
0x1c7: {  	v32 =	vadd.f32 v44, v57;
	v49 =	vsub.f32 v55, v34;
	v58 =	vmul.f32 v46, v46;
	v55 =	vld [tilespmem:$0x1F640]  }
0x1c8: {  	v34 =	vsub.f32 v56, v34;
	v56 =	vld [tilespmem:$0x1F650];
	v41 =	vmul.f32 v41, v41;
	v43 =	vmul.f32 v43, v43  }
0x1c9: {  	v59 =	vmul.f32 v47, v47;
	v63 =	vmul.f32 v49, v49;
	v49 =	vld [tilespmem:$0x1F5F0];
	v47 =	vsub.f32 v54, v31  }
0x1ca: {  	v34 =	vmul.f32 v34, v34;
	v33 =	vadd.f32 v58, v33;
	v42 =	vsub.f32 v52, v31;
	v52 =	vld [tilespmem:$0x1F6B0]  }
0x1cb: {  	v58 =	vadd.f32 v60, v38;
	v32 =	vadd.f32 v41, v32;
	v60 =	vmul.f32 v47, v47;
	v47 =	vld [tilespmem:$0x1F670]  }
0x1cc: {  	v2 =	vadd.f32 v43, v2;
	v46 =	vsub.f32 v53, v31;
	v53 =	vld [tilespmem:$0x1F6C0]  }
0x1cd: {  	v9 =	vadd.f32 v34, v9;
	v34 =	vadd.f32 v60, v58;
	v58 =	vld [tilespmem:$0x1F6E0]  }
0x1ce: {  	v0 =	vadd.f32 v59, v0;
	v48 =	vsub.f32 v55, v31;
	v60 =	vld [tilespmem:$0x1F700]  }
0x1cf: {  	v57 =	vmul.f32 v42, v42;
	v40 =	vsub.f32 v49, v31;
	v59 =	vmul.f32 v46, v46;
	v46 =	vld [tilespmem:$0x1F660]  }
0x1d0: {  	v1 =	vadd.f32 v63, v1;
	v31 =	vsub.f32 v56, v31;
	v63 =	vmul.f32 v48, v48;
	v48 =	vld [tilespmem:$0x1F680]  }
0x1d1: {  	v49 =	vld [tilespmem:$0x1F690];
	v33 =	vadd.f32 v57, v33;
	v40 =	vmul.f32 v40, v40;
	v42 =	vsub.f32 v47, v30  }
0x1d2: {  	v57 =	vld [tilespmem:$0x1F6D0];
	v31 =	vmul.f32 v31, v31;
	v47 =	vsub.f32 v52, v30;
	v0 =	vadd.f32 v59, v0  }
0x1d3: {  	v1 =	vadd.f32 v63, v1;
	v59 =	vld [tilespmem:$0x1F6F0];
	v2 =	vadd.f32 v40, v2  }
0x1d4: {  	v63 =	vld [tilespmem:$0x1F710];
	v9 =	vadd.f32 v31, v9;
	v38 =	vsub.f32 v58, v29  }
0x1d5: {  	v42 =	vmul.f32 v42, v42;
	v58 =	vld [tilespmem:$0x1F790];
	v39 =	vsub.f32 v46, v30;
	v43 =	vsub.f32 v48, v30  }
0x1d6: {  	v31 =	vmul.f32 v47, v47;
	v47 =	vld [tilespmem:$0x1F7D0];
	v44 =	vsub.f32 v49, v30;
	v46 =	vsub.f32 v50, v30  }
0x1d7: {  	v30 =	vsub.f32 v53, v30;
	v37 =	vsub.f32 v57, v29;
	v48 =	vld [tilespmem:$0x1F720];
	v38 =	vmul.f32 v38, v38  }
0x1d8: {  	v49 =	vld [tilespmem:$0x1F730];
	v32 =	vadd.f32 v42, v32;
	v1 =	vadd.f32 v31, v1;
	v39 =	vmul.f32 v39, v39  }
0x1d9: {  	v53 =	vld [tilespmem:$0x1F740];
	v54 =	vmul.f32 v43, v43;
	v55 =	vmul.f32 v44, v44;
	v41 =	vsub.f32 v59, v29  }
0x1da: {  	v57 =	vld [tilespmem:$0x1F780];
	v56 =	vmul.f32 v46, v46;
	v43 =	vsub.f32 v60, v29;
	v44 =	vsub.f32 v63, v29  }
0x1db: {  	v30 =	vmul.f32 v30, v30;
	v59 =	vld [tilespmem:$0x1F7A0];
	v32 =	vadd.f32 v38, v32;
	v2 =	vadd.f32 v39, v2  }
0x1dc: {  	v33 =	vadd.f32 v54, v33;
	v0 =	vadd.f32 v55, v0;
	v54 =	vld [tilespmem:$0x1F750]  }
0x1dd: {  	v37 =	vmul.f32 v37, v37;
	v34 =	vadd.f32 v56, v34;
	v9 =	vadd.f32 v30, v9;
	v55 =	vld [tilespmem:$0x1F760]  }
0x1de: {  	v30 =	vmul.f32 v44, v44;
	v56 =	vld [tilespmem:$0x1F770];
	v44 =	vsub.f32 v58, v28;
	v39 =	vsub.f32 v47, v27  }
0x1df: {  	v50 =	vmul.f32 v41, v41;
	v58 =	vld [tilespmem:$0x1F850];
	v46 =	vsub.f32 v48, v29;
	v29 =	vsub.f32 v49, v29  }
0x1e0: {  	v52 =	vmul.f32 v43, v43;
	v47 =	vld [tilespmem:$0x1F8B0];
	v36 =	vsub.f32 v53, v28;
	v43 =	vsub.f32 v57, v28  }
0x1e1: {  	v48 =	vld [tilespmem:$0x1F7E0];
	v2 =	vadd.f32 v37, v2;
	v33 =	vadd.f32 v50, v33  }
0x1e2: {  	v57 =	vld [tilespmem:$0x1F840];
	v0 =	vadd.f32 v52, v0;
	v30 =	vadd.f32 v30, v34;
	v31 =	vmul.f32 v46, v46  }
0x1e3: {  	v49 =	vld [tilespmem:$0x1F7F0];
	v29 =	vmul.f32 v29, v29;
	v40 =	vsub.f32 v54, v28;
	v41 =	vsub.f32 v55, v28  }
0x1e4: {  	v50 =	vld [tilespmem:$0x1F800];
	v36 =	vmul.f32 v36, v36;
	v42 =	vsub.f32 v56, v28;
	v28 =	vsub.f32 v59, v28  }
0x1e5: {  	v46 =	vld [tilespmem:$0x1F7C0];
	v1 =	vadd.f32 v31, v1;
	v31 =	vmul.f32 v43, v43;
	v9 =	vadd.f32 v29, v9  }
0x1e6: {  	v53 =	vld [tilespmem:$0x1F810];
	v29 =	vmul.f32 v44, v44;
	v2 =	vadd.f32 v36, v2;
	v54 =	vmul.f32 v39, v39  }
0x1e7: {  	v44 =	vld [tilespmem:$0x1F7B0];
	v37 =	vsub.f32 v47, v25;
	v39 =	vsub.f32 v57, v26;
	v60 =	vmul.f32 v41, v41  }
0x1e8: {  	v55 =	vld [tilespmem:$0x1F820];
	v63 =	vmul.f32 v42, v42;
	v41 =	vsub.f32 v48, v27;
	v42 =	vsub.f32 v49, v27  }
0x1e9: {  	v56 =	vld [tilespmem:$0x1F830];
	v40 =	vmul.f32 v40, v40;
	v43 =	vsub.f32 v50, v27;
	v30 =	vadd.f32 v31, v30  }
0x1ea: {  	v59 =	vld [tilespmem:$0x1F860];
	v28 =	vmul.f32 v28, v28;
	v1 =	vadd.f32 v29, v1;
	v38 =	vsub.f32 v46, v27  }
0x1eb: {  	v32 =	vadd.f32 v40, v32;
	v33 =	vadd.f32 v60, v33  }
0x1ec: {  	v48 =	vld [tilespmem:$0x1F8C0];
	v0 =	vadd.f32 v63, v0;
	v31 =	vmul.f32 v41, v41;
	v9 =	vadd.f32 v28, v9  }
0x1ed: {  	v49 =	vld [tilespmem:$0x1F8D0];
	v28 =	vmul.f32 v42, v42;
	v40 =	vsub.f32 v58, v26;
	v34 =	vsub.f32 v44, v27  }
0x1ee: {  	v50 =	vld [tilespmem:$0x1F8E0];
	v29 =	vmul.f32 v43, v43;
	v27 =	vsub.f32 v53, v27;
	v35 =	vsub.f32 v55, v26  }
0x1ef: {  	v46 =	vld [tilespmem:$0x1F8A0];
	v52 =	vmul.f32 v38, v38;
	v38 =	vsub.f32 v56, v26;
	v41 =	vsub.f32 v59, v26  }
0x1f0: {  	v60 =	vld [tilespmem:$0x1F870];
	v44 =	vmul.f32 v39, v39;
	v33 =	vadd.f32 v54, v33;
	v0 =	vadd.f32 v31, v0  }
0x1f1: {  	v63 =	vld [tilespmem:$0x1F880];
	v31 =	vmul.f32 v40, v40;
	v28 =	vadd.f32 v28, v30;
	v1 =	vadd.f32 v29, v1  }
0x1f2: {  	v57 =	vld [tilespmem:$0x1F930];
	v34 =	vmul.f32 v34, v34;
	v32 =	vadd.f32 v52, v32;
	v39 =	vsub.f32 v48, v25  }
0x1f3: {  	v58 =	vld [tilespmem:$0x1F940];
	v29 =	vmul.f32 v41, v41;
	v40 =	vsub.f32 v49, v25;
	v41 =	vsub.f32 v50, v25  }
0x1f4: {  	v55 =	vld [tilespmem:$0x1F910];
	v27 =	vmul.f32 v27, v27;
	v36 =	vsub.f32 v46, v25;
	v33 =	vadd.f32 v44, v33  }
0x1f5: {  	v56 =	vld [tilespmem:$0x1F920];
	v38 =	vmul.f32 v38, v38;
	v0 =	vadd.f32 v31, v0;
	v42 =	vsub.f32 v60, v26  }
0x1f6: {  	v30 =	vld [tilespmem:$0x1F890];
	v54 =	vmul.f32 v37, v37;
	v26 =	vsub.f32 v63, v26;
	v2 =	vadd.f32 v34, v2  }
0x1f7: {  	v53 =	vld [tilespmem:$0x1F8F0];
	v35 =	vmul.f32 v35, v35;
	v9 =	vadd.f32 v27, v9;
	v32 =	vadd.f32 v38, v32  }
0x1f8: {  	v43 =	vld [tilespmem:$0x1F9A0];
	v28 =	vadd.f32 v29, v28;
	v29 =	vmul.f32 v39, v39;
	v38 =	vsub.f32 v57, v24  }
0x1f9: {  	v59 =	vld [tilespmem:$0x1F950];
	v39 =	vsub.f32 v58, v24;
	v52 =	vmul.f32 v36, v36;
	v36 =	vsub.f32 v55, v24  }
0x1fa: {  	v31 =	vld [tilespmem:$0x1F900];
	v37 =	vsub.f32 v56, v24;
	v33 =	vadd.f32 v54, v33  }
0x1fb: {  	v44 =	vld [tilespmem:$0x1F9B0];
	v27 =	vmul.f32 v42, v42;
	v30 =	vsub.f32 v30, v25;
	v2 =	vadd.f32 v35, v2  }
0x1fc: {  	v60 =	vld [tilespmem:$0x1F960];
	v26 =	vmul.f32 v26, v26;
	v25 =	vsub.f32 v53, v25;
	v0 =	vadd.f32 v29, v0  }
0x1fd: {  	v47 =	vld [tilespmem:$0x1F9D0];
	v29 =	vmul.f32 v38, v38;
	v63 =	vmul.f32 v37, v37;
	v37 =	vsub.f32 v43, v23  }
0x1fe: {  	v46 =	vld [tilespmem:$0x1F9C0];
	v30 =	vmul.f32 v30, v30;
	v1 =	vadd.f32 v27, v1;
	v9 =	vadd.f32 v26, v9  }
0x1ff: {  	v57 =	vld [tilespmem:$0x1FA70];
	v26 =	vmul.f32 v40, v40;
	v31 =	vsub.f32 v31, v24;
	v40 =	vsub.f32 v59, v24  }
0x200: {  	v42 =	vld [tilespmem:$0x1F990];
	v27 =	vmul.f32 v41, v41;
	v38 =	vsub.f32 v44, v23;
	v0 =	vadd.f32 v29, v0  }
0x201: {  	v50 =	vld [tilespmem:$0x1FA00];
	v25 =	vmul.f32 v25, v25;
	v24 =	vsub.f32 v60, v24;
	v2 =	vadd.f32 v30, v2  }
0x202: {  	v53 =	vld [tilespmem:$0x1FA20];
	v36 =	vmul.f32 v36, v36;
	v30 =	vadd.f32 v52, v32;
	v26 =	vadd.f32 v26, v28  }
0x203: {  	v41 =	vld [tilespmem:$0x1F980];
	v31 =	vmul.f32 v31, v31;
	v1 =	vadd.f32 v27, v1;
	v9 =	vadd.f32 v25, v9  }
0x204: {  	v29 =	vld [tilespmem:$0x1F9E0];
	v27 =	vmul.f32 v39, v39;
	v39 =	vsub.f32 v46, v23;
	v32 =	vadd.f32 v63, v33  }
0x205: {  	v54 =	vld [tilespmem:$0x1FA30];
	v25 =	vmul.f32 v40, v40;
	v33 =	vsub.f32 v57, v21;
	v35 =	vsub.f32 v42, v23  }
0x206: {  	v60 =	vld [tilespmem:$0x1FAA0];
	v24 =	vmul.f32 v24, v24;
	v2 =	vadd.f32 v31, v2;
	v30 =	vadd.f32 v36, v30  }
0x207: {  	v28 =	vld [tilespmem:$0x1F970];
	v26 =	vadd.f32 v27, v26;
	v27 =	vmul.f32 v37, v37;
	v1 =	vadd.f32 v25, v1  }
0x208: {  	v49 =	vld [tilespmem:$0x1F9F0];
	v25 =	vmul.f32 v39, v39;
	v37 =	vsub.f32 v53, v22;
	v34 =	vsub.f32 v41, v23  }
0x209: {  	v52 =	vld [tilespmem:$0x1FA10];
	v48 =	vmul.f32 v35, v35;
	v9 =	vadd.f32 v24, v9;
	v29 =	vsub.f32 v29, v22  }
0x20a: {  	v55 =	vld [tilespmem:$0x1FA40];
	v24 =	vmul.f32 v38, v38;
	v35 =	vsub.f32 v50, v22;
	v38 =	vsub.f32 v54, v22  }
0x20b: {  	v59 =	vld [tilespmem:$0x1FA90];
	v0 =	vadd.f32 v27, v0;
	v1 =	vadd.f32 v25, v1  }
0x20c: {  	v25 =	vmul.f32 v37, v37;
	v37 =	vsub.f32 v60, v21;
	v28 =	vsub.f32 v28, v23  }
0x20d: {  	v58 =	vld [tilespmem:$0x1FA80];
	v31 =	vmul.f32 v34, v34;
	v23 =	vsub.f32 v47, v23;
	v34 =	vsub.f32 v49, v22  }
0x20e: {  	v56 =	vld [tilespmem:$0x1FA60];
	v36 =	vsub.f32 v52, v22;
	v24 =	vadd.f32 v24, v26  }
0x20f: {  	v22 =	vsub.f32 v55, v22;
	v26 =	vld [tilespmem:$0x1FA50];
	v28 =	vmul.f32 v28, v28;
	v23 =	vmul.f32 v23, v23  }
0x210: {  	v63 =	vld [tilespmem:$0x1FAB0];
	v27 =	vmul.f32 v36, v36;
	v36 =	vsub.f32 v59, v21;
	v24 =	vadd.f32 v25, v24  }
0x211: {  	v40 =	vld [tilespmem:$0x1FAF0];
	v2 =	vadd.f32 v28, v2;
	v28 =	vadd.f32 v31, v30  }
0x212: {  	v46 =	vld [tilespmem:$0x1FB70];
	v29 =	vmul.f32 v29, v29;
	v31 =	vadd.f32 v48, v32;
	v9 =	vadd.f32 v23, v9  }
0x213: {  	v39 =	vld [tilespmem:$0x1FAE0];
	v30 =	vmul.f32 v35, v35;
	v32 =	vsub.f32 v56, v21;
	v35 =	vsub.f32 v58, v21  }
0x214: {  	v41 =	vld [tilespmem:$0x1FB00];
	v34 =	vmul.f32 v34, v34;
	v0 =	vadd.f32 v27, v0;
	v26 =	vsub.f32 v26, v21  }
0x215: {  	v42 =	vld [tilespmem:$0x1FB10];
	v23 =	vmul.f32 v38, v38;
	v21 =	vsub.f32 v63, v21;
	v2 =	vadd.f32 v29, v2  }
0x216: {  	v47 =	vld [tilespmem:$0x1FB80];
	v22 =	vmul.f32 v22, v22;
	v28 =	vadd.f32 v34, v28;
	v30 =	vadd.f32 v30, v31  }
0x217: {  	v27 =	vld [tilespmem:$0x1FAC0];
	v31 =	vmul.f32 v33, v33;
	v25 =	vmul.f32 v35, v35;
	v1 =	vadd.f32 v23, v1  }
0x218: {  	v38 =	vld [tilespmem:$0x1FAD0];
	v9 =	vadd.f32 v22, v9;
	v22 =	vmul.f32 v36, v36;
	v33 =	vsub.f32 v39, v20  }
0x219: {  	v43 =	vld [tilespmem:$0x1FB20];
	v23 =	vmul.f32 v37, v37;
	v34 =	vsub.f32 v40, v20;
	v35 =	vsub.f32 v41, v20  }
0x21a: {  	v36 =	vsub.f32 v42, v20;
	v26 =	vmul.f32 v26, v26;
	v0 =	vadd.f32 v25, v0  }
0x21b: {  	v44 =	vld [tilespmem:$0x1FB60];
	v25 =	vmul.f32 v34, v34;
	v22 =	vadd.f32 v22, v24;
	v1 =	vadd.f32 v23, v1  }
0x21c: {  	v23 =	vmul.f32 v35, v35;
	v34 =	vsub.f32 v46, v19;
	v35 =	vsub.f32 v47, v19  }
0x21d: {  	v29 =	vmul.f32 v32, v32;
	v27 =	vsub.f32 v27, v20;
	v32 =	vsub.f32 v38, v20  }
0x21e: {  	v21 =	vmul.f32 v21, v21;
	v24 =	vld [tilespmem:$0x1FB30];
	v20 =	vsub.f32 v43, v20;
	v2 =	vadd.f32 v26, v2  }
0x21f: {  	v26 =	vadd.f32 v29, v28;
	v29 =	vadd.f32 v31, v30;
	v30 =	vld [tilespmem:$0x1FB40]  }
0x220: {  	v28 =	vmul.f32 v33, v33;
	v9 =	vadd.f32 v21, v9;
	v31 =	vld [tilespmem:$0x1FB50];
	v33 =	vsub.f32 v44, v19  }
0x221: {  	v50 =	vld [tilespmem:$0x1FBF0];
	v21 =	vmul.f32 v36, v36;
	v0 =	vadd.f32 v25, v0;
	v22 =	vadd.f32 v23, v22  }
0x222: {  	v48 =	vld [tilespmem:$0x1FBD0];
	v27 =	vmul.f32 v27, v27;
	v20 =	vmul.f32 v20, v20;
	v28 =	vadd.f32 v28, v29  }
0x223: {  	v54 =	vld [tilespmem:$0x1FC60];
	v32 =	vmul.f32 v32, v32;
	v1 =	vadd.f32 v21, v1;
	v24 =	vsub.f32 v24, v19  }
0x224: {  	v49 =	vld [tilespmem:$0x1FBE0];
	v2 =	vadd.f32 v27, v2;
	v9 =	vadd.f32 v20, v9;
	v20 =	vmul.f32 v34, v34  }
0x225: {  	v25 =	vld [tilespmem:$0x1FBA0];
	v23 =	vmul.f32 v33, v33;
	v30 =	vsub.f32 v30, v19;
	v31 =	vsub.f32 v31, v19  }
0x226: {  	v26 =	vadd.f32 v32, v26;
	v24 =	vmul.f32 v24, v24;
	v20 =	vadd.f32 v20, v22;
	v22 =	vld [tilespmem:$0x1FC10]  }
0x227: {  	v32 =	vsub.f32 v48, v18;
	v27 =	vmul.f32 v30, v30;
	v30 =	vld [tilespmem:$0x1FB90];
	v29 =	vmul.f32 v31, v31  }
0x228: {  	v21 =	vmul.f32 v35, v35;
	v0 =	vadd.f32 v23, v0;
	v31 =	vld [tilespmem:$0x1FBC0];
	v2 =	vadd.f32 v24, v2  }
0x229: {  	v23 =	vmul.f32 v32, v32;
	v24 =	vadd.f32 v27, v26;
	v27 =	vadd.f32 v29, v28;
	v28 =	vld [tilespmem:$0x1FC20]  }
0x22a: {  	v53 =	vld [tilespmem:$0x1FC50];
	v33 =	vsub.f32 v49, v18;
	v34 =	vsub.f32 v50, v18  }
0x22b: {  	v1 =	vadd.f32 v21, v1;
	v0 =	vadd.f32 v23, v0;
	v23 =	vld [tilespmem:$0x1FC80]  }
0x22c: {  	v21 =	vmul.f32 v33, v33;
	v33 =	vsub.f32 v54, v17;
	v25 =	vsub.f32 v25, v18;
	v29 =	vld [tilespmem:$0x1FC30]  }
0x22d: {  	v19 =	vsub.f32 v30, v19;
	v30 =	vld [tilespmem:$0x1FBB0];
	v31 =	vsub.f32 v31, v18  }
0x22e: {  	v52 =	vld [tilespmem:$0x1FC00];
	v25 =	vmul.f32 v25, v25;
	v22 =	vsub.f32 v22, v17;
	v28 =	vsub.f32 v28, v17  }
0x22f: {  	v32 =	vsub.f32 v53, v17;
	v20 =	vadd.f32 v21, v20;
	v26 =	vmul.f32 v31, v31;
	v31 =	vld [tilespmem:$0x1FC40]  }
0x230: {  	v2 =	vadd.f32 v25, v2;
	v22 =	vmul.f32 v22, v22;
	v25 =	vmul.f32 v28, v28;
	v28 =	vld [tilespmem:$0x1FC70]  }
0x231: {  	v23 =	vsub.f32 v23, v16;
	v19 =	vmul.f32 v19, v19;
	v29 =	vsub.f32 v29, v17  }
0x232: {  	v2 =	vadd.f32 v22, v2;
	v30 =	vsub.f32 v30, v18  }
0x233: {  	v55 =	vld [tilespmem:$0x1FCD0];
	v9 =	vadd.f32 v19, v9;
	v19 =	vmul.f32 v34, v34;
	v18 =	vsub.f32 v52, v18  }
0x234: {  	v26 =	vadd.f32 v26, v27;
	v27 =	vmul.f32 v29, v29;
	v29 =	vld [tilespmem:$0x1FCA0];
	v30 =	vmul.f32 v30, v30  }
0x235: {  	v18 =	vmul.f32 v18, v18;
	v31 =	vsub.f32 v31, v17;
	v17 =	vsub.f32 v28, v17;
	v28 =	vld [tilespmem:$0x1FC90]  }
0x236: {  	v23 =	vmul.f32 v23, v23;
	v1 =	vadd.f32 v19, v1;
	v24 =	vadd.f32 v30, v24;
	v30 =	vld [tilespmem:$0x1FCB0]  }
0x237: {  	v21 =	vmul.f32 v31, v31;
	v9 =	vadd.f32 v18, v9;
	v18 =	vmul.f32 v32, v32;
	v31 =	vld [tilespmem:$0x1FCC0]  }
0x238: {  	v19 =	vmul.f32 v33, v33;
	v22 =	vadd.f32 v25, v24;
	v25 =	vadd.f32 v27, v26;
	v26 =	vld [tilespmem:$0x1FD00]  }
0x239: {  	v2 =	vadd.f32 v23, v2;
	v18 =	vadd.f32 v18, v20;
	v20 =	vld [tilespmem:$0x1FCF0]  }
0x23a: {  	v1 =	vadd.f32 v19, v1;
	v29 =	vsub.f32 v29, v16;
	v27 =	vld [tilespmem:$0x1FD10]  }
0x23b: {  	v56 =	vld [tilespmem:$0x1FCE0];
	v32 =	vsub.f32 v55, v16;
	v30 =	vsub.f32 v30, v16  }
0x23c: {  	v17 =	vmul.f32 v17, v17;
	v24 =	vmul.f32 v29, v29;
	v29 =	vld [tilespmem:$0x1FD20];
	v31 =	vsub.f32 v31, v16  }
0x23d: {  	v0 =	vadd.f32 v21, v0;
	v21 =	vmul.f32 v30, v30;
	v26 =	vsub.f32 v26, v15;
	v30 =	vld [tilespmem:$0x1FD30]  }
0x23e: {  	v9 =	vadd.f32 v17, v9;
	v28 =	vsub.f32 v28, v16;
	v19 =	vmul.f32 v31, v31;
	v31 =	vld [tilespmem:$0x1FD40]  }
0x23f: {  	v20 =	vsub.f32 v20, v15;
	v27 =	vsub.f32 v27, v15;
	v23 =	vmul.f32 v26, v26;
	v26 =	vld [tilespmem:$0x1FD50]  }
0x240: {  	v24 =	vadd.f32 v24, v25;
	v28 =	vmul.f32 v28, v28;
	v0 =	vadd.f32 v21, v0;
	v21 =	vld [tilespmem:$0x1FD60]  }
0x241: {  	v29 =	vsub.f32 v29, v15;
	v20 =	vmul.f32 v20, v20;
	v25 =	vmul.f32 v27, v27;
	v27 =	vld [tilespmem:$0x1FD80]  }
0x242: {  	v16 =	vsub.f32 v56, v16;
	v22 =	vadd.f32 v28, v22;
	v28 =	vld [tilespmem:$0x1FD90]  }
0x243: {  	v18 =	vadd.f32 v19, v18;
	v19 =	vmul.f32 v29, v29;
	v29 =	vld [tilespmem:$0x1FDA0];
	v2 =	vadd.f32 v20, v2  }
0x244: {  	v20 =	vadd.f32 v23, v22;
	v23 =	vadd.f32 v25, v24;
	v24 =	vld [tilespmem:$0x1FDE0]  }
0x245: {  	v17 =	vmul.f32 v32, v32;
	v16 =	vmul.f32 v16, v16;
	v25 =	vld [tilespmem:$0x1FDF0];
	v30 =	vsub.f32 v30, v15  }
0x246: {  	v31 =	vsub.f32 v31, v15;
	v15 =	vsub.f32 v26, v15;
	v26 =	vld [tilespmem:$0x1FD70]  }
0x247: {  	v1 =	vadd.f32 v17, v1;
	v9 =	vadd.f32 v16, v9;
	v16 =	vmul.f32 v30, v30;
	v30 =	vld [tilespmem:$0x1FDB0]  }
0x248: {  	v17 =	vmul.f32 v31, v31;
	v21 =	vsub.f32 v21, v14;
	v27 =	vsub.f32 v27, v14;
	v31 =	vld [tilespmem:$0x1FDC0]  }
0x249: {  	v28 =	vsub.f32 v28, v14;
	v16 =	vadd.f32 v16, v18;
	v18 =	vld [tilespmem:$0x1FDD0]  }
0x24a: {  	v0 =	vadd.f32 v19, v0;
	v29 =	vsub.f32 v29, v14;
	v22 =	vmul.f32 v27, v27;
	v27 =	vld [tilespmem:$0x1FE00]  }
0x24b: {  	v21 =	vmul.f32 v21, v21;
	v19 =	vmul.f32 v28, v28;
	v24 =	vsub.f32 v24, v13;
	v28 =	vld [tilespmem:$0x1FE10]  }
0x24c: {  	v1 =	vadd.f32 v17, v1;
	v17 =	vmul.f32 v29, v29;
	v29 =	vld [tilespmem:$0x1FE20]  }
0x24d: {  	v25 =	vsub.f32 v25, v13;
	v2 =	vadd.f32 v21, v2;
	v21 =	vmul.f32 v24, v24;
	v24 =	vld [tilespmem:$0x1FE30]  }
0x24e: {  	v12 =	vld [tilespmem:$0x1EFF0];
	v22 =	vadd.f32 v22, v23;
	v0 =	vadd.f32 v19, v0  }
0x24f: {  	v3 =	vld [tilespmem:$0x1FE90];
	v15 =	vmul.f32 v15, v15;
	v26 =	vsub.f32 v26, v14;
	v30 =	vsub.f32 v30, v14  }
0x250: {  	v23 =	vmul.f32 v25, v25;
	v19 =	vld [tilespmem:$0x1FE40];
	v14 =	vsub.f32 v31, v14;
	v18 =	vsub.f32 v18, v13  }
0x251: {  	v25 =	vld [tilespmem:$0x1FE60];
	v26 =	vmul.f32 v26, v26;
	v27 =	vsub.f32 v27, v13;
	v28 =	vsub.f32 v28, v13  }
0x252: {  	v29 =	vsub.f32 v29, v13;
	v13 =	vsub.f32 v24, v13;
	v24 =	vld [tilespmem:$0x1FE50]  }
0x253: {  	v9 =	vadd.f32 v15, v9;
	v14 =	vmul.f32 v14, v14;
	v20 =	vadd.f32 v26, v20;
	v26 =	vld [tilespmem:$0x1FE70]  }
0x254: {  	v16 =	vadd.f32 v17, v16;
	v17 =	vmul.f32 v27, v27;
	v27 =	vld [tilespmem:$0x1FE80]  }
0x255: {  	v9 =	vadd.f32 v14, v9;
	v14 =	vmul.f32 v28, v28;
	v28 =	vsub.f32 v3, v12;
	v3 =	vld [tilespmem:$0x1FEA0];
	_ =	sdelay $0x2  }
0x256: {  	v19 =	vsub.f32 v19, v12;
	v25 =	vsub.f32 v25, v12  }
0x257: {  	v24 =	vsub.f32 v24, v12;
	v26 =	vsub.f32 v26, v12  }
0x258: {  	v27 =	vsub.f32 v27, v12;
	v12 =	vsub.f32 v3, v12;
	v3 =	vld [tilespmem:$0x1FEE0];
	_ =	sdelay $0x1  }
0x259: {  	v18 =	vmul.f32 v18, v18;
	_ =	sdelay $0x1  }
0x25a: {  	v2 =	vadd.f32 v18, v2  }
0x25b: {  	v18 =	vadd.f32 v21, v20;
	v20 =	vmul.f32 v25, v25;
	v25 =	vsub.f32 v3, v11;
	v3 =	vld [tilespmem:$0x1FEF0];
	_ =	sdelay $0x4  }
0x25c: {  	v0 =	vadd.f32 v17, v0;
	v17 =	vmul.f32 v26, v26;
	v26 =	vsub.f32 v3, v11;
	v3 =	vld [tilespmem:$0x1FF00]  }
0x25d: {  	v15 =	vmul.f32 v30, v30  }
0x25e: {  	v14 =	vadd.f32 v14, v16;
	v16 =	vld [tilespmem:$0x1FEB0]  }
0x25f: {  	v1 =	vadd.f32 v15, v1;
	v15 =	vmul.f32 v29, v29;
	v21 =	vadd.f32 v23, v22;
	v22 =	vld [tilespmem:$0x1FEC0]  }
0x260: {  	v23 =	vld [tilespmem:$0x1FED0]  }
0x261: {  	v1 =	vadd.f32 v15, v1;
	v15 =	vmul.f32 v27, v27;
	v27 =	vsub.f32 v3, v11;
	v3 =	vld [tilespmem:$0x1FF10];
	_ =	sdelay $0x3  }
0x262: {  	v16 =	vsub.f32 v16, v11;
	v22 =	vsub.f32 v22, v11  }
0x263: {  	v23 =	vsub.f32 v23, v11;
	v11 =	vsub.f32 v3, v11;
	v3 =	vld [tilespmem:$0x1FF40];
	_ =	sdelay $0x4  }
0x264: {  	v20 =	vadd.f32 v20, v21;
	v21 =	vmul.f32 v23, v23;
	v23 =	vsub.f32 v3, v10;
	v3 =	vld [tilespmem:$0x1FF50];
	_ =	sdelay $0x2  }
0x265: {  	v24 =	vmul.f32 v24, v24;
	_ =	sdelay $0x1  }
0x266: {  	v18 =	vadd.f32 v24, v18;
	v24 =	vsub.f32 v3, v10;
	v3 =	vld [tilespmem:$0x1FF60]  }
0x267: {  	v19 =	vmul.f32 v19, v19  }
0x268: {  	v13 =	vmul.f32 v13, v13  }
0x269: {  	v2 =	vadd.f32 v19, v2;
	v19 =	vmul.f32 v22, v22;
	v22 =	vld [tilespmem:$0x1FF30]  }
0x26a: {  	v60 =	vld [tilespmem:$0x1FFE0];
	v9 =	vadd.f32 v13, v9;
	v12 =	vmul.f32 v12, v12  }
0x26b: {  	v14 =	vadd.f32 v15, v14;
	v15 =	vmul.f32 v25, v25;
	v25 =	vsub.f32 v3, v10;
	v3 =	vld [tilespmem:$0x1FF70]  }
0x26c: {  	v58 =	vld [tilespmem:$0x1FFA0];
	v0 =	vadd.f32 v17, v0  }
0x26d: {  	v9 =	vadd.f32 v12, v9;
	v17 =	vld [tilespmem:$0x1FF20];
	v12 =	vmul.f32 v26, v26;
	v11 =	vmul.f32 v11, v11  }
0x26e: {  	v63 =	vld [tilespmem:$0x1FFF0];
	v13 =	vmul.f32 v28, v28;
	v22 =	vsub.f32 v22, v10  }
0x26f: {  	v16 =	vmul.f32 v16, v16;
	v12 =	vadd.f32 v12, v14;
	v14 =	vadd.f32 v11, v9;
	v9 =	vld [tilespmem:$0x1FFB0]  }
0x270: {  	v1 =	vadd.f32 v13, v1;
	v29 =	vmul.f32 v22, v22;
	v22 =	vsub.f32 v3, v10;
	v3 =	vld [tilespmem:$0x1FF80]  }
0x271: {  	v2 =	vadd.f32 v16, v2;
	v18 =	vadd.f32 v19, v18  }
0x272: {  	v31 =	vadd.f32 v21, v20;
	v17 =	vsub.f32 v17, v10;
	v13 =	vmul.f32 v27, v27  }
0x273: {  	v57 =	vld [tilespmem:$0x1FF90];
	v19 =	vsub.f32 v60, v8;
	v20 =	vsub.f32 v63, v8  }
0x274: {  	v59 =	vld [tilespmem:$0x1FFD0];
	v17 =	vmul.f32 v17, v17;
	v13 =	vadd.f32 v13, v1;
	v1 =	vsub.f32 v58, v8  }
0x275: {  	p0 =	sne.s32 s13, $0x3FE00;
	v9 =	vsub.f32 v9, v8;
	v26 =	vsub.f32 v3, v10;
	v3 =	vld [tilespmem:$0x1FFC0]  }
.Ltmp0:
0x276: {  	v16 =	vadd.f32 v17, v2;
	v27 =	vmul.f32 v1, v1;
	v30 =	vmul.f32 v23, v23;
	(pc) =	sbr.rel @p0 .LBB2_2-.Ltmp0, $4  }
0x277: {  	v18 =	vadd.f32 v29, v18;
	v41 =	vmul.f32 v9, v9;
	v21 =	vmul.f32 v24, v24  }
0x278: {  	v23 =	vmul.f32 v25, v25;
	v10 =	vadd.f32 v15, v0;
	v0 =	vsub.f32 v57, v8  }
0x279: {  	v24 =	vmul.f32 v22, v22;
	v22 =	vsub.f32 v59, v8;
	v15 =	vadd.f32 v30, v31  }
0x27a: {  	s14 =	sshra.s32 s13, $0x2;
	s13 =	sadd.s32 $0x200, s13;
	v25 =	vmul.f32 v26, v26;
	v26 =	vmul.f32 v0, v0;
	v28 =	vsub.f32 v3, v8  }
0x27b: {  	v0 =	vld [tilespmem:s14+$0x1000]  }
0x27c: {  	v8 =	vld [tilespmem:$0x1F000]  }
0x27d: {  	v9 =	vld [tilespmem:$0x1F010]  }
0x27e: {  	v11 =	vld [tilespmem:$0x1F020];
	_ =	sdelay $0x1  }
0x27f: {  	v43 =	vld [tilespmem:$0x1F030];
	v1 =	vbroadcast v0, $0x0;
	v2 =	vbroadcast v0, $0x1  }
0x280: {  	v42 =	vbroadcast v0, $0x2  }
0x281: {  	v46 =	vld [tilespmem:$0x1F040];
	v8 =	vsub.f32 v8, v1;
	v9 =	vsub.f32 v9, v2  }
0x282: {  	v17 =	vbroadcast v0, $0x3;
	v11 =	vsub.f32 v11, v42  }
0x283: {  	v48 =	vld [tilespmem:$0x1F050];
	v8 =	vmul.f32 v8, v8;
	v9 =	vmul.f32 v9, v9  }
0x284: {  	v40 =	vbroadcast v0, $0x4;
	v38 =	vmul.f32 v11, v11;
	v11 =	vsub.f32 v43, v17  }
0x285: {  	v50 =	vld [tilespmem:$0x1F060];
	v8 =	vadd.f32 v9, v8  }
0x286: {  	v39 =	vbroadcast v0, $0x5;
	v44 =	vmul.f32 v11, v11;
	v11 =	vsub.f32 v46, v40  }
0x287: {  	v53 =	vld [tilespmem:$0x1F070];
	v8 =	vadd.f32 v38, v8  }
0x288: {  	v47 =	vmul.f32 v11, v11;
	v11 =	vsub.f32 v48, v39;
	v38 =	vbroadcast v0, $0x6  }
0x289: {  	v55 =	vld [tilespmem:$0x1F080];
	v8 =	vadd.f32 v44, v8  }
0x28a: {  	v57 =	vld [tilespmem:$0x1F090];
	v37 =	vbroadcast v0, $0x7;
	v49 =	vmul.f32 v11, v11;
	v11 =	vsub.f32 v50, v38  }
0x28b: {  	v59 =	vld [tilespmem:$0x1F0A0];
	v15 =	vadd.f32 v41, v15;
	v8 =	vadd.f32 v47, v8  }
0x28c: {  	v36 =	vbroadcast v0, $0x8;
	v44 =	vld [tilespmem:$0x1F0D0];
	v52 =	vmul.f32 v11, v11;
	v11 =	vsub.f32 v53, v37  }
0x28d: {  	v63 =	vld [tilespmem:$0x1F0B0];
	v16 =	vadd.f32 v26, v16;
	v8 =	vadd.f32 v49, v8  }
0x28e: {  	v41 =	vld [tilespmem:$0x1F190];
	v35 =	vbroadcast v0, $0x9;
	v54 =	vmul.f32 v11, v11;
	v11 =	vsub.f32 v55, v36  }
0x28f: {  	v26 =	vld [tilespmem:$0x1F120];
	v34 =	vbroadcast v0, $0xA;
	v31 =	vbroadcast v0, $0xD;
	v8 =	vadd.f32 v52, v8  }
0x290: {  	v48 =	vadd.f32 v25, v14;
	v50 =	vld [tilespmem:$0x1F0F0];
	v56 =	vmul.f32 v11, v11;
	v11 =	vsub.f32 v57, v35  }
0x291: {  	v33 =	vbroadcast v0, $0xB;
	v43 =	vld [tilespmem:$0x1F0C0];
	v30 =	vsub.f32 v44, v31;
	v8 =	vadd.f32 v54, v8  }
0x292: {  	v14 =	vadd.f32 v27, v18;
	v27 =	vld [tilespmem:$0x1F180];
	v58 =	vmul.f32 v11, v11;
	v11 =	vsub.f32 v59, v34  }
0x293: {  	v47 =	vld [tilespmem:$0x1F0E0];
	v46 =	vmul.f32 v30, v30;
	v30 =	vbroadcast v0, $0xF;
	v8 =	vadd.f32 v56, v8  }
0x294: {  	v32 =	vbroadcast v0, $0xC;
	v44 =	vld [tilespmem:$0x1F200];
	v60 =	vmul.f32 v11, v11;
	v11 =	vsub.f32 v63, v33  }
0x295: {  	v54 =	vld [tilespmem:$0x1F100];
	v52 =	vsub.f32 v50, v30;
	v8 =	vadd.f32 v58, v8  }
0x296: {  	v12 =	vadd.f32 v23, v12;
	v50 =	vld [tilespmem:$0x1F130];
	v3 =	vmul.f32 v11, v11;
	v11 =	vsub.f32 v43, v32  }
0x297: {  	v56 =	vmul.f32 v22, v22;
	v23 =	vmul.f32 v52, v52;
	v52 =	vld [tilespmem:$0x1F1B0];
	v8 =	vadd.f32 v60, v8  }
0x298: {  	v63 =	vmul.f32 v20, v20;
	v29 =	vmul.f32 v11, v11;
	v11 =	vld [tilespmem:s14+$0x1010]  }
0x299: {  	v21 =	vadd.f32 v21, v10;
	v58 =	vld [tilespmem:$0x1F110];
	v9 =	vadd.f32 v3, v8;
	v8 =	vbroadcast v0, $0xE  }
0x29a: {  	v59 =	vadd.f32 v56, v12;
	v63 =	vadd.f32 v63, v48;
	v43 =	vld [tilespmem:$0x1F1D0]  }
0x29b: {  	v48 =	vld [tilespmem:$0x1F280];
	v9 =	vadd.f32 v29, v9;
	v29 =	vsub.f32 v47, v8  }
0x29c: {  	v13 =	vadd.f32 v24, v13;
	v53 =	vmul.f32 v28, v28;
	v56 =	vld [tilespmem:$0x1F260];
	v60 =	vmul.f32 v19, v19  }
0x29d: {  	[tilespmem:$0x1EFD0] =	vst v59;
	v59 =	vld [tilespmem:$0x1F2C0];
	v9 =	vadd.f32 v46, v9;
	v49 =	vmul.f32 v29, v29;
	v29 =	vbroadcast v11, $0x0  }
0x29e: {  	v3 =	vadd.f32 v53, v21;
	v24 =	vadd.f32 v60, v13;
	v53 =	vld [tilespmem:$0x1F1E0]  }
0x29f: {  	v60 =	vld [tilespmem:$0x1F140];
	v10 =	vbroadcast v11, $0x1;
	v9 =	vadd.f32 v49, v9;
	v55 =	vsub.f32 v54, v29  }
0x2a0: {  	v47 =	vld [tilespmem:$0x1F230]  }
0x2a1: {  	v46 =	vld [tilespmem:$0x1F210];
	v22 =	vsub.f32 v58, v10;
	v9 =	vadd.f32 v23, v9;
	v57 =	vmul.f32 v55, v55  }
0x2a2: {  	v12 =	vbroadcast v11, $0x3;
	v54 =	vld [tilespmem:$0x1F220]  }
0x2a3: {  	v28 =	vbroadcast v11, $0x2;
	v23 =	vmul.f32 v22, v22;
	v55 =	vld [tilespmem:$0x1F250];
	v9 =	vadd.f32 v57, v9  }
0x2a4: {  	v18 =	vsub.f32 v27, v1;
	v13 =	vsub.f32 v50, v12;
	v58 =	vld [tilespmem:$0x1F2A0]  }
0x2a5: {  	v50 =	vld [tilespmem:$0x1F2D0];
	v25 =	vadd.f32 v23, v9;
	v9 =	vsub.f32 v26, v28  }
0x2a6: {  	v20 =	vsub.f32 v43, v1;
	v43 =	vsub.f32 v53, v2;
	v53 =	vld [tilespmem:$0x1F300]  }
0x2a7: {  	v21 =	vsub.f32 v44, v1;
	v44 =	vsub.f32 v54, v2;
	v54 =	vld [tilespmem:$0x1F150];
	v9 =	vmul.f32 v9, v9  }
0x2a8: {  	v22 =	vsub.f32 v46, v1;
	v46 =	vsub.f32 v55, v2;
	v55 =	vld [tilespmem:$0x1F320]  }
0x2a9: {  	v19 =	vsub.f32 v41, v1;
	v49 =	vld [tilespmem:$0x1F1A0];
	v13 =	vmul.f32 v13, v13;
	v0 =	vadd.f32 v9, v25  }
0x2aa: {  	v27 =	vbroadcast v11, $0x4;
	v41 =	vsub.f32 v47, v1;
	v1 =	vsub.f32 v48, v1;
	v57 =	vld [tilespmem:$0x1F290]  }
0x2ab: {  	v48 =	vsub.f32 v58, v42;
	v58 =	vld [tilespmem:$0x1F170];
	v0 =	vadd.f32 v13, v0;
	v13 =	vbroadcast v11, $0x5  }
0x2ac: {  	[tilespmem:$0x1EFC0] =	vst v3;
	v3 =	vsub.f32 v60, v27;
	v23 =	vsub.f32 v52, v2;
	v52 =	vld [tilespmem:$0x1F2F0]  }
0x2ad: {  	v25 =	vsub.f32 v54, v13;
	v54 =	vsub.f32 v55, v42;
	v55 =	vld [tilespmem:$0x1F330]  }
0x2ae: {  	v47 =	vsub.f32 v56, v2;
	v50 =	vsub.f32 v50, v42  }
0x2af: {  	v53 =	vsub.f32 v53, v42;
	v9 =	vsub.f32 v49, v2  }
0x2b0: {  	v2 =	vsub.f32 v57, v2;
	v57 =	vld [tilespmem:$0x1F160];
	v56 =	vmul.f32 v25, v25;
	v25 =	vbroadcast v11, $0x7  }
0x2b1: {  	v18 =	vmul.f32 v18, v18;
	v49 =	vsub.f32 v59, v42;
	v52 =	vsub.f32 v52, v42  }
0x2b2: {  	[tilespmem:$0x1EFE0] =	vst v24;
	v24 =	vmul.f32 v3, v3;
	v42 =	vsub.f32 v55, v42;
	v55 =	vsub.f32 v58, v25  }
0x2b3: {  	v26 =	vbroadcast v11, $0x6;
	v9 =	vmul.f32 v9, v9  }
0x2b4: {  	v0 =	vadd.f32 v24, v0;
	v3 =	vmul.f32 v55, v55;
	v55 =	vld [tilespmem:$0x1F1C0]  }
0x2b5: {  	v9 =	vadd.f32 v9, v18;
	v18 =	vsub.f32 v57, v26;
	_ =	sdelay $0x1  }
0x2b6: {  	v24 =	vbroadcast v11, $0x8;
	v18 =	vmul.f32 v18, v18;
	v0 =	vadd.f32 v56, v0  }
0x2b7: {  	v60 =	vmul.f32 v43, v43  }
0x2b8: {  	v59 =	vmul.f32 v20, v20;
	v0 =	vadd.f32 v18, v0;
	v57 =	vsub.f32 v55, v24  }
0x2b9: {  	v19 =	vmul.f32 v19, v19;
	v23 =	vmul.f32 v23, v23  }
0x2ba: {  	v0 =	vadd.f32 v3, v0;
	v55 =	vadd.f32 v60, v59;
	v59 =	vld [tilespmem:$0x1F1F0];
	v58 =	vmul.f32 v57, v57;
	_ =	sdelay $0x1  }
0x2bb: {  	v56 =	vadd.f32 v23, v19;
	v19 =	vmul.f32 v21, v21;
	v0 =	vadd.f32 v58, v0;
	v58 =	vld [tilespmem:$0x1F240]  }
0x2bc: {  	v23 =	vbroadcast v11, $0x9;
	v3 =	vmul.f32 v44, v44  }
0x2bd: {  	v20 =	vld [tilespmem:$0x1F350];
	v18 =	vmul.f32 v22, v22;
	v57 =	vmul.f32 v46, v46  }
0x2be: {  	v22 =	vbroadcast v11, $0xA;
	v46 =	vadd.f32 v3, v19;
	v3 =	vld [tilespmem:$0x1F3B0];
	v60 =	vsub.f32 v59, v23  }
0x2bf: {  	v21 =	vmul.f32 v41, v41;
	v43 =	vadd.f32 v57, v18;
	v57 =	vld [tilespmem:$0x1F370]  }
0x2c0: {  	v59 =	vmul.f32 v47, v47;
	v47 =	vld [tilespmem:$0x1F270];
	v41 =	vmul.f32 v60, v60;
	v44 =	vsub.f32 v58, v22  }
0x2c1: {  	v58 =	vld [tilespmem:$0x1F380]  }
0x2c2: {  	v0 =	vadd.f32 v41, v0;
	v41 =	vadd.f32 v59, v21;
	v59 =	vld [tilespmem:$0x1F390];
	v60 =	vmul.f32 v44, v44  }
0x2c3: {  	v1 =	vmul.f32 v1, v1;
	v2 =	vmul.f32 v2, v2;
	v44 =	vld [tilespmem:$0x1F360]  }
0x2c4: {  	v21 =	vbroadcast v11, $0xB;
	v0 =	vadd.f32 v60, v0;
	v60 =	vld [tilespmem:$0x1F3A0]  }
0x2c5: {  	v1 =	vadd.f32 v2, v1  }
0x2c6: {  	v2 =	vsub.f32 v20, v17;
	v18 =	vsub.f32 v47, v21  }
0x2c7: {  	v20 =	vbroadcast v11, $0xC;
	v47 =	vsub.f32 v57, v17;
	v57 =	vsub.f32 v58, v17  }
0x2c8: {  	v2 =	vmul.f32 v2, v2;
	v58 =	vsub.f32 v59, v17;
	v44 =	vsub.f32 v44, v17  }
0x2c9: {  	v59 =	vsub.f32 v60, v17;
	v60 =	vsub.f32 v3, v17;
	v17 =	vmul.f32 v48, v48  }
0x2ca: {  	v42 =	vmul.f32 v42, v42;
	v48 =	vld [tilespmem:$0x1F2B0];
	v3 =	vmul.f32 v49, v49  }
0x2cb: {  	v18 =	vmul.f32 v18, v18;
	v9 =	vadd.f32 v17, v9;
	v17 =	vmul.f32 v50, v50;
	v50 =	vld [tilespmem:$0x1F2E0]  }
0x2cc: {  	v1 =	vadd.f32 v42, v1;
	v49 =	vadd.f32 v3, v56;
	v56 =	vmul.f32 v52, v52;
	v3 =	vld [tilespmem:$0x1F310]  }
0x2cd: {  	v19 =	vbroadcast v11, $0xD;
	v0 =	vadd.f32 v18, v0;
	v18 =	vbroadcast v11, $0xE  }
0x2ce: {  	v57 =	vmul.f32 v57, v57;
	v46 =	vadd.f32 v56, v46;
	v56 =	vmul.f32 v54, v54  }
0x2cf: {  	v44 =	vmul.f32 v44, v44;
	v52 =	vmul.f32 v53, v53;
	v54 =	vld [tilespmem:$0x1F3C0];
	v48 =	vsub.f32 v48, v20  }
0x2d0: {  	v60 =	vmul.f32 v60, v60;
	v2 =	vadd.f32 v2, v9;
	v41 =	vadd.f32 v56, v41;
	v56 =	vld [tilespmem:$0x1F3E0]  }
0x2d1: {  	v48 =	vmul.f32 v48, v48;
	v50 =	vsub.f32 v50, v19;
	v53 =	vsub.f32 v3, v18;
	v3 =	vld [tilespmem:$0x1F3F0]  }
0x2d2: {  	v9 =	vadd.f32 v44, v49;
	v1 =	vadd.f32 v60, v1;
	v60 =	vld [tilespmem:$0x1F480]  }
0x2d3: {  	v44 =	vadd.f32 v57, v46;
	v57 =	vld [tilespmem:$0x1F450];
	v0 =	vadd.f32 v48, v0;
	v50 =	vmul.f32 v50, v50  }
0x2d4: {  	v43 =	vadd.f32 v52, v43;
	v48 =	vadd.f32 v17, v55;
	v55 =	vld [tilespmem:$0x1F3D0]  }
0x2d5: {  	v58 =	vmul.f32 v58, v58;
	v0 =	vadd.f32 v50, v0;
	v50 =	vsub.f32 v56, v40;
	v56 =	vld [tilespmem:$0x1F400]  }
0x2d6: {  	v59 =	vmul.f32 v59, v59;
	v52 =	vsub.f32 v3, v40;
	v3 =	vld [tilespmem:$0x1F410]  }
0x2d7: {  	v43 =	vadd.f32 v58, v43;
	v58 =	vld [tilespmem:$0x1F460];
	v53 =	vmul.f32 v53, v53  }
0x2d8: {  	v41 =	vadd.f32 v59, v41;
	v59 =	vld [tilespmem:$0x1F470]  }
0x2d9: {  	v17 =	vadd.f32 v53, v0;
	v42 =	vsub.f32 v55, v40;
	v55 =	vld [tilespmem:$0x1F430]  }
0x2da: {  	v47 =	vmul.f32 v47, v47;
	v0 =	vsub.f32 v54, v40;
	v53 =	vsub.f32 v56, v40;
	v56 =	vld [tilespmem:$0x1F440]  }
0x2db: {  	v54 =	vsub.f32 v3, v40;
	v3 =	vld [tilespmem:$0x1F420]  }
0x2dc: {  	v47 =	vadd.f32 v47, v48;
	v0 =	vmul.f32 v0, v0  }
0x2dd: {  	v48 =	vsub.f32 v57, v39;
	v49 =	vsub.f32 v58, v39;
	v57 =	vld [tilespmem:$0x1F4C0]  }
0x2de: {  	v58 =	vld [tilespmem:$0x1F4D0];
	v50 =	vmul.f32 v50, v50;
	v0 =	vadd.f32 v0, v2;
	v2 =	vsub.f32 v55, v39  }
0x2df: {  	v52 =	vmul.f32 v52, v52;
	v55 =	vsub.f32 v59, v39;
	v59 =	vld [tilespmem:$0x1F4E0];
	v46 =	vsub.f32 v56, v39  }
0x2e0: {  	v56 =	vsub.f32 v60, v39;
	v60 =	vmul.f32 v53, v53;
	v53 =	vld [tilespmem:$0x1F4A0];
	v40 =	vsub.f32 v3, v40  }
0x2e1: {  	v48 =	vmul.f32 v48, v48;
	v47 =	vadd.f32 v50, v47;
	v42 =	vmul.f32 v42, v42;
	v3 =	vld [tilespmem:$0x1F490]  }
0x2e2: {  	v44 =	vadd.f32 v52, v44;
	v50 =	vsub.f32 v57, v38;
	v40 =	vmul.f32 v40, v40  }
0x2e3: {  	v52 =	vsub.f32 v58, v38;
	v57 =	vld [tilespmem:$0x1F530];
	v9 =	vadd.f32 v42, v9;
	v2 =	vmul.f32 v2, v2  }
0x2e4: {  	v58 =	vld [tilespmem:$0x1F540];
	v42 =	vadd.f32 v60, v43;
	v46 =	vmul.f32 v46, v46;
	v1 =	vadd.f32 v40, v1  }
0x2e5: {  	v60 =	vld [tilespmem:$0x1F4F0];
	v40 =	vsub.f32 v53, v38;
	v53 =	vsub.f32 v59, v38;
	v59 =	vmul.f32 v49, v49  }
0x2e6: {  	v0 =	vadd.f32 v2, v0;
	v39 =	vsub.f32 v3, v39;
	v3 =	vmul.f32 v54, v54;
	v54 =	vld [tilespmem:$0x1F4B0]  }
0x2e7: {  	v2 =	vadd.f32 v46, v9;
	v9 =	vadd.f32 v59, v44;
	v59 =	vld [tilespmem:$0x1F550]  }
0x2e8: {  	v50 =	vmul.f32 v50, v50;
	v46 =	vadd.f32 v48, v47;
	v41 =	vadd.f32 v3, v41;
	v3 =	vld [tilespmem:$0x1F500]  }
0x2e9: {  	v52 =	vmul.f32 v52, v52;
	v47 =	vsub.f32 v58, v37  }
0x2ea: {  	v46 =	vadd.f32 v50, v46;
	v40 =	vmul.f32 v40, v40;
	v44 =	vsub.f32 v57, v37  }
0x2eb: {  	v43 =	vsub.f32 v54, v38;
	v54 =	vsub.f32 v60, v38;
	v60 =	vmul.f32 v55, v55;
	v55 =	vld [tilespmem:$0x1F510]  }
0x2ec: {  	v58 =	vld [tilespmem:$0x1F580];
	v39 =	vmul.f32 v39, v39;
	v0 =	vadd.f32 v40, v0;
	v9 =	vadd.f32 v52, v9  }
0x2ed: {  	v48 =	vsub.f32 v59, v37;
	v59 =	vld [tilespmem:$0x1F590];
	v38 =	vsub.f32 v3, v38;
	v3 =	vmul.f32 v56, v56  }
0x2ee: {  	v1 =	vadd.f32 v39, v1;
	v42 =	vadd.f32 v60, v42;
	v56 =	vld [tilespmem:$0x1F520];
	v43 =	vmul.f32 v43, v43  }
0x2ef: {  	v60 =	vld [tilespmem:$0x1F560];
	v57 =	vmul.f32 v54, v54;
	v41 =	vadd.f32 v3, v41;
	v38 =	vmul.f32 v38, v38  }
0x2f0: {  	v3 =	vld [tilespmem:$0x1F570];
	v2 =	vadd.f32 v43, v2;
	v39 =	vsub.f32 v55, v37  }
0x2f1: {  	v41 =	vadd.f32 v57, v41;
	v1 =	vadd.f32 v38, v1;
	v57 =	vld [tilespmem:$0x1F5D0]  }
0x2f2: {  	v38 =	vsub.f32 v58, v36;
	v43 =	vsub.f32 v59, v36;
	v58 =	vld [tilespmem:$0x1F5E0];
	v59 =	vmul.f32 v47, v47  }
0x2f3: {  	v44 =	vmul.f32 v44, v44;
	v47 =	vld [tilespmem:$0x1F600];
	v40 =	vsub.f32 v56, v37;
	v56 =	vmul.f32 v53, v53  }
0x2f4: {  	v49 =	vsub.f32 v60, v37;
	v39 =	vmul.f32 v39, v39;
	v60 =	vld [tilespmem:$0x1F5A0];
	v9 =	vadd.f32 v59, v9  }
0x2f5: {  	v37 =	vsub.f32 v3, v37;
	v42 =	vadd.f32 v56, v42;
	v40 =	vmul.f32 v40, v40;
	v3 =	vld [tilespmem:$0x1F5B0]  }
0x2f6: {  	v38 =	vmul.f32 v38, v38;
	v56 =	vld [tilespmem:$0x1F5C0];
	v0 =	vadd.f32 v39, v0;
	v54 =	vsub.f32 v57, v36  }
0x2f7: {  	v2 =	vadd.f32 v40, v2;
	v40 =	vadd.f32 v44, v46;
	v37 =	vmul.f32 v37, v37  }
0x2f8: {  	v43 =	vmul.f32 v43, v43;
	v0 =	vadd.f32 v38, v0;
	v46 =	vld [tilespmem:$0x1F5F0];
	v38 =	vsub.f32 v47, v35  }
0x2f9: {  	v55 =	vld [tilespmem:$0x1F630];
	v50 =	vsub.f32 v60, v36;
	v60 =	vmul.f32 v48, v48;
	v1 =	vadd.f32 v37, v1  }
0x2fa: {  	v48 =	vld [tilespmem:$0x1F610];
	v2 =	vadd.f32 v43, v2;
	v38 =	vmul.f32 v38, v38;
	v52 =	vsub.f32 v3, v36  }
0x2fb: {  	v53 =	vsub.f32 v56, v36;
	v36 =	vsub.f32 v58, v36;
	v3 =	vmul.f32 v49, v49  }
0x2fc: {  	v57 =	vld [tilespmem:$0x1F650];
	v39 =	vadd.f32 v60, v42;
	v58 =	vmul.f32 v50, v50;
	v2 =	vadd.f32 v38, v2  }
0x2fd: {  	v49 =	vld [tilespmem:$0x1F620];
	v41 =	vadd.f32 v3, v41;
	v37 =	vsub.f32 v46, v35;
	v59 =	vmul.f32 v52, v52  }
0x2fe: {  	v56 =	vld [tilespmem:$0x1F640];
	v46 =	vsub.f32 v55, v35;
	v60 =	vmul.f32 v53, v53;
	v3 =	vmul.f32 v54, v54  }
0x2ff: {  	v40 =	vadd.f32 v58, v40;
	v36 =	vmul.f32 v36, v36;
	v52 =	vld [tilespmem:$0x1F660];
	v42 =	vsub.f32 v48, v35  }
0x300: {  	v53 =	vld [tilespmem:$0x1F670];
	v9 =	vadd.f32 v59, v9;
	v39 =	vadd.f32 v60, v39  }
0x301: {  	v54 =	vld [tilespmem:$0x1F680];
	v41 =	vadd.f32 v3, v41;
	v1 =	vadd.f32 v36, v1  }
0x302: {  	v55 =	vld [tilespmem:$0x1F690];
	v37 =	vmul.f32 v37, v37;
	v60 =	vmul.f32 v46, v46;
	v44 =	vsub.f32 v49, v35  }
0x303: {  	v58 =	vld [tilespmem:$0x1F6C0];
	v47 =	vsub.f32 v56, v35;
	v35 =	vsub.f32 v57, v35  }
0x304: {  	v46 =	vld [tilespmem:$0x1F6D0];
	v0 =	vadd.f32 v37, v0;
	v37 =	vadd.f32 v60, v39  }
0x305: {  	v56 =	vld [tilespmem:$0x1F6A0];
	v42 =	vmul.f32 v42, v42;
	v36 =	vsub.f32 v52, v34;
	v43 =	vsub.f32 v53, v34  }
0x306: {  	v57 =	vld [tilespmem:$0x1F6B0];
	v48 =	vsub.f32 v54, v34;
	v59 =	vmul.f32 v44, v44;
	v3 =	vmul.f32 v47, v47  }
0x307: {  	v49 =	vsub.f32 v55, v34;
	v38 =	vadd.f32 v42, v40;
	v35 =	vmul.f32 v35, v35  }
0x308: {  	v47 =	vld [tilespmem:$0x1F6E0];
	v9 =	vadd.f32 v59, v9;
	v39 =	vadd.f32 v3, v41  }
0x309: {  	v53 =	vld [tilespmem:$0x1F6F0];
	v36 =	vmul.f32 v36, v36;
	v1 =	vadd.f32 v35, v1;
	v35 =	vsub.f32 v46, v33  }
0x30a: {  	v54 =	vld [tilespmem:$0x1F700];
	v55 =	vmul.f32 v43, v43;
	v59 =	vmul.f32 v48, v48;
	v50 =	vsub.f32 v56, v34  }
0x30b: {  	v60 =	vmul.f32 v49, v49;
	v52 =	vsub.f32 v57, v34;
	v34 =	vsub.f32 v58, v34;
	v56 =	vld [tilespmem:$0x1F710]  }
0x30c: {  	v57 =	vld [tilespmem:$0x1F720];
	v0 =	vadd.f32 v36, v0;
	v2 =	vadd.f32 v55, v2  }
0x30d: {  	v58 =	vld [tilespmem:$0x1F730];
	v38 =	vadd.f32 v59, v38;
	v9 =	vadd.f32 v60, v9;
	v35 =	vmul.f32 v35, v35  }
0x30e: {  	v55 =	vld [tilespmem:$0x1F760];
	v36 =	vsub.f32 v47, v33;
	v40 =	vsub.f32 v53, v33;
	v3 =	vmul.f32 v50, v50  }
0x30f: {  	v59 =	vld [tilespmem:$0x1F7A0];
	v41 =	vsub.f32 v54, v33;
	v52 =	vmul.f32 v52, v52;
	v34 =	vmul.f32 v34, v34  }
0x310: {  	v53 =	vld [tilespmem:$0x1F740];
	v0 =	vadd.f32 v35, v0;
	v37 =	vadd.f32 v3, v37  }
0x311: {  	v54 =	vld [tilespmem:$0x1F750];
	v39 =	vadd.f32 v52, v39;
	v1 =	vadd.f32 v34, v1  }
0x312: {  	v36 =	vmul.f32 v36, v36;
	v40 =	vmul.f32 v40, v40;
	v52 =	vld [tilespmem:$0x1F7B0];
	v43 =	vsub.f32 v56, v33  }
0x313: {  	v60 =	vmul.f32 v41, v41;
	v44 =	vsub.f32 v57, v33;
	v33 =	vsub.f32 v58, v33;
	v56 =	vld [tilespmem:$0x1F770]  }
0x314: {  	v57 =	vld [tilespmem:$0x1F780];
	v46 =	vsub.f32 v55, v32;
	v2 =	vadd.f32 v36, v2  }
0x315: {  	v58 =	vld [tilespmem:$0x1F790];
	v36 =	vadd.f32 v40, v38;
	v9 =	vadd.f32 v60, v9;
	v3 =	vmul.f32 v43, v43  }
0x316: {  	v55 =	vld [tilespmem:$0x1F7E0];
	v34 =	vsub.f32 v53, v32;
	v50 =	vmul.f32 v44, v44;
	v33 =	vmul.f32 v33, v33  }
0x317: {  	v42 =	vsub.f32 v54, v32;
	v53 =	vld [tilespmem:$0x1F7C0];
	v35 =	vadd.f32 v3, v37  }
0x318: {  	v54 =	vld [tilespmem:$0x1F7D0];
	v37 =	vadd.f32 v50, v39;
	v1 =	vadd.f32 v33, v1  }
0x319: {  	v60 =	vmul.f32 v46, v46;
	v33 =	vsub.f32 v52, v31;
	v47 =	vsub.f32 v56, v32  }
0x31a: {  	v34 =	vmul.f32 v34, v34;
	v48 =	vsub.f32 v57, v32;
	v49 =	vsub.f32 v58, v32;
	v57 =	vld [tilespmem:$0x1F7F0]  }
0x31b: {  	v32 =	vsub.f32 v59, v32;
	v56 =	vmul.f32 v42, v42;
	v58 =	vld [tilespmem:$0x1F800];
	v36 =	vadd.f32 v60, v36  }
0x31c: {  	v59 =	vld [tilespmem:$0x1F810];
	v0 =	vadd.f32 v34, v0;
	v39 =	vsub.f32 v55, v31;
	v33 =	vmul.f32 v33, v33  }
0x31d: {  	v55 =	vld [tilespmem:$0x1F830];
	v34 =	vsub.f32 v53, v31;
	v38 =	vsub.f32 v54, v31;
	v50 =	vmul.f32 v47, v47  }
0x31e: {  	v2 =	vadd.f32 v56, v2;
	v52 =	vmul.f32 v48, v48;
	v53 =	vmul.f32 v49, v49;
	v54 =	vld [tilespmem:$0x1F820]  }
0x31f: {  	v32 =	vmul.f32 v32, v32;
	v56 =	vld [tilespmem:$0x1F840];
	v0 =	vadd.f32 v33, v0;
	v9 =	vadd.f32 v50, v9  }
0x320: {  	v49 =	vld [tilespmem:$0x1F890];
	v3 =	vmul.f32 v39, v39;
	v35 =	vadd.f32 v52, v35;
	v37 =	vadd.f32 v53, v37  }
0x321: {  	v1 =	vadd.f32 v32, v1;
	v34 =	vmul.f32 v34, v34;
	v52 =	vld [tilespmem:$0x1F8B0];
	v41 =	vsub.f32 v57, v31  }
0x322: {  	v38 =	vmul.f32 v38, v38;
	v53 =	vld [tilespmem:$0x1F8C0];
	v42 =	vsub.f32 v58, v31;
	v31 =	vsub.f32 v59, v31  }
0x323: {  	v57 =	vld [tilespmem:$0x1F850];
	v40 =	vsub.f32 v55, v8;
	v2 =	vadd.f32 v34, v2  }
0x324: {  	v58 =	vld [tilespmem:$0x1F860];
	v34 =	vadd.f32 v38, v36;
	v9 =	vadd.f32 v3, v9;
	v41 =	vmul.f32 v41, v41  }
0x325: {  	v59 =	vld [tilespmem:$0x1F870];
	v32 =	vsub.f32 v54, v8;
	v42 =	vmul.f32 v42, v42;
	v31 =	vmul.f32 v31, v31  }
0x326: {  	v60 =	vld [tilespmem:$0x1F880];
	v43 =	vsub.f32 v56, v8;
	v33 =	vadd.f32 v41, v35  }
0x327: {  	v50 =	vld [tilespmem:$0x1F8A0];
	v48 =	vadd.f32 v42, v37;
	v1 =	vadd.f32 v31, v1  }
0x328: {  	v55 =	vld [tilespmem:$0x1F8D0];
	v31 =	vsub.f32 v49, v30;
	v36 =	vsub.f32 v52, v30  }
0x329: {  	v56 =	vld [tilespmem:$0x1F8E0];
	v54 =	vmul.f32 v40, v40;
	v37 =	vsub.f32 v53, v30;
	v44 =	vsub.f32 v57, v8  }
0x32a: {  	v32 =	vmul.f32 v32, v32;
	v46 =	vsub.f32 v58, v8;
	v47 =	vsub.f32 v59, v8  }
0x32b: {  	v8 =	vsub.f32 v60, v8;
	v58 =	vmul.f32 v43, v43;
	v2 =	vadd.f32 v54, v2  }
0x32c: {  	v57 =	vld [tilespmem:$0x1F8F0];
	v0 =	vadd.f32 v32, v0;
	v32 =	vsub.f32 v50, v30;
	v31 =	vmul.f32 v31, v31  }
0x32d: {  	v43 =	vld [tilespmem:$0x1F900];
	v39 =	vsub.f32 v55, v30;
	v36 =	vmul.f32 v36, v36;
	v59 =	vmul.f32 v44, v44  }
0x32e: {  	v49 =	vld [tilespmem:$0x1F950];
	v40 =	vsub.f32 v56, v30;
	v60 =	vmul.f32 v46, v46;
	v3 =	vmul.f32 v47, v47  }
0x32f: {  	v34 =	vadd.f32 v58, v34;
	v8 =	vmul.f32 v8, v8;
	v44 =	vld [tilespmem:$0x1F910];
	v0 =	vadd.f32 v31, v0  }
0x330: {  	v52 =	vmul.f32 v37, v37;
	v46 =	vld [tilespmem:$0x1F920];
	v9 =	vadd.f32 v59, v9;
	v33 =	vadd.f32 v60, v33  }
0x331: {  	v47 =	vld [tilespmem:$0x1F930];
	v32 =	vmul.f32 v32, v32;
	v35 =	vadd.f32 v3, v48;
	v1 =	vadd.f32 v8, v1  }
0x332: {  	v53 =	vmul.f32 v39, v39;
	v48 =	vld [tilespmem:$0x1F940];
	v30 =	vsub.f32 v57, v30;
	v8 =	vsub.f32 v43, v29  }
0x333: {  	v50 =	vld [tilespmem:$0x1F960];
	v54 =	vmul.f32 v40, v40;
	v2 =	vadd.f32 v32, v2;
	v32 =	vadd.f32 v36, v34  }
0x334: {  	v58 =	vld [tilespmem:$0x1F980];
	v9 =	vadd.f32 v52, v9;
	v55 =	vadd.f32 v53, v33  }
0x335: {  	v59 =	vld [tilespmem:$0x1F990];
	v56 =	vadd.f32 v54, v35;
	v38 =	vsub.f32 v44, v29  }
0x336: {  	v60 =	vld [tilespmem:$0x1F9A0];
	v41 =	vsub.f32 v46, v29;
	v42 =	vsub.f32 v47, v29;
	v30 =	vmul.f32 v30, v30  }
0x337: {  	v57 =	vld [tilespmem:$0x1F970];
	v44 =	vsub.f32 v49, v29;
	v8 =	vmul.f32 v8, v8;
	v43 =	vsub.f32 v48, v29  }
0x338: {  	v54 =	vld [tilespmem:$0x1F9E0];
	v29 =	vsub.f32 v50, v29;
	v1 =	vadd.f32 v30, v1  }
0x339: {  	v46 =	vld [tilespmem:$0x1F9B0];
	v0 =	vadd.f32 v8, v0;
	v30 =	vsub.f32 v58, v10  }
0x33a: {  	v47 =	vld [tilespmem:$0x1F9C0];
	v34 =	vsub.f32 v59, v10;
	v3 =	vmul.f32 v38, v38;
	v49 =	vmul.f32 v41, v41  }
0x33b: {  	v35 =	vsub.f32 v60, v10;
	v48 =	vld [tilespmem:$0x1F9D0];
	v50 =	vmul.f32 v42, v42;
	v53 =	vmul.f32 v44, v44  }
0x33c: {  	v58 =	vld [tilespmem:$0x1FA20];
	v8 =	vsub.f32 v57, v10;
	v2 =	vadd.f32 v3, v2;
	v52 =	vmul.f32 v43, v43  }
0x33d: {  	v59 =	vld [tilespmem:$0x1FA30];
	v32 =	vadd.f32 v49, v32;
	v9 =	vadd.f32 v50, v9;
	v29 =	vmul.f32 v29, v29  }
0x33e: {  	v60 =	vld [tilespmem:$0x1FA40];
	v33 =	vadd.f32 v53, v56;
	v30 =	vmul.f32 v30, v30;
	v37 =	vsub.f32 v46, v10  }
0x33f: {  	v57 =	vld [tilespmem:$0x1FA10];
	v34 =	vmul.f32 v34, v34;
	v38 =	vsub.f32 v47, v10;
	v31 =	vadd.f32 v52, v55  }
0x340: {  	v56 =	vld [tilespmem:$0x1FA00];
	v1 =	vadd.f32 v29, v1;
	v29 =	vsub.f32 v54, v28  }
0x341: {  	v49 =	vld [tilespmem:$0x1FA50];
	v8 =	vmul.f32 v8, v8;
	v2 =	vadd.f32 v30, v2;
	v30 =	vadd.f32 v34, v32  }
0x342: {  	v3 =	vmul.f32 v35, v35;
	v50 =	vld [tilespmem:$0x1FA60];
	v10 =	vsub.f32 v48, v10;
	v41 =	vsub.f32 v58, v28  }
0x343: {  	v53 =	vld [tilespmem:$0x1FA80];
	v42 =	vsub.f32 v59, v28;
	v0 =	vadd.f32 v8, v0  }
0x344: {  	v55 =	vld [tilespmem:$0x1F9F0];
	v37 =	vmul.f32 v37, v37;
	v43 =	vmul.f32 v38, v38;
	v8 =	vadd.f32 v3, v9  }
0x345: {  	v52 =	vld [tilespmem:$0x1FA70];
	v40 =	vsub.f32 v57, v28;
	v39 =	vsub.f32 v56, v28  }
0x346: {  	v46 =	vmul.f32 v29, v29;
	v57 =	vld [tilespmem:$0x1FAB0];
	v47 =	vadd.f32 v37, v31;
	v48 =	vadd.f32 v43, v33  }
0x347: {  	v44 =	vmul.f32 v10, v10;
	v9 =	vsub.f32 v49, v12;
	v10 =	vsub.f32 v50, v12;
	v56 =	vld [tilespmem:$0x1FAA0]  }
0x348: {  	v33 =	vsub.f32 v53, v12;
	v3 =	vmul.f32 v42, v42;
	v42 =	vld [tilespmem:$0x1FAF0];
	v0 =	vadd.f32 v46, v0  }
0x349: {  	v43 =	vld [tilespmem:$0x1FB00];
	v59 =	vmul.f32 v40, v40;
	v36 =	vsub.f32 v55, v28;
	v28 =	vsub.f32 v60, v28  }
0x34a: {  	v40 =	vld [tilespmem:$0x1FAD0];
	v1 =	vadd.f32 v44, v1;
	v32 =	vsub.f32 v52, v12;
	v58 =	vmul.f32 v39, v39  }
0x34b: {  	v46 =	vld [tilespmem:$0x1FB20];
	v60 =	vmul.f32 v41, v41;
	v31 =	vadd.f32 v3, v48;
	v9 =	vmul.f32 v9, v9  }
0x34c: {  	v55 =	vld [tilespmem:$0x1FA90];
	v8 =	vadd.f32 v59, v8;
	v54 =	vmul.f32 v36, v36;
	v30 =	vadd.f32 v58, v30  }
0x34d: {  	v39 =	vld [tilespmem:$0x1FAC0];
	v28 =	vmul.f32 v28, v28;
	v29 =	vadd.f32 v60, v47;
	v0 =	vadd.f32 v9, v0  }
0x34e: {  	v41 =	vld [tilespmem:$0x1FAE0];
	v32 =	vmul.f32 v32, v32;
	v36 =	vsub.f32 v56, v12;
	v38 =	vsub.f32 v42, v27  }
0x34f: {  	v44 =	vld [tilespmem:$0x1FB10];
	v47 =	vmul.f32 v33, v33;
	v2 =	vadd.f32 v54, v2;
	v1 =	vadd.f32 v28, v1  }
0x350: {  	v3 =	vld [tilespmem:$0x1FB70];
	v34 =	vsub.f32 v40, v27;
	v48 =	vadd.f32 v32, v30  }
0x351: {  	v8 =	vadd.f32 v47, v8;
	v35 =	vsub.f32 v55, v12  }
0x352: {  	v59 =	vld [tilespmem:$0x1FB60];
	v12 =	vsub.f32 v57, v12;
	v28 =	vsub.f32 v39, v27  }
0x353: {  	v58 =	vld [tilespmem:$0x1FB50];
	v37 =	vsub.f32 v41, v27;
	v39 =	vsub.f32 v43, v27  }
0x354: {  	v10 =	vmul.f32 v10, v10;
	v56 =	vld [tilespmem:$0x1FB30];
	v40 =	vsub.f32 v44, v27;
	v27 =	vsub.f32 v46, v27  }
0x355: {  	v47 =	vld [tilespmem:$0x1FBA0];
	v50 =	vmul.f32 v36, v36;
	v33 =	vsub.f32 v3, v13;
	v43 =	vmul.f32 v38, v38  }
0x356: {  	v57 =	vld [tilespmem:$0x1FB40];
	v2 =	vadd.f32 v10, v2;
	v60 =	vmul.f32 v34, v34;
	v49 =	vmul.f32 v35, v35  }
0x357: {  	v36 =	vld [tilespmem:$0x1FB80];
	v52 =	vmul.f32 v12, v12;
	v53 =	vmul.f32 v28, v28;
	v55 =	vadd.f32 v50, v31  }
0x358: {  	v41 =	vld [tilespmem:$0x1FB90];
	v30 =	vsub.f32 v58, v13;
	v31 =	vsub.f32 v59, v13;
	v42 =	vmul.f32 v37, v37  }
0x359: {  	v44 =	vmul.f32 v39, v39;
	v8 =	vadd.f32 v43, v8;
	v50 =	vld [tilespmem:$0x1FBD0];
	v9 =	vsub.f32 v56, v13  }
0x35a: {  	v46 =	vmul.f32 v40, v40;
	v39 =	vld [tilespmem:$0x1FC10];
	v2 =	vadd.f32 v60, v2;
	v54 =	vadd.f32 v49, v29  }
0x35b: {  	v40 =	vld [tilespmem:$0x1FC20];
	v1 =	vadd.f32 v52, v1;
	v0 =	vadd.f32 v53, v0  }
0x35c: {  	v27 =	vmul.f32 v27, v27;
	v10 =	vadd.f32 v42, v48;
	v29 =	vadd.f32 v46, v55;
	v48 =	vld [tilespmem:$0x1FBB0]  }
0x35d: {  	v49 =	vld [tilespmem:$0x1FBC0];
	v30 =	vmul.f32 v30, v30;
	v12 =	vsub.f32 v57, v13;
	v34 =	vsub.f32 v36, v13  }
0x35e: {  	v52 =	vld [tilespmem:$0x1FBE0];
	v55 =	vmul.f32 v31, v31;
	v13 =	vsub.f32 v41, v13;
	v28 =	vadd.f32 v44, v54  }
0x35f: {  	v53 =	vld [tilespmem:$0x1FBF0];
	v9 =	vmul.f32 v9, v9;
	v1 =	vadd.f32 v27, v1;
	v27 =	vsub.f32 v47, v26  }
0x360: {  	v42 =	vld [tilespmem:$0x1FC40];
	v10 =	vadd.f32 v30, v10;
	v8 =	vadd.f32 v55, v8  }
0x361: {  	v56 =	vmul.f32 v33, v33;
	v46 =	vld [tilespmem:$0x1FC60];
	v36 =	vsub.f32 v50, v26;
	v0 =	vadd.f32 v9, v0  }
0x362: {  	v41 =	vld [tilespmem:$0x1FC30];
	v58 =	vmul.f32 v13, v13;
	v9 =	vsub.f32 v39, v25;
	v13 =	vsub.f32 v40, v25  }
0x363: {  	v54 =	vld [tilespmem:$0x1FC00];
	v12 =	vmul.f32 v12, v12;
	v32 =	vsub.f32 v48, v26;
	v35 =	vsub.f32 v49, v26  }
0x364: {  	v44 =	vld [tilespmem:$0x1FC50];
	v57 =	vmul.f32 v34, v34;
	v37 =	vsub.f32 v52, v26;
	v38 =	vsub.f32 v53, v26  }
0x365: {  	v47 =	vld [tilespmem:$0x1FC70];
	v2 =	vadd.f32 v12, v2;
	v12 =	vadd.f32 v56, v28  }
0x366: {  	v55 =	vld [tilespmem:$0x1FCA0];
	v59 =	vmul.f32 v27, v27;
	v60 =	vadd.f32 v57, v29;
	v1 =	vadd.f32 v58, v1  }
0x367: {  	v40 =	vld [tilespmem:$0x1FCF0];
	v29 =	vsub.f32 v42, v25;
	v49 =	vmul.f32 v36, v36;
	v9 =	vmul.f32 v9, v9  }
0x368: {  	v53 =	vld [tilespmem:$0x1FC80];
	v13 =	vmul.f32 v13, v13;
	v0 =	vadd.f32 v59, v0;
	v28 =	vsub.f32 v41, v25  }
0x369: {  	v56 =	vld [tilespmem:$0x1FCB0];
	v26 =	vsub.f32 v54, v26;
	v43 =	vmul.f32 v32, v32;
	v31 =	vsub.f32 v44, v25  }
0x36a: {  	v57 =	vld [tilespmem:$0x1FCC0];
	v32 =	vsub.f32 v46, v25;
	v25 =	vsub.f32 v47, v25;
	v48 =	vmul.f32 v35, v35  }
0x36b: {  	v58 =	vld [tilespmem:$0x1FCD0];
	v50 =	vmul.f32 v37, v37;
	v8 =	vadd.f32 v49, v8;
	v33 =	vsub.f32 v55, v24  }
0x36c: {  	v42 =	vld [tilespmem:$0x1FD10];
	v52 =	vmul.f32 v38, v38;
	v0 =	vadd.f32 v9, v0;
	v9 =	vsub.f32 v40, v23  }
0x36d: {  	v59 =	vld [tilespmem:$0x1FCE0];
	v28 =	vmul.f32 v28, v28;
	v2 =	vadd.f32 v43, v2;
	v10 =	vadd.f32 v48, v10  }
0x36e: {  	v41 =	vld [tilespmem:$0x1FD00];
	v26 =	vmul.f32 v26, v26;
	v12 =	vadd.f32 v50, v12;
	v27 =	vadd.f32 v52, v60  }
0x36f: {  	v54 =	vld [tilespmem:$0x1FC90];
	v60 =	vmul.f32 v29, v29;
	v34 =	vsub.f32 v56, v24;
	v35 =	vsub.f32 v57, v24  }
0x370: {  	v46 =	vld [tilespmem:$0x1FD30];
	v3 =	vmul.f32 v31, v31;
	v36 =	vsub.f32 v58, v24;
	v1 =	vadd.f32 v26, v1  }
0x371: {  	v55 =	vld [tilespmem:$0x1FD70];
	v32 =	vmul.f32 v32, v32;
	v26 =	vsub.f32 v53, v24;
	v2 =	vadd.f32 v13, v2  }
0x372: {  	v47 =	vld [tilespmem:$0x1FD40];
	v10 =	vadd.f32 v28, v10;
	v8 =	vadd.f32 v60, v8  }
0x373: {  	v6 =	vmin.f32 v6, v15;
	v43 =	vld [tilespmem:$0x1FD20];
	v12 =	vadd.f32 v3, v12;
	v39 =	vadd.f32 v32, v27  }
0x374: {  	v37 =	vmul.f32 v25, v25;
	v48 =	vld [tilespmem:$0x1FD50];
	v25 =	vsub.f32 v41, v23;
	v30 =	vsub.f32 v54, v24  }
0x375: {  	v49 =	vmul.f32 v33, v33;
	v24 =	vsub.f32 v59, v24;
	v29 =	vsub.f32 v46, v23  }
0x376: {  	v56 =	vld [tilespmem:$0x1FD80];
	v50 =	vmul.f32 v34, v34;
	v52 =	vmul.f32 v35, v35;
	v28 =	vsub.f32 v55, v22  }
0x377: {  	v57 =	vld [tilespmem:$0x1FD90];
	v38 =	vmul.f32 v26, v26;
	v1 =	vadd.f32 v37, v1;
	v26 =	vsub.f32 v42, v23  }
0x378: {  	v58 =	vld [tilespmem:$0x1FDA0];
	v53 =	vmul.f32 v36, v36;
	v10 =	vadd.f32 v49, v10;
	v27 =	vsub.f32 v43, v23  }
0x379: {  	v54 =	vld [tilespmem:$0x1FD60];
	v44 =	vmul.f32 v30, v30;
	v30 =	vsub.f32 v47, v23;
	v23 =	vsub.f32 v48, v23  }
0x37a: {  	v9 =	vmul.f32 v9, v9;
	v59 =	vld [tilespmem:$0x1FDB0];
	v8 =	vadd.f32 v50, v8;
	v12 =	vadd.f32 v52, v12  }
0x37b: {  	v60 =	vld [tilespmem:$0x1FDC0];
	v24 =	vmul.f32 v24, v24;
	v13 =	vadd.f32 v53, v39;
	v0 =	vadd.f32 v38, v0  }
0x37c: {  	v55 =	vld [tilespmem:$0x1FE70];
	v29 =	vmul.f32 v29, v29;
	v31 =	vsub.f32 v56, v22;
	v32 =	vsub.f32 v57, v22  }
0x37d: {  	v40 =	vld [tilespmem:$0x1FDF0];
	v25 =	vmul.f32 v25, v25;
	v33 =	vsub.f32 v58, v22;
	v2 =	vadd.f32 v44, v2  }
0x37e: {  	v41 =	vld [tilespmem:$0x1FE00];
	v26 =	vmul.f32 v26, v26;
	v1 =	vadd.f32 v24, v1;
	v12 =	vadd.f32 v29, v12  }
0x37f: {  	v39 =	vld [tilespmem:$0x1FDE0];
	v3 =	vmul.f32 v27, v27;
	v24 =	vsub.f32 v54, v22;
	v34 =	vsub.f32 v59, v22  }
0x380: {  	v43 =	vld [tilespmem:$0x1FE10];
	v35 =	vmul.f32 v30, v30;
	v22 =	vsub.f32 v60, v22;
	v0 =	vadd.f32 v9, v0  }
0x381: {  	v53 =	vld [tilespmem:$0x1FE50];
	v36 =	vmul.f32 v23, v23;
	v10 =	vadd.f32 v26, v10;
	v30 =	vsub.f32 v55, v20  }
0x382: {  	v42 =	vmul.f32 v28, v28;
	v38 =	vld [tilespmem:$0x1FDD0];
	v2 =	vadd.f32 v25, v2;
	v8 =	vadd.f32 v3, v8  }
0x383: {  	v56 =	vld [tilespmem:$0x1FE80];
	v47 =	vmul.f32 v31, v31;
	v13 =	vadd.f32 v35, v13;
	v1 =	vadd.f32 v36, v1  }
0x384: {  	v57 =	vld [tilespmem:$0x1FE90];
	v49 =	vmul.f32 v33, v33;
	v25 =	vsub.f32 v41, v21;
	v23 =	vsub.f32 v39, v21  }
0x385: {  	v44 =	vld [tilespmem:$0x1FE20];
	v37 =	vmul.f32 v24, v24;
	v24 =	vsub.f32 v40, v21;
	v27 =	vsub.f32 v43, v21  }
0x386: {  	v46 =	vld [tilespmem:$0x1FE30];
	v48 =	vmul.f32 v32, v32;
	v10 =	vadd.f32 v47, v10;
	v12 =	vadd.f32 v49, v12  }
0x387: {  	v5 =	vmin.f32 v5, v16;
	v52 =	vld [tilespmem:$0x1FE40];
	v26 =	vsub.f32 v53, v20;
	v9 =	vsub.f32 v38, v21  }
0x388: {  	v7 =	vmin.f32 v7, v14;
	v54 =	vld [tilespmem:$0x1FE60];
	v2 =	vadd.f32 v42, v2;
	v8 =	vadd.f32 v48, v8  }
0x389: {  	v59 =	vld [tilespmem:$0x1FEA0];
	v50 =	vmul.f32 v34, v34;
	v31 =	vsub.f32 v56, v20;
	v58 =	vsub.f32 v57, v20  }
0x38a: {  	v55 =	vld [tilespmem:$0x1FF40];
	v22 =	vmul.f32 v22, v22;
	v0 =	vadd.f32 v37, v0;
	v28 =	vsub.f32 v44, v21  }
0x38b: {  	v36 =	vld [tilespmem:$0x1FEB0];
	v49 =	vmul.f32 v30, v30;
	v21 =	vsub.f32 v46, v21;
	v13 =	vadd.f32 v50, v13  }
0x38c: {  	v39 =	vld [tilespmem:$0x1FEE0];
	v60 =	vmul.f32 v25, v25;
	v1 =	vadd.f32 v22, v1;
	v22 =	vsub.f32 v52, v20  }
0x38d: {  	v53 =	vld [tilespmem:$0x1FF20];
	v23 =	vmul.f32 v23, v23;
	v24 =	vmul.f32 v24, v24;
	v29 =	vsub.f32 v54, v20  }
0x38e: {  	v30 =	vld [tilespmem:$0x1FF70];
	v3 =	vmul.f32 v27, v27;
	v20 =	vsub.f32 v59, v20;
	v8 =	vadd.f32 v60, v8  }
0x38f: {  	v38 =	vld [tilespmem:$0x1FED0];
	v9 =	vmul.f32 v9, v9;
	v56 =	vsub.f32 v55, v18;
	v2 =	vadd.f32 v23, v2  }
0x390: {  	v11 =	vbroadcast v11, $0xF;
	v42 =	vld [tilespmem:$0x1FEF0];
	v10 =	vadd.f32 v24, v10;
	v12 =	vadd.f32 v3, v12  }
0x391: {  	v57 =	vld [tilespmem:$0x1FF50];
	v33 =	vmul.f32 v28, v28;
	v0 =	vadd.f32 v9, v0;
	v9 =	vsub.f32 v36, v19  }
0x392: {  	v37 =	vld [tilespmem:$0x1FEC0];
	v34 =	vmul.f32 v21, v21;
	v40 =	vsub.f32 v39, v19;
	v8 =	vadd.f32 v49, v8  }
0x393: {  	v44 =	vld [tilespmem:$0x1FF00];
	v50 =	vmul.f32 v31, v31;
	v14 =	vsub.f32 v53, v18;
	v31 =	vsub.f32 v30, v18  }
0x394: {  	v47 =	vld [tilespmem:$0x1FF10];
	v41 =	vmul.f32 v26, v26;
	v13 =	vadd.f32 v33, v13;
	v1 =	vadd.f32 v34, v1  }
0x395: {  	v35 =	vmul.f32 v22, v22;
	v16 =	vsub.f32 v38, v19;
	v43 =	vsub.f32 v42, v19  }
0x396: {  	v52 =	vmul.f32 v58, v58;
	v54 =	vld [tilespmem:$0x1FF30];
	v2 =	vadd.f32 v41, v2;
	v12 =	vadd.f32 v50, v12  }
0x397: {  	v59 =	vld [tilespmem:$0x1FF60];
	v48 =	vmul.f32 v29, v29;
	v58 =	vsub.f32 v57, v18;
	v0 =	vadd.f32 v35, v0  }
0x398: {  	v32 =	vld [tilespmem:$0x1FF80];
	v20 =	vmul.f32 v20, v20;
	v21 =	vsub.f32 v37, v19;
	v46 =	vsub.f32 v44, v19  }
0x399: {  	v19 =	vsub.f32 v47, v19;
	v10 =	vadd.f32 v48, v10;
	v9 =	vmul.f32 v9, v9  }
0x39a: {  	v39 =	vld [tilespmem:$0x1F340];
	v33 =	vmul.f32 v40, v40;
	v14 =	vmul.f32 v14, v14;
	v13 =	vadd.f32 v52, v13  }
0x39b: {  	v41 =	vld [tilespmem:$0x1FFA0];
	v49 =	vmul.f32 v31, v31;
	v1 =	vadd.f32 v20, v1;
	v15 =	vsub.f32 v54, v18  }
0x39c: {  	v42 =	vld [tilespmem:$0x1FFB0];
	v60 =	vsub.f32 v59, v18;
	v16 =	vmul.f32 v16, v16;
	v34 =	vmul.f32 v43, v43  }
0x39d: {  	v37 =	vld [tilespmem:$0x1EFC0];
	v18 =	vsub.f32 v32, v18;
	v20 =	vmul.f32 v56, v56;
	v21 =	vmul.f32 v21, v21  }
0x39e: {  	v40 =	vld [tilespmem:$0x1FF90];
	v0 =	vadd.f32 v9, v0;
	v35 =	vmul.f32 v46, v46;
	v8 =	vadd.f32 v33, v8  }
0x39f: {  	v44 =	vld [tilespmem:$0x1FFD0];
	v36 =	vmul.f32 v19, v19;
	v10 =	vadd.f32 v16, v10;
	v12 =	vadd.f32 v34, v12  }
0x3a0: {  	v23 =	vmul.f32 v58, v58;
	v9 =	vsub.f32 v39, v11;
	v2 =	vadd.f32 v21, v2  }
0x3a1: {  	v43 =	vld [tilespmem:$0x1FFC0];
	v15 =	vmul.f32 v15, v15;
	v13 =	vadd.f32 v35, v13;
	v1 =	vadd.f32 v36, v1  }
0x3a2: {  	v48 =	vmul.f32 v60, v60;
	v0 =	vadd.f32 v14, v0;
	v16 =	vsub.f32 v41, v11  }
0x3a3: {  	v46 =	vld [tilespmem:$0x1FFE0];
	v50 =	vmul.f32 v18, v18;
	v19 =	vsub.f32 v42, v11;
	v8 =	vadd.f32 v23, v8  }
0x3a4: {  	v47 =	vld [tilespmem:$0x1FFF0];
	v3 =	vmin.f32 v62, v37;
	v14 =	vsub.f32 v40, v11;
	v22 =	vsub.f32 v44, v11  }
0x3a5: {  	v10 =	vadd.f32 v20, v10;
	v12 =	vadd.f32 v48, v12;
	v57 =	vmul.f32 v9, v9  }
0x3a6: {  	v62 =	vmin.f32 v45, v63;
	v21 =	vsub.f32 v43, v11;
	v2 =	vadd.f32 v15, v2  }
0x3a7: {  	v16 =	vmul.f32 v16, v16;
	v13 =	vadd.f32 v49, v13;
	v1 =	vadd.f32 v50, v1  }
0x3a8: {  	v52 =	vmul.f32 v19, v19;
	v24 =	vsub.f32 v46, v11;
	v60 =	vadd.f32 v57, v17  }
0x3a9: {  	v38 =	vld [tilespmem:$0x1EFD0];
	v11 =	vsub.f32 v47, v11;
	v14 =	vmul.f32 v14, v14;
	v2 =	vadd.f32 v16, v2  }
0x3aa: {  	v53 =	vmul.f32 v21, v21;
	v10 =	vadd.f32 v52, v10;
	v63 =	vmin.f32 v61, v60  }
0x3ab: {  	v58 =	vld [tilespmem:$0x1EFE0];
	v54 =	vmul.f32 v22, v22;
	v0 =	vadd.f32 v14, v0;
	v2 =	vmin.f32 v7, v2;
	[tilespmem:$0x11070] =	vst v63  }
0x3ac: {  	v56 =	vmul.f32 v11, v11;
	v8 =	vadd.f32 v53, v8;
	v6 =	vmin.f32 v6, v10;
	[tilespmem:$0x11010] =	vst v2  }
0x3ad: {  	v55 =	vmul.f32 v24, v24;
	v0 =	vmin.f32 v5, v0;
	v5 =	vadd.f32 v54, v12;
	[tilespmem:$0x11020] =	vst v6  }
0x3ae: {  	v4 =	vmin.f32 v4, v38;
	v1 =	vadd.f32 v56, v1;
	[tilespmem:$0x11000] =	vst v0;
	v3 =	vmin.f32 v3, v8  }
0x3af: {  	v0 =	vadd.f32 v55, v13;
	v59 =	vmin.f32 v4, v5;
	[tilespmem:$0x11030] =	vst v3  }
0x3b0: {  	s12 =	sadd.s32 $0x1, s12;
	v7 =	vmin.f32 v51, v58;
	v1 =	vmin.f32 v62, v1;
	[tilespmem:$0x11040] =	vst v59  }
0x3b1: {  	p0 =	sne.s32 s12, s6;
	v0 =	vmin.f32 v7, v0;
	[tilespmem:$0x11060] =	vst v1  }
.Ltmp1:
0x3b2: {  	[tilespmem:$0x11050] =	vst v0;
	(pc) =	sbr.rel @p0 .LBB2_1-.Ltmp1, $4  }
0x3b3: {  	[hbm4b:s5+s2] =	stream.linear.scatter [tilespmem:s11], [sflag:$0x1], $0x80, $0x38;
	[tilespmem:$0x11080] =	vst v63  }
0x3b4: {  	_ =	swait.ge [sflag:s8], $0x80  }
0x3b5: {  	[sflag:s8] =	ssyncset.done $0x0  }
0x3b6: {  	[sflag:s8] =	ssyncadd.s32 $0xFFFFFF80  }
0x3b7: {  	_ =	sfence.sel $0x180000  }
0x3b8: {  	[bflag:$0x0] =	sbarrier.arrive $0xFFFF  }
0x3b9: {  	p0 =	sne.s32 s1, $0x0;
	_ =	strace $0x90000047  }
0x3ba: {  	s0 =	sadd.s32 @!p0 $0x100000, s0;
	[bflag:$0x2] =	sbarrier.arrive $0xFFFF  }
0x3bb: {  	[sflag:s0] =	ssyncadd.tile.s32 @!p0 $0x1;
	_ =	shalt  }
.Lfunc_end2:
_tile_overlayer_lowered:
.L_overlay_start_2:
0x3bc: {  	(tag) =	ssettag $0x2  }
0x3bd: {  	s0 =	rddreg [dreg:$0x0];
	s2 =	stileid.u32  }
0x3be: {  	s1 =	rddreg [dreg:$0x1];
	p0 =	sne.s32 s2, $0x0  }
0x3bf: {  	s3 =	rddreg [dreg:$0x2];
	[bflag:$0x3] =	sbarrier.arrive $0xFFFF;
	s2 =	simm.s32 @!p0 $0x1C01  }
0x3c0: {  	[timem:s3], [sflag:s2] =	dma.local @!p0 [hbm:s0], s1  }
0x3c1: {  	s0 =	simm.s32 @!p0 $0x1  }
0x3c2: {  	_ =	swait.ge @!p0 [sflag:s0], s1  }
0x3c3: {  	s1 =	ssub.s32 @!p0 $0x0, s1;
	[sflag:s0] =	ssyncset.done @!p0 $0x0  }
0x3c4: {  	[sflag:s0] =	ssyncadd.s32 @!p0 s1  }
0x3c5: {  	[bflag:$0x3] =	sbarrier.arrive $0xFFFF  }
0x3c6: {  	_ =	shalt  }

</sc_bundles>
